<compile_context>
chip_gen: v7x
topology: tpu7x:2x2x1
jax: 0.10.2.dev20260603
libtpu: 0.0.44.dev20260713+nightly
codegen_flags: <defaults>
</compile_context>

<pallas_src>
import functools

import jax
import jax.numpy as jnp
import numpy as np
from jax import lax
from jax.experimental import pallas as pl
from jax.experimental.pallas import tpu as pltpu
from jax.experimental.pallas import tpu_sc as plsc

_NBUF = 4


def _pos_encoding(max_seq_len, embed_dim, n=10000.0):
    position = jnp.arange(max_seq_len, dtype=jnp.float32)[:, None]
    division_term = jnp.exp(
        jnp.arange(0, embed_dim, 2, dtype=jnp.float32) * (-np.log(n) / embed_dim)
    )
    pe = jnp.zeros((max_seq_len, embed_dim), dtype=jnp.float32)
    pe = pe.at[:, 0::2].set(jnp.sin(position * division_term))
    pe = pe.at[:, 1::2].set(jnp.cos(position * division_term))
    return pe


@functools.cache
def _make_emb_kernel(B, S, D):
    info = plsc.get_sparse_core_info()
    NC, NS = info.num_cores, info.num_subcores
    NW = NC * NS
    assert B % NW == 0
    b_per_w = B // NW
    H = S // 2
    NB = _NBUF

    mesh = plsc.VectorSubcoreMesh(core_axis_name="c", subcore_axis_name="s")

    @functools.partial(
        pl.kernel,
        out_type=jax.ShapeDtypeStruct((B, S, D), jnp.float32),
        mesh=mesh,
        scratch_types=[
            pltpu.VMEM_SHARED((S, D), jnp.float32),
            pltpu.VMEM((2 * b_per_w, H), jnp.int32),
            [pltpu.VMEM((S, D), jnp.float32) for _ in range(NB)],
            pltpu.SemaphoreType.DMA,
            [pltpu.SemaphoreType.DMA for _ in range(NB)],
            [pltpu.SemaphoreType.DMA for _ in range(NB)],
            [pltpu.SemaphoreType.DMA for _ in range(NB)],
        ],
    )
    def emb_kernel(
        x_hbm, table_hbm, pos_hbm, out_hbm, pos_sh, idx_v, buf, isem, nsem, gsem, osem
    ):
        sid = lax.axis_index("s")
        wid = sid * NC + lax.axis_index("c")
        base = wid * b_per_w

        idx_d = pltpu.async_copy(
            x_hbm.at[pl.ds(2 * base, 2 * b_per_w)], idx_v, isem
        )

        W0 = (H // 8) * 8

        @pl.when(sid == 0)
        def _():
            pltpu.sync_copy(pos_hbm.at[pl.ds(0, W0)], pos_sh.at[pl.ds(0, W0)])

        @pl.when(sid == 1)
        def _():
            pltpu.sync_copy(
                pos_hbm.at[pl.ds(W0, S - W0)], pos_sh.at[pl.ds(W0, S - W0)]
            )

        plsc.subcore_barrier()

        def start_init(i):
            s = i % NB
            return pltpu.async_copy(pos_sh, buf[s], nsem[s])

        def start_gather(i):
            s = i % NB
            g0 = pltpu.async_copy(
                table_hbm.at[idx_v.at[2 * i]], buf[s].at[pl.ds(0, H)], gsem[s],
                add=True,
            )
            g1 = pltpu.async_copy(
                table_hbm.at[idx_v.at[2 * i + 1]], buf[s].at[pl.ds(H, H)], gsem[s],
                add=True,
            )
            return g0, g1

        ini = {}
        gat = {}
        out = {}

        ini[0] = start_init(0)
        ini[1] = start_init(1)
        idx_d.wait()
        ini[0].wait()
        gat[0] = start_gather(0)

        for i in range(b_per_w):
            if i + 1 < b_per_w:
                ini[i + 1].wait()
                gat[i + 1] = start_gather(i + 1)
            if i >= 2:
                out[i - 2].wait()
            if i + 2 < b_per_w:
                ini[i + 2] = start_init(i + 2)
            gat[i][0].wait()
            gat[i][1].wait()
            s = i % NB
            out[i] = pltpu.async_copy(buf[s], out_hbm.at[base + i], osem[s])

        out[b_per_w - 2].wait()
        out[b_per_w - 1].wait()

    return emb_kernel


def kernel(x, embedding_weight):
    B, S = x.shape
    D = embedding_weight.shape[1]
    pos = _pos_encoding(S, D)
    x2 = x.astype(jnp.int32).reshape(2 * B, S // 2)
    return _make_emb_kernel(B, S, D)(x2, embedding_weight, pos)

# --- scband reference (transcript-rebuilt; emitter-appended) ---
"""Pipeline reference for scband-input-embedding-16621523436379 (READ-ONLY COPY).

The authoritative reference and input builder live on the scoring server;
editing this copy changes nothing except your own understanding.
"""

import jax, jax.numpy as jnp
import numpy as np

VOCAB = 100000
EMBED_DIM = 128
MAX_SEQ_LEN = 200
BATCH = 1024
SEQ_LEN = 200


def positional_encoding(max_seq_len, embed_dim, n=10000.0):
    position = jnp.arange(max_seq_len, dtype=jnp.float32)[:, None]
    division_term = jnp.exp(jnp.arange(0, embed_dim, 2, dtype=jnp.float32) * (-np.log(n) / embed_dim))
    pe = jnp.zeros((max_seq_len, embed_dim), dtype=jnp.float32)
    pe = pe.at[:, 0::2].set(jnp.sin(position * division_term))
    pe = pe.at[:, 1::2].set(jnp.cos(position * division_term))
    return pe


def setup_inputs(seed: int = 0) -> dict:
    key = jax.random.key(seed)
    k1, k2 = jax.random.split(key)
    x = jax.random.randint(k1, (BATCH, SEQ_LEN), 0, VOCAB, dtype=jnp.int64 if jax.config.read('jax_enable_x64') else jnp.int32)
    embedding_weight = jax.random.normal(k2, (VOCAB, EMBED_DIM), dtype=jnp.float32)
    return {"x": x, "embedding_weight": embedding_weight}


def reference(x, embedding_weight):
    batch_size, seq_len = x.shape
    token_embed = jnp.take(embedding_weight, x, axis=0)
    pos_enc = positional_encoding(MAX_SEQ_LEN, EMBED_DIM)
    pos_encodings = jnp.broadcast_to(pos_enc[:seq_len, :][None, :, :], (batch_size, seq_len, EMBED_DIM))
    return token_embed + pos_encodings

if __name__ == "__main__":
    import jax
    _d = setup_inputs()
    print(jax.jit(kernel)(*tuple(_d.values())))

</pallas_src>

<mosaic_0001>
#map = affine_map<(d0, d1) -> (0, 0)>
#map1 = affine_map<(d0, d1) -> (0, 0, 0)>
module attributes {stable_mosaic.version = 14 : i64} {
  func.func @emb_kernel(%arg0: i32, %arg1: i32, %arg2: memref<2048x100xi32, #tpu.memory_space<hbm>>, %arg3: memref<100000x128xf32, #tpu.memory_space<hbm>>, %arg4: memref<200x128xf32, #tpu.memory_space<hbm>>, %arg5: memref<1024x200x128xf32, #tpu.memory_space<hbm>>, %arg6: memref<200x128xf32, #tpu.memory_space<vmem_shared>>, %arg7: memref<64x100xi32, #tpu.memory_space<vmem>>, %arg8: memref<200x128xf32, #tpu.memory_space<vmem>>, %arg9: memref<200x128xf32, #tpu.memory_space<vmem>>, %arg10: memref<200x128xf32, #tpu.memory_space<vmem>>, %arg11: memref<200x128xf32, #tpu.memory_space<vmem>>, %arg12: memref<!tpu.dma_semaphore, #tpu.memory_space<semaphore_mem>>, %arg13: memref<!tpu.dma_semaphore, #tpu.memory_space<semaphore_mem>>, %arg14: memref<!tpu.dma_semaphore, #tpu.memory_space<semaphore_mem>>, %arg15: memref<!tpu.dma_semaphore, #tpu.memory_space<semaphore_mem>>, %arg16: memref<!tpu.dma_semaphore, #tpu.memory_space<semaphore_mem>>, %arg17: memref<!tpu.dma_semaphore, #tpu.memory_space<semaphore_mem>>, %arg18: memref<!tpu.dma_semaphore, #tpu.memory_space<semaphore_mem>>, %arg19: memref<!tpu.dma_semaphore, #tpu.memory_space<semaphore_mem>>, %arg20: memref<!tpu.dma_semaphore, #tpu.memory_space<semaphore_mem>>, %arg21: memref<!tpu.dma_semaphore, #tpu.memory_space<semaphore_mem>>, %arg22: memref<!tpu.dma_semaphore, #tpu.memory_space<semaphore_mem>>, %arg23: memref<!tpu.dma_semaphore, #tpu.memory_space<semaphore_mem>>, %arg24: memref<!tpu.dma_semaphore, #tpu.memory_space<semaphore_mem>>) attributes {dimension_semantics = [#tpu.dimension_semantics<core_parallel>, #tpu.dimension_semantics<subcore_parallel>], iteration_bounds = array<i64: 2, 16>, scalar_prefetch = 0 : i64, scratch_operands = 19 : i64, tpu.core_type = #tpu.core_type<sc_vector_subcore>, window_params = [{transform_indices = #map}, {transform_indices = #map}, {transform_indices = #map}, {transform_indices = #map1}]} {
    %mul3A = arith.constant 2 : i32
    %mul3A_0 = arith.muli %arg1, %mul3A : i32
    %add3A = arith.addi %mul3A_0, %arg0 : i32
    %mul3A_1 = arith.constant 32 : i32
    %mul3A_2 = arith.muli %add3A, %mul3A_1 : i32
    %mul3A_3 = arith.constant 2 : i32
    %mul3A_4 = arith.muli %mul3A_3, %mul3A_2 : i32
    %dma_start3A = arith.constant 0 : i32
    %dma_start3A_5 = tpu.memref_slice %arg2[%mul3A_4, %dma_start3A] : memref<2048x100xi32, #tpu.memory_space<hbm>> -> memref<64x100xi32, #tpu.memory_space<hbm>>
    %dma_start3A_6 = arith.constant 0 : i32
    %dma_start3A_7 = tpu.memref_slice %arg2[%mul3A_4, %dma_start3A_6] : memref<2048x100xi32, #tpu.memory_space<hbm>> -> memref<64x100xi32, #tpu.memory_space<hbm>>
    tpu.enqueue_dma source(%dma_start3A_7 : memref<64x100xi32, #tpu.memory_space<hbm>>) target(%arg7 : memref<64x100xi32, #tpu.memory_space<vmem>>) target_semaphore(%arg12 : memref<!tpu.dma_semaphore, #tpu.memory_space<semaphore_mem>>)
    %eq3A = arith.constant 0 : i32
    %eq3A_8 = arith.cmpi eq, %arg1, %eq3A : i32
    %convert_element_type3A = arith.extui %eq3A_8 : i1 to i32
    %cond3A = arith.constant 0 : i32
    %cond3A_9 = arith.cmpi ne, %convert_element_type3A, %cond3A : i32
    scf.if %cond3A_9 {
      "tpu.region"() ({
        %run_scoped3A = tpu.sem_alloc : memref<!tpu.dma_semaphore, #tpu.memory_space<semaphore_mem>>
        %dma_start3A_1874 = arith.constant 0 : i32
        %dma_start3A_1875 = arith.constant 0 : i32
        %dma_start3A_1876 = tpu.memref_slice %arg6[%dma_start3A_1874, %dma_start3A_1875] : memref<200x128xf32, #tpu.memory_space<vmem_shared>> -> memref<96x128xf32, #tpu.memory_space<vmem_shared>>
        %dma_start3A_1877 = arith.constant 0 : i32
        %dma_start3A_1878 = arith.constant 0 : i32
        %dma_start3A_1879 = tpu.memref_slice %arg4[%dma_start3A_1877, %dma_start3A_1878] : memref<200x128xf32, #tpu.memory_space<hbm>> -> memref<96x128xf32, #tpu.memory_space<hbm>>
        tpu.enqueue_dma source(%dma_start3A_1879 : memref<96x128xf32, #tpu.memory_space<hbm>>) target(%dma_start3A_1876 : memref<96x128xf32, #tpu.memory_space<vmem_shared>>) target_semaphore(%run_scoped3A : memref<!tpu.dma_semaphore, #tpu.memory_space<semaphore_mem>>)
        %dma_wait3A_1880 = arith.constant 0 : i32
        %dma_wait3A_1881 = arith.constant 0 : i32
        %dma_wait3A_1882 = tpu.memref_slice %arg6[%dma_wait3A_1880, %dma_wait3A_1881] : memref<200x128xf32, #tpu.memory_space<vmem_shared>> -> memref<96x128xf32, #tpu.memory_space<vmem_shared>>
        %dma_wait3A_1883 = arith.constant 0 : i32
        %dma_wait3A_1884 = arith.constant 0 : i32
        %dma_wait3A_1885 = tpu.memref_slice %arg4[%dma_wait3A_1883, %dma_wait3A_1884] : memref<200x128xf32, #tpu.memory_space<hbm>> -> memref<96x128xf32, #tpu.memory_space<hbm>>
        tpu.wait_dma2 semaphore(%run_scoped3A : memref<!tpu.dma_semaphore, #tpu.memory_space<semaphore_mem>>) src(%dma_wait3A_1885 : memref<96x128xf32, #tpu.memory_space<hbm>>) dst(%dma_wait3A_1882 : memref<96x128xf32, #tpu.memory_space<vmem_shared>>)
        tpu.yield
      }) : () -> ()
    } else {
    }
    %eq3A_10 = arith.constant 1 : i32
    %eq3A_11 = arith.cmpi eq, %arg1, %eq3A_10 : i32
    %convert_element_type3A_12 = arith.extui %eq3A_11 : i1 to i32
    %cond3A_13 = arith.constant 0 : i32
    %cond3A_14 = arith.cmpi ne, %convert_element_type3A_12, %cond3A_13 : i32
    scf.if %cond3A_14 {
      "tpu.region"() ({
        %run_scoped3A = tpu.sem_alloc : memref<!tpu.dma_semaphore, #tpu.memory_space<semaphore_mem>>
        %dma_start3A_1874 = arith.constant 96 : i32
        %dma_start3A_1875 = arith.constant 0 : i32
        %dma_start3A_1876 = tpu.memref_slice %arg6[%dma_start3A_1874, %dma_start3A_1875] : memref<200x128xf32, #tpu.memory_space<vmem_shared>> -> memref<104x128xf32, #tpu.memory_space<vmem_shared>>
        %dma_start3A_1877 = arith.constant 96 : i32
        %dma_start3A_1878 = arith.constant 0 : i32
        %dma_start3A_1879 = tpu.memref_slice %arg4[%dma_start3A_1877, %dma_start3A_1878] : memref<200x128xf32, #tpu.memory_space<hbm>> -> memref<104x128xf32, #tpu.memory_space<hbm>>
        tpu.enqueue_dma source(%dma_start3A_1879 : memref<104x128xf32, #tpu.memory_space<hbm>>) target(%dma_start3A_1876 : memref<104x128xf32, #tpu.memory_space<vmem_shared>>) target_semaphore(%run_scoped3A : memref<!tpu.dma_semaphore, #tpu.memory_space<semaphore_mem>>)
        %dma_wait3A_1880 = arith.constant 96 : i32
        %dma_wait3A_1881 = arith.constant 0 : i32
        %dma_wait3A_1882 = tpu.memref_slice %arg6[%dma_wait3A_1880, %dma_wait3A_1881] : memref<200x128xf32, #tpu.memory_space<vmem_shared>> -> memref<104x128xf32, #tpu.memory_space<vmem_shared>>
        %dma_wait3A_1883 = arith.constant 96 : i32
        %dma_wait3A_1884 = arith.constant 0 : i32
        %dma_wait3A_1885 = tpu.memref_slice %arg4[%dma_wait3A_1883, %dma_wait3A_1884] : memref<200x128xf32, #tpu.memory_space<hbm>> -> memref<104x128xf32, #tpu.memory_space<hbm>>
        tpu.wait_dma2 semaphore(%run_scoped3A : memref<!tpu.dma_semaphore, #tpu.memory_space<semaphore_mem>>) src(%dma_wait3A_1885 : memref<104x128xf32, #tpu.memory_space<hbm>>) dst(%dma_wait3A_1882 : memref<104x128xf32, #tpu.memory_space<vmem_shared>>)
        tpu.yield
      }) : () -> ()
    } else {
    }
    %barrier3A = arith.constant 0 : index
    tpu.barrier barrier_id(%barrier3A)
    tpu.enqueue_dma source(%arg6 : memref<200x128xf32, #tpu.memory_space<vmem_shared>>) target(%arg8 : memref<200x128xf32, #tpu.memory_space<vmem>>) target_semaphore(%arg13 : memref<!tpu.dma_semaphore, #tpu.memory_space<semaphore_mem>>)
    tpu.enqueue_dma source(%arg6 : memref<200x128xf32, #tpu.memory_space<vmem_shared>>) target(%arg9 : memref<200x128xf32, #tpu.memory_space<vmem>>) target_semaphore(%arg14 : memref<!tpu.dma_semaphore, #tpu.memory_space<semaphore_mem>>)
    %dma_wait3A = arith.constant 0 : i32
    %dma_wait3A_15 = tpu.memref_slice %arg2[%mul3A_4, %dma_wait3A] : memref<2048x100xi32, #tpu.memory_space<hbm>> -> memref<64x100xi32, #tpu.memory_space<hbm>>
    %dma_wait3A_16 = arith.constant 0 : i32
    %dma_wait3A_17 = tpu.memref_slice %arg2[%mul3A_4, %dma_wait3A_16] : memref<2048x100xi32, #tpu.memory_space<hbm>> -> memref<64x100xi32, #tpu.memory_space<hbm>>
    tpu.wait_dma2 semaphore(%arg12 : memref<!tpu.dma_semaphore, #tpu.memory_space<semaphore_mem>>) src(%dma_wait3A_17 : memref<64x100xi32, #tpu.memory_space<hbm>>) dst(%arg7 : memref<64x100xi32, #tpu.memory_space<vmem>>)
    tpu.wait_dma2 semaphore(%arg13 : memref<!tpu.dma_semaphore, #tpu.memory_space<semaphore_mem>>) src(%arg6 : memref<200x128xf32, #tpu.memory_space<vmem_shared>>) dst(%arg8 : memref<200x128xf32, #tpu.memory_space<vmem>>)
    %dma_start3A_18 = arith.constant 0 : i32
    %dma_start3A_19 = arith.constant 0 : i32
    %dma_start3A_20 = arith.constant 0 : i32
    %dma_start3A_21 = tpu.memref_slice %arg8[%dma_start3A_19, %dma_start3A_20] : memref<200x128xf32, #tpu.memory_space<vmem>> -> memref<100x128xf32, #tpu.memory_space<vmem>>
    %dma_start3A_22 = arith.constant 0 : i32
    %dma_start3A_23 = tpu.memref_slice %arg7[%dma_start3A_18, %dma_start3A_22] : memref<64x100xi32, #tpu.memory_space<vmem>> -> memref<1x100xi32, #tpu.memory_space<vmem>>
    %dma_start3A_24 = tpu.memref_squeeze %dma_start3A_23 : memref<1x100xi32, #tpu.memory_space<vmem>> -> memref<100xi32, #tpu.memory_space<vmem>>
    %dma_start3A_25 = arith.constant 0 : i32
    %dma_start3A_26 = arith.constant 0 : i32
    %dma_start3A_27 = tpu.memref_slice %arg3[%dma_start3A_25, %dma_start3A_26] : memref<100000x128xf32, #tpu.memory_space<hbm>> -> memref<100000x128xf32, #tpu.memory_space<hbm>>
    tpu.enqueue_indirect_dma source(%dma_start3A_27 : memref<100000x128xf32, #tpu.memory_space<hbm>>) target(%dma_start3A_21 : memref<100x128xf32, #tpu.memory_space<vmem>>) offsets(%dma_start3A_24 : memref<100xi32, #tpu.memory_space<vmem>>) semaphore(%arg17 : memref<!tpu.dma_semaphore, #tpu.memory_space<semaphore_mem>>) {add = true}
    %dma_start3A_28 = arith.constant 1 : i32
    %dma_start3A_29 = arith.constant 100 : i32
    %dma_start3A_30 = arith.constant 0 : i32
    %dma_start3A_31 = tpu.memref_slice %arg8[%dma_start3A_29, %dma_start3A_30] : memref<200x128xf32, #tpu.memory_space<vmem>> -> memref<100x128xf32, #tpu.memory_space<vmem>>
    %dma_start3A_32 = arith.constant 0 : i32
    %dma_start3A_33 = tpu.memref_slice %arg7[%dma_start3A_28, %dma_start3A_32] : memref<64x100xi32, #tpu.memory_space<vmem>> -> memref<1x100xi32, #tpu.memory_space<vmem>>
    %dma_start3A_34 = tpu.memref_squeeze %dma_start3A_33 : memref<1x100xi32, #tpu.memory_space<vmem>> -> memref<100xi32, #tpu.memory_space<vmem>>
    %dma_start3A_35 = arith.constant 0 : i32
    %dma_start3A_36 = arith.constant 0 : i32
    %dma_start3A_37 = tpu.memref_slice %arg3[%dma_start3A_35, %dma_start3A_36] : memref<100000x128xf32, #tpu.memory_space<hbm>> -> memref<100000x128xf32, #tpu.memory_space<hbm>>
    tpu.enqueue_indirect_dma source(%dma_start3A_37 : memref<100000x128xf32, #tpu.memory_space<hbm>>) target(%dma_start3A_31 : memref<100x128xf32, #tpu.memory_space<vmem>>) offsets(%dma_start3A_34 : memref<100xi32, #tpu.memory_space<vmem>>) semaphore(%arg17 : memref<!tpu.dma_semaphore, #tpu.memory_space<semaphore_mem>>) {add = true}
    tpu.wait_dma2 semaphore(%arg14 : memref<!tpu.dma_semaphore, #tpu.memory_space<semaphore_mem>>) src(%arg6 : memref<200x128xf32, #tpu.memory_space<vmem_shared>>) dst(%arg9 : memref<200x128xf32, #tpu.memory_space<vmem>>)
    %dma_start3A_38 = arith.constant 2 : i32
    %dma_start3A_39 = arith.constant 0 : i32
    %dma_start3A_40 = arith.constant 0 : i32
    %dma_start3A_41 = tpu.memref_slice %arg9[%dma_start3A_39, %dma_start3A_40] : memref<200x128xf32, #tpu.memory_space<vmem>> -> memref<100x128xf32, #tpu.memory_space<vmem>>
    %dma_start3A_42 = arith.constant 0 : i32
    %dma_start3A_43 = tpu.memref_slice %arg7[%dma_start3A_38, %dma_start3A_42] : memref<64x100xi32, #tpu.memory_space<vmem>> -> memref<1x100xi32, #tpu.memory_space<vmem>>
    %dma_start3A_44 = tpu.memref_squeeze %dma_start3A_43 : memref<1x100xi32, #tpu.memory_space<vmem>> -> memref<100xi32, #tpu.memory_space<vmem>>
    %dma_start3A_45 = arith.constant 0 : i32
    %dma_start3A_46 = arith.constant 0 : i32
    %dma_start3A_47 = tpu.memref_slice %arg3[%dma_start3A_45, %dma_start3A_46] : memref<100000x128xf32, #tpu.memory_space<hbm>> -> memref<100000x128xf32, #tpu.memory_space<hbm>>
    tpu.enqueue_indirect_dma source(%dma_start3A_47 : memref<100000x128xf32, #tpu.memory_space<hbm>>) target(%dma_start3A_41 : memref<100x128xf32, #tpu.memory_space<vmem>>) offsets(%dma_start3A_44 : memref<100xi32, #tpu.memory_space<vmem>>) semaphore(%arg18 : memref<!tpu.dma_semaphore, #tpu.memory_space<semaphore_mem>>) {add = true}
    %dma_start3A_48 = arith.constant 3 : i32
    %dma_start3A_49 = arith.constant 100 : i32
    %dma_start3A_50 = arith.constant 0 : i32
    %dma_start3A_51 = tpu.memref_slice %arg9[%dma_start3A_49, %dma_start3A_50] : memref<200x128xf32, #tpu.memory_space<vmem>> -> memref<100x128xf32, #tpu.memory_space<vmem>>
    %dma_start3A_52 = arith.constant 0 : i32
    %dma_start3A_53 = tpu.memref_slice %arg7[%dma_start3A_48, %dma_start3A_52] : memref<64x100xi32, #tpu.memory_space<vmem>> -> memref<1x100xi32, #tpu.memory_space<vmem>>
    %dma_start3A_54 = tpu.memref_squeeze %dma_start3A_53 : memref<1x100xi32, #tpu.memory_space<vmem>> -> memref<100xi32, #tpu.memory_space<vmem>>
    %dma_start3A_55 = arith.constant 0 : i32
    %dma_start3A_56 = arith.constant 0 : i32
    %dma_start3A_57 = tpu.memref_slice %arg3[%dma_start3A_55, %dma_start3A_56] : memref<100000x128xf32, #tpu.memory_space<hbm>> -> memref<100000x128xf32, #tpu.memory_space<hbm>>
    tpu.enqueue_indirect_dma source(%dma_start3A_57 : memref<100000x128xf32, #tpu.memory_space<hbm>>) target(%dma_start3A_51 : memref<100x128xf32, #tpu.memory_space<vmem>>) offsets(%dma_start3A_54 : memref<100xi32, #tpu.memory_space<vmem>>) semaphore(%arg18 : memref<!tpu.dma_semaphore, #tpu.memory_space<semaphore_mem>>) {add = true}
    tpu.enqueue_dma source(%arg6 : memref<200x128xf32, #tpu.memory_space<vmem_shared>>) target(%arg10 : memref<200x128xf32, #tpu.memory_space<vmem>>) target_semaphore(%arg15 : memref<!tpu.dma_semaphore, #tpu.memory_space<semaphore_mem>>)
    %dma_wait3A_58 = arith.constant 0 : i32
    %dma_wait3A_59 = arith.constant 0 : i32
    %dma_wait3A_60 = arith.constant 0 : i32
    %dma_wait3A_61 = tpu.memref_slice %arg8[%dma_wait3A_59, %dma_wait3A_60] : memref<200x128xf32, #tpu.memory_space<vmem>> -> memref<100x128xf32, #tpu.memory_space<vmem>>
    %dma_wait3A_62 = arith.constant 0 : i32
    %dma_wait3A_63 = tpu.memref_slice %arg7[%dma_wait3A_58, %dma_wait3A_62] : memref<64x100xi32, #tpu.memory_space<vmem>> -> memref<1x100xi32, #tpu.memory_space<vmem>>
    %dma_wait3A_64 = tpu.memref_squeeze %dma_wait3A_63 : memref<1x100xi32, #tpu.memory_space<vmem>> -> memref<100xi32, #tpu.memory_space<vmem>>
    %dma_wait3A_65 = arith.constant 0 : i32
    %dma_wait3A_66 = arith.constant 0 : i32
    %dma_wait3A_67 = tpu.memref_slice %arg3[%dma_wait3A_65, %dma_wait3A_66] : memref<100000x128xf32, #tpu.memory_space<hbm>> -> memref<100000x128xf32, #tpu.memory_space<hbm>>
    tpu.wait_indirect_dma semaphore(%arg17 : memref<!tpu.dma_semaphore, #tpu.memory_space<semaphore_mem>>) src(%dma_wait3A_67 : memref<100000x128xf32, #tpu.memory_space<hbm>>) dst(%dma_wait3A_61 : memref<100x128xf32, #tpu.memory_space<vmem>>)
    %dma_wait3A_68 = arith.constant 1 : i32
    %dma_wait3A_69 = arith.constant 100 : i32
    %dma_wait3A_70 = arith.constant 0 : i32
    %dma_wait3A_71 = tpu.memref_slice %arg8[%dma_wait3A_69, %dma_wait3A_70] : memref<200x128xf32, #tpu.memory_space<vmem>> -> memref<100x128xf32, #tpu.memory_space<vmem>>
    %dma_wait3A_72 = arith.constant 0 : i32
    %dma_wait3A_73 = tpu.memref_slice %arg7[%dma_wait3A_68, %dma_wait3A_72] : memref<64x100xi32, #tpu.memory_space<vmem>> -> memref<1x100xi32, #tpu.memory_space<vmem>>
    %dma_wait3A_74 = tpu.memref_squeeze %dma_wait3A_73 : memref<1x100xi32, #tpu.memory_space<vmem>> -> memref<100xi32, #tpu.memory_space<vmem>>
    %dma_wait3A_75 = arith.constant 0 : i32
    %dma_wait3A_76 = arith.constant 0 : i32
    %dma_wait3A_77 = tpu.memref_slice %arg3[%dma_wait3A_75, %dma_wait3A_76] : memref<100000x128xf32, #tpu.memory_space<hbm>> -> memref<100000x128xf32, #tpu.memory_space<hbm>>
    tpu.wait_indirect_dma semaphore(%arg17 : memref<!tpu.dma_semaphore, #tpu.memory_space<semaphore_mem>>) src(%dma_wait3A_77 : memref<100000x128xf32, #tpu.memory_space<hbm>>) dst(%dma_wait3A_71 : memref<100x128xf32, #tpu.memory_space<vmem>>)
    %add3A_78 = arith.constant 0 : i32
    %add3A_79 = arith.addi %mul3A_2, %add3A_78 : i32
    %dma_start3A_80 = arith.constant 0 : i32
    %dma_start3A_81 = arith.constant 0 : i32
    %dma_start3A_82 = tpu.memref_slice %arg5[%add3A_79, %dma_start3A_80, %dma_start3A_81] : memref<1024x200x128xf32, #tpu.memory_space<hbm>> -> memref<1x200x128xf32, #tpu.memory_space<hbm>>
    %dma_start3A_83 = tpu.memref_squeeze %dma_start3A_82 : memref<1x200x128xf32, #tpu.memory_space<hbm>> -> memref<200x128xf32, #tpu.memory_space<hbm>>
    %dma_start3A_84 = arith.constant 0 : i32
    %dma_start3A_85 = arith.constant 0 : i32
    %dma_start3A_86 = tpu.memref_slice %arg5[%add3A_79, %dma_start3A_84, %dma_start3A_85] : memref<1024x200x128xf32, #tpu.memory_space<hbm>> -> memref<1x200x128xf32, #tpu.memory_space<hbm>>
    %dma_start3A_87 = tpu.memref_squeeze %dma_start3A_86 : memref<1x200x128xf32, #tpu.memory_space<hbm>> -> memref<200x128xf32, #tpu.memory_space<hbm>>
    tpu.enqueue_dma source(%arg8 : memref<200x128xf32, #tpu.memory_space<vmem>>) target(%dma_start3A_87 : memref<200x128xf32, #tpu.memory_space<hbm>>) target_semaphore(%arg21 : memref<!tpu.dma_semaphore, #tpu.memory_space<semaphore_mem>>)
    tpu.wait_dma2 semaphore(%arg15 : memref<!tpu.dma_semaphore, #tpu.memory_space<semaphore_mem>>) src(%arg6 : memref<200x128xf32, #tpu.memory_space<vmem_shared>>) dst(%arg10 : memref<200x128xf32, #tpu.memory_space<vmem>>)
    %dma_start3A_88 = arith.constant 4 : i32
    %dma_start3A_89 = arith.constant 0 : i32
    %dma_start3A_90 = arith.constant 0 : i32
    %dma_start3A_91 = tpu.memref_slice %arg10[%dma_start3A_89, %dma_start3A_90] : memref<200x128xf32, #tpu.memory_space<vmem>> -> memref<100x128xf32, #tpu.memory_space<vmem>>
    %dma_start3A_92 = arith.constant 0 : i32
    %dma_start3A_93 = tpu.memref_slice %arg7[%dma_start3A_88, %dma_start3A_92] : memref<64x100xi32, #tpu.memory_space<vmem>> -> memref<1x100xi32, #tpu.memory_space<vmem>>
    %dma_start3A_94 = tpu.memref_squeeze %dma_start3A_93 : memref<1x100xi32, #tpu.memory_space<vmem>> -> memref<100xi32, #tpu.memory_space<vmem>>
    %dma_start3A_95 = arith.constant 0 : i32
    %dma_start3A_96 = arith.constant 0 : i32
    %dma_start3A_97 = tpu.memref_slice %arg3[%dma_start3A_95, %dma_start3A_96] : memref<100000x128xf32, #tpu.memory_space<hbm>> -> memref<100000x128xf32, #tpu.memory_space<hbm>>
    tpu.enqueue_indirect_dma source(%dma_start3A_97 : memref<100000x128xf32, #tpu.memory_space<hbm>>) target(%dma_start3A_91 : memref<100x128xf32, #tpu.memory_space<vmem>>) offsets(%dma_start3A_94 : memref<100xi32, #tpu.memory_space<vmem>>) semaphore(%arg19 : memref<!tpu.dma_semaphore, #tpu.memory_space<semaphore_mem>>) {add = true}
    %dma_start3A_98 = arith.constant 5 : i32
    %dma_start3A_99 = arith.constant 100 : i32
    %dma_start3A_100 = arith.constant 0 : i32
    %dma_start3A_101 = tpu.memref_slice %arg10[%dma_start3A_99, %dma_start3A_100] : memref<200x128xf32, #tpu.memory_space<vmem>> -> memref<100x128xf32, #tpu.memory_space<vmem>>
    %dma_start3A_102 = arith.constant 0 : i32
    %dma_start3A_103 = tpu.memref_slice %arg7[%dma_start3A_98, %dma_start3A_102] : memref<64x100xi32, #tpu.memory_space<vmem>> -> memref<1x100xi32, #tpu.memory_space<vmem>>
    %dma_start3A_104 = tpu.memref_squeeze %dma_start3A_103 : memref<1x100xi32, #tpu.memory_space<vmem>> -> memref<100xi32, #tpu.memory_space<vmem>>
    %dma_start3A_105 = arith.constant 0 : i32
    %dma_start3A_106 = arith.constant 0 : i32
    %dma_start3A_107 = tpu.memref_slice %arg3[%dma_start3A_105, %dma_start3A_106] : memref<100000x128xf32, #tpu.memory_space<hbm>> -> memref<100000x128xf32, #tpu.memory_space<hbm>>
    tpu.enqueue_indirect_dma source(%dma_start3A_107 : memref<100000x128xf32, #tpu.memory_space<hbm>>) target(%dma_start3A_101 : memref<100x128xf32, #tpu.memory_space<vmem>>) offsets(%dma_start3A_104 : memref<100xi32, #tpu.memory_space<vmem>>) semaphore(%arg19 : memref<!tpu.dma_semaphore, #tpu.memory_space<semaphore_mem>>) {add = true}
    tpu.enqueue_dma source(%arg6 : memref<200x128xf32, #tpu.memory_space<vmem_shared>>) target(%arg11 : memref<200x128xf32, #tpu.memory_space<vmem>>) target_semaphore(%arg16 : memref<!tpu.dma_semaphore, #tpu.memory_space<semaphore_mem>>)
    %dma_wait3A_108 = arith.constant 2 : i32
    %dma_wait3A_109 = arith.constant 0 : i32
    %dma_wait3A_110 = arith.constant 0 : i32
    %dma_wait3A_111 = tpu.memref_slice %arg9[%dma_wait3A_109, %dma_wait3A_110] : memref<200x128xf32, #tpu.memory_space<vmem>> -> memref<100x128xf32, #tpu.memory_space<vmem>>
    %dma_wait3A_112 = arith.constant 0 : i32
    %dma_wait3A_113 = tpu.memref_slice %arg7[%dma_wait3A_108, %dma_wait3A_112] : memref<64x100xi32, #tpu.memory_space<vmem>> -> memref<1x100xi32, #tpu.memory_space<vmem>>
    %dma_wait3A_114 = tpu.memref_squeeze %dma_wait3A_113 : memref<1x100xi32, #tpu.memory_space<vmem>> -> memref<100xi32, #tpu.memory_space<vmem>>
    %dma_wait3A_115 = arith.constant 0 : i32
    %dma_wait3A_116 = arith.constant 0 : i32
    %dma_wait3A_117 = tpu.memref_slice %arg3[%dma_wait3A_115, %dma_wait3A_116] : memref<100000x128xf32, #tpu.memory_space<hbm>> -> memref<100000x128xf32, #tpu.memory_space<hbm>>
    tpu.wait_indirect_dma semaphore(%arg18 : memref<!tpu.dma_semaphore, #tpu.memory_space<semaphore_mem>>) src(%dma_wait3A_117 : memref<100000x128xf32, #tpu.memory_space<hbm>>) dst(%dma_wait3A_111 : memref<100x128xf32, #tpu.memory_space<vmem>>)
    %dma_wait3A_118 = arith.constant 3 : i32
    %dma_wait3A_119 = arith.constant 100 : i32
    %dma_wait3A_120 = arith.constant 0 : i32
    %dma_wait3A_121 = tpu.memref_slice %arg9[%dma_wait3A_119, %dma_wait3A_120] : memref<200x128xf32, #tpu.memory_space<vmem>> -> memref<100x128xf32, #tpu.memory_space<vmem>>
    %dma_wait3A_122 = arith.constant 0 : i32
    %dma_wait3A_123 = tpu.memref_slice %arg7[%dma_wait3A_118, %dma_wait3A_122] : memref<64x100xi32, #tpu.memory_space<vmem>> -> memref<1x100xi32, #tpu.memory_space<vmem>>
    %dma_wait3A_124 = tpu.memref_squeeze %dma_wait3A_123 : memref<1x100xi32, #tpu.memory_space<vmem>> -> memref<100xi32, #tpu.memory_space<vmem>>
    %dma_wait3A_125 = arith.constant 0 : i32
    %dma_wait3A_126 = arith.constant 0 : i32
    %dma_wait3A_127 = tpu.memref_slice %arg3[%dma_wait3A_125, %dma_wait3A_126] : memref<100000x128xf32, #tpu.memory_space<hbm>> -> memref<100000x128xf32, #tpu.memory_space<hbm>>
    tpu.wait_indirect_dma semaphore(%arg18 : memref<!tpu.dma_semaphore, #tpu.memory_space<semaphore_mem>>) src(%dma_wait3A_127 : memref<100000x128xf32, #tpu.memory_space<hbm>>) dst(%dma_wait3A_121 : memref<100x128xf32, #tpu.memory_space<vmem>>)
    %add3A_128 = arith.constant 1 : i32
    %add3A_129 = arith.addi %mul3A_2, %add3A_128 : i32
    %dma_start3A_130 = arith.constant 0 : i32
    %dma_start3A_131 = arith.constant 0 : i32
    %dma_start3A_132 = tpu.memref_slice %arg5[%add3A_129, %dma_start3A_130, %dma_start3A_131] : memref<1024x200x128xf32, #tpu.memory_space<hbm>> -> memref<1x200x128xf32, #tpu.memory_space<hbm>>
    %dma_start3A_133 = tpu.memref_squeeze %dma_start3A_132 : memref<1x200x128xf32, #tpu.memory_space<hbm>> -> memref<200x128xf32, #tpu.memory_space<hbm>>
    %dma_start3A_134 = arith.constant 0 : i32
    %dma_start3A_135 = arith.constant 0 : i32
    %dma_start3A_136 = tpu.memref_slice %arg5[%add3A_129, %dma_start3A_134, %dma_start3A_135] : memref<1024x200x128xf32, #tpu.memory_space<hbm>> -> memref<1x200x128xf32, #tpu.memory_space<hbm>>
    %dma_start3A_137 = tpu.memref_squeeze %dma_start3A_136 : memref<1x200x128xf32, #tpu.memory_space<hbm>> -> memref<200x128xf32, #tpu.memory_space<hbm>>
    tpu.enqueue_dma source(%arg9 : memref<200x128xf32, #tpu.memory_space<vmem>>) target(%dma_start3A_137 : memref<200x128xf32, #tpu.memory_space<hbm>>) target_semaphore(%arg22 : memref<!tpu.dma_semaphore, #tpu.memory_space<semaphore_mem>>)
    tpu.wait_dma2 semaphore(%arg16 : memref<!tpu.dma_semaphore, #tpu.memory_space<semaphore_mem>>) src(%arg6 : memref<200x128xf32, #tpu.memory_space<vmem_shared>>) dst(%arg11 : memref<200x128xf32, #tpu.memory_space<vmem>>)
    %dma_start3A_138 = arith.constant 6 : i32
    %dma_start3A_139 = arith.constant 0 : i32
    %dma_start3A_140 = arith.constant 0 : i32
    %dma_start3A_141 = tpu.memref_slice %arg11[%dma_start3A_139, %dma_start3A_140] : memref<200x128xf32, #tpu.memory_space<vmem>> -> memref<100x128xf32, #tpu.memory_space<vmem>>
    %dma_start3A_142 = arith.constant 0 : i32
    %dma_start3A_143 = tpu.memref_slice %arg7[%dma_start3A_138, %dma_start3A_142] : memref<64x100xi32, #tpu.memory_space<vmem>> -> memref<1x100xi32, #tpu.memory_space<vmem>>
    %dma_start3A_144 = tpu.memref_squeeze %dma_start3A_143 : memref<1x100xi32, #tpu.memory_space<vmem>> -> memref<100xi32, #tpu.memory_space<vmem>>
    %dma_start3A_145 = arith.constant 0 : i32
    %dma_start3A_146 = arith.constant 0 : i32
    %dma_start3A_147 = tpu.memref_slice %arg3[%dma_start3A_145, %dma_start3A_146] : memref<100000x128xf32, #tpu.memory_space<hbm>> -> memref<100000x128xf32, #tpu.memory_space<hbm>>
    tpu.enqueue_indirect_dma source(%dma_start3A_147 : memref<100000x128xf32, #tpu.memory_space<hbm>>) target(%dma_start3A_141 : memref<100x128xf32, #tpu.memory_space<vmem>>) offsets(%dma_start3A_144 : memref<100xi32, #tpu.memory_space<vmem>>) semaphore(%arg20 : memref<!tpu.dma_semaphore, #tpu.memory_space<semaphore_mem>>) {add = true}
    %dma_start3A_148 = arith.constant 7 : i32
    %dma_start3A_149 = arith.constant 100 : i32
    %dma_start3A_150 = arith.constant 0 : i32
    %dma_start3A_151 = tpu.memref_slice %arg11[%dma_start3A_149, %dma_start3A_150] : memref<200x128xf32, #tpu.memory_space<vmem>> -> memref<100x128xf32, #tpu.memory_space<vmem>>
    %dma_start3A_152 = arith.constant 0 : i32
    %dma_start3A_153 = tpu.memref_slice %arg7[%dma_start3A_148, %dma_start3A_152] : memref<64x100xi32, #tpu.memory_space<vmem>> -> memref<1x100xi32, #tpu.memory_space<vmem>>
    %dma_start3A_154 = tpu.memref_squeeze %dma_start3A_153 : memref<1x100xi32, #tpu.memory_space<vmem>> -> memref<100xi32, #tpu.memory_space<vmem>>
    %dma_start3A_155 = arith.constant 0 : i32
    %dma_start3A_156 = arith.constant 0 : i32
    %dma_start3A_157 = tpu.memref_slice %arg3[%dma_start3A_155, %dma_start3A_156] : memref<100000x128xf32, #tpu.memory_space<hbm>> -> memref<100000x128xf32, #tpu.memory_space<hbm>>
    tpu.enqueue_indirect_dma source(%dma_start3A_157 : memref<100000x128xf32, #tpu.memory_space<hbm>>) target(%dma_start3A_151 : memref<100x128xf32, #tpu.memory_space<vmem>>) offsets(%dma_start3A_154 : memref<100xi32, #tpu.memory_space<vmem>>) semaphore(%arg20 : memref<!tpu.dma_semaphore, #tpu.memory_space<semaphore_mem>>) {add = true}
    %dma_wait3A_158 = arith.constant 0 : i32
    %dma_wait3A_159 = arith.constant 0 : i32
    %dma_wait3A_160 = tpu.memref_slice %arg5[%add3A_79, %dma_wait3A_158, %dma_wait3A_159] : memref<1024x200x128xf32, #tpu.memory_space<hbm>> -> memref<1x200x128xf32, #tpu.memory_space<hbm>>
    %dma_wait3A_161 = tpu.memref_squeeze %dma_wait3A_160 : memref<1x200x128xf32, #tpu.memory_space<hbm>> -> memref<200x128xf32, #tpu.memory_space<hbm>>
    %dma_wait3A_162 = arith.constant 0 : i32
    %dma_wait3A_163 = arith.constant 0 : i32
    %dma_wait3A_164 = tpu.memref_slice %arg5[%add3A_79, %dma_wait3A_162, %dma_wait3A_163] : memref<1024x200x128xf32, #tpu.memory_space<hbm>> -> memref<1x200x128xf32, #tpu.memory_space<hbm>>
    %dma_wait3A_165 = tpu.memref_squeeze %dma_wait3A_164 : memref<1x200x128xf32, #tpu.memory_space<hbm>> -> memref<200x128xf32, #tpu.memory_space<hbm>>
    tpu.wait_dma2 semaphore(%arg21 : memref<!tpu.dma_semaphore, #tpu.memory_space<semaphore_mem>>) src(%arg8 : memref<200x128xf32, #tpu.memory_space<vmem>>) dst(%dma_wait3A_165 : memref<200x128xf32, #tpu.memory_space<hbm>>)
    tpu.enqueue_dma source(%arg6 : memref<200x128xf32, #tpu.memory_space<vmem_shared>>) target(%arg8 : memref<200x128xf32, #tpu.memory_space<vmem>>) target_semaphore(%arg13 : memref<!tpu.dma_semaphore, #tpu.memory_space<semaphore_mem>>)
    %dma_wait3A_166 = arith.constant 4 : i32
    %dma_wait3A_167 = arith.constant 0 : i32
    %dma_wait3A_168 = arith.constant 0 : i32
    %dma_wait3A_169 = tpu.memref_slice %arg10[%dma_wait3A_167, %dma_wait3A_168] : memref<200x128xf32, #tpu.memory_space<vmem>> -> memref<100x128xf32, #tpu.memory_space<vmem>>
    %dma_wait3A_170 = arith.constant 0 : i32
    %dma_wait3A_171 = tpu.memref_slice %arg7[%dma_wait3A_166, %dma_wait3A_170] : memref<64x100xi32, #tpu.memory_space<vmem>> -> memref<1x100xi32, #tpu.memory_space<vmem>>
    %dma_wait3A_172 = tpu.memref_squeeze %dma_wait3A_171 : memref<1x100xi32, #tpu.memory_space<vmem>> -> memref<100xi32, #tpu.memory_space<vmem>>
    %dma_wait3A_173 = arith.constant 0 : i32
    %dma_wait3A_174 = arith.constant 0 : i32
    %dma_wait3A_175 = tpu.memref_slice %arg3[%dma_wait3A_173, %dma_wait3A_174] : memref<100000x128xf32, #tpu.memory_space<hbm>> -> memref<100000x128xf32, #tpu.memory_space<hbm>>
    tpu.wait_indirect_dma semaphore(%arg19 : memref<!tpu.dma_semaphore, #tpu.memory_space<semaphore_mem>>) src(%dma_wait3A_175 : memref<100000x128xf32, #tpu.memory_space<hbm>>) dst(%dma_wait3A_169 : memref<100x128xf32, #tpu.memory_space<vmem>>)
    %dma_wait3A_176 = arith.constant 5 : i32
    %dma_wait3A_177 = arith.constant 100 : i32
    %dma_wait3A_178 = arith.constant 0 : i32
    %dma_wait3A_179 = tpu.memref_slice %arg10[%dma_wait3A_177, %dma_wait3A_178] : memref<200x128xf32, #tpu.memory_space<vmem>> -> memref<100x128xf32, #tpu.memory_space<vmem>>
    %dma_wait3A_180 = arith.constant 0 : i32
    %dma_wait3A_181 = tpu.memref_slice %arg7[%dma_wait3A_176, %dma_wait3A_180] : memref<64x100xi32, #tpu.memory_space<vmem>> -> memref<1x100xi32, #tpu.memory_space<vmem>>
    %dma_wait3A_182 = tpu.memref_squeeze %dma_wait3A_181 : memref<1x100xi32, #tpu.memory_space<vmem>> -> memref<100xi32, #tpu.memory_space<vmem>>
    %dma_wait3A_183 = arith.constant 0 : i32
    %dma_wait3A_184 = arith.constant 0 : i32
    %dma_wait3A_185 = tpu.memref_slice %arg3[%dma_wait3A_183, %dma_wait3A_184] : memref<100000x128xf32, #tpu.memory_space<hbm>> -> memref<100000x128xf32, #tpu.memory_space<hbm>>
    tpu.wait_indirect_dma semaphore(%arg19 : memref<!tpu.dma_semaphore, #tpu.memory_space<semaphore_mem>>) src(%dma_wait3A_185 : memref<100000x128xf32, #tpu.memory_space<hbm>>) dst(%dma_wait3A_179 : memref<100x128xf32, #tpu.memory_space<vmem>>)
    %add3A_186 = arith.constant 2 : i32
    %add3A_187 = arith.addi %mul3A_2, %add3A_186 : i32
    %dma_start3A_188 = arith.constant 0 : i32
    %dma_start3A_189 = arith.constant 0 : i32
    %dma_start3A_190 = tpu.memref_slice %arg5[%add3A_187, %dma_start3A_188, %dma_start3A_189] : memref<1024x200x128xf32, #tpu.memory_space<hbm>> -> memref<1x200x128xf32, #tpu.memory_space<hbm>>
    %dma_start3A_191 = tpu.memref_squeeze %dma_start3A_190 : memref<1x200x128xf32, #tpu.memory_space<hbm>> -> memref<200x128xf32, #tpu.memory_space<hbm>>
    %dma_start3A_192 = arith.constant 0 : i32
    %dma_start3A_193 = arith.constant 0 : i32
    %dma_start3A_194 = tpu.memref_slice %arg5[%add3A_187, %dma_start3A_192, %dma_start3A_193] : memref<1024x200x128xf32, #tpu.memory_space<hbm>> -> memref<1x200x128xf32, #tpu.memory_space<hbm>>
    %dma_start3A_195 = tpu.memref_squeeze %dma_start3A_194 : memref<1x200x128xf32, #tpu.memory_space<hbm>> -> memref<200x128xf32, #tpu.memory_space<hbm>>
    tpu.enqueue_dma source(%arg10 : memref<200x128xf32, #tpu.memory_space<vmem>>) target(%dma_start3A_195 : memref<200x128xf32, #tpu.memory_space<hbm>>) target_semaphore(%arg23 : memref<!tpu.dma_semaphore, #tpu.memory_space<semaphore_mem>>)
    tpu.wait_dma2 semaphore(%arg13 : memref<!tpu.dma_semaphore, #tpu.memory_space<semaphore_mem>>) src(%arg6 : memref<200x128xf32, #tpu.memory_space<vmem_shared>>) dst(%arg8 : memref<200x128xf32, #tpu.memory_space<vmem>>)
    %dma_start3A_196 = arith.constant 8 : i32
    %dma_start3A_197 = arith.constant 0 : i32
    %dma_start3A_198 = arith.constant 0 : i32
    %dma_start3A_199 = tpu.memref_slice %arg8[%dma_start3A_197, %dma_start3A_198] : memref<200x128xf32, #tpu.memory_space<vmem>> -> memref<100x128xf32, #tpu.memory_space<vmem>>
    %dma_start3A_200 = arith.constant 0 : i32
    %dma_start3A_201 = tpu.memref_slice %arg7[%dma_start3A_196, %dma_start3A_200] : memref<64x100xi32, #tpu.memory_space<vmem>> -> memref<1x100xi32, #tpu.memory_space<vmem>>
    %dma_start3A_202 = tpu.memref_squeeze %dma_start3A_201 : memref<1x100xi32, #tpu.memory_space<vmem>> -> memref<100xi32, #tpu.memory_space<vmem>>
    %dma_start3A_203 = arith.constant 0 : i32
    %dma_start3A_204 = arith.constant 0 : i32
    %dma_start3A_205 = tpu.memref_slice %arg3[%dma_start3A_203, %dma_start3A_204] : memref<100000x128xf32, #tpu.memory_space<hbm>> -> memref<100000x128xf32, #tpu.memory_space<hbm>>
    tpu.enqueue_indirect_dma source(%dma_start3A_205 : memref<100000x128xf32, #tpu.memory_space<hbm>>) target(%dma_start3A_199 : memref<100x128xf32, #tpu.memory_space<vmem>>) offsets(%dma_start3A_202 : memref<100xi32, #tpu.memory_space<vmem>>) semaphore(%arg17 : memref<!tpu.dma_semaphore, #tpu.memory_space<semaphore_mem>>) {add = true}
    %dma_start3A_206 = arith.constant 9 : i32
    %dma_start3A_207 = arith.constant 100 : i32
    %dma_start3A_208 = arith.constant 0 : i32
    %dma_start3A_209 = tpu.memref_slice %arg8[%dma_start3A_207, %dma_start3A_208] : memref<200x128xf32, #tpu.memory_space<vmem>> -> memref<100x128xf32, #tpu.memory_space<vmem>>
    %dma_start3A_210 = arith.constant 0 : i32
    %dma_start3A_211 = tpu.memref_slice %arg7[%dma_start3A_206, %dma_start3A_210] : memref<64x100xi32, #tpu.memory_space<vmem>> -> memref<1x100xi32, #tpu.memory_space<vmem>>
    %dma_start3A_212 = tpu.memref_squeeze %dma_start3A_211 : memref<1x100xi32, #tpu.memory_space<vmem>> -> memref<100xi32, #tpu.memory_space<vmem>>
    %dma_start3A_213 = arith.constant 0 : i32
    %dma_start3A_214 = arith.constant 0 : i32
    %dma_start3A_215 = tpu.memref_slice %arg3[%dma_start3A_213, %dma_start3A_214] : memref<100000x128xf32, #tpu.memory_space<hbm>> -> memref<100000x128xf32, #tpu.memory_space<hbm>>
    tpu.enqueue_indirect_dma source(%dma_start3A_215 : memref<100000x128xf32, #tpu.memory_space<hbm>>) target(%dma_start3A_209 : memref<100x128xf32, #tpu.memory_space<vmem>>) offsets(%dma_start3A_212 : memref<100xi32, #tpu.memory_space<vmem>>) semaphore(%arg17 : memref<!tpu.dma_semaphore, #tpu.memory_space<semaphore_mem>>) {add = true}
    %dma_wait3A_216 = arith.constant 0 : i32
    %dma_wait3A_217 = arith.constant 0 : i32
    %dma_wait3A_218 = tpu.memref_slice %arg5[%add3A_129, %dma_wait3A_216, %dma_wait3A_217] : memref<1024x200x128xf32, #tpu.memory_space<hbm>> -> memref<1x200x128xf32, #tpu.memory_space<hbm>>
    %dma_wait3A_219 = tpu.memref_squeeze %dma_wait3A_218 : memref<1x200x128xf32, #tpu.memory_space<hbm>> -> memref<200x128xf32, #tpu.memory_space<hbm>>
    %dma_wait3A_220 = arith.constant 0 : i32
    %dma_wait3A_221 = arith.constant 0 : i32
    %dma_wait3A_222 = tpu.memref_slice %arg5[%add3A_129, %dma_wait3A_220, %dma_wait3A_221] : memref<1024x200x128xf32, #tpu.memory_space<hbm>> -> memref<1x200x128xf32, #tpu.memory_space<hbm>>
    %dma_wait3A_223 = tpu.memref_squeeze %dma_wait3A_222 : memref<1x200x128xf32, #tpu.memory_space<hbm>> -> memref<200x128xf32, #tpu.memory_space<hbm>>
    tpu.wait_dma2 semaphore(%arg22 : memref<!tpu.dma_semaphore, #tpu.memory_space<semaphore_mem>>) src(%arg9 : memref<200x128xf32, #tpu.memory_space<vmem>>) dst(%dma_wait3A_223 : memref<200x128xf32, #tpu.memory_space<hbm>>)
    tpu.enqueue_dma source(%arg6 : memref<200x128xf32, #tpu.memory_space<vmem_shared>>) target(%arg9 : memref<200x128xf32, #tpu.memory_space<vmem>>) target_semaphore(%arg14 : memref<!tpu.dma_semaphore, #tpu.memory_space<semaphore_mem>>)
    %dma_wait3A_224 = arith.constant 6 : i32
    %dma_wait3A_225 = arith.constant 0 : i32
    %dma_wait3A_226 = arith.constant 0 : i32
    %dma_wait3A_227 = tpu.memref_slice %arg11[%dma_wait3A_225, %dma_wait3A_226] : memref<200x128xf32, #tpu.memory_space<vmem>> -> memref<100x128xf32, #tpu.memory_space<vmem>>
    %dma_wait3A_228 = arith.constant 0 : i32
    %dma_wait3A_229 = tpu.memref_slice %arg7[%dma_wait3A_224, %dma_wait3A_228] : memref<64x100xi32, #tpu.memory_space<vmem>> -> memref<1x100xi32, #tpu.memory_space<vmem>>
    %dma_wait3A_230 = tpu.memref_squeeze %dma_wait3A_229 : memref<1x100xi32, #tpu.memory_space<vmem>> -> memref<100xi32, #tpu.memory_space<vmem>>
    %dma_wait3A_231 = arith.constant 0 : i32
    %dma_wait3A_232 = arith.constant 0 : i32
    %dma_wait3A_233 = tpu.memref_slice %arg3[%dma_wait3A_231, %dma_wait3A_232] : memref<100000x128xf32, #tpu.memory_space<hbm>> -> memref<100000x128xf32, #tpu.memory_space<hbm>>
    tpu.wait_indirect_dma semaphore(%arg20 : memref<!tpu.dma_semaphore, #tpu.memory_space<semaphore_mem>>) src(%dma_wait3A_233 : memref<100000x128xf32, #tpu.memory_space<hbm>>) dst(%dma_wait3A_227 : memref<100x128xf32, #tpu.memory_space<vmem>>)
    %dma_wait3A_234 = arith.constant 7 : i32
    %dma_wait3A_235 = arith.constant 100 : i32
    %dma_wait3A_236 = arith.constant 0 : i32
    %dma_wait3A_237 = tpu.memref_slice %arg11[%dma_wait3A_235, %dma_wait3A_236] : memref<200x128xf32, #tpu.memory_space<vmem>> -> memref<100x128xf32, #tpu.memory_space<vmem>>
    %dma_wait3A_238 = arith.constant 0 : i32
    %dma_wait3A_239 = tpu.memref_slice %arg7[%dma_wait3A_234, %dma_wait3A_238] : memref<64x100xi32, #tpu.memory_space<vmem>> -> memref<1x100xi32, #tpu.memory_space<vmem>>
    %dma_wait3A_240 = tpu.memref_squeeze %dma_wait3A_239 : memref<1x100xi32, #tpu.memory_space<vmem>> -> memref<100xi32, #tpu.memory_space<vmem>>
    %dma_wait3A_241 = arith.constant 0 : i32
    %dma_wait3A_242 = arith.constant 0 : i32
    %dma_wait3A_243 = tpu.memref_slice %arg3[%dma_wait3A_241, %dma_wait3A_242] : memref<100000x128xf32, #tpu.memory_space<hbm>> -> memref<100000x128xf32, #tpu.memory_space<hbm>>
    tpu.wait_indirect_dma semaphore(%arg20 : memref<!tpu.dma_semaphore, #tpu.memory_space<semaphore_mem>>) src(%dma_wait3A_243 : memref<100000x128xf32, #tpu.memory_space<hbm>>) dst(%dma_wait3A_237 : memref<100x128xf32, #tpu.memory_space<vmem>>)
    %add3A_244 = arith.constant 3 : i32
    %add3A_245 = arith.addi %mul3A_2, %add3A_244 : i32
    %dma_start3A_246 = arith.constant 0 : i32
    %dma_start3A_247 = arith.constant 0 : i32
    %dma_start3A_248 = tpu.memref_slice %arg5[%add3A_245, %dma_start3A_246, %dma_start3A_247] : memref<1024x200x128xf32, #tpu.memory_space<hbm>> -> memref<1x200x128xf32, #tpu.memory_space<hbm>>
    %dma_start3A_249 = tpu.memref_squeeze %dma_start3A_248 : memref<1x200x128xf32, #tpu.memory_space<hbm>> -> memref<200x128xf32, #tpu.memory_space<hbm>>
    %dma_start3A_250 = arith.constant 0 : i32
    %dma_start3A_251 = arith.constant 0 : i32
    %dma_start3A_252 = tpu.memref_slice %arg5[%add3A_245, %dma_start3A_250, %dma_start3A_251] : memref<1024x200x128xf32, #tpu.memory_space<hbm>> -> memref<1x200x128xf32, #tpu.memory_space<hbm>>
    %dma_start3A_253 = tpu.memref_squeeze %dma_start3A_252 : memref<1x200x128xf32, #tpu.memory_space<hbm>> -> memref<200x128xf32, #tpu.memory_space<hbm>>
    tpu.enqueue_dma source(%arg11 : memref<200x128xf32, #tpu.memory_space<vmem>>) target(%dma_start3A_253 : memref<200x128xf32, #tpu.memory_space<hbm>>) target_semaphore(%arg24 : memref<!tpu.dma_semaphore, #tpu.memory_space<semaphore_mem>>)
    tpu.wait_dma2 semaphore(%arg14 : memref<!tpu.dma_semaphore, #tpu.memory_space<semaphore_mem>>) src(%arg6 : memref<200x128xf32, #tpu.memory_space<vmem_shared>>) dst(%arg9 : memref<200x128xf32, #tpu.memory_space<vmem>>)
    %dma_start3A_254 = arith.constant 10 : i32
    %dma_start3A_255 = arith.constant 0 : i32
    %dma_start3A_256 = arith.constant 0 : i32
    %dma_start3A_257 = tpu.memref_slice %arg9[%dma_start3A_255, %dma_start3A_256] : memref<200x128xf32, #tpu.memory_space<vmem>> -> memref<100x128xf32, #tpu.memory_space<vmem>>
    %dma_start3A_258 = arith.constant 0 : i32
    %dma_start3A_259 = tpu.memref_slice %arg7[%dma_start3A_254, %dma_start3A_258] : memref<64x100xi32, #tpu.memory_space<vmem>> -> memref<1x100xi32, #tpu.memory_space<vmem>>
    %dma_start3A_260 = tpu.memref_squeeze %dma_start3A_259 : memref<1x100xi32, #tpu.memory_space<vmem>> -> memref<100xi32, #tpu.memory_space<vmem>>
    %dma_start3A_261 = arith.constant 0 : i32
    %dma_start3A_262 = arith.constant 0 : i32
    %dma_start3A_263 = tpu.memref_slice %arg3[%dma_start3A_261, %dma_start3A_262] : memref<100000x128xf32, #tpu.memory_space<hbm>> -> memref<100000x128xf32, #tpu.memory_space<hbm>>
    tpu.enqueue_indirect_dma source(%dma_start3A_263 : memref<100000x128xf32, #tpu.memory_space<hbm>>) target(%dma_start3A_257 : memref<100x128xf32, #tpu.memory_space<vmem>>) offsets(%dma_start3A_260 : memref<100xi32, #tpu.memory_space<vmem>>) semaphore(%arg18 : memref<!tpu.dma_semaphore, #tpu.memory_space<semaphore_mem>>) {add = true}
    %dma_start3A_264 = arith.constant 11 : i32
    %dma_start3A_265 = arith.constant 100 : i32
    %dma_start3A_266 = arith.constant 0 : i32
    %dma_start3A_267 = tpu.memref_slice %arg9[%dma_start3A_265, %dma_start3A_266] : memref<200x128xf32, #tpu.memory_space<vmem>> -> memref<100x128xf32, #tpu.memory_space<vmem>>
    %dma_start3A_268 = arith.constant 0 : i32
    %dma_start3A_269 = tpu.memref_slice %arg7[%dma_start3A_264, %dma_start3A_268] : memref<64x100xi32, #tpu.memory_space<vmem>> -> memref<1x100xi32, #tpu.memory_space<vmem>>
    %dma_start3A_270 = tpu.memref_squeeze %dma_start3A_269 : memref<1x100xi32, #tpu.memory_space<vmem>> -> memref<100xi32, #tpu.memory_space<vmem>>
    %dma_start3A_271 = arith.constant 0 : i32
    %dma_start3A_272 = arith.constant 0 : i32
    %dma_start3A_273 = tpu.memref_slice %arg3[%dma_start3A_271, %dma_start3A_272] : memref<100000x128xf32, #tpu.memory_space<hbm>> -> memref<100000x128xf32, #tpu.memory_space<hbm>>
    tpu.enqueue_indirect_dma source(%dma_start3A_273 : memref<100000x128xf32, #tpu.memory_space<hbm>>) target(%dma_start3A_267 : memref<100x128xf32, #tpu.memory_space<vmem>>) offsets(%dma_start3A_270 : memref<100xi32, #tpu.memory_space<vmem>>) semaphore(%arg18 : memref<!tpu.dma_semaphore, #tpu.memory_space<semaphore_mem>>) {add = true}
    %dma_wait3A_274 = arith.constant 0 : i32
    %dma_wait3A_275 = arith.constant 0 : i32
    %dma_wait3A_276 = tpu.memref_slice %arg5[%add3A_187, %dma_wait3A_274, %dma_wait3A_275] : memref<1024x200x128xf32, #tpu.memory_space<hbm>> -> memref<1x200x128xf32, #tpu.memory_space<hbm>>
    %dma_wait3A_277 = tpu.memref_squeeze %dma_wait3A_276 : memref<1x200x128xf32, #tpu.memory_space<hbm>> -> memref<200x128xf32, #tpu.memory_space<hbm>>
    %dma_wait3A_278 = arith.constant 0 : i32
    %dma_wait3A_279 = arith.constant 0 : i32
    %dma_wait3A_280 = tpu.memref_slice %arg5[%add3A_187, %dma_wait3A_278, %dma_wait3A_279] : memref<1024x200x128xf32, #tpu.memory_space<hbm>> -> memref<1x200x128xf32, #tpu.memory_space<hbm>>
    %dma_wait3A_281 = tpu.memref_squeeze %dma_wait3A_280 : memref<1x200x128xf32, #tpu.memory_space<hbm>> -> memref<200x128xf32, #tpu.memory_space<hbm>>
    tpu.wait_dma2 semaphore(%arg23 : memref<!tpu.dma_semaphore, #tpu.memory_space<semaphore_mem>>) src(%arg10 : memref<200x128xf32, #tpu.memory_space<vmem>>) dst(%dma_wait3A_281 : memref<200x128xf32, #tpu.memory_space<hbm>>)
    tpu.enqueue_dma source(%arg6 : memref<200x128xf32, #tpu.memory_space<vmem_shared>>) target(%arg10 : memref<200x128xf32, #tpu.memory_space<vmem>>) target_semaphore(%arg15 : memref<!tpu.dma_semaphore, #tpu.memory_space<semaphore_mem>>)
    %dma_wait3A_282 = arith.constant 8 : i32
    %dma_wait3A_283 = arith.constant 0 : i32
    %dma_wait3A_284 = arith.constant 0 : i32
    %dma_wait3A_285 = tpu.memref_slice %arg8[%dma_wait3A_283, %dma_wait3A_284] : memref<200x128xf32, #tpu.memory_space<vmem>> -> memref<100x128xf32, #tpu.memory_space<vmem>>
    %dma_wait3A_286 = arith.constant 0 : i32
    %dma_wait3A_287 = tpu.memref_slice %arg7[%dma_wait3A_282, %dma_wait3A_286] : memref<64x100xi32, #tpu.memory_space<vmem>> -> memref<1x100xi32, #tpu.memory_space<vmem>>
    %dma_wait3A_288 = tpu.memref_squeeze %dma_wait3A_287 : memref<1x100xi32, #tpu.memory_space<vmem>> -> memref<100xi32, #tpu.memory_space<vmem>>
    %dma_wait3A_289 = arith.constant 0 : i32
    %dma_wait3A_290 = arith.constant 0 : i32
    %dma_wait3A_291 = tpu.memref_slice %arg3[%dma_wait3A_289, %dma_wait3A_290] : memref<100000x128xf32, #tpu.memory_space<hbm>> -> memref<100000x128xf32, #tpu.memory_space<hbm>>
    tpu.wait_indirect_dma semaphore(%arg17 : memref<!tpu.dma_semaphore, #tpu.memory_space<semaphore_mem>>) src(%dma_wait3A_291 : memref<100000x128xf32, #tpu.memory_space<hbm>>) dst(%dma_wait3A_285 : memref<100x128xf32, #tpu.memory_space<vmem>>)
    %dma_wait3A_292 = arith.constant 9 : i32
    %dma_wait3A_293 = arith.constant 100 : i32
    %dma_wait3A_294 = arith.constant 0 : i32
    %dma_wait3A_295 = tpu.memref_slice %arg8[%dma_wait3A_293, %dma_wait3A_294] : memref<200x128xf32, #tpu.memory_space<vmem>> -> memref<100x128xf32, #tpu.memory_space<vmem>>
    %dma_wait3A_296 = arith.constant 0 : i32
    %dma_wait3A_297 = tpu.memref_slice %arg7[%dma_wait3A_292, %dma_wait3A_296] : memref<64x100xi32, #tpu.memory_space<vmem>> -> memref<1x100xi32, #tpu.memory_space<vmem>>
    %dma_wait3A_298 = tpu.memref_squeeze %dma_wait3A_297 : memref<1x100xi32, #tpu.memory_space<vmem>> -> memref<100xi32, #tpu.memory_space<vmem>>
    %dma_wait3A_299 = arith.constant 0 : i32
    %dma_wait3A_300 = arith.constant 0 : i32
    %dma_wait3A_301 = tpu.memref_slice %arg3[%dma_wait3A_299, %dma_wait3A_300] : memref<100000x128xf32, #tpu.memory_space<hbm>> -> memref<100000x128xf32, #tpu.memory_space<hbm>>
    tpu.wait_indirect_dma semaphore(%arg17 : memref<!tpu.dma_semaphore, #tpu.memory_space<semaphore_mem>>) src(%dma_wait3A_301 : memref<100000x128xf32, #tpu.memory_space<hbm>>) dst(%dma_wait3A_295 : memref<100x128xf32, #tpu.memory_space<vmem>>)
    %add3A_302 = arith.constant 4 : i32
    %add3A_303 = arith.addi %mul3A_2, %add3A_302 : i32
    %dma_start3A_304 = arith.constant 0 : i32
    %dma_start3A_305 = arith.constant 0 : i32
    %dma_start3A_306 = tpu.memref_slice %arg5[%add3A_303, %dma_start3A_304, %dma_start3A_305] : memref<1024x200x128xf32, #tpu.memory_space<hbm>> -> memref<1x200x128xf32, #tpu.memory_space<hbm>>
    %dma_start3A_307 = tpu.memref_squeeze %dma_start3A_306 : memref<1x200x128xf32, #tpu.memory_space<hbm>> -> memref<200x128xf32, #tpu.memory_space<hbm>>
    %dma_start3A_308 = arith.constant 0 : i32
    %dma_start3A_309 = arith.constant 0 : i32
    %dma_start3A_310 = tpu.memref_slice %arg5[%add3A_303, %dma_start3A_308, %dma_start3A_309] : memref<1024x200x128xf32, #tpu.memory_space<hbm>> -> memref<1x200x128xf32, #tpu.memory_space<hbm>>
    %dma_start3A_311 = tpu.memref_squeeze %dma_start3A_310 : memref<1x200x128xf32, #tpu.memory_space<hbm>> -> memref<200x128xf32, #tpu.memory_space<hbm>>
    tpu.enqueue_dma source(%arg8 : memref<200x128xf32, #tpu.memory_space<vmem>>) target(%dma_start3A_311 : memref<200x128xf32, #tpu.memory_space<hbm>>) target_semaphore(%arg21 : memref<!tpu.dma_semaphore, #tpu.memory_space<semaphore_mem>>)
    tpu.wait_dma2 semaphore(%arg15 : memref<!tpu.dma_semaphore, #tpu.memory_space<semaphore_mem>>) src(%arg6 : memref<200x128xf32, #tpu.memory_space<vmem_shared>>) dst(%arg10 : memref<200x128xf32, #tpu.memory_space<vmem>>)
    %dma_start3A_312 = arith.constant 12 : i32
    %dma_start3A_313 = arith.constant 0 : i32
    %dma_start3A_314 = arith.constant 0 : i32
    %dma_start3A_315 = tpu.memref_slice %arg10[%dma_start3A_313, %dma_start3A_314] : memref<200x128xf32, #tpu.memory_space<vmem>> -> memref<100x128xf32, #tpu.memory_space<vmem>>
    %dma_start3A_316 = arith.constant 0 : i32
    %dma_start3A_317 = tpu.memref_slice %arg7[%dma_start3A_312, %dma_start3A_316] : memref<64x100xi32, #tpu.memory_space<vmem>> -> memref<1x100xi32, #tpu.memory_space<vmem>>
    %dma_start3A_318 = tpu.memref_squeeze %dma_start3A_317 : memref<1x100xi32, #tpu.memory_space<vmem>> -> memref<100xi32, #tpu.memory_space<vmem>>
    %dma_start3A_319 = arith.constant 0 : i32
    %dma_start3A_320 = arith.constant 0 : i32
    %dma_start3A_321 = tpu.memref_slice %arg3[%dma_start3A_319, %dma_start3A_320] : memref<100000x128xf32, #tpu.memory_space<hbm>> -> memref<100000x128xf32, #tpu.memory_space<hbm>>
    tpu.enqueue_indirect_dma source(%dma_start3A_321 : memref<100000x128xf32, #tpu.memory_space<hbm>>) target(%dma_start3A_315 : memref<100x128xf32, #tpu.memory_space<vmem>>) offsets(%dma_start3A_318 : memref<100xi32, #tpu.memory_space<vmem>>) semaphore(%arg19 : memref<!tpu.dma_semaphore, #tpu.memory_space<semaphore_mem>>) {add = true}
    %dma_start3A_322 = arith.constant 13 : i32
    %dma_start3A_323 = arith.constant 100 : i32
    %dma_start3A_324 = arith.constant 0 : i32
    %dma_start3A_325 = tpu.memref_slice %arg10[%dma_start3A_323, %dma_start3A_324] : memref<200x128xf32, #tpu.memory_space<vmem>> -> memref<100x128xf32, #tpu.memory_space<vmem>>
    %dma_start3A_326 = arith.constant 0 : i32
    %dma_start3A_327 = tpu.memref_slice %arg7[%dma_start3A_322, %dma_start3A_326] : memref<64x100xi32, #tpu.memory_space<vmem>> -> memref<1x100xi32, #tpu.memory_space<vmem>>
    %dma_start3A_328 = tpu.memref_squeeze %dma_start3A_327 : memref<1x100xi32, #tpu.memory_space<vmem>> -> memref<100xi32, #tpu.memory_space<vmem>>
    %dma_start3A_329 = arith.constant 0 : i32
    %dma_start3A_330 = arith.constant 0 : i32
    %dma_start3A_331 = tpu.memref_slice %arg3[%dma_start3A_329, %dma_start3A_330] : memref<100000x128xf32, #tpu.memory_space<hbm>> -> memref<100000x128xf32, #tpu.memory_space<hbm>>
    tpu.enqueue_indirect_dma source(%dma_start3A_331 : memref<100000x128xf32, #tpu.memory_space<hbm>>) target(%dma_start3A_325 : memref<100x128xf32, #tpu.memory_space<vmem>>) offsets(%dma_start3A_328 : memref<100xi32, #tpu.memory_space<vmem>>) semaphore(%arg19 : memref<!tpu.dma_semaphore, #tpu.memory_space<semaphore_mem>>) {add = true}
    %dma_wait3A_332 = arith.constant 0 : i32
    %dma_wait3A_333 = arith.constant 0 : i32
    %dma_wait3A_334 = tpu.memref_slice %arg5[%add3A_245, %dma_wait3A_332, %dma_wait3A_333] : memref<1024x200x128xf32, #tpu.memory_space<hbm>> -> memref<1x200x128xf32, #tpu.memory_space<hbm>>
    %dma_wait3A_335 = tpu.memref_squeeze %dma_wait3A_334 : memref<1x200x128xf32, #tpu.memory_space<hbm>> -> memref<200x128xf32, #tpu.memory_space<hbm>>
    %dma_wait3A_336 = arith.constant 0 : i32
    %dma_wait3A_337 = arith.constant 0 : i32
    %dma_wait3A_338 = tpu.memref_slice %arg5[%add3A_245, %dma_wait3A_336, %dma_wait3A_337] : memref<1024x200x128xf32, #tpu.memory_space<hbm>> -> memref<1x200x128xf32, #tpu.memory_space<hbm>>
    %dma_wait3A_339 = tpu.memref_squeeze %dma_wait3A_338 : memref<1x200x128xf32, #tpu.memory_space<hbm>> -> memref<200x128xf32, #tpu.memory_space<hbm>>
    tpu.wait_dma2 semaphore(%arg24 : memref<!tpu.dma_semaphore, #tpu.memory_space<semaphore_mem>>) src(%arg11 : memref<200x128xf32, #tpu.memory_space<vmem>>) dst(%dma_wait3A_339 : memref<200x128xf32, #tpu.memory_space<hbm>>)
    tpu.enqueue_dma source(%arg6 : memref<200x128xf32, #tpu.memory_space<vmem_shared>>) target(%arg11 : memref<200x128xf32, #tpu.memory_space<vmem>>) target_semaphore(%arg16 : memref<!tpu.dma_semaphore, #tpu.memory_space<semaphore_mem>>)
    %dma_wait3A_340 = arith.constant 10 : i32
    %dma_wait3A_341 = arith.constant 0 : i32
    %dma_wait3A_342 = arith.constant 0 : i32
    %dma_wait3A_343 = tpu.memref_slice %arg9[%dma_wait3A_341, %dma_wait3A_342] : memref<200x128xf32, #tpu.memory_space<vmem>> -> memref<100x128xf32, #tpu.memory_space<vmem>>
    %dma_wait3A_344 = arith.constant 0 : i32
    %dma_wait3A_345 = tpu.memref_slice %arg7[%dma_wait3A_340, %dma_wait3A_344] : memref<64x100xi32, #tpu.memory_space<vmem>> -> memref<1x100xi32, #tpu.memory_space<vmem>>
    %dma_wait3A_346 = tpu.memref_squeeze %dma_wait3A_345 : memref<1x100xi32, #tpu.memory_space<vmem>> -> memref<100xi32, #tpu.memory_space<vmem>>
    %dma_wait3A_347 = arith.constant 0 : i32
    %dma_wait3A_348 = arith.constant 0 : i32
    %dma_wait3A_349 = tpu.memref_slice %arg3[%dma_wait3A_347, %dma_wait3A_348] : memref<100000x128xf32, #tpu.memory_space<hbm>> -> memref<100000x128xf32, #tpu.memory_space<hbm>>
    tpu.wait_indirect_dma semaphore(%arg18 : memref<!tpu.dma_semaphore, #tpu.memory_space<semaphore_mem>>) src(%dma_wait3A_349 : memref<100000x128xf32, #tpu.memory_space<hbm>>) dst(%dma_wait3A_343 : memref<100x128xf32, #tpu.memory_space<vmem>>)
    %dma_wait3A_350 = arith.constant 11 : i32
    %dma_wait3A_351 = arith.constant 100 : i32
    %dma_wait3A_352 = arith.constant 0 : i32
    %dma_wait3A_353 = tpu.memref_slice %arg9[%dma_wait3A_351, %dma_wait3A_352] : memref<200x128xf32, #tpu.memory_space<vmem>> -> memref<100x128xf32, #tpu.memory_space<vmem>>
    %dma_wait3A_354 = arith.constant 0 : i32
    %dma_wait3A_355 = tpu.memref_slice %arg7[%dma_wait3A_350, %dma_wait3A_354] : memref<64x100xi32, #tpu.memory_space<vmem>> -> memref<1x100xi32, #tpu.memory_space<vmem>>
    %dma_wait3A_356 = tpu.memref_squeeze %dma_wait3A_355 : memref<1x100xi32, #tpu.memory_space<vmem>> -> memref<100xi32, #tpu.memory_space<vmem>>
    %dma_wait3A_357 = arith.constant 0 : i32
    %dma_wait3A_358 = arith.constant 0 : i32
    %dma_wait3A_359 = tpu.memref_slice %arg3[%dma_wait3A_357, %dma_wait3A_358] : memref<100000x128xf32, #tpu.memory_space<hbm>> -> memref<100000x128xf32, #tpu.memory_space<hbm>>
    tpu.wait_indirect_dma semaphore(%arg18 : memref<!tpu.dma_semaphore, #tpu.memory_space<semaphore_mem>>) src(%dma_wait3A_359 : memref<100000x128xf32, #tpu.memory_space<hbm>>) dst(%dma_wait3A_353 : memref<100x128xf32, #tpu.memory_space<vmem>>)
    %add3A_360 = arith.constant 5 : i32
    %add3A_361 = arith.addi %mul3A_2, %add3A_360 : i32
    %dma_start3A_362 = arith.constant 0 : i32
    %dma_start3A_363 = arith.constant 0 : i32
    %dma_start3A_364 = tpu.memref_slice %arg5[%add3A_361, %dma_start3A_362, %dma_start3A_363] : memref<1024x200x128xf32, #tpu.memory_space<hbm>> -> memref<1x200x128xf32, #tpu.memory_space<hbm>>
    %dma_start3A_365 = tpu.memref_squeeze %dma_start3A_364 : memref<1x200x128xf32, #tpu.memory_space<hbm>> -> memref<200x128xf32, #tpu.memory_space<hbm>>
    %dma_start3A_366 = arith.constant 0 : i32
    %dma_start3A_367 = arith.constant 0 : i32
    %dma_start3A_368 = tpu.memref_slice %arg5[%add3A_361, %dma_start3A_366, %dma_start3A_367] : memref<1024x200x128xf32, #tpu.memory_space<hbm>> -> memref<1x200x128xf32, #tpu.memory_space<hbm>>
    %dma_start3A_369 = tpu.memref_squeeze %dma_start3A_368 : memref<1x200x128xf32, #tpu.memory_space<hbm>> -> memref<200x128xf32, #tpu.memory_space<hbm>>
    tpu.enqueue_dma source(%arg9 : memref<200x128xf32, #tpu.memory_space<vmem>>) target(%dma_start3A_369 : memref<200x128xf32, #tpu.memory_space<hbm>>) target_semaphore(%arg22 : memref<!tpu.dma_semaphore, #tpu.memory_space<semaphore_mem>>)
    tpu.wait_dma2 semaphore(%arg16 : memref<!tpu.dma_semaphore, #tpu.memory_space<semaphore_mem>>) src(%arg6 : memref<200x128xf32, #tpu.memory_space<vmem_shared>>) dst(%arg11 : memref<200x128xf32, #tpu.memory_space<vmem>>)
    %dma_start3A_370 = arith.constant 14 : i32
    %dma_start3A_371 = arith.constant 0 : i32
    %dma_start3A_372 = arith.constant 0 : i32
    %dma_start3A_373 = tpu.memref_slice %arg11[%dma_start3A_371, %dma_start3A_372] : memref<200x128xf32, #tpu.memory_space<vmem>> -> memref<100x128xf32, #tpu.memory_space<vmem>>
    %dma_start3A_374 = arith.constant 0 : i32
    %dma_start3A_375 = tpu.memref_slice %arg7[%dma_start3A_370, %dma_start3A_374] : memref<64x100xi32, #tpu.memory_space<vmem>> -> memref<1x100xi32, #tpu.memory_space<vmem>>
    %dma_start3A_376 = tpu.memref_squeeze %dma_start3A_375 : memref<1x100xi32, #tpu.memory_space<vmem>> -> memref<100xi32, #tpu.memory_space<vmem>>
    %dma_start3A_377 = arith.constant 0 : i32
    %dma_start3A_378 = arith.constant 0 : i32
    %dma_start3A_379 = tpu.memref_slice %arg3[%dma_start3A_377, %dma_start3A_378] : memref<100000x128xf32, #tpu.memory_space<hbm>> -> memref<100000x128xf32, #tpu.memory_space<hbm>>
    tpu.enqueue_indirect_dma source(%dma_start3A_379 : memref<100000x128xf32, #tpu.memory_space<hbm>>) target(%dma_start3A_373 : memref<100x128xf32, #tpu.memory_space<vmem>>) offsets(%dma_start3A_376 : memref<100xi32, #tpu.memory_space<vmem>>) semaphore(%arg20 : memref<!tpu.dma_semaphore, #tpu.memory_space<semaphore_mem>>) {add = true}
    %dma_start3A_380 = arith.constant 15 : i32
    %dma_start3A_381 = arith.constant 100 : i32
    %dma_start3A_382 = arith.constant 0 : i32
    %dma_start3A_383 = tpu.memref_slice %arg11[%dma_start3A_381, %dma_start3A_382] : memref<200x128xf32, #tpu.memory_space<vmem>> -> memref<100x128xf32, #tpu.memory_space<vmem>>
    %dma_start3A_384 = arith.constant 0 : i32
    %dma_start3A_385 = tpu.memref_slice %arg7[%dma_start3A_380, %dma_start3A_384] : memref<64x100xi32, #tpu.memory_space<vmem>> -> memref<1x100xi32, #tpu.memory_space<vmem>>
    %dma_start3A_386 = tpu.memref_squeeze %dma_start3A_385 : memref<1x100xi32, #tpu.memory_space<vmem>> -> memref<100xi32, #tpu.memory_space<vmem>>
    %dma_start3A_387 = arith.constant 0 : i32
    %dma_start3A_388 = arith.constant 0 : i32
    %dma_start3A_389 = tpu.memref_slice %arg3[%dma_start3A_387, %dma_start3A_388] : memref<100000x128xf32, #tpu.memory_space<hbm>> -> memref<100000x128xf32, #tpu.memory_space<hbm>>
    tpu.enqueue_indirect_dma source(%dma_start3A_389 : memref<100000x128xf32, #tpu.memory_space<hbm>>) target(%dma_start3A_383 : memref<100x128xf32, #tpu.memory_space<vmem>>) offsets(%dma_start3A_386 : memref<100xi32, #tpu.memory_space<vmem>>) semaphore(%arg20 : memref<!tpu.dma_semaphore, #tpu.memory_space<semaphore_mem>>) {add = true}
    %dma_wait3A_390 = arith.constant 0 : i32
    %dma_wait3A_391 = arith.constant 0 : i32
    %dma_wait3A_392 = tpu.memref_slice %arg5[%add3A_303, %dma_wait3A_390, %dma_wait3A_391] : memref<1024x200x128xf32, #tpu.memory_space<hbm>> -> memref<1x200x128xf32, #tpu.memory_space<hbm>>
    %dma_wait3A_393 = tpu.memref_squeeze %dma_wait3A_392 : memref<1x200x128xf32, #tpu.memory_space<hbm>> -> memref<200x128xf32, #tpu.memory_space<hbm>>
    %dma_wait3A_394 = arith.constant 0 : i32
    %dma_wait3A_395 = arith.constant 0 : i32
    %dma_wait3A_396 = tpu.memref_slice %arg5[%add3A_303, %dma_wait3A_394, %dma_wait3A_395] : memref<1024x200x128xf32, #tpu.memory_space<hbm>> -> memref<1x200x128xf32, #tpu.memory_space<hbm>>
    %dma_wait3A_397 = tpu.memref_squeeze %dma_wait3A_396 : memref<1x200x128xf32, #tpu.memory_space<hbm>> -> memref<200x128xf32, #tpu.memory_space<hbm>>
    tpu.wait_dma2 semaphore(%arg21 : memref<!tpu.dma_semaphore, #tpu.memory_space<semaphore_mem>>) src(%arg8 : memref<200x128xf32, #tpu.memory_space<vmem>>) dst(%dma_wait3A_397 : memref<200x128xf32, #tpu.memory_space<hbm>>)
    tpu.enqueue_dma source(%arg6 : memref<200x128xf32, #tpu.memory_space<vmem_shared>>) target(%arg8 : memref<200x128xf32, #tpu.memory_space<vmem>>) target_semaphore(%arg13 : memref<!tpu.dma_semaphore, #tpu.memory_space<semaphore_mem>>)
    %dma_wait3A_398 = arith.constant 12 : i32
    %dma_wait3A_399 = arith.constant 0 : i32
    %dma_wait3A_400 = arith.constant 0 : i32
    %dma_wait3A_401 = tpu.memref_slice %arg10[%dma_wait3A_399, %dma_wait3A_400] : memref<200x128xf32, #tpu.memory_space<vmem>> -> memref<100x128xf32, #tpu.memory_space<vmem>>
    %dma_wait3A_402 = arith.constant 0 : i32
    %dma_wait3A_403 = tpu.memref_slice %arg7[%dma_wait3A_398, %dma_wait3A_402] : memref<64x100xi32, #tpu.memory_space<vmem>> -> memref<1x100xi32, #tpu.memory_space<vmem>>
    %dma_wait3A_404 = tpu.memref_squeeze %dma_wait3A_403 : memref<1x100xi32, #tpu.memory_space<vmem>> -> memref<100xi32, #tpu.memory_space<vmem>>
    %dma_wait3A_405 = arith.constant 0 : i32
    %dma_wait3A_406 = arith.constant 0 : i32
    %dma_wait3A_407 = tpu.memref_slice %arg3[%dma_wait3A_405, %dma_wait3A_406] : memref<100000x128xf32, #tpu.memory_space<hbm>> -> memref<100000x128xf32, #tpu.memory_space<hbm>>
    tpu.wait_indirect_dma semaphore(%arg19 : memref<!tpu.dma_semaphore, #tpu.memory_space<semaphore_mem>>) src(%dma_wait3A_407 : memref<100000x128xf32, #tpu.memory_space<hbm>>) dst(%dma_wait3A_401 : memref<100x128xf32, #tpu.memory_space<vmem>>)
    %dma_wait3A_408 = arith.constant 13 : i32
    %dma_wait3A_409 = arith.constant 100 : i32
    %dma_wait3A_410 = arith.constant 0 : i32
    %dma_wait3A_411 = tpu.memref_slice %arg10[%dma_wait3A_409, %dma_wait3A_410] : memref<200x128xf32, #tpu.memory_space<vmem>> -> memref<100x128xf32, #tpu.memory_space<vmem>>
    %dma_wait3A_412 = arith.constant 0 : i32
    %dma_wait3A_413 = tpu.memref_slice %arg7[%dma_wait3A_408, %dma_wait3A_412] : memref<64x100xi32, #tpu.memory_space<vmem>> -> memref<1x100xi32, #tpu.memory_space<vmem>>
    %dma_wait3A_414 = tpu.memref_squeeze %dma_wait3A_413 : memref<1x100xi32, #tpu.memory_space<vmem>> -> memref<100xi32, #tpu.memory_space<vmem>>
    %dma_wait3A_415 = arith.constant 0 : i32
    %dma_wait3A_416 = arith.constant 0 : i32
    %dma_wait3A_417 = tpu.memref_slice %arg3[%dma_wait3A_415, %dma_wait3A_416] : memref<100000x128xf32, #tpu.memory_space<hbm>> -> memref<100000x128xf32, #tpu.memory_space<hbm>>
    tpu.wait_indirect_dma semaphore(%arg19 : memref<!tpu.dma_semaphore, #tpu.memory_space<semaphore_mem>>) src(%dma_wait3A_417 : memref<100000x128xf32, #tpu.memory_space<hbm>>) dst(%dma_wait3A_411 : memref<100x128xf32, #tpu.memory_space<vmem>>)
    %add3A_418 = arith.constant 6 : i32
    %add3A_419 = arith.addi %mul3A_2, %add3A_418 : i32
    %dma_start3A_420 = arith.constant 0 : i32
    %dma_start3A_421 = arith.constant 0 : i32
    %dma_start3A_422 = tpu.memref_slice %arg5[%add3A_419, %dma_start3A_420, %dma_start3A_421] : memref<1024x200x128xf32, #tpu.memory_space<hbm>> -> memref<1x200x128xf32, #tpu.memory_space<hbm>>
    %dma_start3A_423 = tpu.memref_squeeze %dma_start3A_422 : memref<1x200x128xf32, #tpu.memory_space<hbm>> -> memref<200x128xf32, #tpu.memory_space<hbm>>
    %dma_start3A_424 = arith.constant 0 : i32
    %dma_start3A_425 = arith.constant 0 : i32
    %dma_start3A_426 = tpu.memref_slice %arg5[%add3A_419, %dma_start3A_424, %dma_start3A_425] : memref<1024x200x128xf32, #tpu.memory_space<hbm>> -> memref<1x200x128xf32, #tpu.memory_space<hbm>>
    %dma_start3A_427 = tpu.memref_squeeze %dma_start3A_426 : memref<1x200x128xf32, #tpu.memory_space<hbm>> -> memref<200x128xf32, #tpu.memory_space<hbm>>
    tpu.enqueue_dma source(%arg10 : memref<200x128xf32, #tpu.memory_space<vmem>>) target(%dma_start3A_427 : memref<200x128xf32, #tpu.memory_space<hbm>>) target_semaphore(%arg23 : memref<!tpu.dma_semaphore, #tpu.memory_space<semaphore_mem>>)
    tpu.wait_dma2 semaphore(%arg13 : memref<!tpu.dma_semaphore, #tpu.memory_space<semaphore_mem>>) src(%arg6 : memref<200x128xf32, #tpu.memory_space<vmem_shared>>) dst(%arg8 : memref<200x128xf32, #tpu.memory_space<vmem>>)
    %dma_start3A_428 = arith.constant 16 : i32
    %dma_start3A_429 = arith.constant 0 : i32
    %dma_start3A_430 = arith.constant 0 : i32
    %dma_start3A_431 = tpu.memref_slice %arg8[%dma_start3A_429, %dma_start3A_430] : memref<200x128xf32, #tpu.memory_space<vmem>> -> memref<100x128xf32, #tpu.memory_space<vmem>>
    %dma_start3A_432 = arith.constant 0 : i32
    %dma_start3A_433 = tpu.memref_slice %arg7[%dma_start3A_428, %dma_start3A_432] : memref<64x100xi32, #tpu.memory_space<vmem>> -> memref<1x100xi32, #tpu.memory_space<vmem>>
    %dma_start3A_434 = tpu.memref_squeeze %dma_start3A_433 : memref<1x100xi32, #tpu.memory_space<vmem>> -> memref<100xi32, #tpu.memory_space<vmem>>
    %dma_start3A_435 = arith.constant 0 : i32
    %dma_start3A_436 = arith.constant 0 : i32
    %dma_start3A_437 = tpu.memref_slice %arg3[%dma_start3A_435, %dma_start3A_436] : memref<100000x128xf32, #tpu.memory_space<hbm>> -> memref<100000x128xf32, #tpu.memory_space<hbm>>
    tpu.enqueue_indirect_dma source(%dma_start3A_437 : memref<100000x128xf32, #tpu.memory_space<hbm>>) target(%dma_start3A_431 : memref<100x128xf32, #tpu.memory_space<vmem>>) offsets(%dma_start3A_434 : memref<100xi32, #tpu.memory_space<vmem>>) semaphore(%arg17 : memref<!tpu.dma_semaphore, #tpu.memory_space<semaphore_mem>>) {add = true}
    %dma_start3A_438 = arith.constant 17 : i32
    %dma_start3A_439 = arith.constant 100 : i32
    %dma_start3A_440 = arith.constant 0 : i32
    %dma_start3A_441 = tpu.memref_slice %arg8[%dma_start3A_439, %dma_start3A_440] : memref<200x128xf32, #tpu.memory_space<vmem>> -> memref<100x128xf32, #tpu.memory_space<vmem>>
    %dma_start3A_442 = arith.constant 0 : i32
    %dma_start3A_443 = tpu.memref_slice %arg7[%dma_start3A_438, %dma_start3A_442] : memref<64x100xi32, #tpu.memory_space<vmem>> -> memref<1x100xi32, #tpu.memory_space<vmem>>
    %dma_start3A_444 = tpu.memref_squeeze %dma_start3A_443 : memref<1x100xi32, #tpu.memory_space<vmem>> -> memref<100xi32, #tpu.memory_space<vmem>>
    %dma_start3A_445 = arith.constant 0 : i32
    %dma_start3A_446 = arith.constant 0 : i32
    %dma_start3A_447 = tpu.memref_slice %arg3[%dma_start3A_445, %dma_start3A_446] : memref<100000x128xf32, #tpu.memory_space<hbm>> -> memref<100000x128xf32, #tpu.memory_space<hbm>>
    tpu.enqueue_indirect_dma source(%dma_start3A_447 : memref<100000x128xf32, #tpu.memory_space<hbm>>) target(%dma_start3A_441 : memref<100x128xf32, #tpu.memory_space<vmem>>) offsets(%dma_start3A_444 : memref<100xi32, #tpu.memory_space<vmem>>) semaphore(%arg17 : memref<!tpu.dma_semaphore, #tpu.memory_space<semaphore_mem>>) {add = true}
    %dma_wait3A_448 = arith.constant 0 : i32
    %dma_wait3A_449 = arith.constant 0 : i32
    %dma_wait3A_450 = tpu.memref_slice %arg5[%add3A_361, %dma_wait3A_448, %dma_wait3A_449] : memref<1024x200x128xf32, #tpu.memory_space<hbm>> -> memref<1x200x128xf32, #tpu.memory_space<hbm>>
    %dma_wait3A_451 = tpu.memref_squeeze %dma_wait3A_450 : memref<1x200x128xf32, #tpu.memory_space<hbm>> -> memref<200x128xf32, #tpu.memory_space<hbm>>
    %dma_wait3A_452 = arith.constant 0 : i32
    %dma_wait3A_453 = arith.constant 0 : i32
    %dma_wait3A_454 = tpu.memref_slice %arg5[%add3A_361, %dma_wait3A_452, %dma_wait3A_453] : memref<1024x200x128xf32, #tpu.memory_space<hbm>> -> memref<1x200x128xf32, #tpu.memory_space<hbm>>
    %dma_wait3A_455 = tpu.memref_squeeze %dma_wait3A_454 : memref<1x200x128xf32, #tpu.memory_space<hbm>> -> memref<200x128xf32, #tpu.memory_space<hbm>>
    tpu.wait_dma2 semaphore(%arg22 : memref<!tpu.dma_semaphore, #tpu.memory_space<semaphore_mem>>) src(%arg9 : memref<200x128xf32, #tpu.memory_space<vmem>>) dst(%dma_wait3A_455 : memref<200x128xf32, #tpu.memory_space<hbm>>)
    tpu.enqueue_dma source(%arg6 : memref<200x128xf32, #tpu.memory_space<vmem_shared>>) target(%arg9 : memref<200x128xf32, #tpu.memory_space<vmem>>) target_semaphore(%arg14 : memref<!tpu.dma_semaphore, #tpu.memory_space<semaphore_mem>>)
    %dma_wait3A_456 = arith.constant 14 : i32
    %dma_wait3A_457 = arith.constant 0 : i32
    %dma_wait3A_458 = arith.constant 0 : i32
    %dma_wait3A_459 = tpu.memref_slice %arg11[%dma_wait3A_457, %dma_wait3A_458] : memref<200x128xf32, #tpu.memory_space<vmem>> -> memref<100x128xf32, #tpu.memory_space<vmem>>
    %dma_wait3A_460 = arith.constant 0 : i32
    %dma_wait3A_461 = tpu.memref_slice %arg7[%dma_wait3A_456, %dma_wait3A_460] : memref<64x100xi32, #tpu.memory_space<vmem>> -> memref<1x100xi32, #tpu.memory_space<vmem>>
    %dma_wait3A_462 = tpu.memref_squeeze %dma_wait3A_461 : memref<1x100xi32, #tpu.memory_space<vmem>> -> memref<100xi32, #tpu.memory_space<vmem>>
    %dma_wait3A_463 = arith.constant 0 : i32
    %dma_wait3A_464 = arith.constant 0 : i32
    %dma_wait3A_465 = tpu.memref_slice %arg3[%dma_wait3A_463, %dma_wait3A_464] : memref<100000x128xf32, #tpu.memory_space<hbm>> -> memref<100000x128xf32, #tpu.memory_space<hbm>>
    tpu.wait_indirect_dma semaphore(%arg20 : memref<!tpu.dma_semaphore, #tpu.memory_space<semaphore_mem>>) src(%dma_wait3A_465 : memref<100000x128xf32, #tpu.memory_space<hbm>>) dst(%dma_wait3A_459 : memref<100x128xf32, #tpu.memory_space<vmem>>)
    %dma_wait3A_466 = arith.constant 15 : i32
    %dma_wait3A_467 = arith.constant 100 : i32
    %dma_wait3A_468 = arith.constant 0 : i32
    %dma_wait3A_469 = tpu.memref_slice %arg11[%dma_wait3A_467, %dma_wait3A_468] : memref<200x128xf32, #tpu.memory_space<vmem>> -> memref<100x128xf32, #tpu.memory_space<vmem>>
    %dma_wait3A_470 = arith.constant 0 : i32
    %dma_wait3A_471 = tpu.memref_slice %arg7[%dma_wait3A_466, %dma_wait3A_470] : memref<64x100xi32, #tpu.memory_space<vmem>> -> memref<1x100xi32, #tpu.memory_space<vmem>>
    %dma_wait3A_472 = tpu.memref_squeeze %dma_wait3A_471 : memref<1x100xi32, #tpu.memory_space<vmem>> -> memref<100xi32, #tpu.memory_space<vmem>>
    %dma_wait3A_473 = arith.constant 0 : i32
    %dma_wait3A_474 = arith.constant 0 : i32
    %dma_wait3A_475 = tpu.memref_slice %arg3[%dma_wait3A_473, %dma_wait3A_474] : memref<100000x128xf32, #tpu.memory_space<hbm>> -> memref<100000x128xf32, #tpu.memory_space<hbm>>
    tpu.wait_indirect_dma semaphore(%arg20 : memref<!tpu.dma_semaphore, #tpu.memory_space<semaphore_mem>>) src(%dma_wait3A_475 : memref<100000x128xf32, #tpu.memory_space<hbm>>) dst(%dma_wait3A_469 : memref<100x128xf32, #tpu.memory_space<vmem>>)
    %add3A_476 = arith.constant 7 : i32
    %add3A_477 = arith.addi %mul3A_2, %add3A_476 : i32
    %dma_start3A_478 = arith.constant 0 : i32
    %dma_start3A_479 = arith.constant 0 : i32
    %dma_start3A_480 = tpu.memref_slice %arg5[%add3A_477, %dma_start3A_478, %dma_start3A_479] : memref<1024x200x128xf32, #tpu.memory_space<hbm>> -> memref<1x200x128xf32, #tpu.memory_space<hbm>>
    %dma_start3A_481 = tpu.memref_squeeze %dma_start3A_480 : memref<1x200x128xf32, #tpu.memory_space<hbm>> -> memref<200x128xf32, #tpu.memory_space<hbm>>
    %dma_start3A_482 = arith.constant 0 : i32
    %dma_start3A_483 = arith.constant 0 : i32
    %dma_start3A_484 = tpu.memref_slice %arg5[%add3A_477, %dma_start3A_482, %dma_start3A_483] : memref<1024x200x128xf32, #tpu.memory_space<hbm>> -> memref<1x200x128xf32, #tpu.memory_space<hbm>>
    %dma_start3A_485 = tpu.memref_squeeze %dma_start3A_484 : memref<1x200x128xf32, #tpu.memory_space<hbm>> -> memref<200x128xf32, #tpu.memory_space<hbm>>
    tpu.enqueue_dma source(%arg11 : memref<200x128xf32, #tpu.memory_space<vmem>>) target(%dma_start3A_485 : memref<200x128xf32, #tpu.memory_space<hbm>>) target_semaphore(%arg24 : memref<!tpu.dma_semaphore, #tpu.memory_space<semaphore_mem>>)
    tpu.wait_dma2 semaphore(%arg14 : memref<!tpu.dma_semaphore, #tpu.memory_space<semaphore_mem>>) src(%arg6 : memref<200x128xf32, #tpu.memory_space<vmem_shared>>) dst(%arg9 : memref<200x128xf32, #tpu.memory_space<vmem>>)
    %dma_start3A_486 = arith.constant 18 : i32
    %dma_start3A_487 = arith.constant 0 : i32
    %dma_start3A_488 = arith.constant 0 : i32
    %dma_start3A_489 = tpu.memref_slice %arg9[%dma_start3A_487, %dma_start3A_488] : memref<200x128xf32, #tpu.memory_space<vmem>> -> memref<100x128xf32, #tpu.memory_space<vmem>>
    %dma_start3A_490 = arith.constant 0 : i32
    %dma_start3A_491 = tpu.memref_slice %arg7[%dma_start3A_486, %dma_start3A_490] : memref<64x100xi32, #tpu.memory_space<vmem>> -> memref<1x100xi32, #tpu.memory_space<vmem>>
    %dma_start3A_492 = tpu.memref_squeeze %dma_start3A_491 : memref<1x100xi32, #tpu.memory_space<vmem>> -> memref<100xi32, #tpu.memory_space<vmem>>
    %dma_start3A_493 = arith.constant 0 : i32
    %dma_start3A_494 = arith.constant 0 : i32
    %dma_start3A_495 = tpu.memref_slice %arg3[%dma_start3A_493, %dma_start3A_494] : memref<100000x128xf32, #tpu.memory_space<hbm>> -> memref<100000x128xf32, #tpu.memory_space<hbm>>
    tpu.enqueue_indirect_dma source(%dma_start3A_495 : memref<100000x128xf32, #tpu.memory_space<hbm>>) target(%dma_start3A_489 : memref<100x128xf32, #tpu.memory_space<vmem>>) offsets(%dma_start3A_492 : memref<100xi32, #tpu.memory_space<vmem>>) semaphore(%arg18 : memref<!tpu.dma_semaphore, #tpu.memory_space<semaphore_mem>>) {add = true}
    %dma_start3A_496 = arith.constant 19 : i32
    %dma_start3A_497 = arith.constant 100 : i32
    %dma_start3A_498 = arith.constant 0 : i32
    %dma_start3A_499 = tpu.memref_slice %arg9[%dma_start3A_497, %dma_start3A_498] : memref<200x128xf32, #tpu.memory_space<vmem>> -> memref<100x128xf32, #tpu.memory_space<vmem>>
    %dma_start3A_500 = arith.constant 0 : i32
    %dma_start3A_501 = tpu.memref_slice %arg7[%dma_start3A_496, %dma_start3A_500] : memref<64x100xi32, #tpu.memory_space<vmem>> -> memref<1x100xi32, #tpu.memory_space<vmem>>
    %dma_start3A_502 = tpu.memref_squeeze %dma_start3A_501 : memref<1x100xi32, #tpu.memory_space<vmem>> -> memref<100xi32, #tpu.memory_space<vmem>>
    %dma_start3A_503 = arith.constant 0 : i32
    %dma_start3A_504 = arith.constant 0 : i32
    %dma_start3A_505 = tpu.memref_slice %arg3[%dma_start3A_503, %dma_start3A_504] : memref<100000x128xf32, #tpu.memory_space<hbm>> -> memref<100000x128xf32, #tpu.memory_space<hbm>>
    tpu.enqueue_indirect_dma source(%dma_start3A_505 : memref<100000x128xf32, #tpu.memory_space<hbm>>) target(%dma_start3A_499 : memref<100x128xf32, #tpu.memory_space<vmem>>) offsets(%dma_start3A_502 : memref<100xi32, #tpu.memory_space<vmem>>) semaphore(%arg18 : memref<!tpu.dma_semaphore, #tpu.memory_space<semaphore_mem>>) {add = true}
    %dma_wait3A_506 = arith.constant 0 : i32
    %dma_wait3A_507 = arith.constant 0 : i32
    %dma_wait3A_508 = tpu.memref_slice %arg5[%add3A_419, %dma_wait3A_506, %dma_wait3A_507] : memref<1024x200x128xf32, #tpu.memory_space<hbm>> -> memref<1x200x128xf32, #tpu.memory_space<hbm>>
    %dma_wait3A_509 = tpu.memref_squeeze %dma_wait3A_508 : memref<1x200x128xf32, #tpu.memory_space<hbm>> -> memref<200x128xf32, #tpu.memory_space<hbm>>
    %dma_wait3A_510 = arith.constant 0 : i32
    %dma_wait3A_511 = arith.constant 0 : i32
    %dma_wait3A_512 = tpu.memref_slice %arg5[%add3A_419, %dma_wait3A_510, %dma_wait3A_511] : memref<1024x200x128xf32, #tpu.memory_space<hbm>> -> memref<1x200x128xf32, #tpu.memory_space<hbm>>
    %dma_wait3A_513 = tpu.memref_squeeze %dma_wait3A_512 : memref<1x200x128xf32, #tpu.memory_space<hbm>> -> memref<200x128xf32, #tpu.memory_space<hbm>>
    tpu.wait_dma2 semaphore(%arg23 : memref<!tpu.dma_semaphore, #tpu.memory_space<semaphore_mem>>) src(%arg10 : memref<200x128xf32, #tpu.memory_space<vmem>>) dst(%dma_wait3A_513 : memref<200x128xf32, #tpu.memory_space<hbm>>)
    tpu.enqueue_dma source(%arg6 : memref<200x128xf32, #tpu.memory_space<vmem_shared>>) target(%arg10 : memref<200x128xf32, #tpu.memory_space<vmem>>) target_semaphore(%arg15 : memref<!tpu.dma_semaphore, #tpu.memory_space<semaphore_mem>>)
    %dma_wait3A_514 = arith.constant 16 : i32
    %dma_wait3A_515 = arith.constant 0 : i32
    %dma_wait3A_516 = arith.constant 0 : i32
    %dma_wait3A_517 = tpu.memref_slice %arg8[%dma_wait3A_515, %dma_wait3A_516] : memref<200x128xf32, #tpu.memory_space<vmem>> -> memref<100x128xf32, #tpu.memory_space<vmem>>
    %dma_wait3A_518 = arith.constant 0 : i32
    %dma_wait3A_519 = tpu.memref_slice %arg7[%dma_wait3A_514, %dma_wait3A_518] : memref<64x100xi32, #tpu.memory_space<vmem>> -> memref<1x100xi32, #tpu.memory_space<vmem>>
    %dma_wait3A_520 = tpu.memref_squeeze %dma_wait3A_519 : memref<1x100xi32, #tpu.memory_space<vmem>> -> memref<100xi32, #tpu.memory_space<vmem>>
    %dma_wait3A_521 = arith.constant 0 : i32
    %dma_wait3A_522 = arith.constant 0 : i32
    %dma_wait3A_523 = tpu.memref_slice %arg3[%dma_wait3A_521, %dma_wait3A_522] : memref<100000x128xf32, #tpu.memory_space<hbm>> -> memref<100000x128xf32, #tpu.memory_space<hbm>>
    tpu.wait_indirect_dma semaphore(%arg17 : memref<!tpu.dma_semaphore, #tpu.memory_space<semaphore_mem>>) src(%dma_wait3A_523 : memref<100000x128xf32, #tpu.memory_space<hbm>>) dst(%dma_wait3A_517 : memref<100x128xf32, #tpu.memory_space<vmem>>)
    %dma_wait3A_524 = arith.constant 17 : i32
    %dma_wait3A_525 = arith.constant 100 : i32
    %dma_wait3A_526 = arith.constant 0 : i32
    %dma_wait3A_527 = tpu.memref_slice %arg8[%dma_wait3A_525, %dma_wait3A_526] : memref<200x128xf32, #tpu.memory_space<vmem>> -> memref<100x128xf32, #tpu.memory_space<vmem>>
    %dma_wait3A_528 = arith.constant 0 : i32
    %dma_wait3A_529 = tpu.memref_slice %arg7[%dma_wait3A_524, %dma_wait3A_528] : memref<64x100xi32, #tpu.memory_space<vmem>> -> memref<1x100xi32, #tpu.memory_space<vmem>>
    %dma_wait3A_530 = tpu.memref_squeeze %dma_wait3A_529 : memref<1x100xi32, #tpu.memory_space<vmem>> -> memref<100xi32, #tpu.memory_space<vmem>>
    %dma_wait3A_531 = arith.constant 0 : i32
    %dma_wait3A_532 = arith.constant 0 : i32
    %dma_wait3A_533 = tpu.memref_slice %arg3[%dma_wait3A_531, %dma_wait3A_532] : memref<100000x128xf32, #tpu.memory_space<hbm>> -> memref<100000x128xf32, #tpu.memory_space<hbm>>
    tpu.wait_indirect_dma semaphore(%arg17 : memref<!tpu.dma_semaphore, #tpu.memory_space<semaphore_mem>>) src(%dma_wait3A_533 : memref<100000x128xf32, #tpu.memory_space<hbm>>) dst(%dma_wait3A_527 : memref<100x128xf32, #tpu.memory_space<vmem>>)
    %add3A_534 = arith.constant 8 : i32
    %add3A_535 = arith.addi %mul3A_2, %add3A_534 : i32
    %dma_start3A_536 = arith.constant 0 : i32
    %dma_start3A_537 = arith.constant 0 : i32
    %dma_start3A_538 = tpu.memref_slice %arg5[%add3A_535, %dma_start3A_536, %dma_start3A_537] : memref<1024x200x128xf32, #tpu.memory_space<hbm>> -> memref<1x200x128xf32, #tpu.memory_space<hbm>>
    %dma_start3A_539 = tpu.memref_squeeze %dma_start3A_538 : memref<1x200x128xf32, #tpu.memory_space<hbm>> -> memref<200x128xf32, #tpu.memory_space<hbm>>
    %dma_start3A_540 = arith.constant 0 : i32
    %dma_start3A_541 = arith.constant 0 : i32
    %dma_start3A_542 = tpu.memref_slice %arg5[%add3A_535, %dma_start3A_540, %dma_start3A_541] : memref<1024x200x128xf32, #tpu.memory_space<hbm>> -> memref<1x200x128xf32, #tpu.memory_space<hbm>>
    %dma_start3A_543 = tpu.memref_squeeze %dma_start3A_542 : memref<1x200x128xf32, #tpu.memory_space<hbm>> -> memref<200x128xf32, #tpu.memory_space<hbm>>
    tpu.enqueue_dma source(%arg8 : memref<200x128xf32, #tpu.memory_space<vmem>>) target(%dma_start3A_543 : memref<200x128xf32, #tpu.memory_space<hbm>>) target_semaphore(%arg21 : memref<!tpu.dma_semaphore, #tpu.memory_space<semaphore_mem>>)
    tpu.wait_dma2 semaphore(%arg15 : memref<!tpu.dma_semaphore, #tpu.memory_space<semaphore_mem>>) src(%arg6 : memref<200x128xf32, #tpu.memory_space<vmem_shared>>) dst(%arg10 : memref<200x128xf32, #tpu.memory_space<vmem>>)
    %dma_start3A_544 = arith.constant 20 : i32
    %dma_start3A_545 = arith.constant 0 : i32
    %dma_start3A_546 = arith.constant 0 : i32
    %dma_start3A_547 = tpu.memref_slice %arg10[%dma_start3A_545, %dma_start3A_546] : memref<200x128xf32, #tpu.memory_space<vmem>> -> memref<100x128xf32, #tpu.memory_space<vmem>>
    %dma_start3A_548 = arith.constant 0 : i32
    %dma_start3A_549 = tpu.memref_slice %arg7[%dma_start3A_544, %dma_start3A_548] : memref<64x100xi32, #tpu.memory_space<vmem>> -> memref<1x100xi32, #tpu.memory_space<vmem>>
    %dma_start3A_550 = tpu.memref_squeeze %dma_start3A_549 : memref<1x100xi32, #tpu.memory_space<vmem>> -> memref<100xi32, #tpu.memory_space<vmem>>
    %dma_start3A_551 = arith.constant 0 : i32
    %dma_start3A_552 = arith.constant 0 : i32
    %dma_start3A_553 = tpu.memref_slice %arg3[%dma_start3A_551, %dma_start3A_552] : memref<100000x128xf32, #tpu.memory_space<hbm>> -> memref<100000x128xf32, #tpu.memory_space<hbm>>
    tpu.enqueue_indirect_dma source(%dma_start3A_553 : memref<100000x128xf32, #tpu.memory_space<hbm>>) target(%dma_start3A_547 : memref<100x128xf32, #tpu.memory_space<vmem>>) offsets(%dma_start3A_550 : memref<100xi32, #tpu.memory_space<vmem>>) semaphore(%arg19 : memref<!tpu.dma_semaphore, #tpu.memory_space<semaphore_mem>>) {add = true}
    %dma_start3A_554 = arith.constant 21 : i32
    %dma_start3A_555 = arith.constant 100 : i32
    %dma_start3A_556 = arith.constant 0 : i32
    %dma_start3A_557 = tpu.memref_slice %arg10[%dma_start3A_555, %dma_start3A_556] : memref<200x128xf32, #tpu.memory_space<vmem>> -> memref<100x128xf32, #tpu.memory_space<vmem>>
    %dma_start3A_558 = arith.constant 0 : i32
    %dma_start3A_559 = tpu.memref_slice %arg7[%dma_start3A_554, %dma_start3A_558] : memref<64x100xi32, #tpu.memory_space<vmem>> -> memref<1x100xi32, #tpu.memory_space<vmem>>
    %dma_start3A_560 = tpu.memref_squeeze %dma_start3A_559 : memref<1x100xi32, #tpu.memory_space<vmem>> -> memref<100xi32, #tpu.memory_space<vmem>>
    %dma_start3A_561 = arith.constant 0 : i32
    %dma_start3A_562 = arith.constant 0 : i32
    %dma_start3A_563 = tpu.memref_slice %arg3[%dma_start3A_561, %dma_start3A_562] : memref<100000x128xf32, #tpu.memory_space<hbm>> -> memref<100000x128xf32, #tpu.memory_space<hbm>>
    tpu.enqueue_indirect_dma source(%dma_start3A_563 : memref<100000x128xf32, #tpu.memory_space<hbm>>) target(%dma_start3A_557 : memref<100x128xf32, #tpu.memory_space<vmem>>) offsets(%dma_start3A_560 : memref<100xi32, #tpu.memory_space<vmem>>) semaphore(%arg19 : memref<!tpu.dma_semaphore, #tpu.memory_space<semaphore_mem>>) {add = true}
    %dma_wait3A_564 = arith.constant 0 : i32
    %dma_wait3A_565 = arith.constant 0 : i32
    %dma_wait3A_566 = tpu.memref_slice %arg5[%add3A_477, %dma_wait3A_564, %dma_wait3A_565] : memref<1024x200x128xf32, #tpu.memory_space<hbm>> -> memref<1x200x128xf32, #tpu.memory_space<hbm>>
    %dma_wait3A_567 = tpu.memref_squeeze %dma_wait3A_566 : memref<1x200x128xf32, #tpu.memory_space<hbm>> -> memref<200x128xf32, #tpu.memory_space<hbm>>
    %dma_wait3A_568 = arith.constant 0 : i32
    %dma_wait3A_569 = arith.constant 0 : i32
    %dma_wait3A_570 = tpu.memref_slice %arg5[%add3A_477, %dma_wait3A_568, %dma_wait3A_569] : memref<1024x200x128xf32, #tpu.memory_space<hbm>> -> memref<1x200x128xf32, #tpu.memory_space<hbm>>
    %dma_wait3A_571 = tpu.memref_squeeze %dma_wait3A_570 : memref<1x200x128xf32, #tpu.memory_space<hbm>> -> memref<200x128xf32, #tpu.memory_space<hbm>>
    tpu.wait_dma2 semaphore(%arg24 : memref<!tpu.dma_semaphore, #tpu.memory_space<semaphore_mem>>) src(%arg11 : memref<200x128xf32, #tpu.memory_space<vmem>>) dst(%dma_wait3A_571 : memref<200x128xf32, #tpu.memory_space<hbm>>)
    tpu.enqueue_dma source(%arg6 : memref<200x128xf32, #tpu.memory_space<vmem_shared>>) target(%arg11 : memref<200x128xf32, #tpu.memory_space<vmem>>) target_semaphore(%arg16 : memref<!tpu.dma_semaphore, #tpu.memory_space<semaphore_mem>>)
    %dma_wait3A_572 = arith.constant 18 : i32
    %dma_wait3A_573 = arith.constant 0 : i32
    %dma_wait3A_574 = arith.constant 0 : i32
    %dma_wait3A_575 = tpu.memref_slice %arg9[%dma_wait3A_573, %dma_wait3A_574] : memref<200x128xf32, #tpu.memory_space<vmem>> -> memref<100x128xf32, #tpu.memory_space<vmem>>
    %dma_wait3A_576 = arith.constant 0 : i32
    %dma_wait3A_577 = tpu.memref_slice %arg7[%dma_wait3A_572, %dma_wait3A_576] : memref<64x100xi32, #tpu.memory_space<vmem>> -> memref<1x100xi32, #tpu.memory_space<vmem>>
    %dma_wait3A_578 = tpu.memref_squeeze %dma_wait3A_577 : memref<1x100xi32, #tpu.memory_space<vmem>> -> memref<100xi32, #tpu.memory_space<vmem>>
    %dma_wait3A_579 = arith.constant 0 : i32
    %dma_wait3A_580 = arith.constant 0 : i32
    %dma_wait3A_581 = tpu.memref_slice %arg3[%dma_wait3A_579, %dma_wait3A_580] : memref<100000x128xf32, #tpu.memory_space<hbm>> -> memref<100000x128xf32, #tpu.memory_space<hbm>>
    tpu.wait_indirect_dma semaphore(%arg18 : memref<!tpu.dma_semaphore, #tpu.memory_space<semaphore_mem>>) src(%dma_wait3A_581 : memref<100000x128xf32, #tpu.memory_space<hbm>>) dst(%dma_wait3A_575 : memref<100x128xf32, #tpu.memory_space<vmem>>)
    %dma_wait3A_582 = arith.constant 19 : i32
    %dma_wait3A_583 = arith.constant 100 : i32
    %dma_wait3A_584 = arith.constant 0 : i32
    %dma_wait3A_585 = tpu.memref_slice %arg9[%dma_wait3A_583, %dma_wait3A_584] : memref<200x128xf32, #tpu.memory_space<vmem>> -> memref<100x128xf32, #tpu.memory_space<vmem>>
    %dma_wait3A_586 = arith.constant 0 : i32
    %dma_wait3A_587 = tpu.memref_slice %arg7[%dma_wait3A_582, %dma_wait3A_586] : memref<64x100xi32, #tpu.memory_space<vmem>> -> memref<1x100xi32, #tpu.memory_space<vmem>>
    %dma_wait3A_588 = tpu.memref_squeeze %dma_wait3A_587 : memref<1x100xi32, #tpu.memory_space<vmem>> -> memref<100xi32, #tpu.memory_space<vmem>>
    %dma_wait3A_589 = arith.constant 0 : i32
    %dma_wait3A_590 = arith.constant 0 : i32
    %dma_wait3A_591 = tpu.memref_slice %arg3[%dma_wait3A_589, %dma_wait3A_590] : memref<100000x128xf32, #tpu.memory_space<hbm>> -> memref<100000x128xf32, #tpu.memory_space<hbm>>
    tpu.wait_indirect_dma semaphore(%arg18 : memref<!tpu.dma_semaphore, #tpu.memory_space<semaphore_mem>>) src(%dma_wait3A_591 : memref<100000x128xf32, #tpu.memory_space<hbm>>) dst(%dma_wait3A_585 : memref<100x128xf32, #tpu.memory_space<vmem>>)
    %add3A_592 = arith.constant 9 : i32
    %add3A_593 = arith.addi %mul3A_2, %add3A_592 : i32
    %dma_start3A_594 = arith.constant 0 : i32
    %dma_start3A_595 = arith.constant 0 : i32
    %dma_start3A_596 = tpu.memref_slice %arg5[%add3A_593, %dma_start3A_594, %dma_start3A_595] : memref<1024x200x128xf32, #tpu.memory_space<hbm>> -> memref<1x200x128xf32, #tpu.memory_space<hbm>>
    %dma_start3A_597 = tpu.memref_squeeze %dma_start3A_596 : memref<1x200x128xf32, #tpu.memory_space<hbm>> -> memref<200x128xf32, #tpu.memory_space<hbm>>
    %dma_start3A_598 = arith.constant 0 : i32
    %dma_start3A_599 = arith.constant 0 : i32
    %dma_start3A_600 = tpu.memref_slice %arg5[%add3A_593, %dma_start3A_598, %dma_start3A_599] : memref<1024x200x128xf32, #tpu.memory_space<hbm>> -> memref<1x200x128xf32, #tpu.memory_space<hbm>>
    %dma_start3A_601 = tpu.memref_squeeze %dma_start3A_600 : memref<1x200x128xf32, #tpu.memory_space<hbm>> -> memref<200x128xf32, #tpu.memory_space<hbm>>
    tpu.enqueue_dma source(%arg9 : memref<200x128xf32, #tpu.memory_space<vmem>>) target(%dma_start3A_601 : memref<200x128xf32, #tpu.memory_space<hbm>>) target_semaphore(%arg22 : memref<!tpu.dma_semaphore, #tpu.memory_space<semaphore_mem>>)
    tpu.wait_dma2 semaphore(%arg16 : memref<!tpu.dma_semaphore, #tpu.memory_space<semaphore_mem>>) src(%arg6 : memref<200x128xf32, #tpu.memory_space<vmem_shared>>) dst(%arg11 : memref<200x128xf32, #tpu.memory_space<vmem>>)
    %dma_start3A_602 = arith.constant 22 : i32
    %dma_start3A_603 = arith.constant 0 : i32
    %dma_start3A_604 = arith.constant 0 : i32
    %dma_start3A_605 = tpu.memref_slice %arg11[%dma_start3A_603, %dma_start3A_604] : memref<200x128xf32, #tpu.memory_space<vmem>> -> memref<100x128xf32, #tpu.memory_space<vmem>>
    %dma_start3A_606 = arith.constant 0 : i32
    %dma_start3A_607 = tpu.memref_slice %arg7[%dma_start3A_602, %dma_start3A_606] : memref<64x100xi32, #tpu.memory_space<vmem>> -> memref<1x100xi32, #tpu.memory_space<vmem>>
    %dma_start3A_608 = tpu.memref_squeeze %dma_start3A_607 : memref<1x100xi32, #tpu.memory_space<vmem>> -> memref<100xi32, #tpu.memory_space<vmem>>
    %dma_start3A_609 = arith.constant 0 : i32
    %dma_start3A_610 = arith.constant 0 : i32
    %dma_start3A_611 = tpu.memref_slice %arg3[%dma_start3A_609, %dma_start3A_610] : memref<100000x128xf32, #tpu.memory_space<hbm>> -> memref<100000x128xf32, #tpu.memory_space<hbm>>
    tpu.enqueue_indirect_dma source(%dma_start3A_611 : memref<100000x128xf32, #tpu.memory_space<hbm>>) target(%dma_start3A_605 : memref<100x128xf32, #tpu.memory_space<vmem>>) offsets(%dma_start3A_608 : memref<100xi32, #tpu.memory_space<vmem>>) semaphore(%arg20 : memref<!tpu.dma_semaphore, #tpu.memory_space<semaphore_mem>>) {add = true}
    %dma_start3A_612 = arith.constant 23 : i32
    %dma_start3A_613 = arith.constant 100 : i32
    %dma_start3A_614 = arith.constant 0 : i32
    %dma_start3A_615 = tpu.memref_slice %arg11[%dma_start3A_613, %dma_start3A_614] : memref<200x128xf32, #tpu.memory_space<vmem>> -> memref<100x128xf32, #tpu.memory_space<vmem>>
    %dma_start3A_616 = arith.constant 0 : i32
    %dma_start3A_617 = tpu.memref_slice %arg7[%dma_start3A_612, %dma_start3A_616] : memref<64x100xi32, #tpu.memory_space<vmem>> -> memref<1x100xi32, #tpu.memory_space<vmem>>
    %dma_start3A_618 = tpu.memref_squeeze %dma_start3A_617 : memref<1x100xi32, #tpu.memory_space<vmem>> -> memref<100xi32, #tpu.memory_space<vmem>>
    %dma_start3A_619 = arith.constant 0 : i32
    %dma_start3A_620 = arith.constant 0 : i32
    %dma_start3A_621 = tpu.memref_slice %arg3[%dma_start3A_619, %dma_start3A_620] : memref<100000x128xf32, #tpu.memory_space<hbm>> -> memref<100000x128xf32, #tpu.memory_space<hbm>>
    tpu.enqueue_indirect_dma source(%dma_start3A_621 : memref<100000x128xf32, #tpu.memory_space<hbm>>) target(%dma_start3A_615 : memref<100x128xf32, #tpu.memory_space<vmem>>) offsets(%dma_start3A_618 : memref<100xi32, #tpu.memory_space<vmem>>) semaphore(%arg20 : memref<!tpu.dma_semaphore, #tpu.memory_space<semaphore_mem>>) {add = true}
    %dma_wait3A_622 = arith.constant 0 : i32
    %dma_wait3A_623 = arith.constant 0 : i32
    %dma_wait3A_624 = tpu.memref_slice %arg5[%add3A_535, %dma_wait3A_622, %dma_wait3A_623] : memref<1024x200x128xf32, #tpu.memory_space<hbm>> -> memref<1x200x128xf32, #tpu.memory_space<hbm>>
    %dma_wait3A_625 = tpu.memref_squeeze %dma_wait3A_624 : memref<1x200x128xf32, #tpu.memory_space<hbm>> -> memref<200x128xf32, #tpu.memory_space<hbm>>
    %dma_wait3A_626 = arith.constant 0 : i32
    %dma_wait3A_627 = arith.constant 0 : i32
    %dma_wait3A_628 = tpu.memref_slice %arg5[%add3A_535, %dma_wait3A_626, %dma_wait3A_627] : memref<1024x200x128xf32, #tpu.memory_space<hbm>> -> memref<1x200x128xf32, #tpu.memory_space<hbm>>
    %dma_wait3A_629 = tpu.memref_squeeze %dma_wait3A_628 : memref<1x200x128xf32, #tpu.memory_space<hbm>> -> memref<200x128xf32, #tpu.memory_space<hbm>>
    tpu.wait_dma2 semaphore(%arg21 : memref<!tpu.dma_semaphore, #tpu.memory_space<semaphore_mem>>) src(%arg8 : memref<200x128xf32, #tpu.memory_space<vmem>>) dst(%dma_wait3A_629 : memref<200x128xf32, #tpu.memory_space<hbm>>)
    tpu.enqueue_dma source(%arg6 : memref<200x128xf32, #tpu.memory_space<vmem_shared>>) target(%arg8 : memref<200x128xf32, #tpu.memory_space<vmem>>) target_semaphore(%arg13 : memref<!tpu.dma_semaphore, #tpu.memory_space<semaphore_mem>>)
    %dma_wait3A_630 = arith.constant 20 : i32
    %dma_wait3A_631 = arith.constant 0 : i32
    %dma_wait3A_632 = arith.constant 0 : i32
    %dma_wait3A_633 = tpu.memref_slice %arg10[%dma_wait3A_631, %dma_wait3A_632] : memref<200x128xf32, #tpu.memory_space<vmem>> -> memref<100x128xf32, #tpu.memory_space<vmem>>
    %dma_wait3A_634 = arith.constant 0 : i32
    %dma_wait3A_635 = tpu.memref_slice %arg7[%dma_wait3A_630, %dma_wait3A_634] : memref<64x100xi32, #tpu.memory_space<vmem>> -> memref<1x100xi32, #tpu.memory_space<vmem>>
    %dma_wait3A_636 = tpu.memref_squeeze %dma_wait3A_635 : memref<1x100xi32, #tpu.memory_space<vmem>> -> memref<100xi32, #tpu.memory_space<vmem>>
    %dma_wait3A_637 = arith.constant 0 : i32
    %dma_wait3A_638 = arith.constant 0 : i32
    %dma_wait3A_639 = tpu.memref_slice %arg3[%dma_wait3A_637, %dma_wait3A_638] : memref<100000x128xf32, #tpu.memory_space<hbm>> -> memref<100000x128xf32, #tpu.memory_space<hbm>>
    tpu.wait_indirect_dma semaphore(%arg19 : memref<!tpu.dma_semaphore, #tpu.memory_space<semaphore_mem>>) src(%dma_wait3A_639 : memref<100000x128xf32, #tpu.memory_space<hbm>>) dst(%dma_wait3A_633 : memref<100x128xf32, #tpu.memory_space<vmem>>)
    %dma_wait3A_640 = arith.constant 21 : i32
    %dma_wait3A_641 = arith.constant 100 : i32
    %dma_wait3A_642 = arith.constant 0 : i32
    %dma_wait3A_643 = tpu.memref_slice %arg10[%dma_wait3A_641, %dma_wait3A_642] : memref<200x128xf32, #tpu.memory_space<vmem>> -> memref<100x128xf32, #tpu.memory_space<vmem>>
    %dma_wait3A_644 = arith.constant 0 : i32
    %dma_wait3A_645 = tpu.memref_slice %arg7[%dma_wait3A_640, %dma_wait3A_644] : memref<64x100xi32, #tpu.memory_space<vmem>> -> memref<1x100xi32, #tpu.memory_space<vmem>>
    %dma_wait3A_646 = tpu.memref_squeeze %dma_wait3A_645 : memref<1x100xi32, #tpu.memory_space<vmem>> -> memref<100xi32, #tpu.memory_space<vmem>>
    %dma_wait3A_647 = arith.constant 0 : i32
    %dma_wait3A_648 = arith.constant 0 : i32
    %dma_wait3A_649 = tpu.memref_slice %arg3[%dma_wait3A_647, %dma_wait3A_648] : memref<100000x128xf32, #tpu.memory_space<hbm>> -> memref<100000x128xf32, #tpu.memory_space<hbm>>
    tpu.wait_indirect_dma semaphore(%arg19 : memref<!tpu.dma_semaphore, #tpu.memory_space<semaphore_mem>>) src(%dma_wait3A_649 : memref<100000x128xf32, #tpu.memory_space<hbm>>) dst(%dma_wait3A_643 : memref<100x128xf32, #tpu.memory_space<vmem>>)
    %add3A_650 = arith.constant 10 : i32
    %add3A_651 = arith.addi %mul3A_2, %add3A_650 : i32
    %dma_start3A_652 = arith.constant 0 : i32
    %dma_start3A_653 = arith.constant 0 : i32
    %dma_start3A_654 = tpu.memref_slice %arg5[%add3A_651, %dma_start3A_652, %dma_start3A_653] : memref<1024x200x128xf32, #tpu.memory_space<hbm>> -> memref<1x200x128xf32, #tpu.memory_space<hbm>>
    %dma_start3A_655 = tpu.memref_squeeze %dma_start3A_654 : memref<1x200x128xf32, #tpu.memory_space<hbm>> -> memref<200x128xf32, #tpu.memory_space<hbm>>
    %dma_start3A_656 = arith.constant 0 : i32
    %dma_start3A_657 = arith.constant 0 : i32
    %dma_start3A_658 = tpu.memref_slice %arg5[%add3A_651, %dma_start3A_656, %dma_start3A_657] : memref<1024x200x128xf32, #tpu.memory_space<hbm>> -> memref<1x200x128xf32, #tpu.memory_space<hbm>>
    %dma_start3A_659 = tpu.memref_squeeze %dma_start3A_658 : memref<1x200x128xf32, #tpu.memory_space<hbm>> -> memref<200x128xf32, #tpu.memory_space<hbm>>
    tpu.enqueue_dma source(%arg10 : memref<200x128xf32, #tpu.memory_space<vmem>>) target(%dma_start3A_659 : memref<200x128xf32, #tpu.memory_space<hbm>>) target_semaphore(%arg23 : memref<!tpu.dma_semaphore, #tpu.memory_space<semaphore_mem>>)
    tpu.wait_dma2 semaphore(%arg13 : memref<!tpu.dma_semaphore, #tpu.memory_space<semaphore_mem>>) src(%arg6 : memref<200x128xf32, #tpu.memory_space<vmem_shared>>) dst(%arg8 : memref<200x128xf32, #tpu.memory_space<vmem>>)
    %dma_start3A_660 = arith.constant 24 : i32
    %dma_start3A_661 = arith.constant 0 : i32
    %dma_start3A_662 = arith.constant 0 : i32
    %dma_start3A_663 = tpu.memref_slice %arg8[%dma_start3A_661, %dma_start3A_662] : memref<200x128xf32, #tpu.memory_space<vmem>> -> memref<100x128xf32, #tpu.memory_space<vmem>>
    %dma_start3A_664 = arith.constant 0 : i32
    %dma_start3A_665 = tpu.memref_slice %arg7[%dma_start3A_660, %dma_start3A_664] : memref<64x100xi32, #tpu.memory_space<vmem>> -> memref<1x100xi32, #tpu.memory_space<vmem>>
    %dma_start3A_666 = tpu.memref_squeeze %dma_start3A_665 : memref<1x100xi32, #tpu.memory_space<vmem>> -> memref<100xi32, #tpu.memory_space<vmem>>
    %dma_start3A_667 = arith.constant 0 : i32
    %dma_start3A_668 = arith.constant 0 : i32
    %dma_start3A_669 = tpu.memref_slice %arg3[%dma_start3A_667, %dma_start3A_668] : memref<100000x128xf32, #tpu.memory_space<hbm>> -> memref<100000x128xf32, #tpu.memory_space<hbm>>
    tpu.enqueue_indirect_dma source(%dma_start3A_669 : memref<100000x128xf32, #tpu.memory_space<hbm>>) target(%dma_start3A_663 : memref<100x128xf32, #tpu.memory_space<vmem>>) offsets(%dma_start3A_666 : memref<100xi32, #tpu.memory_space<vmem>>) semaphore(%arg17 : memref<!tpu.dma_semaphore, #tpu.memory_space<semaphore_mem>>) {add = true}
    %dma_start3A_670 = arith.constant 25 : i32
    %dma_start3A_671 = arith.constant 100 : i32
    %dma_start3A_672 = arith.constant 0 : i32
    %dma_start3A_673 = tpu.memref_slice %arg8[%dma_start3A_671, %dma_start3A_672] : memref<200x128xf32, #tpu.memory_space<vmem>> -> memref<100x128xf32, #tpu.memory_space<vmem>>
    %dma_start3A_674 = arith.constant 0 : i32
    %dma_start3A_675 = tpu.memref_slice %arg7[%dma_start3A_670, %dma_start3A_674] : memref<64x100xi32, #tpu.memory_space<vmem>> -> memref<1x100xi32, #tpu.memory_space<vmem>>
    %dma_start3A_676 = tpu.memref_squeeze %dma_start3A_675 : memref<1x100xi32, #tpu.memory_space<vmem>> -> memref<100xi32, #tpu.memory_space<vmem>>
    %dma_start3A_677 = arith.constant 0 : i32
    %dma_start3A_678 = arith.constant 0 : i32
    %dma_start3A_679 = tpu.memref_slice %arg3[%dma_start3A_677, %dma_start3A_678] : memref<100000x128xf32, #tpu.memory_space<hbm>> -> memref<100000x128xf32, #tpu.memory_space<hbm>>
    tpu.enqueue_indirect_dma source(%dma_start3A_679 : memref<100000x128xf32, #tpu.memory_space<hbm>>) target(%dma_start3A_673 : memref<100x128xf32, #tpu.memory_space<vmem>>) offsets(%dma_start3A_676 : memref<100xi32, #tpu.memory_space<vmem>>) semaphore(%arg17 : memref<!tpu.dma_semaphore, #tpu.memory_space<semaphore_mem>>) {add = true}
    %dma_wait3A_680 = arith.constant 0 : i32
    %dma_wait3A_681 = arith.constant 0 : i32
    %dma_wait3A_682 = tpu.memref_slice %arg5[%add3A_593, %dma_wait3A_680, %dma_wait3A_681] : memref<1024x200x128xf32, #tpu.memory_space<hbm>> -> memref<1x200x128xf32, #tpu.memory_space<hbm>>
    %dma_wait3A_683 = tpu.memref_squeeze %dma_wait3A_682 : memref<1x200x128xf32, #tpu.memory_space<hbm>> -> memref<200x128xf32, #tpu.memory_space<hbm>>
    %dma_wait3A_684 = arith.constant 0 : i32
    %dma_wait3A_685 = arith.constant 0 : i32
    %dma_wait3A_686 = tpu.memref_slice %arg5[%add3A_593, %dma_wait3A_684, %dma_wait3A_685] : memref<1024x200x128xf32, #tpu.memory_space<hbm>> -> memref<1x200x128xf32, #tpu.memory_space<hbm>>
    %dma_wait3A_687 = tpu.memref_squeeze %dma_wait3A_686 : memref<1x200x128xf32, #tpu.memory_space<hbm>> -> memref<200x128xf32, #tpu.memory_space<hbm>>
    tpu.wait_dma2 semaphore(%arg22 : memref<!tpu.dma_semaphore, #tpu.memory_space<semaphore_mem>>) src(%arg9 : memref<200x128xf32, #tpu.memory_space<vmem>>) dst(%dma_wait3A_687 : memref<200x128xf32, #tpu.memory_space<hbm>>)
    tpu.enqueue_dma source(%arg6 : memref<200x128xf32, #tpu.memory_space<vmem_shared>>) target(%arg9 : memref<200x128xf32, #tpu.memory_space<vmem>>) target_semaphore(%arg14 : memref<!tpu.dma_semaphore, #tpu.memory_space<semaphore_mem>>)
    %dma_wait3A_688 = arith.constant 22 : i32
    %dma_wait3A_689 = arith.constant 0 : i32
    %dma_wait3A_690 = arith.constant 0 : i32
    %dma_wait3A_691 = tpu.memref_slice %arg11[%dma_wait3A_689, %dma_wait3A_690] : memref<200x128xf32, #tpu.memory_space<vmem>> -> memref<100x128xf32, #tpu.memory_space<vmem>>
    %dma_wait3A_692 = arith.constant 0 : i32
    %dma_wait3A_693 = tpu.memref_slice %arg7[%dma_wait3A_688, %dma_wait3A_692] : memref<64x100xi32, #tpu.memory_space<vmem>> -> memref<1x100xi32, #tpu.memory_space<vmem>>
    %dma_wait3A_694 = tpu.memref_squeeze %dma_wait3A_693 : memref<1x100xi32, #tpu.memory_space<vmem>> -> memref<100xi32, #tpu.memory_space<vmem>>
    %dma_wait3A_695 = arith.constant 0 : i32
    %dma_wait3A_696 = arith.constant 0 : i32
    %dma_wait3A_697 = tpu.memref_slice %arg3[%dma_wait3A_695, %dma_wait3A_696] : memref<100000x128xf32, #tpu.memory_space<hbm>> -> memref<100000x128xf32, #tpu.memory_space<hbm>>
    tpu.wait_indirect_dma semaphore(%arg20 : memref<!tpu.dma_semaphore, #tpu.memory_space<semaphore_mem>>) src(%dma_wait3A_697 : memref<100000x128xf32, #tpu.memory_space<hbm>>) dst(%dma_wait3A_691 : memref<100x128xf32, #tpu.memory_space<vmem>>)
    %dma_wait3A_698 = arith.constant 23 : i32
    %dma_wait3A_699 = arith.constant 100 : i32
    %dma_wait3A_700 = arith.constant 0 : i32
    %dma_wait3A_701 = tpu.memref_slice %arg11[%dma_wait3A_699, %dma_wait3A_700] : memref<200x128xf32, #tpu.memory_space<vmem>> -> memref<100x128xf32, #tpu.memory_space<vmem>>
    %dma_wait3A_702 = arith.constant 0 : i32
    %dma_wait3A_703 = tpu.memref_slice %arg7[%dma_wait3A_698, %dma_wait3A_702] : memref<64x100xi32, #tpu.memory_space<vmem>> -> memref<1x100xi32, #tpu.memory_space<vmem>>
    %dma_wait3A_704 = tpu.memref_squeeze %dma_wait3A_703 : memref<1x100xi32, #tpu.memory_space<vmem>> -> memref<100xi32, #tpu.memory_space<vmem>>
    %dma_wait3A_705 = arith.constant 0 : i32
    %dma_wait3A_706 = arith.constant 0 : i32
    %dma_wait3A_707 = tpu.memref_slice %arg3[%dma_wait3A_705, %dma_wait3A_706] : memref<100000x128xf32, #tpu.memory_space<hbm>> -> memref<100000x128xf32, #tpu.memory_space<hbm>>
    tpu.wait_indirect_dma semaphore(%arg20 : memref<!tpu.dma_semaphore, #tpu.memory_space<semaphore_mem>>) src(%dma_wait3A_707 : memref<100000x128xf32, #tpu.memory_space<hbm>>) dst(%dma_wait3A_701 : memref<100x128xf32, #tpu.memory_space<vmem>>)
    %add3A_708 = arith.constant 11 : i32
    %add3A_709 = arith.addi %mul3A_2, %add3A_708 : i32
    %dma_start3A_710 = arith.constant 0 : i32
    %dma_start3A_711 = arith.constant 0 : i32
    %dma_start3A_712 = tpu.memref_slice %arg5[%add3A_709, %dma_start3A_710, %dma_start3A_711] : memref<1024x200x128xf32, #tpu.memory_space<hbm>> -> memref<1x200x128xf32, #tpu.memory_space<hbm>>
    %dma_start3A_713 = tpu.memref_squeeze %dma_start3A_712 : memref<1x200x128xf32, #tpu.memory_space<hbm>> -> memref<200x128xf32, #tpu.memory_space<hbm>>
    %dma_start3A_714 = arith.constant 0 : i32
    %dma_start3A_715 = arith.constant 0 : i32
    %dma_start3A_716 = tpu.memref_slice %arg5[%add3A_709, %dma_start3A_714, %dma_start3A_715] : memref<1024x200x128xf32, #tpu.memory_space<hbm>> -> memref<1x200x128xf32, #tpu.memory_space<hbm>>
    %dma_start3A_717 = tpu.memref_squeeze %dma_start3A_716 : memref<1x200x128xf32, #tpu.memory_space<hbm>> -> memref<200x128xf32, #tpu.memory_space<hbm>>
    tpu.enqueue_dma source(%arg11 : memref<200x128xf32, #tpu.memory_space<vmem>>) target(%dma_start3A_717 : memref<200x128xf32, #tpu.memory_space<hbm>>) target_semaphore(%arg24 : memref<!tpu.dma_semaphore, #tpu.memory_space<semaphore_mem>>)
    tpu.wait_dma2 semaphore(%arg14 : memref<!tpu.dma_semaphore, #tpu.memory_space<semaphore_mem>>) src(%arg6 : memref<200x128xf32, #tpu.memory_space<vmem_shared>>) dst(%arg9 : memref<200x128xf32, #tpu.memory_space<vmem>>)
    %dma_start3A_718 = arith.constant 26 : i32
    %dma_start3A_719 = arith.constant 0 : i32
    %dma_start3A_720 = arith.constant 0 : i32
    %dma_start3A_721 = tpu.memref_slice %arg9[%dma_start3A_719, %dma_start3A_720] : memref<200x128xf32, #tpu.memory_space<vmem>> -> memref<100x128xf32, #tpu.memory_space<vmem>>
    %dma_start3A_722 = arith.constant 0 : i32
    %dma_start3A_723 = tpu.memref_slice %arg7[%dma_start3A_718, %dma_start3A_722] : memref<64x100xi32, #tpu.memory_space<vmem>> -> memref<1x100xi32, #tpu.memory_space<vmem>>
    %dma_start3A_724 = tpu.memref_squeeze %dma_start3A_723 : memref<1x100xi32, #tpu.memory_space<vmem>> -> memref<100xi32, #tpu.memory_space<vmem>>
    %dma_start3A_725 = arith.constant 0 : i32
    %dma_start3A_726 = arith.constant 0 : i32
    %dma_start3A_727 = tpu.memref_slice %arg3[%dma_start3A_725, %dma_start3A_726] : memref<100000x128xf32, #tpu.memory_space<hbm>> -> memref<100000x128xf32, #tpu.memory_space<hbm>>
    tpu.enqueue_indirect_dma source(%dma_start3A_727 : memref<100000x128xf32, #tpu.memory_space<hbm>>) target(%dma_start3A_721 : memref<100x128xf32, #tpu.memory_space<vmem>>) offsets(%dma_start3A_724 : memref<100xi32, #tpu.memory_space<vmem>>) semaphore(%arg18 : memref<!tpu.dma_semaphore, #tpu.memory_space<semaphore_mem>>) {add = true}
    %dma_start3A_728 = arith.constant 27 : i32
    %dma_start3A_729 = arith.constant 100 : i32
    %dma_start3A_730 = arith.constant 0 : i32
    %dma_start3A_731 = tpu.memref_slice %arg9[%dma_start3A_729, %dma_start3A_730] : memref<200x128xf32, #tpu.memory_space<vmem>> -> memref<100x128xf32, #tpu.memory_space<vmem>>
    %dma_start3A_732 = arith.constant 0 : i32
    %dma_start3A_733 = tpu.memref_slice %arg7[%dma_start3A_728, %dma_start3A_732] : memref<64x100xi32, #tpu.memory_space<vmem>> -> memref<1x100xi32, #tpu.memory_space<vmem>>
    %dma_start3A_734 = tpu.memref_squeeze %dma_start3A_733 : memref<1x100xi32, #tpu.memory_space<vmem>> -> memref<100xi32, #tpu.memory_space<vmem>>
    %dma_start3A_735 = arith.constant 0 : i32
    %dma_start3A_736 = arith.constant 0 : i32
    %dma_start3A_737 = tpu.memref_slice %arg3[%dma_start3A_735, %dma_start3A_736] : memref<100000x128xf32, #tpu.memory_space<hbm>> -> memref<100000x128xf32, #tpu.memory_space<hbm>>
    tpu.enqueue_indirect_dma source(%dma_start3A_737 : memref<100000x128xf32, #tpu.memory_space<hbm>>) target(%dma_start3A_731 : memref<100x128xf32, #tpu.memory_space<vmem>>) offsets(%dma_start3A_734 : memref<100xi32, #tpu.memory_space<vmem>>) semaphore(%arg18 : memref<!tpu.dma_semaphore, #tpu.memory_space<semaphore_mem>>) {add = true}
    %dma_wait3A_738 = arith.constant 0 : i32
    %dma_wait3A_739 = arith.constant 0 : i32
    %dma_wait3A_740 = tpu.memref_slice %arg5[%add3A_651, %dma_wait3A_738, %dma_wait3A_739] : memref<1024x200x128xf32, #tpu.memory_space<hbm>> -> memref<1x200x128xf32, #tpu.memory_space<hbm>>
    %dma_wait3A_741 = tpu.memref_squeeze %dma_wait3A_740 : memref<1x200x128xf32, #tpu.memory_space<hbm>> -> memref<200x128xf32, #tpu.memory_space<hbm>>
    %dma_wait3A_742 = arith.constant 0 : i32
    %dma_wait3A_743 = arith.constant 0 : i32
    %dma_wait3A_744 = tpu.memref_slice %arg5[%add3A_651, %dma_wait3A_742, %dma_wait3A_743] : memref<1024x200x128xf32, #tpu.memory_space<hbm>> -> memref<1x200x128xf32, #tpu.memory_space<hbm>>
    %dma_wait3A_745 = tpu.memref_squeeze %dma_wait3A_744 : memref<1x200x128xf32, #tpu.memory_space<hbm>> -> memref<200x128xf32, #tpu.memory_space<hbm>>
    tpu.wait_dma2 semaphore(%arg23 : memref<!tpu.dma_semaphore, #tpu.memory_space<semaphore_mem>>) src(%arg10 : memref<200x128xf32, #tpu.memory_space<vmem>>) dst(%dma_wait3A_745 : memref<200x128xf32, #tpu.memory_space<hbm>>)
    tpu.enqueue_dma source(%arg6 : memref<200x128xf32, #tpu.memory_space<vmem_shared>>) target(%arg10 : memref<200x128xf32, #tpu.memory_space<vmem>>) target_semaphore(%arg15 : memref<!tpu.dma_semaphore, #tpu.memory_space<semaphore_mem>>)
    %dma_wait3A_746 = arith.constant 24 : i32
    %dma_wait3A_747 = arith.constant 0 : i32
    %dma_wait3A_748 = arith.constant 0 : i32
    %dma_wait3A_749 = tpu.memref_slice %arg8[%dma_wait3A_747, %dma_wait3A_748] : memref<200x128xf32, #tpu.memory_space<vmem>> -> memref<100x128xf32, #tpu.memory_space<vmem>>
    %dma_wait3A_750 = arith.constant 0 : i32
    %dma_wait3A_751 = tpu.memref_slice %arg7[%dma_wait3A_746, %dma_wait3A_750] : memref<64x100xi32, #tpu.memory_space<vmem>> -> memref<1x100xi32, #tpu.memory_space<vmem>>
    %dma_wait3A_752 = tpu.memref_squeeze %dma_wait3A_751 : memref<1x100xi32, #tpu.memory_space<vmem>> -> memref<100xi32, #tpu.memory_space<vmem>>
    %dma_wait3A_753 = arith.constant 0 : i32
    %dma_wait3A_754 = arith.constant 0 : i32
    %dma_wait3A_755 = tpu.memref_slice %arg3[%dma_wait3A_753, %dma_wait3A_754] : memref<100000x128xf32, #tpu.memory_space<hbm>> -> memref<100000x128xf32, #tpu.memory_space<hbm>>
    tpu.wait_indirect_dma semaphore(%arg17 : memref<!tpu.dma_semaphore, #tpu.memory_space<semaphore_mem>>) src(%dma_wait3A_755 : memref<100000x128xf32, #tpu.memory_space<hbm>>) dst(%dma_wait3A_749 : memref<100x128xf32, #tpu.memory_space<vmem>>)
    %dma_wait3A_756 = arith.constant 25 : i32
    %dma_wait3A_757 = arith.constant 100 : i32
    %dma_wait3A_758 = arith.constant 0 : i32
    %dma_wait3A_759 = tpu.memref_slice %arg8[%dma_wait3A_757, %dma_wait3A_758] : memref<200x128xf32, #tpu.memory_space<vmem>> -> memref<100x128xf32, #tpu.memory_space<vmem>>
    %dma_wait3A_760 = arith.constant 0 : i32
    %dma_wait3A_761 = tpu.memref_slice %arg7[%dma_wait3A_756, %dma_wait3A_760] : memref<64x100xi32, #tpu.memory_space<vmem>> -> memref<1x100xi32, #tpu.memory_space<vmem>>
    %dma_wait3A_762 = tpu.memref_squeeze %dma_wait3A_761 : memref<1x100xi32, #tpu.memory_space<vmem>> -> memref<100xi32, #tpu.memory_space<vmem>>
    %dma_wait3A_763 = arith.constant 0 : i32
    %dma_wait3A_764 = arith.constant 0 : i32
    %dma_wait3A_765 = tpu.memref_slice %arg3[%dma_wait3A_763, %dma_wait3A_764] : memref<100000x128xf32, #tpu.memory_space<hbm>> -> memref<100000x128xf32, #tpu.memory_space<hbm>>
    tpu.wait_indirect_dma semaphore(%arg17 : memref<!tpu.dma_semaphore, #tpu.memory_space<semaphore_mem>>) src(%dma_wait3A_765 : memref<100000x128xf32, #tpu.memory_space<hbm>>) dst(%dma_wait3A_759 : memref<100x128xf32, #tpu.memory_space<vmem>>)
    %add3A_766 = arith.constant 12 : i32
    %add3A_767 = arith.addi %mul3A_2, %add3A_766 : i32
    %dma_start3A_768 = arith.constant 0 : i32
    %dma_start3A_769 = arith.constant 0 : i32
    %dma_start3A_770 = tpu.memref_slice %arg5[%add3A_767, %dma_start3A_768, %dma_start3A_769] : memref<1024x200x128xf32, #tpu.memory_space<hbm>> -> memref<1x200x128xf32, #tpu.memory_space<hbm>>
    %dma_start3A_771 = tpu.memref_squeeze %dma_start3A_770 : memref<1x200x128xf32, #tpu.memory_space<hbm>> -> memref<200x128xf32, #tpu.memory_space<hbm>>
    %dma_start3A_772 = arith.constant 0 : i32
    %dma_start3A_773 = arith.constant 0 : i32
    %dma_start3A_774 = tpu.memref_slice %arg5[%add3A_767, %dma_start3A_772, %dma_start3A_773] : memref<1024x200x128xf32, #tpu.memory_space<hbm>> -> memref<1x200x128xf32, #tpu.memory_space<hbm>>
    %dma_start3A_775 = tpu.memref_squeeze %dma_start3A_774 : memref<1x200x128xf32, #tpu.memory_space<hbm>> -> memref<200x128xf32, #tpu.memory_space<hbm>>
    tpu.enqueue_dma source(%arg8 : memref<200x128xf32, #tpu.memory_space<vmem>>) target(%dma_start3A_775 : memref<200x128xf32, #tpu.memory_space<hbm>>) target_semaphore(%arg21 : memref<!tpu.dma_semaphore, #tpu.memory_space<semaphore_mem>>)
    tpu.wait_dma2 semaphore(%arg15 : memref<!tpu.dma_semaphore, #tpu.memory_space<semaphore_mem>>) src(%arg6 : memref<200x128xf32, #tpu.memory_space<vmem_shared>>) dst(%arg10 : memref<200x128xf32, #tpu.memory_space<vmem>>)
    %dma_start3A_776 = arith.constant 28 : i32
    %dma_start3A_777 = arith.constant 0 : i32
    %dma_start3A_778 = arith.constant 0 : i32
    %dma_start3A_779 = tpu.memref_slice %arg10[%dma_start3A_777, %dma_start3A_778] : memref<200x128xf32, #tpu.memory_space<vmem>> -> memref<100x128xf32, #tpu.memory_space<vmem>>
    %dma_start3A_780 = arith.constant 0 : i32
    %dma_start3A_781 = tpu.memref_slice %arg7[%dma_start3A_776, %dma_start3A_780] : memref<64x100xi32, #tpu.memory_space<vmem>> -> memref<1x100xi32, #tpu.memory_space<vmem>>
    %dma_start3A_782 = tpu.memref_squeeze %dma_start3A_781 : memref<1x100xi32, #tpu.memory_space<vmem>> -> memref<100xi32, #tpu.memory_space<vmem>>
    %dma_start3A_783 = arith.constant 0 : i32
    %dma_start3A_784 = arith.constant 0 : i32
    %dma_start3A_785 = tpu.memref_slice %arg3[%dma_start3A_783, %dma_start3A_784] : memref<100000x128xf32, #tpu.memory_space<hbm>> -> memref<100000x128xf32, #tpu.memory_space<hbm>>
    tpu.enqueue_indirect_dma source(%dma_start3A_785 : memref<100000x128xf32, #tpu.memory_space<hbm>>) target(%dma_start3A_779 : memref<100x128xf32, #tpu.memory_space<vmem>>) offsets(%dma_start3A_782 : memref<100xi32, #tpu.memory_space<vmem>>) semaphore(%arg19 : memref<!tpu.dma_semaphore, #tpu.memory_space<semaphore_mem>>) {add = true}
    %dma_start3A_786 = arith.constant 29 : i32
    %dma_start3A_787 = arith.constant 100 : i32
    %dma_start3A_788 = arith.constant 0 : i32
    %dma_start3A_789 = tpu.memref_slice %arg10[%dma_start3A_787, %dma_start3A_788] : memref<200x128xf32, #tpu.memory_space<vmem>> -> memref<100x128xf32, #tpu.memory_space<vmem>>
    %dma_start3A_790 = arith.constant 0 : i32
    %dma_start3A_791 = tpu.memref_slice %arg7[%dma_start3A_786, %dma_start3A_790] : memref<64x100xi32, #tpu.memory_space<vmem>> -> memref<1x100xi32, #tpu.memory_space<vmem>>
    %dma_start3A_792 = tpu.memref_squeeze %dma_start3A_791 : memref<1x100xi32, #tpu.memory_space<vmem>> -> memref<100xi32, #tpu.memory_space<vmem>>
    %dma_start3A_793 = arith.constant 0 : i32
    %dma_start3A_794 = arith.constant 0 : i32
    %dma_start3A_795 = tpu.memref_slice %arg3[%dma_start3A_793, %dma_start3A_794] : memref<100000x128xf32, #tpu.memory_space<hbm>> -> memref<100000x128xf32, #tpu.memory_space<hbm>>
    tpu.enqueue_indirect_dma source(%dma_start3A_795 : memref<100000x128xf32, #tpu.memory_space<hbm>>) target(%dma_start3A_789 : memref<100x128xf32, #tpu.memory_space<vmem>>) offsets(%dma_start3A_792 : memref<100xi32, #tpu.memory_space<vmem>>) semaphore(%arg19 : memref<!tpu.dma_semaphore, #tpu.memory_space<semaphore_mem>>) {add = true}
    %dma_wait3A_796 = arith.constant 0 : i32
    %dma_wait3A_797 = arith.constant 0 : i32
    %dma_wait3A_798 = tpu.memref_slice %arg5[%add3A_709, %dma_wait3A_796, %dma_wait3A_797] : memref<1024x200x128xf32, #tpu.memory_space<hbm>> -> memref<1x200x128xf32, #tpu.memory_space<hbm>>
    %dma_wait3A_799 = tpu.memref_squeeze %dma_wait3A_798 : memref<1x200x128xf32, #tpu.memory_space<hbm>> -> memref<200x128xf32, #tpu.memory_space<hbm>>
    %dma_wait3A_800 = arith.constant 0 : i32
    %dma_wait3A_801 = arith.constant 0 : i32
    %dma_wait3A_802 = tpu.memref_slice %arg5[%add3A_709, %dma_wait3A_800, %dma_wait3A_801] : memref<1024x200x128xf32, #tpu.memory_space<hbm>> -> memref<1x200x128xf32, #tpu.memory_space<hbm>>
    %dma_wait3A_803 = tpu.memref_squeeze %dma_wait3A_802 : memref<1x200x128xf32, #tpu.memory_space<hbm>> -> memref<200x128xf32, #tpu.memory_space<hbm>>
    tpu.wait_dma2 semaphore(%arg24 : memref<!tpu.dma_semaphore, #tpu.memory_space<semaphore_mem>>) src(%arg11 : memref<200x128xf32, #tpu.memory_space<vmem>>) dst(%dma_wait3A_803 : memref<200x128xf32, #tpu.memory_space<hbm>>)
    tpu.enqueue_dma source(%arg6 : memref<200x128xf32, #tpu.memory_space<vmem_shared>>) target(%arg11 : memref<200x128xf32, #tpu.memory_space<vmem>>) target_semaphore(%arg16 : memref<!tpu.dma_semaphore, #tpu.memory_space<semaphore_mem>>)
    %dma_wait3A_804 = arith.constant 26 : i32
    %dma_wait3A_805 = arith.constant 0 : i32
    %dma_wait3A_806 = arith.constant 0 : i32
    %dma_wait3A_807 = tpu.memref_slice %arg9[%dma_wait3A_805, %dma_wait3A_806] : memref<200x128xf32, #tpu.memory_space<vmem>> -> memref<100x128xf32, #tpu.memory_space<vmem>>
    %dma_wait3A_808 = arith.constant 0 : i32
    %dma_wait3A_809 = tpu.memref_slice %arg7[%dma_wait3A_804, %dma_wait3A_808] : memref<64x100xi32, #tpu.memory_space<vmem>> -> memref<1x100xi32, #tpu.memory_space<vmem>>
    %dma_wait3A_810 = tpu.memref_squeeze %dma_wait3A_809 : memref<1x100xi32, #tpu.memory_space<vmem>> -> memref<100xi32, #tpu.memory_space<vmem>>
    %dma_wait3A_811 = arith.constant 0 : i32
    %dma_wait3A_812 = arith.constant 0 : i32
    %dma_wait3A_813 = tpu.memref_slice %arg3[%dma_wait3A_811, %dma_wait3A_812] : memref<100000x128xf32, #tpu.memory_space<hbm>> -> memref<100000x128xf32, #tpu.memory_space<hbm>>
    tpu.wait_indirect_dma semaphore(%arg18 : memref<!tpu.dma_semaphore, #tpu.memory_space<semaphore_mem>>) src(%dma_wait3A_813 : memref<100000x128xf32, #tpu.memory_space<hbm>>) dst(%dma_wait3A_807 : memref<100x128xf32, #tpu.memory_space<vmem>>)
    %dma_wait3A_814 = arith.constant 27 : i32
    %dma_wait3A_815 = arith.constant 100 : i32
    %dma_wait3A_816 = arith.constant 0 : i32
    %dma_wait3A_817 = tpu.memref_slice %arg9[%dma_wait3A_815, %dma_wait3A_816] : memref<200x128xf32, #tpu.memory_space<vmem>> -> memref<100x128xf32, #tpu.memory_space<vmem>>
    %dma_wait3A_818 = arith.constant 0 : i32
    %dma_wait3A_819 = tpu.memref_slice %arg7[%dma_wait3A_814, %dma_wait3A_818] : memref<64x100xi32, #tpu.memory_space<vmem>> -> memref<1x100xi32, #tpu.memory_space<vmem>>
    %dma_wait3A_820 = tpu.memref_squeeze %dma_wait3A_819 : memref<1x100xi32, #tpu.memory_space<vmem>> -> memref<100xi32, #tpu.memory_space<vmem>>
    %dma_wait3A_821 = arith.constant 0 : i32
    %dma_wait3A_822 = arith.constant 0 : i32
    %dma_wait3A_823 = tpu.memref_slice %arg3[%dma_wait3A_821, %dma_wait3A_822] : memref<100000x128xf32, #tpu.memory_space<hbm>> -> memref<100000x128xf32, #tpu.memory_space<hbm>>
    tpu.wait_indirect_dma semaphore(%arg18 : memref<!tpu.dma_semaphore, #tpu.memory_space<semaphore_mem>>) src(%dma_wait3A_823 : memref<100000x128xf32, #tpu.memory_space<hbm>>) dst(%dma_wait3A_817 : memref<100x128xf32, #tpu.memory_space<vmem>>)
    %add3A_824 = arith.constant 13 : i32
    %add3A_825 = arith.addi %mul3A_2, %add3A_824 : i32
    %dma_start3A_826 = arith.constant 0 : i32
    %dma_start3A_827 = arith.constant 0 : i32
    %dma_start3A_828 = tpu.memref_slice %arg5[%add3A_825, %dma_start3A_826, %dma_start3A_827] : memref<1024x200x128xf32, #tpu.memory_space<hbm>> -> memref<1x200x128xf32, #tpu.memory_space<hbm>>
    %dma_start3A_829 = tpu.memref_squeeze %dma_start3A_828 : memref<1x200x128xf32, #tpu.memory_space<hbm>> -> memref<200x128xf32, #tpu.memory_space<hbm>>
    %dma_start3A_830 = arith.constant 0 : i32
    %dma_start3A_831 = arith.constant 0 : i32
    %dma_start3A_832 = tpu.memref_slice %arg5[%add3A_825, %dma_start3A_830, %dma_start3A_831] : memref<1024x200x128xf32, #tpu.memory_space<hbm>> -> memref<1x200x128xf32, #tpu.memory_space<hbm>>
    %dma_start3A_833 = tpu.memref_squeeze %dma_start3A_832 : memref<1x200x128xf32, #tpu.memory_space<hbm>> -> memref<200x128xf32, #tpu.memory_space<hbm>>
    tpu.enqueue_dma source(%arg9 : memref<200x128xf32, #tpu.memory_space<vmem>>) target(%dma_start3A_833 : memref<200x128xf32, #tpu.memory_space<hbm>>) target_semaphore(%arg22 : memref<!tpu.dma_semaphore, #tpu.memory_space<semaphore_mem>>)
    tpu.wait_dma2 semaphore(%arg16 : memref<!tpu.dma_semaphore, #tpu.memory_space<semaphore_mem>>) src(%arg6 : memref<200x128xf32, #tpu.memory_space<vmem_shared>>) dst(%arg11 : memref<200x128xf32, #tpu.memory_space<vmem>>)
    %dma_start3A_834 = arith.constant 30 : i32
    %dma_start3A_835 = arith.constant 0 : i32
    %dma_start3A_836 = arith.constant 0 : i32
    %dma_start3A_837 = tpu.memref_slice %arg11[%dma_start3A_835, %dma_start3A_836] : memref<200x128xf32, #tpu.memory_space<vmem>> -> memref<100x128xf32, #tpu.memory_space<vmem>>
    %dma_start3A_838 = arith.constant 0 : i32
    %dma_start3A_839 = tpu.memref_slice %arg7[%dma_start3A_834, %dma_start3A_838] : memref<64x100xi32, #tpu.memory_space<vmem>> -> memref<1x100xi32, #tpu.memory_space<vmem>>
    %dma_start3A_840 = tpu.memref_squeeze %dma_start3A_839 : memref<1x100xi32, #tpu.memory_space<vmem>> -> memref<100xi32, #tpu.memory_space<vmem>>
    %dma_start3A_841 = arith.constant 0 : i32
    %dma_start3A_842 = arith.constant 0 : i32
    %dma_start3A_843 = tpu.memref_slice %arg3[%dma_start3A_841, %dma_start3A_842] : memref<100000x128xf32, #tpu.memory_space<hbm>> -> memref<100000x128xf32, #tpu.memory_space<hbm>>
    tpu.enqueue_indirect_dma source(%dma_start3A_843 : memref<100000x128xf32, #tpu.memory_space<hbm>>) target(%dma_start3A_837 : memref<100x128xf32, #tpu.memory_space<vmem>>) offsets(%dma_start3A_840 : memref<100xi32, #tpu.memory_space<vmem>>) semaphore(%arg20 : memref<!tpu.dma_semaphore, #tpu.memory_space<semaphore_mem>>) {add = true}
    %dma_start3A_844 = arith.constant 31 : i32
    %dma_start3A_845 = arith.constant 100 : i32
    %dma_start3A_846 = arith.constant 0 : i32
    %dma_start3A_847 = tpu.memref_slice %arg11[%dma_start3A_845, %dma_start3A_846] : memref<200x128xf32, #tpu.memory_space<vmem>> -> memref<100x128xf32, #tpu.memory_space<vmem>>
    %dma_start3A_848 = arith.constant 0 : i32
    %dma_start3A_849 = tpu.memref_slice %arg7[%dma_start3A_844, %dma_start3A_848] : memref<64x100xi32, #tpu.memory_space<vmem>> -> memref<1x100xi32, #tpu.memory_space<vmem>>
    %dma_start3A_850 = tpu.memref_squeeze %dma_start3A_849 : memref<1x100xi32, #tpu.memory_space<vmem>> -> memref<100xi32, #tpu.memory_space<vmem>>
    %dma_start3A_851 = arith.constant 0 : i32
    %dma_start3A_852 = arith.constant 0 : i32
    %dma_start3A_853 = tpu.memref_slice %arg3[%dma_start3A_851, %dma_start3A_852] : memref<100000x128xf32, #tpu.memory_space<hbm>> -> memref<100000x128xf32, #tpu.memory_space<hbm>>
    tpu.enqueue_indirect_dma source(%dma_start3A_853 : memref<100000x128xf32, #tpu.memory_space<hbm>>) target(%dma_start3A_847 : memref<100x128xf32, #tpu.memory_space<vmem>>) offsets(%dma_start3A_850 : memref<100xi32, #tpu.memory_space<vmem>>) semaphore(%arg20 : memref<!tpu.dma_semaphore, #tpu.memory_space<semaphore_mem>>) {add = true}
    %dma_wait3A_854 = arith.constant 0 : i32
    %dma_wait3A_855 = arith.constant 0 : i32
    %dma_wait3A_856 = tpu.memref_slice %arg5[%add3A_767, %dma_wait3A_854, %dma_wait3A_855] : memref<1024x200x128xf32, #tpu.memory_space<hbm>> -> memref<1x200x128xf32, #tpu.memory_space<hbm>>
    %dma_wait3A_857 = tpu.memref_squeeze %dma_wait3A_856 : memref<1x200x128xf32, #tpu.memory_space<hbm>> -> memref<200x128xf32, #tpu.memory_space<hbm>>
    %dma_wait3A_858 = arith.constant 0 : i32
    %dma_wait3A_859 = arith.constant 0 : i32
    %dma_wait3A_860 = tpu.memref_slice %arg5[%add3A_767, %dma_wait3A_858, %dma_wait3A_859] : memref<1024x200x128xf32, #tpu.memory_space<hbm>> -> memref<1x200x128xf32, #tpu.memory_space<hbm>>
    %dma_wait3A_861 = tpu.memref_squeeze %dma_wait3A_860 : memref<1x200x128xf32, #tpu.memory_space<hbm>> -> memref<200x128xf32, #tpu.memory_space<hbm>>
    tpu.wait_dma2 semaphore(%arg21 : memref<!tpu.dma_semaphore, #tpu.memory_space<semaphore_mem>>) src(%arg8 : memref<200x128xf32, #tpu.memory_space<vmem>>) dst(%dma_wait3A_861 : memref<200x128xf32, #tpu.memory_space<hbm>>)
    tpu.enqueue_dma source(%arg6 : memref<200x128xf32, #tpu.memory_space<vmem_shared>>) target(%arg8 : memref<200x128xf32, #tpu.memory_space<vmem>>) target_semaphore(%arg13 : memref<!tpu.dma_semaphore, #tpu.memory_space<semaphore_mem>>)
    %dma_wait3A_862 = arith.constant 28 : i32
    %dma_wait3A_863 = arith.constant 0 : i32
    %dma_wait3A_864 = arith.constant 0 : i32
    %dma_wait3A_865 = tpu.memref_slice %arg10[%dma_wait3A_863, %dma_wait3A_864] : memref<200x128xf32, #tpu.memory_space<vmem>> -> memref<100x128xf32, #tpu.memory_space<vmem>>
    %dma_wait3A_866 = arith.constant 0 : i32
    %dma_wait3A_867 = tpu.memref_slice %arg7[%dma_wait3A_862, %dma_wait3A_866] : memref<64x100xi32, #tpu.memory_space<vmem>> -> memref<1x100xi32, #tpu.memory_space<vmem>>
    %dma_wait3A_868 = tpu.memref_squeeze %dma_wait3A_867 : memref<1x100xi32, #tpu.memory_space<vmem>> -> memref<100xi32, #tpu.memory_space<vmem>>
    %dma_wait3A_869 = arith.constant 0 : i32
    %dma_wait3A_870 = arith.constant 0 : i32
    %dma_wait3A_871 = tpu.memref_slice %arg3[%dma_wait3A_869, %dma_wait3A_870] : memref<100000x128xf32, #tpu.memory_space<hbm>> -> memref<100000x128xf32, #tpu.memory_space<hbm>>
    tpu.wait_indirect_dma semaphore(%arg19 : memref<!tpu.dma_semaphore, #tpu.memory_space<semaphore_mem>>) src(%dma_wait3A_871 : memref<100000x128xf32, #tpu.memory_space<hbm>>) dst(%dma_wait3A_865 : memref<100x128xf32, #tpu.memory_space<vmem>>)
    %dma_wait3A_872 = arith.constant 29 : i32
    %dma_wait3A_873 = arith.constant 100 : i32
    %dma_wait3A_874 = arith.constant 0 : i32
    %dma_wait3A_875 = tpu.memref_slice %arg10[%dma_wait3A_873, %dma_wait3A_874] : memref<200x128xf32, #tpu.memory_space<vmem>> -> memref<100x128xf32, #tpu.memory_space<vmem>>
    %dma_wait3A_876 = arith.constant 0 : i32
    %dma_wait3A_877 = tpu.memref_slice %arg7[%dma_wait3A_872, %dma_wait3A_876] : memref<64x100xi32, #tpu.memory_space<vmem>> -> memref<1x100xi32, #tpu.memory_space<vmem>>
    %dma_wait3A_878 = tpu.memref_squeeze %dma_wait3A_877 : memref<1x100xi32, #tpu.memory_space<vmem>> -> memref<100xi32, #tpu.memory_space<vmem>>
    %dma_wait3A_879 = arith.constant 0 : i32
    %dma_wait3A_880 = arith.constant 0 : i32
    %dma_wait3A_881 = tpu.memref_slice %arg3[%dma_wait3A_879, %dma_wait3A_880] : memref<100000x128xf32, #tpu.memory_space<hbm>> -> memref<100000x128xf32, #tpu.memory_space<hbm>>
    tpu.wait_indirect_dma semaphore(%arg19 : memref<!tpu.dma_semaphore, #tpu.memory_space<semaphore_mem>>) src(%dma_wait3A_881 : memref<100000x128xf32, #tpu.memory_space<hbm>>) dst(%dma_wait3A_875 : memref<100x128xf32, #tpu.memory_space<vmem>>)
    %add3A_882 = arith.constant 14 : i32
    %add3A_883 = arith.addi %mul3A_2, %add3A_882 : i32
    %dma_start3A_884 = arith.constant 0 : i32
    %dma_start3A_885 = arith.constant 0 : i32
    %dma_start3A_886 = tpu.memref_slice %arg5[%add3A_883, %dma_start3A_884, %dma_start3A_885] : memref<1024x200x128xf32, #tpu.memory_space<hbm>> -> memref<1x200x128xf32, #tpu.memory_space<hbm>>
    %dma_start3A_887 = tpu.memref_squeeze %dma_start3A_886 : memref<1x200x128xf32, #tpu.memory_space<hbm>> -> memref<200x128xf32, #tpu.memory_space<hbm>>
    %dma_start3A_888 = arith.constant 0 : i32
    %dma_start3A_889 = arith.constant 0 : i32
    %dma_start3A_890 = tpu.memref_slice %arg5[%add3A_883, %dma_start3A_888, %dma_start3A_889] : memref<1024x200x128xf32, #tpu.memory_space<hbm>> -> memref<1x200x128xf32, #tpu.memory_space<hbm>>
    %dma_start3A_891 = tpu.memref_squeeze %dma_start3A_890 : memref<1x200x128xf32, #tpu.memory_space<hbm>> -> memref<200x128xf32, #tpu.memory_space<hbm>>
    tpu.enqueue_dma source(%arg10 : memref<200x128xf32, #tpu.memory_space<vmem>>) target(%dma_start3A_891 : memref<200x128xf32, #tpu.memory_space<hbm>>) target_semaphore(%arg23 : memref<!tpu.dma_semaphore, #tpu.memory_space<semaphore_mem>>)
    tpu.wait_dma2 semaphore(%arg13 : memref<!tpu.dma_semaphore, #tpu.memory_space<semaphore_mem>>) src(%arg6 : memref<200x128xf32, #tpu.memory_space<vmem_shared>>) dst(%arg8 : memref<200x128xf32, #tpu.memory_space<vmem>>)
    %dma_start3A_892 = arith.constant 32 : i32
    %dma_start3A_893 = arith.constant 0 : i32
    %dma_start3A_894 = arith.constant 0 : i32
    %dma_start3A_895 = tpu.memref_slice %arg8[%dma_start3A_893, %dma_start3A_894] : memref<200x128xf32, #tpu.memory_space<vmem>> -> memref<100x128xf32, #tpu.memory_space<vmem>>
    %dma_start3A_896 = arith.constant 0 : i32
    %dma_start3A_897 = tpu.memref_slice %arg7[%dma_start3A_892, %dma_start3A_896] : memref<64x100xi32, #tpu.memory_space<vmem>> -> memref<1x100xi32, #tpu.memory_space<vmem>>
    %dma_start3A_898 = tpu.memref_squeeze %dma_start3A_897 : memref<1x100xi32, #tpu.memory_space<vmem>> -> memref<100xi32, #tpu.memory_space<vmem>>
    %dma_start3A_899 = arith.constant 0 : i32
    %dma_start3A_900 = arith.constant 0 : i32
    %dma_start3A_901 = tpu.memref_slice %arg3[%dma_start3A_899, %dma_start3A_900] : memref<100000x128xf32, #tpu.memory_space<hbm>> -> memref<100000x128xf32, #tpu.memory_space<hbm>>
    tpu.enqueue_indirect_dma source(%dma_start3A_901 : memref<100000x128xf32, #tpu.memory_space<hbm>>) target(%dma_start3A_895 : memref<100x128xf32, #tpu.memory_space<vmem>>) offsets(%dma_start3A_898 : memref<100xi32, #tpu.memory_space<vmem>>) semaphore(%arg17 : memref<!tpu.dma_semaphore, #tpu.memory_space<semaphore_mem>>) {add = true}
    %dma_start3A_902 = arith.constant 33 : i32
    %dma_start3A_903 = arith.constant 100 : i32
    %dma_start3A_904 = arith.constant 0 : i32
    %dma_start3A_905 = tpu.memref_slice %arg8[%dma_start3A_903, %dma_start3A_904] : memref<200x128xf32, #tpu.memory_space<vmem>> -> memref<100x128xf32, #tpu.memory_space<vmem>>
    %dma_start3A_906 = arith.constant 0 : i32
    %dma_start3A_907 = tpu.memref_slice %arg7[%dma_start3A_902, %dma_start3A_906] : memref<64x100xi32, #tpu.memory_space<vmem>> -> memref<1x100xi32, #tpu.memory_space<vmem>>
    %dma_start3A_908 = tpu.memref_squeeze %dma_start3A_907 : memref<1x100xi32, #tpu.memory_space<vmem>> -> memref<100xi32, #tpu.memory_space<vmem>>
    %dma_start3A_909 = arith.constant 0 : i32
    %dma_start3A_910 = arith.constant 0 : i32
    %dma_start3A_911 = tpu.memref_slice %arg3[%dma_start3A_909, %dma_start3A_910] : memref<100000x128xf32, #tpu.memory_space<hbm>> -> memref<100000x128xf32, #tpu.memory_space<hbm>>
    tpu.enqueue_indirect_dma source(%dma_start3A_911 : memref<100000x128xf32, #tpu.memory_space<hbm>>) target(%dma_start3A_905 : memref<100x128xf32, #tpu.memory_space<vmem>>) offsets(%dma_start3A_908 : memref<100xi32, #tpu.memory_space<vmem>>) semaphore(%arg17 : memref<!tpu.dma_semaphore, #tpu.memory_space<semaphore_mem>>) {add = true}
    %dma_wait3A_912 = arith.constant 0 : i32
    %dma_wait3A_913 = arith.constant 0 : i32
    %dma_wait3A_914 = tpu.memref_slice %arg5[%add3A_825, %dma_wait3A_912, %dma_wait3A_913] : memref<1024x200x128xf32, #tpu.memory_space<hbm>> -> memref<1x200x128xf32, #tpu.memory_space<hbm>>
    %dma_wait3A_915 = tpu.memref_squeeze %dma_wait3A_914 : memref<1x200x128xf32, #tpu.memory_space<hbm>> -> memref<200x128xf32, #tpu.memory_space<hbm>>
    %dma_wait3A_916 = arith.constant 0 : i32
    %dma_wait3A_917 = arith.constant 0 : i32
    %dma_wait3A_918 = tpu.memref_slice %arg5[%add3A_825, %dma_wait3A_916, %dma_wait3A_917] : memref<1024x200x128xf32, #tpu.memory_space<hbm>> -> memref<1x200x128xf32, #tpu.memory_space<hbm>>
    %dma_wait3A_919 = tpu.memref_squeeze %dma_wait3A_918 : memref<1x200x128xf32, #tpu.memory_space<hbm>> -> memref<200x128xf32, #tpu.memory_space<hbm>>
    tpu.wait_dma2 semaphore(%arg22 : memref<!tpu.dma_semaphore, #tpu.memory_space<semaphore_mem>>) src(%arg9 : memref<200x128xf32, #tpu.memory_space<vmem>>) dst(%dma_wait3A_919 : memref<200x128xf32, #tpu.memory_space<hbm>>)
    tpu.enqueue_dma source(%arg6 : memref<200x128xf32, #tpu.memory_space<vmem_shared>>) target(%arg9 : memref<200x128xf32, #tpu.memory_space<vmem>>) target_semaphore(%arg14 : memref<!tpu.dma_semaphore, #tpu.memory_space<semaphore_mem>>)
    %dma_wait3A_920 = arith.constant 30 : i32
    %dma_wait3A_921 = arith.constant 0 : i32
    %dma_wait3A_922 = arith.constant 0 : i32
    %dma_wait3A_923 = tpu.memref_slice %arg11[%dma_wait3A_921, %dma_wait3A_922] : memref<200x128xf32, #tpu.memory_space<vmem>> -> memref<100x128xf32, #tpu.memory_space<vmem>>
    %dma_wait3A_924 = arith.constant 0 : i32
    %dma_wait3A_925 = tpu.memref_slice %arg7[%dma_wait3A_920, %dma_wait3A_924] : memref<64x100xi32, #tpu.memory_space<vmem>> -> memref<1x100xi32, #tpu.memory_space<vmem>>
    %dma_wait3A_926 = tpu.memref_squeeze %dma_wait3A_925 : memref<1x100xi32, #tpu.memory_space<vmem>> -> memref<100xi32, #tpu.memory_space<vmem>>
    %dma_wait3A_927 = arith.constant 0 : i32
    %dma_wait3A_928 = arith.constant 0 : i32
    %dma_wait3A_929 = tpu.memref_slice %arg3[%dma_wait3A_927, %dma_wait3A_928] : memref<100000x128xf32, #tpu.memory_space<hbm>> -> memref<100000x128xf32, #tpu.memory_space<hbm>>
    tpu.wait_indirect_dma semaphore(%arg20 : memref<!tpu.dma_semaphore, #tpu.memory_space<semaphore_mem>>) src(%dma_wait3A_929 : memref<100000x128xf32, #tpu.memory_space<hbm>>) dst(%dma_wait3A_923 : memref<100x128xf32, #tpu.memory_space<vmem>>)
    %dma_wait3A_930 = arith.constant 31 : i32
    %dma_wait3A_931 = arith.constant 100 : i32
    %dma_wait3A_932 = arith.constant 0 : i32
    %dma_wait3A_933 = tpu.memref_slice %arg11[%dma_wait3A_931, %dma_wait3A_932] : memref<200x128xf32, #tpu.memory_space<vmem>> -> memref<100x128xf32, #tpu.memory_space<vmem>>
    %dma_wait3A_934 = arith.constant 0 : i32
    %dma_wait3A_935 = tpu.memref_slice %arg7[%dma_wait3A_930, %dma_wait3A_934] : memref<64x100xi32, #tpu.memory_space<vmem>> -> memref<1x100xi32, #tpu.memory_space<vmem>>
    %dma_wait3A_936 = tpu.memref_squeeze %dma_wait3A_935 : memref<1x100xi32, #tpu.memory_space<vmem>> -> memref<100xi32, #tpu.memory_space<vmem>>
    %dma_wait3A_937 = arith.constant 0 : i32
    %dma_wait3A_938 = arith.constant 0 : i32
    %dma_wait3A_939 = tpu.memref_slice %arg3[%dma_wait3A_937, %dma_wait3A_938] : memref<100000x128xf32, #tpu.memory_space<hbm>> -> memref<100000x128xf32, #tpu.memory_space<hbm>>
    tpu.wait_indirect_dma semaphore(%arg20 : memref<!tpu.dma_semaphore, #tpu.memory_space<semaphore_mem>>) src(%dma_wait3A_939 : memref<100000x128xf32, #tpu.memory_space<hbm>>) dst(%dma_wait3A_933 : memref<100x128xf32, #tpu.memory_space<vmem>>)
    %add3A_940 = arith.constant 15 : i32
    %add3A_941 = arith.addi %mul3A_2, %add3A_940 : i32
    %dma_start3A_942 = arith.constant 0 : i32
    %dma_start3A_943 = arith.constant 0 : i32
    %dma_start3A_944 = tpu.memref_slice %arg5[%add3A_941, %dma_start3A_942, %dma_start3A_943] : memref<1024x200x128xf32, #tpu.memory_space<hbm>> -> memref<1x200x128xf32, #tpu.memory_space<hbm>>
    %dma_start3A_945 = tpu.memref_squeeze %dma_start3A_944 : memref<1x200x128xf32, #tpu.memory_space<hbm>> -> memref<200x128xf32, #tpu.memory_space<hbm>>
    %dma_start3A_946 = arith.constant 0 : i32
    %dma_start3A_947 = arith.constant 0 : i32
    %dma_start3A_948 = tpu.memref_slice %arg5[%add3A_941, %dma_start3A_946, %dma_start3A_947] : memref<1024x200x128xf32, #tpu.memory_space<hbm>> -> memref<1x200x128xf32, #tpu.memory_space<hbm>>
    %dma_start3A_949 = tpu.memref_squeeze %dma_start3A_948 : memref<1x200x128xf32, #tpu.memory_space<hbm>> -> memref<200x128xf32, #tpu.memory_space<hbm>>
    tpu.enqueue_dma source(%arg11 : memref<200x128xf32, #tpu.memory_space<vmem>>) target(%dma_start3A_949 : memref<200x128xf32, #tpu.memory_space<hbm>>) target_semaphore(%arg24 : memref<!tpu.dma_semaphore, #tpu.memory_space<semaphore_mem>>)
    tpu.wait_dma2 semaphore(%arg14 : memref<!tpu.dma_semaphore, #tpu.memory_space<semaphore_mem>>) src(%arg6 : memref<200x128xf32, #tpu.memory_space<vmem_shared>>) dst(%arg9 : memref<200x128xf32, #tpu.memory_space<vmem>>)
    %dma_start3A_950 = arith.constant 34 : i32
    %dma_start3A_951 = arith.constant 0 : i32
    %dma_start3A_952 = arith.constant 0 : i32
    %dma_start3A_953 = tpu.memref_slice %arg9[%dma_start3A_951, %dma_start3A_952] : memref<200x128xf32, #tpu.memory_space<vmem>> -> memref<100x128xf32, #tpu.memory_space<vmem>>
    %dma_start3A_954 = arith.constant 0 : i32
    %dma_start3A_955 = tpu.memref_slice %arg7[%dma_start3A_950, %dma_start3A_954] : memref<64x100xi32, #tpu.memory_space<vmem>> -> memref<1x100xi32, #tpu.memory_space<vmem>>
    %dma_start3A_956 = tpu.memref_squeeze %dma_start3A_955 : memref<1x100xi32, #tpu.memory_space<vmem>> -> memref<100xi32, #tpu.memory_space<vmem>>
    %dma_start3A_957 = arith.constant 0 : i32
    %dma_start3A_958 = arith.constant 0 : i32
    %dma_start3A_959 = tpu.memref_slice %arg3[%dma_start3A_957, %dma_start3A_958] : memref<100000x128xf32, #tpu.memory_space<hbm>> -> memref<100000x128xf32, #tpu.memory_space<hbm>>
    tpu.enqueue_indirect_dma source(%dma_start3A_959 : memref<100000x128xf32, #tpu.memory_space<hbm>>) target(%dma_start3A_953 : memref<100x128xf32, #tpu.memory_space<vmem>>) offsets(%dma_start3A_956 : memref<100xi32, #tpu.memory_space<vmem>>) semaphore(%arg18 : memref<!tpu.dma_semaphore, #tpu.memory_space<semaphore_mem>>) {add = true}
    %dma_start3A_960 = arith.constant 35 : i32
    %dma_start3A_961 = arith.constant 100 : i32
    %dma_start3A_962 = arith.constant 0 : i32
    %dma_start3A_963 = tpu.memref_slice %arg9[%dma_start3A_961, %dma_start3A_962] : memref<200x128xf32, #tpu.memory_space<vmem>> -> memref<100x128xf32, #tpu.memory_space<vmem>>
    %dma_start3A_964 = arith.constant 0 : i32
    %dma_start3A_965 = tpu.memref_slice %arg7[%dma_start3A_960, %dma_start3A_964] : memref<64x100xi32, #tpu.memory_space<vmem>> -> memref<1x100xi32, #tpu.memory_space<vmem>>
    %dma_start3A_966 = tpu.memref_squeeze %dma_start3A_965 : memref<1x100xi32, #tpu.memory_space<vmem>> -> memref<100xi32, #tpu.memory_space<vmem>>
    %dma_start3A_967 = arith.constant 0 : i32
    %dma_start3A_968 = arith.constant 0 : i32
    %dma_start3A_969 = tpu.memref_slice %arg3[%dma_start3A_967, %dma_start3A_968] : memref<100000x128xf32, #tpu.memory_space<hbm>> -> memref<100000x128xf32, #tpu.memory_space<hbm>>
    tpu.enqueue_indirect_dma source(%dma_start3A_969 : memref<100000x128xf32, #tpu.memory_space<hbm>>) target(%dma_start3A_963 : memref<100x128xf32, #tpu.memory_space<vmem>>) offsets(%dma_start3A_966 : memref<100xi32, #tpu.memory_space<vmem>>) semaphore(%arg18 : memref<!tpu.dma_semaphore, #tpu.memory_space<semaphore_mem>>) {add = true}
    %dma_wait3A_970 = arith.constant 0 : i32
    %dma_wait3A_971 = arith.constant 0 : i32
    %dma_wait3A_972 = tpu.memref_slice %arg5[%add3A_883, %dma_wait3A_970, %dma_wait3A_971] : memref<1024x200x128xf32, #tpu.memory_space<hbm>> -> memref<1x200x128xf32, #tpu.memory_space<hbm>>
    %dma_wait3A_973 = tpu.memref_squeeze %dma_wait3A_972 : memref<1x200x128xf32, #tpu.memory_space<hbm>> -> memref<200x128xf32, #tpu.memory_space<hbm>>
    %dma_wait3A_974 = arith.constant 0 : i32
    %dma_wait3A_975 = arith.constant 0 : i32
    %dma_wait3A_976 = tpu.memref_slice %arg5[%add3A_883, %dma_wait3A_974, %dma_wait3A_975] : memref<1024x200x128xf32, #tpu.memory_space<hbm>> -> memref<1x200x128xf32, #tpu.memory_space<hbm>>
    %dma_wait3A_977 = tpu.memref_squeeze %dma_wait3A_976 : memref<1x200x128xf32, #tpu.memory_space<hbm>> -> memref<200x128xf32, #tpu.memory_space<hbm>>
    tpu.wait_dma2 semaphore(%arg23 : memref<!tpu.dma_semaphore, #tpu.memory_space<semaphore_mem>>) src(%arg10 : memref<200x128xf32, #tpu.memory_space<vmem>>) dst(%dma_wait3A_977 : memref<200x128xf32, #tpu.memory_space<hbm>>)
    tpu.enqueue_dma source(%arg6 : memref<200x128xf32, #tpu.memory_space<vmem_shared>>) target(%arg10 : memref<200x128xf32, #tpu.memory_space<vmem>>) target_semaphore(%arg15 : memref<!tpu.dma_semaphore, #tpu.memory_space<semaphore_mem>>)
    %dma_wait3A_978 = arith.constant 32 : i32
    %dma_wait3A_979 = arith.constant 0 : i32
    %dma_wait3A_980 = arith.constant 0 : i32
    %dma_wait3A_981 = tpu.memref_slice %arg8[%dma_wait3A_979, %dma_wait3A_980] : memref<200x128xf32, #tpu.memory_space<vmem>> -> memref<100x128xf32, #tpu.memory_space<vmem>>
    %dma_wait3A_982 = arith.constant 0 : i32
    %dma_wait3A_983 = tpu.memref_slice %arg7[%dma_wait3A_978, %dma_wait3A_982] : memref<64x100xi32, #tpu.memory_space<vmem>> -> memref<1x100xi32, #tpu.memory_space<vmem>>
    %dma_wait3A_984 = tpu.memref_squeeze %dma_wait3A_983 : memref<1x100xi32, #tpu.memory_space<vmem>> -> memref<100xi32, #tpu.memory_space<vmem>>
    %dma_wait3A_985 = arith.constant 0 : i32
    %dma_wait3A_986 = arith.constant 0 : i32
    %dma_wait3A_987 = tpu.memref_slice %arg3[%dma_wait3A_985, %dma_wait3A_986] : memref<100000x128xf32, #tpu.memory_space<hbm>> -> memref<100000x128xf32, #tpu.memory_space<hbm>>
    tpu.wait_indirect_dma semaphore(%arg17 : memref<!tpu.dma_semaphore, #tpu.memory_space<semaphore_mem>>) src(%dma_wait3A_987 : memref<100000x128xf32, #tpu.memory_space<hbm>>) dst(%dma_wait3A_981 : memref<100x128xf32, #tpu.memory_space<vmem>>)
    %dma_wait3A_988 = arith.constant 33 : i32
    %dma_wait3A_989 = arith.constant 100 : i32
    %dma_wait3A_990 = arith.constant 0 : i32
    %dma_wait3A_991 = tpu.memref_slice %arg8[%dma_wait3A_989, %dma_wait3A_990] : memref<200x128xf32, #tpu.memory_space<vmem>> -> memref<100x128xf32, #tpu.memory_space<vmem>>
    %dma_wait3A_992 = arith.constant 0 : i32
    %dma_wait3A_993 = tpu.memref_slice %arg7[%dma_wait3A_988, %dma_wait3A_992] : memref<64x100xi32, #tpu.memory_space<vmem>> -> memref<1x100xi32, #tpu.memory_space<vmem>>
    %dma_wait3A_994 = tpu.memref_squeeze %dma_wait3A_993 : memref<1x100xi32, #tpu.memory_space<vmem>> -> memref<100xi32, #tpu.memory_space<vmem>>
    %dma_wait3A_995 = arith.constant 0 : i32
    %dma_wait3A_996 = arith.constant 0 : i32
    %dma_wait3A_997 = tpu.memref_slice %arg3[%dma_wait3A_995, %dma_wait3A_996] : memref<100000x128xf32, #tpu.memory_space<hbm>> -> memref<100000x128xf32, #tpu.memory_space<hbm>>
    tpu.wait_indirect_dma semaphore(%arg17 : memref<!tpu.dma_semaphore, #tpu.memory_space<semaphore_mem>>) src(%dma_wait3A_997 : memref<100000x128xf32, #tpu.memory_space<hbm>>) dst(%dma_wait3A_991 : memref<100x128xf32, #tpu.memory_space<vmem>>)
    %add3A_998 = arith.constant 16 : i32
    %add3A_999 = arith.addi %mul3A_2, %add3A_998 : i32
    %dma_start3A_1000 = arith.constant 0 : i32
    %dma_start3A_1001 = arith.constant 0 : i32
    %dma_start3A_1002 = tpu.memref_slice %arg5[%add3A_999, %dma_start3A_1000, %dma_start3A_1001] : memref<1024x200x128xf32, #tpu.memory_space<hbm>> -> memref<1x200x128xf32, #tpu.memory_space<hbm>>
    %dma_start3A_1003 = tpu.memref_squeeze %dma_start3A_1002 : memref<1x200x128xf32, #tpu.memory_space<hbm>> -> memref<200x128xf32, #tpu.memory_space<hbm>>
    %dma_start3A_1004 = arith.constant 0 : i32
    %dma_start3A_1005 = arith.constant 0 : i32
    %dma_start3A_1006 = tpu.memref_slice %arg5[%add3A_999, %dma_start3A_1004, %dma_start3A_1005] : memref<1024x200x128xf32, #tpu.memory_space<hbm>> -> memref<1x200x128xf32, #tpu.memory_space<hbm>>
    %dma_start3A_1007 = tpu.memref_squeeze %dma_start3A_1006 : memref<1x200x128xf32, #tpu.memory_space<hbm>> -> memref<200x128xf32, #tpu.memory_space<hbm>>
    tpu.enqueue_dma source(%arg8 : memref<200x128xf32, #tpu.memory_space<vmem>>) target(%dma_start3A_1007 : memref<200x128xf32, #tpu.memory_space<hbm>>) target_semaphore(%arg21 : memref<!tpu.dma_semaphore, #tpu.memory_space<semaphore_mem>>)
    tpu.wait_dma2 semaphore(%arg15 : memref<!tpu.dma_semaphore, #tpu.memory_space<semaphore_mem>>) src(%arg6 : memref<200x128xf32, #tpu.memory_space<vmem_shared>>) dst(%arg10 : memref<200x128xf32, #tpu.memory_space<vmem>>)
    %dma_start3A_1008 = arith.constant 36 : i32
    %dma_start3A_1009 = arith.constant 0 : i32
    %dma_start3A_1010 = arith.constant 0 : i32
    %dma_start3A_1011 = tpu.memref_slice %arg10[%dma_start3A_1009, %dma_start3A_1010] : memref<200x128xf32, #tpu.memory_space<vmem>> -> memref<100x128xf32, #tpu.memory_space<vmem>>
    %dma_start3A_1012 = arith.constant 0 : i32
    %dma_start3A_1013 = tpu.memref_slice %arg7[%dma_start3A_1008, %dma_start3A_1012] : memref<64x100xi32, #tpu.memory_space<vmem>> -> memref<1x100xi32, #tpu.memory_space<vmem>>
    %dma_start3A_1014 = tpu.memref_squeeze %dma_start3A_1013 : memref<1x100xi32, #tpu.memory_space<vmem>> -> memref<100xi32, #tpu.memory_space<vmem>>
    %dma_start3A_1015 = arith.constant 0 : i32
    %dma_start3A_1016 = arith.constant 0 : i32
    %dma_start3A_1017 = tpu.memref_slice %arg3[%dma_start3A_1015, %dma_start3A_1016] : memref<100000x128xf32, #tpu.memory_space<hbm>> -> memref<100000x128xf32, #tpu.memory_space<hbm>>
    tpu.enqueue_indirect_dma source(%dma_start3A_1017 : memref<100000x128xf32, #tpu.memory_space<hbm>>) target(%dma_start3A_1011 : memref<100x128xf32, #tpu.memory_space<vmem>>) offsets(%dma_start3A_1014 : memref<100xi32, #tpu.memory_space<vmem>>) semaphore(%arg19 : memref<!tpu.dma_semaphore, #tpu.memory_space<semaphore_mem>>) {add = true}
    %dma_start3A_1018 = arith.constant 37 : i32
    %dma_start3A_1019 = arith.constant 100 : i32
    %dma_start3A_1020 = arith.constant 0 : i32
    %dma_start3A_1021 = tpu.memref_slice %arg10[%dma_start3A_1019, %dma_start3A_1020] : memref<200x128xf32, #tpu.memory_space<vmem>> -> memref<100x128xf32, #tpu.memory_space<vmem>>
    %dma_start3A_1022 = arith.constant 0 : i32
    %dma_start3A_1023 = tpu.memref_slice %arg7[%dma_start3A_1018, %dma_start3A_1022] : memref<64x100xi32, #tpu.memory_space<vmem>> -> memref<1x100xi32, #tpu.memory_space<vmem>>
    %dma_start3A_1024 = tpu.memref_squeeze %dma_start3A_1023 : memref<1x100xi32, #tpu.memory_space<vmem>> -> memref<100xi32, #tpu.memory_space<vmem>>
    %dma_start3A_1025 = arith.constant 0 : i32
    %dma_start3A_1026 = arith.constant 0 : i32
    %dma_start3A_1027 = tpu.memref_slice %arg3[%dma_start3A_1025, %dma_start3A_1026] : memref<100000x128xf32, #tpu.memory_space<hbm>> -> memref<100000x128xf32, #tpu.memory_space<hbm>>
    tpu.enqueue_indirect_dma source(%dma_start3A_1027 : memref<100000x128xf32, #tpu.memory_space<hbm>>) target(%dma_start3A_1021 : memref<100x128xf32, #tpu.memory_space<vmem>>) offsets(%dma_start3A_1024 : memref<100xi32, #tpu.memory_space<vmem>>) semaphore(%arg19 : memref<!tpu.dma_semaphore, #tpu.memory_space<semaphore_mem>>) {add = true}
    %dma_wait3A_1028 = arith.constant 0 : i32
    %dma_wait3A_1029 = arith.constant 0 : i32
    %dma_wait3A_1030 = tpu.memref_slice %arg5[%add3A_941, %dma_wait3A_1028, %dma_wait3A_1029] : memref<1024x200x128xf32, #tpu.memory_space<hbm>> -> memref<1x200x128xf32, #tpu.memory_space<hbm>>
    %dma_wait3A_1031 = tpu.memref_squeeze %dma_wait3A_1030 : memref<1x200x128xf32, #tpu.memory_space<hbm>> -> memref<200x128xf32, #tpu.memory_space<hbm>>
    %dma_wait3A_1032 = arith.constant 0 : i32
    %dma_wait3A_1033 = arith.constant 0 : i32
    %dma_wait3A_1034 = tpu.memref_slice %arg5[%add3A_941, %dma_wait3A_1032, %dma_wait3A_1033] : memref<1024x200x128xf32, #tpu.memory_space<hbm>> -> memref<1x200x128xf32, #tpu.memory_space<hbm>>
    %dma_wait3A_1035 = tpu.memref_squeeze %dma_wait3A_1034 : memref<1x200x128xf32, #tpu.memory_space<hbm>> -> memref<200x128xf32, #tpu.memory_space<hbm>>
    tpu.wait_dma2 semaphore(%arg24 : memref<!tpu.dma_semaphore, #tpu.memory_space<semaphore_mem>>) src(%arg11 : memref<200x128xf32, #tpu.memory_space<vmem>>) dst(%dma_wait3A_1035 : memref<200x128xf32, #tpu.memory_space<hbm>>)
    tpu.enqueue_dma source(%arg6 : memref<200x128xf32, #tpu.memory_space<vmem_shared>>) target(%arg11 : memref<200x128xf32, #tpu.memory_space<vmem>>) target_semaphore(%arg16 : memref<!tpu.dma_semaphore, #tpu.memory_space<semaphore_mem>>)
    %dma_wait3A_1036 = arith.constant 34 : i32
    %dma_wait3A_1037 = arith.constant 0 : i32
    %dma_wait3A_1038 = arith.constant 0 : i32
    %dma_wait3A_1039 = tpu.memref_slice %arg9[%dma_wait3A_1037, %dma_wait3A_1038] : memref<200x128xf32, #tpu.memory_space<vmem>> -> memref<100x128xf32, #tpu.memory_space<vmem>>
    %dma_wait3A_1040 = arith.constant 0 : i32
    %dma_wait3A_1041 = tpu.memref_slice %arg7[%dma_wait3A_1036, %dma_wait3A_1040] : memref<64x100xi32, #tpu.memory_space<vmem>> -> memref<1x100xi32, #tpu.memory_space<vmem>>
    %dma_wait3A_1042 = tpu.memref_squeeze %dma_wait3A_1041 : memref<1x100xi32, #tpu.memory_space<vmem>> -> memref<100xi32, #tpu.memory_space<vmem>>
    %dma_wait3A_1043 = arith.constant 0 : i32
    %dma_wait3A_1044 = arith.constant 0 : i32
    %dma_wait3A_1045 = tpu.memref_slice %arg3[%dma_wait3A_1043, %dma_wait3A_1044] : memref<100000x128xf32, #tpu.memory_space<hbm>> -> memref<100000x128xf32, #tpu.memory_space<hbm>>
    tpu.wait_indirect_dma semaphore(%arg18 : memref<!tpu.dma_semaphore, #tpu.memory_space<semaphore_mem>>) src(%dma_wait3A_1045 : memref<100000x128xf32, #tpu.memory_space<hbm>>) dst(%dma_wait3A_1039 : memref<100x128xf32, #tpu.memory_space<vmem>>)
    %dma_wait3A_1046 = arith.constant 35 : i32
    %dma_wait3A_1047 = arith.constant 100 : i32
    %dma_wait3A_1048 = arith.constant 0 : i32
    %dma_wait3A_1049 = tpu.memref_slice %arg9[%dma_wait3A_1047, %dma_wait3A_1048] : memref<200x128xf32, #tpu.memory_space<vmem>> -> memref<100x128xf32, #tpu.memory_space<vmem>>
    %dma_wait3A_1050 = arith.constant 0 : i32
    %dma_wait3A_1051 = tpu.memref_slice %arg7[%dma_wait3A_1046, %dma_wait3A_1050] : memref<64x100xi32, #tpu.memory_space<vmem>> -> memref<1x100xi32, #tpu.memory_space<vmem>>
    %dma_wait3A_1052 = tpu.memref_squeeze %dma_wait3A_1051 : memref<1x100xi32, #tpu.memory_space<vmem>> -> memref<100xi32, #tpu.memory_space<vmem>>
    %dma_wait3A_1053 = arith.constant 0 : i32
    %dma_wait3A_1054 = arith.constant 0 : i32
    %dma_wait3A_1055 = tpu.memref_slice %arg3[%dma_wait3A_1053, %dma_wait3A_1054] : memref<100000x128xf32, #tpu.memory_space<hbm>> -> memref<100000x128xf32, #tpu.memory_space<hbm>>
    tpu.wait_indirect_dma semaphore(%arg18 : memref<!tpu.dma_semaphore, #tpu.memory_space<semaphore_mem>>) src(%dma_wait3A_1055 : memref<100000x128xf32, #tpu.memory_space<hbm>>) dst(%dma_wait3A_1049 : memref<100x128xf32, #tpu.memory_space<vmem>>)
    %add3A_1056 = arith.constant 17 : i32
    %add3A_1057 = arith.addi %mul3A_2, %add3A_1056 : i32
    %dma_start3A_1058 = arith.constant 0 : i32
    %dma_start3A_1059 = arith.constant 0 : i32
    %dma_start3A_1060 = tpu.memref_slice %arg5[%add3A_1057, %dma_start3A_1058, %dma_start3A_1059] : memref<1024x200x128xf32, #tpu.memory_space<hbm>> -> memref<1x200x128xf32, #tpu.memory_space<hbm>>
    %dma_start3A_1061 = tpu.memref_squeeze %dma_start3A_1060 : memref<1x200x128xf32, #tpu.memory_space<hbm>> -> memref<200x128xf32, #tpu.memory_space<hbm>>
    %dma_start3A_1062 = arith.constant 0 : i32
    %dma_start3A_1063 = arith.constant 0 : i32
    %dma_start3A_1064 = tpu.memref_slice %arg5[%add3A_1057, %dma_start3A_1062, %dma_start3A_1063] : memref<1024x200x128xf32, #tpu.memory_space<hbm>> -> memref<1x200x128xf32, #tpu.memory_space<hbm>>
    %dma_start3A_1065 = tpu.memref_squeeze %dma_start3A_1064 : memref<1x200x128xf32, #tpu.memory_space<hbm>> -> memref<200x128xf32, #tpu.memory_space<hbm>>
    tpu.enqueue_dma source(%arg9 : memref<200x128xf32, #tpu.memory_space<vmem>>) target(%dma_start3A_1065 : memref<200x128xf32, #tpu.memory_space<hbm>>) target_semaphore(%arg22 : memref<!tpu.dma_semaphore, #tpu.memory_space<semaphore_mem>>)
    tpu.wait_dma2 semaphore(%arg16 : memref<!tpu.dma_semaphore, #tpu.memory_space<semaphore_mem>>) src(%arg6 : memref<200x128xf32, #tpu.memory_space<vmem_shared>>) dst(%arg11 : memref<200x128xf32, #tpu.memory_space<vmem>>)
    %dma_start3A_1066 = arith.constant 38 : i32
    %dma_start3A_1067 = arith.constant 0 : i32
    %dma_start3A_1068 = arith.constant 0 : i32
    %dma_start3A_1069 = tpu.memref_slice %arg11[%dma_start3A_1067, %dma_start3A_1068] : memref<200x128xf32, #tpu.memory_space<vmem>> -> memref<100x128xf32, #tpu.memory_space<vmem>>
    %dma_start3A_1070 = arith.constant 0 : i32
    %dma_start3A_1071 = tpu.memref_slice %arg7[%dma_start3A_1066, %dma_start3A_1070] : memref<64x100xi32, #tpu.memory_space<vmem>> -> memref<1x100xi32, #tpu.memory_space<vmem>>
    %dma_start3A_1072 = tpu.memref_squeeze %dma_start3A_1071 : memref<1x100xi32, #tpu.memory_space<vmem>> -> memref<100xi32, #tpu.memory_space<vmem>>
    %dma_start3A_1073 = arith.constant 0 : i32
    %dma_start3A_1074 = arith.constant 0 : i32
    %dma_start3A_1075 = tpu.memref_slice %arg3[%dma_start3A_1073, %dma_start3A_1074] : memref<100000x128xf32, #tpu.memory_space<hbm>> -> memref<100000x128xf32, #tpu.memory_space<hbm>>
    tpu.enqueue_indirect_dma source(%dma_start3A_1075 : memref<100000x128xf32, #tpu.memory_space<hbm>>) target(%dma_start3A_1069 : memref<100x128xf32, #tpu.memory_space<vmem>>) offsets(%dma_start3A_1072 : memref<100xi32, #tpu.memory_space<vmem>>) semaphore(%arg20 : memref<!tpu.dma_semaphore, #tpu.memory_space<semaphore_mem>>) {add = true}
    %dma_start3A_1076 = arith.constant 39 : i32
    %dma_start3A_1077 = arith.constant 100 : i32
    %dma_start3A_1078 = arith.constant 0 : i32
    %dma_start3A_1079 = tpu.memref_slice %arg11[%dma_start3A_1077, %dma_start3A_1078] : memref<200x128xf32, #tpu.memory_space<vmem>> -> memref<100x128xf32, #tpu.memory_space<vmem>>
    %dma_start3A_1080 = arith.constant 0 : i32
    %dma_start3A_1081 = tpu.memref_slice %arg7[%dma_start3A_1076, %dma_start3A_1080] : memref<64x100xi32, #tpu.memory_space<vmem>> -> memref<1x100xi32, #tpu.memory_space<vmem>>
    %dma_start3A_1082 = tpu.memref_squeeze %dma_start3A_1081 : memref<1x100xi32, #tpu.memory_space<vmem>> -> memref<100xi32, #tpu.memory_space<vmem>>
    %dma_start3A_1083 = arith.constant 0 : i32
    %dma_start3A_1084 = arith.constant 0 : i32
    %dma_start3A_1085 = tpu.memref_slice %arg3[%dma_start3A_1083, %dma_start3A_1084] : memref<100000x128xf32, #tpu.memory_space<hbm>> -> memref<100000x128xf32, #tpu.memory_space<hbm>>
    tpu.enqueue_indirect_dma source(%dma_start3A_1085 : memref<100000x128xf32, #tpu.memory_space<hbm>>) target(%dma_start3A_1079 : memref<100x128xf32, #tpu.memory_space<vmem>>) offsets(%dma_start3A_1082 : memref<100xi32, #tpu.memory_space<vmem>>) semaphore(%arg20 : memref<!tpu.dma_semaphore, #tpu.memory_space<semaphore_mem>>) {add = true}
    %dma_wait3A_1086 = arith.constant 0 : i32
    %dma_wait3A_1087 = arith.constant 0 : i32
    %dma_wait3A_1088 = tpu.memref_slice %arg5[%add3A_999, %dma_wait3A_1086, %dma_wait3A_1087] : memref<1024x200x128xf32, #tpu.memory_space<hbm>> -> memref<1x200x128xf32, #tpu.memory_space<hbm>>
    %dma_wait3A_1089 = tpu.memref_squeeze %dma_wait3A_1088 : memref<1x200x128xf32, #tpu.memory_space<hbm>> -> memref<200x128xf32, #tpu.memory_space<hbm>>
    %dma_wait3A_1090 = arith.constant 0 : i32
    %dma_wait3A_1091 = arith.constant 0 : i32
    %dma_wait3A_1092 = tpu.memref_slice %arg5[%add3A_999, %dma_wait3A_1090, %dma_wait3A_1091] : memref<1024x200x128xf32, #tpu.memory_space<hbm>> -> memref<1x200x128xf32, #tpu.memory_space<hbm>>
    %dma_wait3A_1093 = tpu.memref_squeeze %dma_wait3A_1092 : memref<1x200x128xf32, #tpu.memory_space<hbm>> -> memref<200x128xf32, #tpu.memory_space<hbm>>
    tpu.wait_dma2 semaphore(%arg21 : memref<!tpu.dma_semaphore, #tpu.memory_space<semaphore_mem>>) src(%arg8 : memref<200x128xf32, #tpu.memory_space<vmem>>) dst(%dma_wait3A_1093 : memref<200x128xf32, #tpu.memory_space<hbm>>)
    tpu.enqueue_dma source(%arg6 : memref<200x128xf32, #tpu.memory_space<vmem_shared>>) target(%arg8 : memref<200x128xf32, #tpu.memory_space<vmem>>) target_semaphore(%arg13 : memref<!tpu.dma_semaphore, #tpu.memory_space<semaphore_mem>>)
    %dma_wait3A_1094 = arith.constant 36 : i32
    %dma_wait3A_1095 = arith.constant 0 : i32
    %dma_wait3A_1096 = arith.constant 0 : i32
    %dma_wait3A_1097 = tpu.memref_slice %arg10[%dma_wait3A_1095, %dma_wait3A_1096] : memref<200x128xf32, #tpu.memory_space<vmem>> -> memref<100x128xf32, #tpu.memory_space<vmem>>
    %dma_wait3A_1098 = arith.constant 0 : i32
    %dma_wait3A_1099 = tpu.memref_slice %arg7[%dma_wait3A_1094, %dma_wait3A_1098] : memref<64x100xi32, #tpu.memory_space<vmem>> -> memref<1x100xi32, #tpu.memory_space<vmem>>
    %dma_wait3A_1100 = tpu.memref_squeeze %dma_wait3A_1099 : memref<1x100xi32, #tpu.memory_space<vmem>> -> memref<100xi32, #tpu.memory_space<vmem>>
    %dma_wait3A_1101 = arith.constant 0 : i32
    %dma_wait3A_1102 = arith.constant 0 : i32
    %dma_wait3A_1103 = tpu.memref_slice %arg3[%dma_wait3A_1101, %dma_wait3A_1102] : memref<100000x128xf32, #tpu.memory_space<hbm>> -> memref<100000x128xf32, #tpu.memory_space<hbm>>
    tpu.wait_indirect_dma semaphore(%arg19 : memref<!tpu.dma_semaphore, #tpu.memory_space<semaphore_mem>>) src(%dma_wait3A_1103 : memref<100000x128xf32, #tpu.memory_space<hbm>>) dst(%dma_wait3A_1097 : memref<100x128xf32, #tpu.memory_space<vmem>>)
    %dma_wait3A_1104 = arith.constant 37 : i32
    %dma_wait3A_1105 = arith.constant 100 : i32
    %dma_wait3A_1106 = arith.constant 0 : i32
    %dma_wait3A_1107 = tpu.memref_slice %arg10[%dma_wait3A_1105, %dma_wait3A_1106] : memref<200x128xf32, #tpu.memory_space<vmem>> -> memref<100x128xf32, #tpu.memory_space<vmem>>
    %dma_wait3A_1108 = arith.constant 0 : i32
    %dma_wait3A_1109 = tpu.memref_slice %arg7[%dma_wait3A_1104, %dma_wait3A_1108] : memref<64x100xi32, #tpu.memory_space<vmem>> -> memref<1x100xi32, #tpu.memory_space<vmem>>
    %dma_wait3A_1110 = tpu.memref_squeeze %dma_wait3A_1109 : memref<1x100xi32, #tpu.memory_space<vmem>> -> memref<100xi32, #tpu.memory_space<vmem>>
    %dma_wait3A_1111 = arith.constant 0 : i32
    %dma_wait3A_1112 = arith.constant 0 : i32
    %dma_wait3A_1113 = tpu.memref_slice %arg3[%dma_wait3A_1111, %dma_wait3A_1112] : memref<100000x128xf32, #tpu.memory_space<hbm>> -> memref<100000x128xf32, #tpu.memory_space<hbm>>
    tpu.wait_indirect_dma semaphore(%arg19 : memref<!tpu.dma_semaphore, #tpu.memory_space<semaphore_mem>>) src(%dma_wait3A_1113 : memref<100000x128xf32, #tpu.memory_space<hbm>>) dst(%dma_wait3A_1107 : memref<100x128xf32, #tpu.memory_space<vmem>>)
    %add3A_1114 = arith.constant 18 : i32
    %add3A_1115 = arith.addi %mul3A_2, %add3A_1114 : i32
    %dma_start3A_1116 = arith.constant 0 : i32
    %dma_start3A_1117 = arith.constant 0 : i32
    %dma_start3A_1118 = tpu.memref_slice %arg5[%add3A_1115, %dma_start3A_1116, %dma_start3A_1117] : memref<1024x200x128xf32, #tpu.memory_space<hbm>> -> memref<1x200x128xf32, #tpu.memory_space<hbm>>
    %dma_start3A_1119 = tpu.memref_squeeze %dma_start3A_1118 : memref<1x200x128xf32, #tpu.memory_space<hbm>> -> memref<200x128xf32, #tpu.memory_space<hbm>>
    %dma_start3A_1120 = arith.constant 0 : i32
    %dma_start3A_1121 = arith.constant 0 : i32
    %dma_start3A_1122 = tpu.memref_slice %arg5[%add3A_1115, %dma_start3A_1120, %dma_start3A_1121] : memref<1024x200x128xf32, #tpu.memory_space<hbm>> -> memref<1x200x128xf32, #tpu.memory_space<hbm>>
    %dma_start3A_1123 = tpu.memref_squeeze %dma_start3A_1122 : memref<1x200x128xf32, #tpu.memory_space<hbm>> -> memref<200x128xf32, #tpu.memory_space<hbm>>
    tpu.enqueue_dma source(%arg10 : memref<200x128xf32, #tpu.memory_space<vmem>>) target(%dma_start3A_1123 : memref<200x128xf32, #tpu.memory_space<hbm>>) target_semaphore(%arg23 : memref<!tpu.dma_semaphore, #tpu.memory_space<semaphore_mem>>)
    tpu.wait_dma2 semaphore(%arg13 : memref<!tpu.dma_semaphore, #tpu.memory_space<semaphore_mem>>) src(%arg6 : memref<200x128xf32, #tpu.memory_space<vmem_shared>>) dst(%arg8 : memref<200x128xf32, #tpu.memory_space<vmem>>)
    %dma_start3A_1124 = arith.constant 40 : i32
    %dma_start3A_1125 = arith.constant 0 : i32
    %dma_start3A_1126 = arith.constant 0 : i32
    %dma_start3A_1127 = tpu.memref_slice %arg8[%dma_start3A_1125, %dma_start3A_1126] : memref<200x128xf32, #tpu.memory_space<vmem>> -> memref<100x128xf32, #tpu.memory_space<vmem>>
    %dma_start3A_1128 = arith.constant 0 : i32
    %dma_start3A_1129 = tpu.memref_slice %arg7[%dma_start3A_1124, %dma_start3A_1128] : memref<64x100xi32, #tpu.memory_space<vmem>> -> memref<1x100xi32, #tpu.memory_space<vmem>>
    %dma_start3A_1130 = tpu.memref_squeeze %dma_start3A_1129 : memref<1x100xi32, #tpu.memory_space<vmem>> -> memref<100xi32, #tpu.memory_space<vmem>>
    %dma_start3A_1131 = arith.constant 0 : i32
    %dma_start3A_1132 = arith.constant 0 : i32
    %dma_start3A_1133 = tpu.memref_slice %arg3[%dma_start3A_1131, %dma_start3A_1132] : memref<100000x128xf32, #tpu.memory_space<hbm>> -> memref<100000x128xf32, #tpu.memory_space<hbm>>
    tpu.enqueue_indirect_dma source(%dma_start3A_1133 : memref<100000x128xf32, #tpu.memory_space<hbm>>) target(%dma_start3A_1127 : memref<100x128xf32, #tpu.memory_space<vmem>>) offsets(%dma_start3A_1130 : memref<100xi32, #tpu.memory_space<vmem>>) semaphore(%arg17 : memref<!tpu.dma_semaphore, #tpu.memory_space<semaphore_mem>>) {add = true}
    %dma_start3A_1134 = arith.constant 41 : i32
    %dma_start3A_1135 = arith.constant 100 : i32
    %dma_start3A_1136 = arith.constant 0 : i32
    %dma_start3A_1137 = tpu.memref_slice %arg8[%dma_start3A_1135, %dma_start3A_1136] : memref<200x128xf32, #tpu.memory_space<vmem>> -> memref<100x128xf32, #tpu.memory_space<vmem>>
    %dma_start3A_1138 = arith.constant 0 : i32
    %dma_start3A_1139 = tpu.memref_slice %arg7[%dma_start3A_1134, %dma_start3A_1138] : memref<64x100xi32, #tpu.memory_space<vmem>> -> memref<1x100xi32, #tpu.memory_space<vmem>>
    %dma_start3A_1140 = tpu.memref_squeeze %dma_start3A_1139 : memref<1x100xi32, #tpu.memory_space<vmem>> -> memref<100xi32, #tpu.memory_space<vmem>>
    %dma_start3A_1141 = arith.constant 0 : i32
    %dma_start3A_1142 = arith.constant 0 : i32
    %dma_start3A_1143 = tpu.memref_slice %arg3[%dma_start3A_1141, %dma_start3A_1142] : memref<100000x128xf32, #tpu.memory_space<hbm>> -> memref<100000x128xf32, #tpu.memory_space<hbm>>
    tpu.enqueue_indirect_dma source(%dma_start3A_1143 : memref<100000x128xf32, #tpu.memory_space<hbm>>) target(%dma_start3A_1137 : memref<100x128xf32, #tpu.memory_space<vmem>>) offsets(%dma_start3A_1140 : memref<100xi32, #tpu.memory_space<vmem>>) semaphore(%arg17 : memref<!tpu.dma_semaphore, #tpu.memory_space<semaphore_mem>>) {add = true}
    %dma_wait3A_1144 = arith.constant 0 : i32
    %dma_wait3A_1145 = arith.constant 0 : i32
    %dma_wait3A_1146 = tpu.memref_slice %arg5[%add3A_1057, %dma_wait3A_1144, %dma_wait3A_1145] : memref<1024x200x128xf32, #tpu.memory_space<hbm>> -> memref<1x200x128xf32, #tpu.memory_space<hbm>>
    %dma_wait3A_1147 = tpu.memref_squeeze %dma_wait3A_1146 : memref<1x200x128xf32, #tpu.memory_space<hbm>> -> memref<200x128xf32, #tpu.memory_space<hbm>>
    %dma_wait3A_1148 = arith.constant 0 : i32
    %dma_wait3A_1149 = arith.constant 0 : i32
    %dma_wait3A_1150 = tpu.memref_slice %arg5[%add3A_1057, %dma_wait3A_1148, %dma_wait3A_1149] : memref<1024x200x128xf32, #tpu.memory_space<hbm>> -> memref<1x200x128xf32, #tpu.memory_space<hbm>>
    %dma_wait3A_1151 = tpu.memref_squeeze %dma_wait3A_1150 : memref<1x200x128xf32, #tpu.memory_space<hbm>> -> memref<200x128xf32, #tpu.memory_space<hbm>>
    tpu.wait_dma2 semaphore(%arg22 : memref<!tpu.dma_semaphore, #tpu.memory_space<semaphore_mem>>) src(%arg9 : memref<200x128xf32, #tpu.memory_space<vmem>>) dst(%dma_wait3A_1151 : memref<200x128xf32, #tpu.memory_space<hbm>>)
    tpu.enqueue_dma source(%arg6 : memref<200x128xf32, #tpu.memory_space<vmem_shared>>) target(%arg9 : memref<200x128xf32, #tpu.memory_space<vmem>>) target_semaphore(%arg14 : memref<!tpu.dma_semaphore, #tpu.memory_space<semaphore_mem>>)
    %dma_wait3A_1152 = arith.constant 38 : i32
    %dma_wait3A_1153 = arith.constant 0 : i32
    %dma_wait3A_1154 = arith.constant 0 : i32
    %dma_wait3A_1155 = tpu.memref_slice %arg11[%dma_wait3A_1153, %dma_wait3A_1154] : memref<200x128xf32, #tpu.memory_space<vmem>> -> memref<100x128xf32, #tpu.memory_space<vmem>>
    %dma_wait3A_1156 = arith.constant 0 : i32
    %dma_wait3A_1157 = tpu.memref_slice %arg7[%dma_wait3A_1152, %dma_wait3A_1156] : memref<64x100xi32, #tpu.memory_space<vmem>> -> memref<1x100xi32, #tpu.memory_space<vmem>>
    %dma_wait3A_1158 = tpu.memref_squeeze %dma_wait3A_1157 : memref<1x100xi32, #tpu.memory_space<vmem>> -> memref<100xi32, #tpu.memory_space<vmem>>
    %dma_wait3A_1159 = arith.constant 0 : i32
    %dma_wait3A_1160 = arith.constant 0 : i32
    %dma_wait3A_1161 = tpu.memref_slice %arg3[%dma_wait3A_1159, %dma_wait3A_1160] : memref<100000x128xf32, #tpu.memory_space<hbm>> -> memref<100000x128xf32, #tpu.memory_space<hbm>>
    tpu.wait_indirect_dma semaphore(%arg20 : memref<!tpu.dma_semaphore, #tpu.memory_space<semaphore_mem>>) src(%dma_wait3A_1161 : memref<100000x128xf32, #tpu.memory_space<hbm>>) dst(%dma_wait3A_1155 : memref<100x128xf32, #tpu.memory_space<vmem>>)
    %dma_wait3A_1162 = arith.constant 39 : i32
    %dma_wait3A_1163 = arith.constant 100 : i32
    %dma_wait3A_1164 = arith.constant 0 : i32
    %dma_wait3A_1165 = tpu.memref_slice %arg11[%dma_wait3A_1163, %dma_wait3A_1164] : memref<200x128xf32, #tpu.memory_space<vmem>> -> memref<100x128xf32, #tpu.memory_space<vmem>>
    %dma_wait3A_1166 = arith.constant 0 : i32
    %dma_wait3A_1167 = tpu.memref_slice %arg7[%dma_wait3A_1162, %dma_wait3A_1166] : memref<64x100xi32, #tpu.memory_space<vmem>> -> memref<1x100xi32, #tpu.memory_space<vmem>>
    %dma_wait3A_1168 = tpu.memref_squeeze %dma_wait3A_1167 : memref<1x100xi32, #tpu.memory_space<vmem>> -> memref<100xi32, #tpu.memory_space<vmem>>
    %dma_wait3A_1169 = arith.constant 0 : i32
    %dma_wait3A_1170 = arith.constant 0 : i32
    %dma_wait3A_1171 = tpu.memref_slice %arg3[%dma_wait3A_1169, %dma_wait3A_1170] : memref<100000x128xf32, #tpu.memory_space<hbm>> -> memref<100000x128xf32, #tpu.memory_space<hbm>>
    tpu.wait_indirect_dma semaphore(%arg20 : memref<!tpu.dma_semaphore, #tpu.memory_space<semaphore_mem>>) src(%dma_wait3A_1171 : memref<100000x128xf32, #tpu.memory_space<hbm>>) dst(%dma_wait3A_1165 : memref<100x128xf32, #tpu.memory_space<vmem>>)
    %add3A_1172 = arith.constant 19 : i32
    %add3A_1173 = arith.addi %mul3A_2, %add3A_1172 : i32
    %dma_start3A_1174 = arith.constant 0 : i32
    %dma_start3A_1175 = arith.constant 0 : i32
    %dma_start3A_1176 = tpu.memref_slice %arg5[%add3A_1173, %dma_start3A_1174, %dma_start3A_1175] : memref<1024x200x128xf32, #tpu.memory_space<hbm>> -> memref<1x200x128xf32, #tpu.memory_space<hbm>>
    %dma_start3A_1177 = tpu.memref_squeeze %dma_start3A_1176 : memref<1x200x128xf32, #tpu.memory_space<hbm>> -> memref<200x128xf32, #tpu.memory_space<hbm>>
    %dma_start3A_1178 = arith.constant 0 : i32
    %dma_start3A_1179 = arith.constant 0 : i32
    %dma_start3A_1180 = tpu.memref_slice %arg5[%add3A_1173, %dma_start3A_1178, %dma_start3A_1179] : memref<1024x200x128xf32, #tpu.memory_space<hbm>> -> memref<1x200x128xf32, #tpu.memory_space<hbm>>
    %dma_start3A_1181 = tpu.memref_squeeze %dma_start3A_1180 : memref<1x200x128xf32, #tpu.memory_space<hbm>> -> memref<200x128xf32, #tpu.memory_space<hbm>>
    tpu.enqueue_dma source(%arg11 : memref<200x128xf32, #tpu.memory_space<vmem>>) target(%dma_start3A_1181 : memref<200x128xf32, #tpu.memory_space<hbm>>) target_semaphore(%arg24 : memref<!tpu.dma_semaphore, #tpu.memory_space<semaphore_mem>>)
    tpu.wait_dma2 semaphore(%arg14 : memref<!tpu.dma_semaphore, #tpu.memory_space<semaphore_mem>>) src(%arg6 : memref<200x128xf32, #tpu.memory_space<vmem_shared>>) dst(%arg9 : memref<200x128xf32, #tpu.memory_space<vmem>>)
    %dma_start3A_1182 = arith.constant 42 : i32
    %dma_start3A_1183 = arith.constant 0 : i32
    %dma_start3A_1184 = arith.constant 0 : i32
    %dma_start3A_1185 = tpu.memref_slice %arg9[%dma_start3A_1183, %dma_start3A_1184] : memref<200x128xf32, #tpu.memory_space<vmem>> -> memref<100x128xf32, #tpu.memory_space<vmem>>
    %dma_start3A_1186 = arith.constant 0 : i32
    %dma_start3A_1187 = tpu.memref_slice %arg7[%dma_start3A_1182, %dma_start3A_1186] : memref<64x100xi32, #tpu.memory_space<vmem>> -> memref<1x100xi32, #tpu.memory_space<vmem>>
    %dma_start3A_1188 = tpu.memref_squeeze %dma_start3A_1187 : memref<1x100xi32, #tpu.memory_space<vmem>> -> memref<100xi32, #tpu.memory_space<vmem>>
    %dma_start3A_1189 = arith.constant 0 : i32
    %dma_start3A_1190 = arith.constant 0 : i32
    %dma_start3A_1191 = tpu.memref_slice %arg3[%dma_start3A_1189, %dma_start3A_1190] : memref<100000x128xf32, #tpu.memory_space<hbm>> -> memref<100000x128xf32, #tpu.memory_space<hbm>>
    tpu.enqueue_indirect_dma source(%dma_start3A_1191 : memref<100000x128xf32, #tpu.memory_space<hbm>>) target(%dma_start3A_1185 : memref<100x128xf32, #tpu.memory_space<vmem>>) offsets(%dma_start3A_1188 : memref<100xi32, #tpu.memory_space<vmem>>) semaphore(%arg18 : memref<!tpu.dma_semaphore, #tpu.memory_space<semaphore_mem>>) {add = true}
    %dma_start3A_1192 = arith.constant 43 : i32
    %dma_start3A_1193 = arith.constant 100 : i32
    %dma_start3A_1194 = arith.constant 0 : i32
    %dma_start3A_1195 = tpu.memref_slice %arg9[%dma_start3A_1193, %dma_start3A_1194] : memref<200x128xf32, #tpu.memory_space<vmem>> -> memref<100x128xf32, #tpu.memory_space<vmem>>
    %dma_start3A_1196 = arith.constant 0 : i32
    %dma_start3A_1197 = tpu.memref_slice %arg7[%dma_start3A_1192, %dma_start3A_1196] : memref<64x100xi32, #tpu.memory_space<vmem>> -> memref<1x100xi32, #tpu.memory_space<vmem>>
    %dma_start3A_1198 = tpu.memref_squeeze %dma_start3A_1197 : memref<1x100xi32, #tpu.memory_space<vmem>> -> memref<100xi32, #tpu.memory_space<vmem>>
    %dma_start3A_1199 = arith.constant 0 : i32
    %dma_start3A_1200 = arith.constant 0 : i32
    %dma_start3A_1201 = tpu.memref_slice %arg3[%dma_start3A_1199, %dma_start3A_1200] : memref<100000x128xf32, #tpu.memory_space<hbm>> -> memref<100000x128xf32, #tpu.memory_space<hbm>>
    tpu.enqueue_indirect_dma source(%dma_start3A_1201 : memref<100000x128xf32, #tpu.memory_space<hbm>>) target(%dma_start3A_1195 : memref<100x128xf32, #tpu.memory_space<vmem>>) offsets(%dma_start3A_1198 : memref<100xi32, #tpu.memory_space<vmem>>) semaphore(%arg18 : memref<!tpu.dma_semaphore, #tpu.memory_space<semaphore_mem>>) {add = true}
    %dma_wait3A_1202 = arith.constant 0 : i32
    %dma_wait3A_1203 = arith.constant 0 : i32
    %dma_wait3A_1204 = tpu.memref_slice %arg5[%add3A_1115, %dma_wait3A_1202, %dma_wait3A_1203] : memref<1024x200x128xf32, #tpu.memory_space<hbm>> -> memref<1x200x128xf32, #tpu.memory_space<hbm>>
    %dma_wait3A_1205 = tpu.memref_squeeze %dma_wait3A_1204 : memref<1x200x128xf32, #tpu.memory_space<hbm>> -> memref<200x128xf32, #tpu.memory_space<hbm>>
    %dma_wait3A_1206 = arith.constant 0 : i32
    %dma_wait3A_1207 = arith.constant 0 : i32
    %dma_wait3A_1208 = tpu.memref_slice %arg5[%add3A_1115, %dma_wait3A_1206, %dma_wait3A_1207] : memref<1024x200x128xf32, #tpu.memory_space<hbm>> -> memref<1x200x128xf32, #tpu.memory_space<hbm>>
    %dma_wait3A_1209 = tpu.memref_squeeze %dma_wait3A_1208 : memref<1x200x128xf32, #tpu.memory_space<hbm>> -> memref<200x128xf32, #tpu.memory_space<hbm>>
    tpu.wait_dma2 semaphore(%arg23 : memref<!tpu.dma_semaphore, #tpu.memory_space<semaphore_mem>>) src(%arg10 : memref<200x128xf32, #tpu.memory_space<vmem>>) dst(%dma_wait3A_1209 : memref<200x128xf32, #tpu.memory_space<hbm>>)
    tpu.enqueue_dma source(%arg6 : memref<200x128xf32, #tpu.memory_space<vmem_shared>>) target(%arg10 : memref<200x128xf32, #tpu.memory_space<vmem>>) target_semaphore(%arg15 : memref<!tpu.dma_semaphore, #tpu.memory_space<semaphore_mem>>)
    %dma_wait3A_1210 = arith.constant 40 : i32
    %dma_wait3A_1211 = arith.constant 0 : i32
    %dma_wait3A_1212 = arith.constant 0 : i32
    %dma_wait3A_1213 = tpu.memref_slice %arg8[%dma_wait3A_1211, %dma_wait3A_1212] : memref<200x128xf32, #tpu.memory_space<vmem>> -> memref<100x128xf32, #tpu.memory_space<vmem>>
    %dma_wait3A_1214 = arith.constant 0 : i32
    %dma_wait3A_1215 = tpu.memref_slice %arg7[%dma_wait3A_1210, %dma_wait3A_1214] : memref<64x100xi32, #tpu.memory_space<vmem>> -> memref<1x100xi32, #tpu.memory_space<vmem>>
    %dma_wait3A_1216 = tpu.memref_squeeze %dma_wait3A_1215 : memref<1x100xi32, #tpu.memory_space<vmem>> -> memref<100xi32, #tpu.memory_space<vmem>>
    %dma_wait3A_1217 = arith.constant 0 : i32
    %dma_wait3A_1218 = arith.constant 0 : i32
    %dma_wait3A_1219 = tpu.memref_slice %arg3[%dma_wait3A_1217, %dma_wait3A_1218] : memref<100000x128xf32, #tpu.memory_space<hbm>> -> memref<100000x128xf32, #tpu.memory_space<hbm>>
    tpu.wait_indirect_dma semaphore(%arg17 : memref<!tpu.dma_semaphore, #tpu.memory_space<semaphore_mem>>) src(%dma_wait3A_1219 : memref<100000x128xf32, #tpu.memory_space<hbm>>) dst(%dma_wait3A_1213 : memref<100x128xf32, #tpu.memory_space<vmem>>)
    %dma_wait3A_1220 = arith.constant 41 : i32
    %dma_wait3A_1221 = arith.constant 100 : i32
    %dma_wait3A_1222 = arith.constant 0 : i32
    %dma_wait3A_1223 = tpu.memref_slice %arg8[%dma_wait3A_1221, %dma_wait3A_1222] : memref<200x128xf32, #tpu.memory_space<vmem>> -> memref<100x128xf32, #tpu.memory_space<vmem>>
    %dma_wait3A_1224 = arith.constant 0 : i32
    %dma_wait3A_1225 = tpu.memref_slice %arg7[%dma_wait3A_1220, %dma_wait3A_1224] : memref<64x100xi32, #tpu.memory_space<vmem>> -> memref<1x100xi32, #tpu.memory_space<vmem>>
    %dma_wait3A_1226 = tpu.memref_squeeze %dma_wait3A_1225 : memref<1x100xi32, #tpu.memory_space<vmem>> -> memref<100xi32, #tpu.memory_space<vmem>>
    %dma_wait3A_1227 = arith.constant 0 : i32
    %dma_wait3A_1228 = arith.constant 0 : i32
    %dma_wait3A_1229 = tpu.memref_slice %arg3[%dma_wait3A_1227, %dma_wait3A_1228] : memref<100000x128xf32, #tpu.memory_space<hbm>> -> memref<100000x128xf32, #tpu.memory_space<hbm>>
    tpu.wait_indirect_dma semaphore(%arg17 : memref<!tpu.dma_semaphore, #tpu.memory_space<semaphore_mem>>) src(%dma_wait3A_1229 : memref<100000x128xf32, #tpu.memory_space<hbm>>) dst(%dma_wait3A_1223 : memref<100x128xf32, #tpu.memory_space<vmem>>)
    %add3A_1230 = arith.constant 20 : i32
    %add3A_1231 = arith.addi %mul3A_2, %add3A_1230 : i32
    %dma_start3A_1232 = arith.constant 0 : i32
    %dma_start3A_1233 = arith.constant 0 : i32
    %dma_start3A_1234 = tpu.memref_slice %arg5[%add3A_1231, %dma_start3A_1232, %dma_start3A_1233] : memref<1024x200x128xf32, #tpu.memory_space<hbm>> -> memref<1x200x128xf32, #tpu.memory_space<hbm>>
    %dma_start3A_1235 = tpu.memref_squeeze %dma_start3A_1234 : memref<1x200x128xf32, #tpu.memory_space<hbm>> -> memref<200x128xf32, #tpu.memory_space<hbm>>
    %dma_start3A_1236 = arith.constant 0 : i32
    %dma_start3A_1237 = arith.constant 0 : i32
    %dma_start3A_1238 = tpu.memref_slice %arg5[%add3A_1231, %dma_start3A_1236, %dma_start3A_1237] : memref<1024x200x128xf32, #tpu.memory_space<hbm>> -> memref<1x200x128xf32, #tpu.memory_space<hbm>>
    %dma_start3A_1239 = tpu.memref_squeeze %dma_start3A_1238 : memref<1x200x128xf32, #tpu.memory_space<hbm>> -> memref<200x128xf32, #tpu.memory_space<hbm>>
    tpu.enqueue_dma source(%arg8 : memref<200x128xf32, #tpu.memory_space<vmem>>) target(%dma_start3A_1239 : memref<200x128xf32, #tpu.memory_space<hbm>>) target_semaphore(%arg21 : memref<!tpu.dma_semaphore, #tpu.memory_space<semaphore_mem>>)
    tpu.wait_dma2 semaphore(%arg15 : memref<!tpu.dma_semaphore, #tpu.memory_space<semaphore_mem>>) src(%arg6 : memref<200x128xf32, #tpu.memory_space<vmem_shared>>) dst(%arg10 : memref<200x128xf32, #tpu.memory_space<vmem>>)
    %dma_start3A_1240 = arith.constant 44 : i32
    %dma_start3A_1241 = arith.constant 0 : i32
    %dma_start3A_1242 = arith.constant 0 : i32
    %dma_start3A_1243 = tpu.memref_slice %arg10[%dma_start3A_1241, %dma_start3A_1242] : memref<200x128xf32, #tpu.memory_space<vmem>> -> memref<100x128xf32, #tpu.memory_space<vmem>>
    %dma_start3A_1244 = arith.constant 0 : i32
    %dma_start3A_1245 = tpu.memref_slice %arg7[%dma_start3A_1240, %dma_start3A_1244] : memref<64x100xi32, #tpu.memory_space<vmem>> -> memref<1x100xi32, #tpu.memory_space<vmem>>
    %dma_start3A_1246 = tpu.memref_squeeze %dma_start3A_1245 : memref<1x100xi32, #tpu.memory_space<vmem>> -> memref<100xi32, #tpu.memory_space<vmem>>
    %dma_start3A_1247 = arith.constant 0 : i32
    %dma_start3A_1248 = arith.constant 0 : i32
    %dma_start3A_1249 = tpu.memref_slice %arg3[%dma_start3A_1247, %dma_start3A_1248] : memref<100000x128xf32, #tpu.memory_space<hbm>> -> memref<100000x128xf32, #tpu.memory_space<hbm>>
    tpu.enqueue_indirect_dma source(%dma_start3A_1249 : memref<100000x128xf32, #tpu.memory_space<hbm>>) target(%dma_start3A_1243 : memref<100x128xf32, #tpu.memory_space<vmem>>) offsets(%dma_start3A_1246 : memref<100xi32, #tpu.memory_space<vmem>>) semaphore(%arg19 : memref<!tpu.dma_semaphore, #tpu.memory_space<semaphore_mem>>) {add = true}
    %dma_start3A_1250 = arith.constant 45 : i32
    %dma_start3A_1251 = arith.constant 100 : i32
    %dma_start3A_1252 = arith.constant 0 : i32
    %dma_start3A_1253 = tpu.memref_slice %arg10[%dma_start3A_1251, %dma_start3A_1252] : memref<200x128xf32, #tpu.memory_space<vmem>> -> memref<100x128xf32, #tpu.memory_space<vmem>>
    %dma_start3A_1254 = arith.constant 0 : i32
    %dma_start3A_1255 = tpu.memref_slice %arg7[%dma_start3A_1250, %dma_start3A_1254] : memref<64x100xi32, #tpu.memory_space<vmem>> -> memref<1x100xi32, #tpu.memory_space<vmem>>
    %dma_start3A_1256 = tpu.memref_squeeze %dma_start3A_1255 : memref<1x100xi32, #tpu.memory_space<vmem>> -> memref<100xi32, #tpu.memory_space<vmem>>
    %dma_start3A_1257 = arith.constant 0 : i32
    %dma_start3A_1258 = arith.constant 0 : i32
    %dma_start3A_1259 = tpu.memref_slice %arg3[%dma_start3A_1257, %dma_start3A_1258] : memref<100000x128xf32, #tpu.memory_space<hbm>> -> memref<100000x128xf32, #tpu.memory_space<hbm>>
    tpu.enqueue_indirect_dma source(%dma_start3A_1259 : memref<100000x128xf32, #tpu.memory_space<hbm>>) target(%dma_start3A_1253 : memref<100x128xf32, #tpu.memory_space<vmem>>) offsets(%dma_start3A_1256 : memref<100xi32, #tpu.memory_space<vmem>>) semaphore(%arg19 : memref<!tpu.dma_semaphore, #tpu.memory_space<semaphore_mem>>) {add = true}
    %dma_wait3A_1260 = arith.constant 0 : i32
    %dma_wait3A_1261 = arith.constant 0 : i32
    %dma_wait3A_1262 = tpu.memref_slice %arg5[%add3A_1173, %dma_wait3A_1260, %dma_wait3A_1261] : memref<1024x200x128xf32, #tpu.memory_space<hbm>> -> memref<1x200x128xf32, #tpu.memory_space<hbm>>
    %dma_wait3A_1263 = tpu.memref_squeeze %dma_wait3A_1262 : memref<1x200x128xf32, #tpu.memory_space<hbm>> -> memref<200x128xf32, #tpu.memory_space<hbm>>
    %dma_wait3A_1264 = arith.constant 0 : i32
    %dma_wait3A_1265 = arith.constant 0 : i32
    %dma_wait3A_1266 = tpu.memref_slice %arg5[%add3A_1173, %dma_wait3A_1264, %dma_wait3A_1265] : memref<1024x200x128xf32, #tpu.memory_space<hbm>> -> memref<1x200x128xf32, #tpu.memory_space<hbm>>
    %dma_wait3A_1267 = tpu.memref_squeeze %dma_wait3A_1266 : memref<1x200x128xf32, #tpu.memory_space<hbm>> -> memref<200x128xf32, #tpu.memory_space<hbm>>
    tpu.wait_dma2 semaphore(%arg24 : memref<!tpu.dma_semaphore, #tpu.memory_space<semaphore_mem>>) src(%arg11 : memref<200x128xf32, #tpu.memory_space<vmem>>) dst(%dma_wait3A_1267 : memref<200x128xf32, #tpu.memory_space<hbm>>)
    tpu.enqueue_dma source(%arg6 : memref<200x128xf32, #tpu.memory_space<vmem_shared>>) target(%arg11 : memref<200x128xf32, #tpu.memory_space<vmem>>) target_semaphore(%arg16 : memref<!tpu.dma_semaphore, #tpu.memory_space<semaphore_mem>>)
    %dma_wait3A_1268 = arith.constant 42 : i32
    %dma_wait3A_1269 = arith.constant 0 : i32
    %dma_wait3A_1270 = arith.constant 0 : i32
    %dma_wait3A_1271 = tpu.memref_slice %arg9[%dma_wait3A_1269, %dma_wait3A_1270] : memref<200x128xf32, #tpu.memory_space<vmem>> -> memref<100x128xf32, #tpu.memory_space<vmem>>
    %dma_wait3A_1272 = arith.constant 0 : i32
    %dma_wait3A_1273 = tpu.memref_slice %arg7[%dma_wait3A_1268, %dma_wait3A_1272] : memref<64x100xi32, #tpu.memory_space<vmem>> -> memref<1x100xi32, #tpu.memory_space<vmem>>
    %dma_wait3A_1274 = tpu.memref_squeeze %dma_wait3A_1273 : memref<1x100xi32, #tpu.memory_space<vmem>> -> memref<100xi32, #tpu.memory_space<vmem>>
    %dma_wait3A_1275 = arith.constant 0 : i32
    %dma_wait3A_1276 = arith.constant 0 : i32
    %dma_wait3A_1277 = tpu.memref_slice %arg3[%dma_wait3A_1275, %dma_wait3A_1276] : memref<100000x128xf32, #tpu.memory_space<hbm>> -> memref<100000x128xf32, #tpu.memory_space<hbm>>
    tpu.wait_indirect_dma semaphore(%arg18 : memref<!tpu.dma_semaphore, #tpu.memory_space<semaphore_mem>>) src(%dma_wait3A_1277 : memref<100000x128xf32, #tpu.memory_space<hbm>>) dst(%dma_wait3A_1271 : memref<100x128xf32, #tpu.memory_space<vmem>>)
    %dma_wait3A_1278 = arith.constant 43 : i32
    %dma_wait3A_1279 = arith.constant 100 : i32
    %dma_wait3A_1280 = arith.constant 0 : i32
    %dma_wait3A_1281 = tpu.memref_slice %arg9[%dma_wait3A_1279, %dma_wait3A_1280] : memref<200x128xf32, #tpu.memory_space<vmem>> -> memref<100x128xf32, #tpu.memory_space<vmem>>
    %dma_wait3A_1282 = arith.constant 0 : i32
    %dma_wait3A_1283 = tpu.memref_slice %arg7[%dma_wait3A_1278, %dma_wait3A_1282] : memref<64x100xi32, #tpu.memory_space<vmem>> -> memref<1x100xi32, #tpu.memory_space<vmem>>
    %dma_wait3A_1284 = tpu.memref_squeeze %dma_wait3A_1283 : memref<1x100xi32, #tpu.memory_space<vmem>> -> memref<100xi32, #tpu.memory_space<vmem>>
    %dma_wait3A_1285 = arith.constant 0 : i32
    %dma_wait3A_1286 = arith.constant 0 : i32
    %dma_wait3A_1287 = tpu.memref_slice %arg3[%dma_wait3A_1285, %dma_wait3A_1286] : memref<100000x128xf32, #tpu.memory_space<hbm>> -> memref<100000x128xf32, #tpu.memory_space<hbm>>
    tpu.wait_indirect_dma semaphore(%arg18 : memref<!tpu.dma_semaphore, #tpu.memory_space<semaphore_mem>>) src(%dma_wait3A_1287 : memref<100000x128xf32, #tpu.memory_space<hbm>>) dst(%dma_wait3A_1281 : memref<100x128xf32, #tpu.memory_space<vmem>>)
    %add3A_1288 = arith.constant 21 : i32
    %add3A_1289 = arith.addi %mul3A_2, %add3A_1288 : i32
    %dma_start3A_1290 = arith.constant 0 : i32
    %dma_start3A_1291 = arith.constant 0 : i32
    %dma_start3A_1292 = tpu.memref_slice %arg5[%add3A_1289, %dma_start3A_1290, %dma_start3A_1291] : memref<1024x200x128xf32, #tpu.memory_space<hbm>> -> memref<1x200x128xf32, #tpu.memory_space<hbm>>
    %dma_start3A_1293 = tpu.memref_squeeze %dma_start3A_1292 : memref<1x200x128xf32, #tpu.memory_space<hbm>> -> memref<200x128xf32, #tpu.memory_space<hbm>>
    %dma_start3A_1294 = arith.constant 0 : i32
    %dma_start3A_1295 = arith.constant 0 : i32
    %dma_start3A_1296 = tpu.memref_slice %arg5[%add3A_1289, %dma_start3A_1294, %dma_start3A_1295] : memref<1024x200x128xf32, #tpu.memory_space<hbm>> -> memref<1x200x128xf32, #tpu.memory_space<hbm>>
    %dma_start3A_1297 = tpu.memref_squeeze %dma_start3A_1296 : memref<1x200x128xf32, #tpu.memory_space<hbm>> -> memref<200x128xf32, #tpu.memory_space<hbm>>
    tpu.enqueue_dma source(%arg9 : memref<200x128xf32, #tpu.memory_space<vmem>>) target(%dma_start3A_1297 : memref<200x128xf32, #tpu.memory_space<hbm>>) target_semaphore(%arg22 : memref<!tpu.dma_semaphore, #tpu.memory_space<semaphore_mem>>)
    tpu.wait_dma2 semaphore(%arg16 : memref<!tpu.dma_semaphore, #tpu.memory_space<semaphore_mem>>) src(%arg6 : memref<200x128xf32, #tpu.memory_space<vmem_shared>>) dst(%arg11 : memref<200x128xf32, #tpu.memory_space<vmem>>)
    %dma_start3A_1298 = arith.constant 46 : i32
    %dma_start3A_1299 = arith.constant 0 : i32
    %dma_start3A_1300 = arith.constant 0 : i32
    %dma_start3A_1301 = tpu.memref_slice %arg11[%dma_start3A_1299, %dma_start3A_1300] : memref<200x128xf32, #tpu.memory_space<vmem>> -> memref<100x128xf32, #tpu.memory_space<vmem>>
    %dma_start3A_1302 = arith.constant 0 : i32
    %dma_start3A_1303 = tpu.memref_slice %arg7[%dma_start3A_1298, %dma_start3A_1302] : memref<64x100xi32, #tpu.memory_space<vmem>> -> memref<1x100xi32, #tpu.memory_space<vmem>>
    %dma_start3A_1304 = tpu.memref_squeeze %dma_start3A_1303 : memref<1x100xi32, #tpu.memory_space<vmem>> -> memref<100xi32, #tpu.memory_space<vmem>>
    %dma_start3A_1305 = arith.constant 0 : i32
    %dma_start3A_1306 = arith.constant 0 : i32
    %dma_start3A_1307 = tpu.memref_slice %arg3[%dma_start3A_1305, %dma_start3A_1306] : memref<100000x128xf32, #tpu.memory_space<hbm>> -> memref<100000x128xf32, #tpu.memory_space<hbm>>
    tpu.enqueue_indirect_dma source(%dma_start3A_1307 : memref<100000x128xf32, #tpu.memory_space<hbm>>) target(%dma_start3A_1301 : memref<100x128xf32, #tpu.memory_space<vmem>>) offsets(%dma_start3A_1304 : memref<100xi32, #tpu.memory_space<vmem>>) semaphore(%arg20 : memref<!tpu.dma_semaphore, #tpu.memory_space<semaphore_mem>>) {add = true}
    %dma_start3A_1308 = arith.constant 47 : i32
    %dma_start3A_1309 = arith.constant 100 : i32
    %dma_start3A_1310 = arith.constant 0 : i32
    %dma_start3A_1311 = tpu.memref_slice %arg11[%dma_start3A_1309, %dma_start3A_1310] : memref<200x128xf32, #tpu.memory_space<vmem>> -> memref<100x128xf32, #tpu.memory_space<vmem>>
    %dma_start3A_1312 = arith.constant 0 : i32
    %dma_start3A_1313 = tpu.memref_slice %arg7[%dma_start3A_1308, %dma_start3A_1312] : memref<64x100xi32, #tpu.memory_space<vmem>> -> memref<1x100xi32, #tpu.memory_space<vmem>>
    %dma_start3A_1314 = tpu.memref_squeeze %dma_start3A_1313 : memref<1x100xi32, #tpu.memory_space<vmem>> -> memref<100xi32, #tpu.memory_space<vmem>>
    %dma_start3A_1315 = arith.constant 0 : i32
    %dma_start3A_1316 = arith.constant 0 : i32
    %dma_start3A_1317 = tpu.memref_slice %arg3[%dma_start3A_1315, %dma_start3A_1316] : memref<100000x128xf32, #tpu.memory_space<hbm>> -> memref<100000x128xf32, #tpu.memory_space<hbm>>
    tpu.enqueue_indirect_dma source(%dma_start3A_1317 : memref<100000x128xf32, #tpu.memory_space<hbm>>) target(%dma_start3A_1311 : memref<100x128xf32, #tpu.memory_space<vmem>>) offsets(%dma_start3A_1314 : memref<100xi32, #tpu.memory_space<vmem>>) semaphore(%arg20 : memref<!tpu.dma_semaphore, #tpu.memory_space<semaphore_mem>>) {add = true}
    %dma_wait3A_1318 = arith.constant 0 : i32
    %dma_wait3A_1319 = arith.constant 0 : i32
    %dma_wait3A_1320 = tpu.memref_slice %arg5[%add3A_1231, %dma_wait3A_1318, %dma_wait3A_1319] : memref<1024x200x128xf32, #tpu.memory_space<hbm>> -> memref<1x200x128xf32, #tpu.memory_space<hbm>>
    %dma_wait3A_1321 = tpu.memref_squeeze %dma_wait3A_1320 : memref<1x200x128xf32, #tpu.memory_space<hbm>> -> memref<200x128xf32, #tpu.memory_space<hbm>>
    %dma_wait3A_1322 = arith.constant 0 : i32
    %dma_wait3A_1323 = arith.constant 0 : i32
    %dma_wait3A_1324 = tpu.memref_slice %arg5[%add3A_1231, %dma_wait3A_1322, %dma_wait3A_1323] : memref<1024x200x128xf32, #tpu.memory_space<hbm>> -> memref<1x200x128xf32, #tpu.memory_space<hbm>>
    %dma_wait3A_1325 = tpu.memref_squeeze %dma_wait3A_1324 : memref<1x200x128xf32, #tpu.memory_space<hbm>> -> memref<200x128xf32, #tpu.memory_space<hbm>>
    tpu.wait_dma2 semaphore(%arg21 : memref<!tpu.dma_semaphore, #tpu.memory_space<semaphore_mem>>) src(%arg8 : memref<200x128xf32, #tpu.memory_space<vmem>>) dst(%dma_wait3A_1325 : memref<200x128xf32, #tpu.memory_space<hbm>>)
    tpu.enqueue_dma source(%arg6 : memref<200x128xf32, #tpu.memory_space<vmem_shared>>) target(%arg8 : memref<200x128xf32, #tpu.memory_space<vmem>>) target_semaphore(%arg13 : memref<!tpu.dma_semaphore, #tpu.memory_space<semaphore_mem>>)
    %dma_wait3A_1326 = arith.constant 44 : i32
    %dma_wait3A_1327 = arith.constant 0 : i32
    %dma_wait3A_1328 = arith.constant 0 : i32
    %dma_wait3A_1329 = tpu.memref_slice %arg10[%dma_wait3A_1327, %dma_wait3A_1328] : memref<200x128xf32, #tpu.memory_space<vmem>> -> memref<100x128xf32, #tpu.memory_space<vmem>>
    %dma_wait3A_1330 = arith.constant 0 : i32
    %dma_wait3A_1331 = tpu.memref_slice %arg7[%dma_wait3A_1326, %dma_wait3A_1330] : memref<64x100xi32, #tpu.memory_space<vmem>> -> memref<1x100xi32, #tpu.memory_space<vmem>>
    %dma_wait3A_1332 = tpu.memref_squeeze %dma_wait3A_1331 : memref<1x100xi32, #tpu.memory_space<vmem>> -> memref<100xi32, #tpu.memory_space<vmem>>
    %dma_wait3A_1333 = arith.constant 0 : i32
    %dma_wait3A_1334 = arith.constant 0 : i32
    %dma_wait3A_1335 = tpu.memref_slice %arg3[%dma_wait3A_1333, %dma_wait3A_1334] : memref<100000x128xf32, #tpu.memory_space<hbm>> -> memref<100000x128xf32, #tpu.memory_space<hbm>>
    tpu.wait_indirect_dma semaphore(%arg19 : memref<!tpu.dma_semaphore, #tpu.memory_space<semaphore_mem>>) src(%dma_wait3A_1335 : memref<100000x128xf32, #tpu.memory_space<hbm>>) dst(%dma_wait3A_1329 : memref<100x128xf32, #tpu.memory_space<vmem>>)
    %dma_wait3A_1336 = arith.constant 45 : i32
    %dma_wait3A_1337 = arith.constant 100 : i32
    %dma_wait3A_1338 = arith.constant 0 : i32
    %dma_wait3A_1339 = tpu.memref_slice %arg10[%dma_wait3A_1337, %dma_wait3A_1338] : memref<200x128xf32, #tpu.memory_space<vmem>> -> memref<100x128xf32, #tpu.memory_space<vmem>>
    %dma_wait3A_1340 = arith.constant 0 : i32
    %dma_wait3A_1341 = tpu.memref_slice %arg7[%dma_wait3A_1336, %dma_wait3A_1340] : memref<64x100xi32, #tpu.memory_space<vmem>> -> memref<1x100xi32, #tpu.memory_space<vmem>>
    %dma_wait3A_1342 = tpu.memref_squeeze %dma_wait3A_1341 : memref<1x100xi32, #tpu.memory_space<vmem>> -> memref<100xi32, #tpu.memory_space<vmem>>
    %dma_wait3A_1343 = arith.constant 0 : i32
    %dma_wait3A_1344 = arith.constant 0 : i32
    %dma_wait3A_1345 = tpu.memref_slice %arg3[%dma_wait3A_1343, %dma_wait3A_1344] : memref<100000x128xf32, #tpu.memory_space<hbm>> -> memref<100000x128xf32, #tpu.memory_space<hbm>>
    tpu.wait_indirect_dma semaphore(%arg19 : memref<!tpu.dma_semaphore, #tpu.memory_space<semaphore_mem>>) src(%dma_wait3A_1345 : memref<100000x128xf32, #tpu.memory_space<hbm>>) dst(%dma_wait3A_1339 : memref<100x128xf32, #tpu.memory_space<vmem>>)
    %add3A_1346 = arith.constant 22 : i32
    %add3A_1347 = arith.addi %mul3A_2, %add3A_1346 : i32
    %dma_start3A_1348 = arith.constant 0 : i32
    %dma_start3A_1349 = arith.constant 0 : i32
    %dma_start3A_1350 = tpu.memref_slice %arg5[%add3A_1347, %dma_start3A_1348, %dma_start3A_1349] : memref<1024x200x128xf32, #tpu.memory_space<hbm>> -> memref<1x200x128xf32, #tpu.memory_space<hbm>>
    %dma_start3A_1351 = tpu.memref_squeeze %dma_start3A_1350 : memref<1x200x128xf32, #tpu.memory_space<hbm>> -> memref<200x128xf32, #tpu.memory_space<hbm>>
    %dma_start3A_1352 = arith.constant 0 : i32
    %dma_start3A_1353 = arith.constant 0 : i32
    %dma_start3A_1354 = tpu.memref_slice %arg5[%add3A_1347, %dma_start3A_1352, %dma_start3A_1353] : memref<1024x200x128xf32, #tpu.memory_space<hbm>> -> memref<1x200x128xf32, #tpu.memory_space<hbm>>
    %dma_start3A_1355 = tpu.memref_squeeze %dma_start3A_1354 : memref<1x200x128xf32, #tpu.memory_space<hbm>> -> memref<200x128xf32, #tpu.memory_space<hbm>>
    tpu.enqueue_dma source(%arg10 : memref<200x128xf32, #tpu.memory_space<vmem>>) target(%dma_start3A_1355 : memref<200x128xf32, #tpu.memory_space<hbm>>) target_semaphore(%arg23 : memref<!tpu.dma_semaphore, #tpu.memory_space<semaphore_mem>>)
    tpu.wait_dma2 semaphore(%arg13 : memref<!tpu.dma_semaphore, #tpu.memory_space<semaphore_mem>>) src(%arg6 : memref<200x128xf32, #tpu.memory_space<vmem_shared>>) dst(%arg8 : memref<200x128xf32, #tpu.memory_space<vmem>>)
    %dma_start3A_1356 = arith.constant 48 : i32
    %dma_start3A_1357 = arith.constant 0 : i32
    %dma_start3A_1358 = arith.constant 0 : i32
    %dma_start3A_1359 = tpu.memref_slice %arg8[%dma_start3A_1357, %dma_start3A_1358] : memref<200x128xf32, #tpu.memory_space<vmem>> -> memref<100x128xf32, #tpu.memory_space<vmem>>
    %dma_start3A_1360 = arith.constant 0 : i32
    %dma_start3A_1361 = tpu.memref_slice %arg7[%dma_start3A_1356, %dma_start3A_1360] : memref<64x100xi32, #tpu.memory_space<vmem>> -> memref<1x100xi32, #tpu.memory_space<vmem>>
    %dma_start3A_1362 = tpu.memref_squeeze %dma_start3A_1361 : memref<1x100xi32, #tpu.memory_space<vmem>> -> memref<100xi32, #tpu.memory_space<vmem>>
    %dma_start3A_1363 = arith.constant 0 : i32
    %dma_start3A_1364 = arith.constant 0 : i32
    %dma_start3A_1365 = tpu.memref_slice %arg3[%dma_start3A_1363, %dma_start3A_1364] : memref<100000x128xf32, #tpu.memory_space<hbm>> -> memref<100000x128xf32, #tpu.memory_space<hbm>>
    tpu.enqueue_indirect_dma source(%dma_start3A_1365 : memref<100000x128xf32, #tpu.memory_space<hbm>>) target(%dma_start3A_1359 : memref<100x128xf32, #tpu.memory_space<vmem>>) offsets(%dma_start3A_1362 : memref<100xi32, #tpu.memory_space<vmem>>) semaphore(%arg17 : memref<!tpu.dma_semaphore, #tpu.memory_space<semaphore_mem>>) {add = true}
    %dma_start3A_1366 = arith.constant 49 : i32
    %dma_start3A_1367 = arith.constant 100 : i32
    %dma_start3A_1368 = arith.constant 0 : i32
    %dma_start3A_1369 = tpu.memref_slice %arg8[%dma_start3A_1367, %dma_start3A_1368] : memref<200x128xf32, #tpu.memory_space<vmem>> -> memref<100x128xf32, #tpu.memory_space<vmem>>
    %dma_start3A_1370 = arith.constant 0 : i32
    %dma_start3A_1371 = tpu.memref_slice %arg7[%dma_start3A_1366, %dma_start3A_1370] : memref<64x100xi32, #tpu.memory_space<vmem>> -> memref<1x100xi32, #tpu.memory_space<vmem>>
    %dma_start3A_1372 = tpu.memref_squeeze %dma_start3A_1371 : memref<1x100xi32, #tpu.memory_space<vmem>> -> memref<100xi32, #tpu.memory_space<vmem>>
    %dma_start3A_1373 = arith.constant 0 : i32
    %dma_start3A_1374 = arith.constant 0 : i32
    %dma_start3A_1375 = tpu.memref_slice %arg3[%dma_start3A_1373, %dma_start3A_1374] : memref<100000x128xf32, #tpu.memory_space<hbm>> -> memref<100000x128xf32, #tpu.memory_space<hbm>>
    tpu.enqueue_indirect_dma source(%dma_start3A_1375 : memref<100000x128xf32, #tpu.memory_space<hbm>>) target(%dma_start3A_1369 : memref<100x128xf32, #tpu.memory_space<vmem>>) offsets(%dma_start3A_1372 : memref<100xi32, #tpu.memory_space<vmem>>) semaphore(%arg17 : memref<!tpu.dma_semaphore, #tpu.memory_space<semaphore_mem>>) {add = true}
    %dma_wait3A_1376 = arith.constant 0 : i32
    %dma_wait3A_1377 = arith.constant 0 : i32
    %dma_wait3A_1378 = tpu.memref_slice %arg5[%add3A_1289, %dma_wait3A_1376, %dma_wait3A_1377] : memref<1024x200x128xf32, #tpu.memory_space<hbm>> -> memref<1x200x128xf32, #tpu.memory_space<hbm>>
    %dma_wait3A_1379 = tpu.memref_squeeze %dma_wait3A_1378 : memref<1x200x128xf32, #tpu.memory_space<hbm>> -> memref<200x128xf32, #tpu.memory_space<hbm>>
    %dma_wait3A_1380 = arith.constant 0 : i32
    %dma_wait3A_1381 = arith.constant 0 : i32
    %dma_wait3A_1382 = tpu.memref_slice %arg5[%add3A_1289, %dma_wait3A_1380, %dma_wait3A_1381] : memref<1024x200x128xf32, #tpu.memory_space<hbm>> -> memref<1x200x128xf32, #tpu.memory_space<hbm>>
    %dma_wait3A_1383 = tpu.memref_squeeze %dma_wait3A_1382 : memref<1x200x128xf32, #tpu.memory_space<hbm>> -> memref<200x128xf32, #tpu.memory_space<hbm>>
    tpu.wait_dma2 semaphore(%arg22 : memref<!tpu.dma_semaphore, #tpu.memory_space<semaphore_mem>>) src(%arg9 : memref<200x128xf32, #tpu.memory_space<vmem>>) dst(%dma_wait3A_1383 : memref<200x128xf32, #tpu.memory_space<hbm>>)
    tpu.enqueue_dma source(%arg6 : memref<200x128xf32, #tpu.memory_space<vmem_shared>>) target(%arg9 : memref<200x128xf32, #tpu.memory_space<vmem>>) target_semaphore(%arg14 : memref<!tpu.dma_semaphore, #tpu.memory_space<semaphore_mem>>)
    %dma_wait3A_1384 = arith.constant 46 : i32
    %dma_wait3A_1385 = arith.constant 0 : i32
    %dma_wait3A_1386 = arith.constant 0 : i32
    %dma_wait3A_1387 = tpu.memref_slice %arg11[%dma_wait3A_1385, %dma_wait3A_1386] : memref<200x128xf32, #tpu.memory_space<vmem>> -> memref<100x128xf32, #tpu.memory_space<vmem>>
    %dma_wait3A_1388 = arith.constant 0 : i32
    %dma_wait3A_1389 = tpu.memref_slice %arg7[%dma_wait3A_1384, %dma_wait3A_1388] : memref<64x100xi32, #tpu.memory_space<vmem>> -> memref<1x100xi32, #tpu.memory_space<vmem>>
    %dma_wait3A_1390 = tpu.memref_squeeze %dma_wait3A_1389 : memref<1x100xi32, #tpu.memory_space<vmem>> -> memref<100xi32, #tpu.memory_space<vmem>>
    %dma_wait3A_1391 = arith.constant 0 : i32
    %dma_wait3A_1392 = arith.constant 0 : i32
    %dma_wait3A_1393 = tpu.memref_slice %arg3[%dma_wait3A_1391, %dma_wait3A_1392] : memref<100000x128xf32, #tpu.memory_space<hbm>> -> memref<100000x128xf32, #tpu.memory_space<hbm>>
    tpu.wait_indirect_dma semaphore(%arg20 : memref<!tpu.dma_semaphore, #tpu.memory_space<semaphore_mem>>) src(%dma_wait3A_1393 : memref<100000x128xf32, #tpu.memory_space<hbm>>) dst(%dma_wait3A_1387 : memref<100x128xf32, #tpu.memory_space<vmem>>)
    %dma_wait3A_1394 = arith.constant 47 : i32
    %dma_wait3A_1395 = arith.constant 100 : i32
    %dma_wait3A_1396 = arith.constant 0 : i32
    %dma_wait3A_1397 = tpu.memref_slice %arg11[%dma_wait3A_1395, %dma_wait3A_1396] : memref<200x128xf32, #tpu.memory_space<vmem>> -> memref<100x128xf32, #tpu.memory_space<vmem>>
    %dma_wait3A_1398 = arith.constant 0 : i32
    %dma_wait3A_1399 = tpu.memref_slice %arg7[%dma_wait3A_1394, %dma_wait3A_1398] : memref<64x100xi32, #tpu.memory_space<vmem>> -> memref<1x100xi32, #tpu.memory_space<vmem>>
    %dma_wait3A_1400 = tpu.memref_squeeze %dma_wait3A_1399 : memref<1x100xi32, #tpu.memory_space<vmem>> -> memref<100xi32, #tpu.memory_space<vmem>>
    %dma_wait3A_1401 = arith.constant 0 : i32
    %dma_wait3A_1402 = arith.constant 0 : i32
    %dma_wait3A_1403 = tpu.memref_slice %arg3[%dma_wait3A_1401, %dma_wait3A_1402] : memref<100000x128xf32, #tpu.memory_space<hbm>> -> memref<100000x128xf32, #tpu.memory_space<hbm>>
    tpu.wait_indirect_dma semaphore(%arg20 : memref<!tpu.dma_semaphore, #tpu.memory_space<semaphore_mem>>) src(%dma_wait3A_1403 : memref<100000x128xf32, #tpu.memory_space<hbm>>) dst(%dma_wait3A_1397 : memref<100x128xf32, #tpu.memory_space<vmem>>)
    %add3A_1404 = arith.constant 23 : i32
    %add3A_1405 = arith.addi %mul3A_2, %add3A_1404 : i32
    %dma_start3A_1406 = arith.constant 0 : i32
    %dma_start3A_1407 = arith.constant 0 : i32
    %dma_start3A_1408 = tpu.memref_slice %arg5[%add3A_1405, %dma_start3A_1406, %dma_start3A_1407] : memref<1024x200x128xf32, #tpu.memory_space<hbm>> -> memref<1x200x128xf32, #tpu.memory_space<hbm>>
    %dma_start3A_1409 = tpu.memref_squeeze %dma_start3A_1408 : memref<1x200x128xf32, #tpu.memory_space<hbm>> -> memref<200x128xf32, #tpu.memory_space<hbm>>
    %dma_start3A_1410 = arith.constant 0 : i32
    %dma_start3A_1411 = arith.constant 0 : i32
    %dma_start3A_1412 = tpu.memref_slice %arg5[%add3A_1405, %dma_start3A_1410, %dma_start3A_1411] : memref<1024x200x128xf32, #tpu.memory_space<hbm>> -> memref<1x200x128xf32, #tpu.memory_space<hbm>>
    %dma_start3A_1413 = tpu.memref_squeeze %dma_start3A_1412 : memref<1x200x128xf32, #tpu.memory_space<hbm>> -> memref<200x128xf32, #tpu.memory_space<hbm>>
    tpu.enqueue_dma source(%arg11 : memref<200x128xf32, #tpu.memory_space<vmem>>) target(%dma_start3A_1413 : memref<200x128xf32, #tpu.memory_space<hbm>>) target_semaphore(%arg24 : memref<!tpu.dma_semaphore, #tpu.memory_space<semaphore_mem>>)
    tpu.wait_dma2 semaphore(%arg14 : memref<!tpu.dma_semaphore, #tpu.memory_space<semaphore_mem>>) src(%arg6 : memref<200x128xf32, #tpu.memory_space<vmem_shared>>) dst(%arg9 : memref<200x128xf32, #tpu.memory_space<vmem>>)
    %dma_start3A_1414 = arith.constant 50 : i32
    %dma_start3A_1415 = arith.constant 0 : i32
    %dma_start3A_1416 = arith.constant 0 : i32
    %dma_start3A_1417 = tpu.memref_slice %arg9[%dma_start3A_1415, %dma_start3A_1416] : memref<200x128xf32, #tpu.memory_space<vmem>> -> memref<100x128xf32, #tpu.memory_space<vmem>>
    %dma_start3A_1418 = arith.constant 0 : i32
    %dma_start3A_1419 = tpu.memref_slice %arg7[%dma_start3A_1414, %dma_start3A_1418] : memref<64x100xi32, #tpu.memory_space<vmem>> -> memref<1x100xi32, #tpu.memory_space<vmem>>
    %dma_start3A_1420 = tpu.memref_squeeze %dma_start3A_1419 : memref<1x100xi32, #tpu.memory_space<vmem>> -> memref<100xi32, #tpu.memory_space<vmem>>
    %dma_start3A_1421 = arith.constant 0 : i32
    %dma_start3A_1422 = arith.constant 0 : i32
    %dma_start3A_1423 = tpu.memref_slice %arg3[%dma_start3A_1421, %dma_start3A_1422] : memref<100000x128xf32, #tpu.memory_space<hbm>> -> memref<100000x128xf32, #tpu.memory_space<hbm>>
    tpu.enqueue_indirect_dma source(%dma_start3A_1423 : memref<100000x128xf32, #tpu.memory_space<hbm>>) target(%dma_start3A_1417 : memref<100x128xf32, #tpu.memory_space<vmem>>) offsets(%dma_start3A_1420 : memref<100xi32, #tpu.memory_space<vmem>>) semaphore(%arg18 : memref<!tpu.dma_semaphore, #tpu.memory_space<semaphore_mem>>) {add = true}
    %dma_start3A_1424 = arith.constant 51 : i32
    %dma_start3A_1425 = arith.constant 100 : i32
    %dma_start3A_1426 = arith.constant 0 : i32
    %dma_start3A_1427 = tpu.memref_slice %arg9[%dma_start3A_1425, %dma_start3A_1426] : memref<200x128xf32, #tpu.memory_space<vmem>> -> memref<100x128xf32, #tpu.memory_space<vmem>>
    %dma_start3A_1428 = arith.constant 0 : i32
    %dma_start3A_1429 = tpu.memref_slice %arg7[%dma_start3A_1424, %dma_start3A_1428] : memref<64x100xi32, #tpu.memory_space<vmem>> -> memref<1x100xi32, #tpu.memory_space<vmem>>
    %dma_start3A_1430 = tpu.memref_squeeze %dma_start3A_1429 : memref<1x100xi32, #tpu.memory_space<vmem>> -> memref<100xi32, #tpu.memory_space<vmem>>
    %dma_start3A_1431 = arith.constant 0 : i32
    %dma_start3A_1432 = arith.constant 0 : i32
    %dma_start3A_1433 = tpu.memref_slice %arg3[%dma_start3A_1431, %dma_start3A_1432] : memref<100000x128xf32, #tpu.memory_space<hbm>> -> memref<100000x128xf32, #tpu.memory_space<hbm>>
    tpu.enqueue_indirect_dma source(%dma_start3A_1433 : memref<100000x128xf32, #tpu.memory_space<hbm>>) target(%dma_start3A_1427 : memref<100x128xf32, #tpu.memory_space<vmem>>) offsets(%dma_start3A_1430 : memref<100xi32, #tpu.memory_space<vmem>>) semaphore(%arg18 : memref<!tpu.dma_semaphore, #tpu.memory_space<semaphore_mem>>) {add = true}
    %dma_wait3A_1434 = arith.constant 0 : i32
    %dma_wait3A_1435 = arith.constant 0 : i32
    %dma_wait3A_1436 = tpu.memref_slice %arg5[%add3A_1347, %dma_wait3A_1434, %dma_wait3A_1435] : memref<1024x200x128xf32, #tpu.memory_space<hbm>> -> memref<1x200x128xf32, #tpu.memory_space<hbm>>
    %dma_wait3A_1437 = tpu.memref_squeeze %dma_wait3A_1436 : memref<1x200x128xf32, #tpu.memory_space<hbm>> -> memref<200x128xf32, #tpu.memory_space<hbm>>
    %dma_wait3A_1438 = arith.constant 0 : i32
    %dma_wait3A_1439 = arith.constant 0 : i32
    %dma_wait3A_1440 = tpu.memref_slice %arg5[%add3A_1347, %dma_wait3A_1438, %dma_wait3A_1439] : memref<1024x200x128xf32, #tpu.memory_space<hbm>> -> memref<1x200x128xf32, #tpu.memory_space<hbm>>
    %dma_wait3A_1441 = tpu.memref_squeeze %dma_wait3A_1440 : memref<1x200x128xf32, #tpu.memory_space<hbm>> -> memref<200x128xf32, #tpu.memory_space<hbm>>
    tpu.wait_dma2 semaphore(%arg23 : memref<!tpu.dma_semaphore, #tpu.memory_space<semaphore_mem>>) src(%arg10 : memref<200x128xf32, #tpu.memory_space<vmem>>) dst(%dma_wait3A_1441 : memref<200x128xf32, #tpu.memory_space<hbm>>)
    tpu.enqueue_dma source(%arg6 : memref<200x128xf32, #tpu.memory_space<vmem_shared>>) target(%arg10 : memref<200x128xf32, #tpu.memory_space<vmem>>) target_semaphore(%arg15 : memref<!tpu.dma_semaphore, #tpu.memory_space<semaphore_mem>>)
    %dma_wait3A_1442 = arith.constant 48 : i32
    %dma_wait3A_1443 = arith.constant 0 : i32
    %dma_wait3A_1444 = arith.constant 0 : i32
    %dma_wait3A_1445 = tpu.memref_slice %arg8[%dma_wait3A_1443, %dma_wait3A_1444] : memref<200x128xf32, #tpu.memory_space<vmem>> -> memref<100x128xf32, #tpu.memory_space<vmem>>
    %dma_wait3A_1446 = arith.constant 0 : i32
    %dma_wait3A_1447 = tpu.memref_slice %arg7[%dma_wait3A_1442, %dma_wait3A_1446] : memref<64x100xi32, #tpu.memory_space<vmem>> -> memref<1x100xi32, #tpu.memory_space<vmem>>
    %dma_wait3A_1448 = tpu.memref_squeeze %dma_wait3A_1447 : memref<1x100xi32, #tpu.memory_space<vmem>> -> memref<100xi32, #tpu.memory_space<vmem>>
    %dma_wait3A_1449 = arith.constant 0 : i32
    %dma_wait3A_1450 = arith.constant 0 : i32
    %dma_wait3A_1451 = tpu.memref_slice %arg3[%dma_wait3A_1449, %dma_wait3A_1450] : memref<100000x128xf32, #tpu.memory_space<hbm>> -> memref<100000x128xf32, #tpu.memory_space<hbm>>
    tpu.wait_indirect_dma semaphore(%arg17 : memref<!tpu.dma_semaphore, #tpu.memory_space<semaphore_mem>>) src(%dma_wait3A_1451 : memref<100000x128xf32, #tpu.memory_space<hbm>>) dst(%dma_wait3A_1445 : memref<100x128xf32, #tpu.memory_space<vmem>>)
    %dma_wait3A_1452 = arith.constant 49 : i32
    %dma_wait3A_1453 = arith.constant 100 : i32
    %dma_wait3A_1454 = arith.constant 0 : i32
    %dma_wait3A_1455 = tpu.memref_slice %arg8[%dma_wait3A_1453, %dma_wait3A_1454] : memref<200x128xf32, #tpu.memory_space<vmem>> -> memref<100x128xf32, #tpu.memory_space<vmem>>
    %dma_wait3A_1456 = arith.constant 0 : i32
    %dma_wait3A_1457 = tpu.memref_slice %arg7[%dma_wait3A_1452, %dma_wait3A_1456] : memref<64x100xi32, #tpu.memory_space<vmem>> -> memref<1x100xi32, #tpu.memory_space<vmem>>
    %dma_wait3A_1458 = tpu.memref_squeeze %dma_wait3A_1457 : memref<1x100xi32, #tpu.memory_space<vmem>> -> memref<100xi32, #tpu.memory_space<vmem>>
    %dma_wait3A_1459 = arith.constant 0 : i32
    %dma_wait3A_1460 = arith.constant 0 : i32
    %dma_wait3A_1461 = tpu.memref_slice %arg3[%dma_wait3A_1459, %dma_wait3A_1460] : memref<100000x128xf32, #tpu.memory_space<hbm>> -> memref<100000x128xf32, #tpu.memory_space<hbm>>
    tpu.wait_indirect_dma semaphore(%arg17 : memref<!tpu.dma_semaphore, #tpu.memory_space<semaphore_mem>>) src(%dma_wait3A_1461 : memref<100000x128xf32, #tpu.memory_space<hbm>>) dst(%dma_wait3A_1455 : memref<100x128xf32, #tpu.memory_space<vmem>>)
    %add3A_1462 = arith.constant 24 : i32
    %add3A_1463 = arith.addi %mul3A_2, %add3A_1462 : i32
    %dma_start3A_1464 = arith.constant 0 : i32
    %dma_start3A_1465 = arith.constant 0 : i32
    %dma_start3A_1466 = tpu.memref_slice %arg5[%add3A_1463, %dma_start3A_1464, %dma_start3A_1465] : memref<1024x200x128xf32, #tpu.memory_space<hbm>> -> memref<1x200x128xf32, #tpu.memory_space<hbm>>
    %dma_start3A_1467 = tpu.memref_squeeze %dma_start3A_1466 : memref<1x200x128xf32, #tpu.memory_space<hbm>> -> memref<200x128xf32, #tpu.memory_space<hbm>>
    %dma_start3A_1468 = arith.constant 0 : i32
    %dma_start3A_1469 = arith.constant 0 : i32
    %dma_start3A_1470 = tpu.memref_slice %arg5[%add3A_1463, %dma_start3A_1468, %dma_start3A_1469] : memref<1024x200x128xf32, #tpu.memory_space<hbm>> -> memref<1x200x128xf32, #tpu.memory_space<hbm>>
    %dma_start3A_1471 = tpu.memref_squeeze %dma_start3A_1470 : memref<1x200x128xf32, #tpu.memory_space<hbm>> -> memref<200x128xf32, #tpu.memory_space<hbm>>
    tpu.enqueue_dma source(%arg8 : memref<200x128xf32, #tpu.memory_space<vmem>>) target(%dma_start3A_1471 : memref<200x128xf32, #tpu.memory_space<hbm>>) target_semaphore(%arg21 : memref<!tpu.dma_semaphore, #tpu.memory_space<semaphore_mem>>)
    tpu.wait_dma2 semaphore(%arg15 : memref<!tpu.dma_semaphore, #tpu.memory_space<semaphore_mem>>) src(%arg6 : memref<200x128xf32, #tpu.memory_space<vmem_shared>>) dst(%arg10 : memref<200x128xf32, #tpu.memory_space<vmem>>)
    %dma_start3A_1472 = arith.constant 52 : i32
    %dma_start3A_1473 = arith.constant 0 : i32
    %dma_start3A_1474 = arith.constant 0 : i32
    %dma_start3A_1475 = tpu.memref_slice %arg10[%dma_start3A_1473, %dma_start3A_1474] : memref<200x128xf32, #tpu.memory_space<vmem>> -> memref<100x128xf32, #tpu.memory_space<vmem>>
    %dma_start3A_1476 = arith.constant 0 : i32
    %dma_start3A_1477 = tpu.memref_slice %arg7[%dma_start3A_1472, %dma_start3A_1476] : memref<64x100xi32, #tpu.memory_space<vmem>> -> memref<1x100xi32, #tpu.memory_space<vmem>>
    %dma_start3A_1478 = tpu.memref_squeeze %dma_start3A_1477 : memref<1x100xi32, #tpu.memory_space<vmem>> -> memref<100xi32, #tpu.memory_space<vmem>>
    %dma_start3A_1479 = arith.constant 0 : i32
    %dma_start3A_1480 = arith.constant 0 : i32
    %dma_start3A_1481 = tpu.memref_slice %arg3[%dma_start3A_1479, %dma_start3A_1480] : memref<100000x128xf32, #tpu.memory_space<hbm>> -> memref<100000x128xf32, #tpu.memory_space<hbm>>
    tpu.enqueue_indirect_dma source(%dma_start3A_1481 : memref<100000x128xf32, #tpu.memory_space<hbm>>) target(%dma_start3A_1475 : memref<100x128xf32, #tpu.memory_space<vmem>>) offsets(%dma_start3A_1478 : memref<100xi32, #tpu.memory_space<vmem>>) semaphore(%arg19 : memref<!tpu.dma_semaphore, #tpu.memory_space<semaphore_mem>>) {add = true}
    %dma_start3A_1482 = arith.constant 53 : i32
    %dma_start3A_1483 = arith.constant 100 : i32
    %dma_start3A_1484 = arith.constant 0 : i32
    %dma_start3A_1485 = tpu.memref_slice %arg10[%dma_start3A_1483, %dma_start3A_1484] : memref<200x128xf32, #tpu.memory_space<vmem>> -> memref<100x128xf32, #tpu.memory_space<vmem>>
    %dma_start3A_1486 = arith.constant 0 : i32
    %dma_start3A_1487 = tpu.memref_slice %arg7[%dma_start3A_1482, %dma_start3A_1486] : memref<64x100xi32, #tpu.memory_space<vmem>> -> memref<1x100xi32, #tpu.memory_space<vmem>>
    %dma_start3A_1488 = tpu.memref_squeeze %dma_start3A_1487 : memref<1x100xi32, #tpu.memory_space<vmem>> -> memref<100xi32, #tpu.memory_space<vmem>>
    %dma_start3A_1489 = arith.constant 0 : i32
    %dma_start3A_1490 = arith.constant 0 : i32
    %dma_start3A_1491 = tpu.memref_slice %arg3[%dma_start3A_1489, %dma_start3A_1490] : memref<100000x128xf32, #tpu.memory_space<hbm>> -> memref<100000x128xf32, #tpu.memory_space<hbm>>
    tpu.enqueue_indirect_dma source(%dma_start3A_1491 : memref<100000x128xf32, #tpu.memory_space<hbm>>) target(%dma_start3A_1485 : memref<100x128xf32, #tpu.memory_space<vmem>>) offsets(%dma_start3A_1488 : memref<100xi32, #tpu.memory_space<vmem>>) semaphore(%arg19 : memref<!tpu.dma_semaphore, #tpu.memory_space<semaphore_mem>>) {add = true}
    %dma_wait3A_1492 = arith.constant 0 : i32
    %dma_wait3A_1493 = arith.constant 0 : i32
    %dma_wait3A_1494 = tpu.memref_slice %arg5[%add3A_1405, %dma_wait3A_1492, %dma_wait3A_1493] : memref<1024x200x128xf32, #tpu.memory_space<hbm>> -> memref<1x200x128xf32, #tpu.memory_space<hbm>>
    %dma_wait3A_1495 = tpu.memref_squeeze %dma_wait3A_1494 : memref<1x200x128xf32, #tpu.memory_space<hbm>> -> memref<200x128xf32, #tpu.memory_space<hbm>>
    %dma_wait3A_1496 = arith.constant 0 : i32
    %dma_wait3A_1497 = arith.constant 0 : i32
    %dma_wait3A_1498 = tpu.memref_slice %arg5[%add3A_1405, %dma_wait3A_1496, %dma_wait3A_1497] : memref<1024x200x128xf32, #tpu.memory_space<hbm>> -> memref<1x200x128xf32, #tpu.memory_space<hbm>>
    %dma_wait3A_1499 = tpu.memref_squeeze %dma_wait3A_1498 : memref<1x200x128xf32, #tpu.memory_space<hbm>> -> memref<200x128xf32, #tpu.memory_space<hbm>>
    tpu.wait_dma2 semaphore(%arg24 : memref<!tpu.dma_semaphore, #tpu.memory_space<semaphore_mem>>) src(%arg11 : memref<200x128xf32, #tpu.memory_space<vmem>>) dst(%dma_wait3A_1499 : memref<200x128xf32, #tpu.memory_space<hbm>>)
    tpu.enqueue_dma source(%arg6 : memref<200x128xf32, #tpu.memory_space<vmem_shared>>) target(%arg11 : memref<200x128xf32, #tpu.memory_space<vmem>>) target_semaphore(%arg16 : memref<!tpu.dma_semaphore, #tpu.memory_space<semaphore_mem>>)
    %dma_wait3A_1500 = arith.constant 50 : i32
    %dma_wait3A_1501 = arith.constant 0 : i32
    %dma_wait3A_1502 = arith.constant 0 : i32
    %dma_wait3A_1503 = tpu.memref_slice %arg9[%dma_wait3A_1501, %dma_wait3A_1502] : memref<200x128xf32, #tpu.memory_space<vmem>> -> memref<100x128xf32, #tpu.memory_space<vmem>>
    %dma_wait3A_1504 = arith.constant 0 : i32
    %dma_wait3A_1505 = tpu.memref_slice %arg7[%dma_wait3A_1500, %dma_wait3A_1504] : memref<64x100xi32, #tpu.memory_space<vmem>> -> memref<1x100xi32, #tpu.memory_space<vmem>>
    %dma_wait3A_1506 = tpu.memref_squeeze %dma_wait3A_1505 : memref<1x100xi32, #tpu.memory_space<vmem>> -> memref<100xi32, #tpu.memory_space<vmem>>
    %dma_wait3A_1507 = arith.constant 0 : i32
    %dma_wait3A_1508 = arith.constant 0 : i32
    %dma_wait3A_1509 = tpu.memref_slice %arg3[%dma_wait3A_1507, %dma_wait3A_1508] : memref<100000x128xf32, #tpu.memory_space<hbm>> -> memref<100000x128xf32, #tpu.memory_space<hbm>>
    tpu.wait_indirect_dma semaphore(%arg18 : memref<!tpu.dma_semaphore, #tpu.memory_space<semaphore_mem>>) src(%dma_wait3A_1509 : memref<100000x128xf32, #tpu.memory_space<hbm>>) dst(%dma_wait3A_1503 : memref<100x128xf32, #tpu.memory_space<vmem>>)
    %dma_wait3A_1510 = arith.constant 51 : i32
    %dma_wait3A_1511 = arith.constant 100 : i32
    %dma_wait3A_1512 = arith.constant 0 : i32
    %dma_wait3A_1513 = tpu.memref_slice %arg9[%dma_wait3A_1511, %dma_wait3A_1512] : memref<200x128xf32, #tpu.memory_space<vmem>> -> memref<100x128xf32, #tpu.memory_space<vmem>>
    %dma_wait3A_1514 = arith.constant 0 : i32
    %dma_wait3A_1515 = tpu.memref_slice %arg7[%dma_wait3A_1510, %dma_wait3A_1514] : memref<64x100xi32, #tpu.memory_space<vmem>> -> memref<1x100xi32, #tpu.memory_space<vmem>>
    %dma_wait3A_1516 = tpu.memref_squeeze %dma_wait3A_1515 : memref<1x100xi32, #tpu.memory_space<vmem>> -> memref<100xi32, #tpu.memory_space<vmem>>
    %dma_wait3A_1517 = arith.constant 0 : i32
    %dma_wait3A_1518 = arith.constant 0 : i32
    %dma_wait3A_1519 = tpu.memref_slice %arg3[%dma_wait3A_1517, %dma_wait3A_1518] : memref<100000x128xf32, #tpu.memory_space<hbm>> -> memref<100000x128xf32, #tpu.memory_space<hbm>>
    tpu.wait_indirect_dma semaphore(%arg18 : memref<!tpu.dma_semaphore, #tpu.memory_space<semaphore_mem>>) src(%dma_wait3A_1519 : memref<100000x128xf32, #tpu.memory_space<hbm>>) dst(%dma_wait3A_1513 : memref<100x128xf32, #tpu.memory_space<vmem>>)
    %add3A_1520 = arith.constant 25 : i32
    %add3A_1521 = arith.addi %mul3A_2, %add3A_1520 : i32
    %dma_start3A_1522 = arith.constant 0 : i32
    %dma_start3A_1523 = arith.constant 0 : i32
    %dma_start3A_1524 = tpu.memref_slice %arg5[%add3A_1521, %dma_start3A_1522, %dma_start3A_1523] : memref<1024x200x128xf32, #tpu.memory_space<hbm>> -> memref<1x200x128xf32, #tpu.memory_space<hbm>>
    %dma_start3A_1525 = tpu.memref_squeeze %dma_start3A_1524 : memref<1x200x128xf32, #tpu.memory_space<hbm>> -> memref<200x128xf32, #tpu.memory_space<hbm>>
    %dma_start3A_1526 = arith.constant 0 : i32
    %dma_start3A_1527 = arith.constant 0 : i32
    %dma_start3A_1528 = tpu.memref_slice %arg5[%add3A_1521, %dma_start3A_1526, %dma_start3A_1527] : memref<1024x200x128xf32, #tpu.memory_space<hbm>> -> memref<1x200x128xf32, #tpu.memory_space<hbm>>
    %dma_start3A_1529 = tpu.memref_squeeze %dma_start3A_1528 : memref<1x200x128xf32, #tpu.memory_space<hbm>> -> memref<200x128xf32, #tpu.memory_space<hbm>>
    tpu.enqueue_dma source(%arg9 : memref<200x128xf32, #tpu.memory_space<vmem>>) target(%dma_start3A_1529 : memref<200x128xf32, #tpu.memory_space<hbm>>) target_semaphore(%arg22 : memref<!tpu.dma_semaphore, #tpu.memory_space<semaphore_mem>>)
    tpu.wait_dma2 semaphore(%arg16 : memref<!tpu.dma_semaphore, #tpu.memory_space<semaphore_mem>>) src(%arg6 : memref<200x128xf32, #tpu.memory_space<vmem_shared>>) dst(%arg11 : memref<200x128xf32, #tpu.memory_space<vmem>>)
    %dma_start3A_1530 = arith.constant 54 : i32
    %dma_start3A_1531 = arith.constant 0 : i32
    %dma_start3A_1532 = arith.constant 0 : i32
    %dma_start3A_1533 = tpu.memref_slice %arg11[%dma_start3A_1531, %dma_start3A_1532] : memref<200x128xf32, #tpu.memory_space<vmem>> -> memref<100x128xf32, #tpu.memory_space<vmem>>
    %dma_start3A_1534 = arith.constant 0 : i32
    %dma_start3A_1535 = tpu.memref_slice %arg7[%dma_start3A_1530, %dma_start3A_1534] : memref<64x100xi32, #tpu.memory_space<vmem>> -> memref<1x100xi32, #tpu.memory_space<vmem>>
    %dma_start3A_1536 = tpu.memref_squeeze %dma_start3A_1535 : memref<1x100xi32, #tpu.memory_space<vmem>> -> memref<100xi32, #tpu.memory_space<vmem>>
    %dma_start3A_1537 = arith.constant 0 : i32
    %dma_start3A_1538 = arith.constant 0 : i32
    %dma_start3A_1539 = tpu.memref_slice %arg3[%dma_start3A_1537, %dma_start3A_1538] : memref<100000x128xf32, #tpu.memory_space<hbm>> -> memref<100000x128xf32, #tpu.memory_space<hbm>>
    tpu.enqueue_indirect_dma source(%dma_start3A_1539 : memref<100000x128xf32, #tpu.memory_space<hbm>>) target(%dma_start3A_1533 : memref<100x128xf32, #tpu.memory_space<vmem>>) offsets(%dma_start3A_1536 : memref<100xi32, #tpu.memory_space<vmem>>) semaphore(%arg20 : memref<!tpu.dma_semaphore, #tpu.memory_space<semaphore_mem>>) {add = true}
    %dma_start3A_1540 = arith.constant 55 : i32
    %dma_start3A_1541 = arith.constant 100 : i32
    %dma_start3A_1542 = arith.constant 0 : i32
    %dma_start3A_1543 = tpu.memref_slice %arg11[%dma_start3A_1541, %dma_start3A_1542] : memref<200x128xf32, #tpu.memory_space<vmem>> -> memref<100x128xf32, #tpu.memory_space<vmem>>
    %dma_start3A_1544 = arith.constant 0 : i32
    %dma_start3A_1545 = tpu.memref_slice %arg7[%dma_start3A_1540, %dma_start3A_1544] : memref<64x100xi32, #tpu.memory_space<vmem>> -> memref<1x100xi32, #tpu.memory_space<vmem>>
    %dma_start3A_1546 = tpu.memref_squeeze %dma_start3A_1545 : memref<1x100xi32, #tpu.memory_space<vmem>> -> memref<100xi32, #tpu.memory_space<vmem>>
    %dma_start3A_1547 = arith.constant 0 : i32
    %dma_start3A_1548 = arith.constant 0 : i32
    %dma_start3A_1549 = tpu.memref_slice %arg3[%dma_start3A_1547, %dma_start3A_1548] : memref<100000x128xf32, #tpu.memory_space<hbm>> -> memref<100000x128xf32, #tpu.memory_space<hbm>>
    tpu.enqueue_indirect_dma source(%dma_start3A_1549 : memref<100000x128xf32, #tpu.memory_space<hbm>>) target(%dma_start3A_1543 : memref<100x128xf32, #tpu.memory_space<vmem>>) offsets(%dma_start3A_1546 : memref<100xi32, #tpu.memory_space<vmem>>) semaphore(%arg20 : memref<!tpu.dma_semaphore, #tpu.memory_space<semaphore_mem>>) {add = true}
    %dma_wait3A_1550 = arith.constant 0 : i32
    %dma_wait3A_1551 = arith.constant 0 : i32
    %dma_wait3A_1552 = tpu.memref_slice %arg5[%add3A_1463, %dma_wait3A_1550, %dma_wait3A_1551] : memref<1024x200x128xf32, #tpu.memory_space<hbm>> -> memref<1x200x128xf32, #tpu.memory_space<hbm>>
    %dma_wait3A_1553 = tpu.memref_squeeze %dma_wait3A_1552 : memref<1x200x128xf32, #tpu.memory_space<hbm>> -> memref<200x128xf32, #tpu.memory_space<hbm>>
    %dma_wait3A_1554 = arith.constant 0 : i32
    %dma_wait3A_1555 = arith.constant 0 : i32
    %dma_wait3A_1556 = tpu.memref_slice %arg5[%add3A_1463, %dma_wait3A_1554, %dma_wait3A_1555] : memref<1024x200x128xf32, #tpu.memory_space<hbm>> -> memref<1x200x128xf32, #tpu.memory_space<hbm>>
    %dma_wait3A_1557 = tpu.memref_squeeze %dma_wait3A_1556 : memref<1x200x128xf32, #tpu.memory_space<hbm>> -> memref<200x128xf32, #tpu.memory_space<hbm>>
    tpu.wait_dma2 semaphore(%arg21 : memref<!tpu.dma_semaphore, #tpu.memory_space<semaphore_mem>>) src(%arg8 : memref<200x128xf32, #tpu.memory_space<vmem>>) dst(%dma_wait3A_1557 : memref<200x128xf32, #tpu.memory_space<hbm>>)
    tpu.enqueue_dma source(%arg6 : memref<200x128xf32, #tpu.memory_space<vmem_shared>>) target(%arg8 : memref<200x128xf32, #tpu.memory_space<vmem>>) target_semaphore(%arg13 : memref<!tpu.dma_semaphore, #tpu.memory_space<semaphore_mem>>)
    %dma_wait3A_1558 = arith.constant 52 : i32
    %dma_wait3A_1559 = arith.constant 0 : i32
    %dma_wait3A_1560 = arith.constant 0 : i32
    %dma_wait3A_1561 = tpu.memref_slice %arg10[%dma_wait3A_1559, %dma_wait3A_1560] : memref<200x128xf32, #tpu.memory_space<vmem>> -> memref<100x128xf32, #tpu.memory_space<vmem>>
    %dma_wait3A_1562 = arith.constant 0 : i32
    %dma_wait3A_1563 = tpu.memref_slice %arg7[%dma_wait3A_1558, %dma_wait3A_1562] : memref<64x100xi32, #tpu.memory_space<vmem>> -> memref<1x100xi32, #tpu.memory_space<vmem>>
    %dma_wait3A_1564 = tpu.memref_squeeze %dma_wait3A_1563 : memref<1x100xi32, #tpu.memory_space<vmem>> -> memref<100xi32, #tpu.memory_space<vmem>>
    %dma_wait3A_1565 = arith.constant 0 : i32
    %dma_wait3A_1566 = arith.constant 0 : i32
    %dma_wait3A_1567 = tpu.memref_slice %arg3[%dma_wait3A_1565, %dma_wait3A_1566] : memref<100000x128xf32, #tpu.memory_space<hbm>> -> memref<100000x128xf32, #tpu.memory_space<hbm>>
    tpu.wait_indirect_dma semaphore(%arg19 : memref<!tpu.dma_semaphore, #tpu.memory_space<semaphore_mem>>) src(%dma_wait3A_1567 : memref<100000x128xf32, #tpu.memory_space<hbm>>) dst(%dma_wait3A_1561 : memref<100x128xf32, #tpu.memory_space<vmem>>)
    %dma_wait3A_1568 = arith.constant 53 : i32
    %dma_wait3A_1569 = arith.constant 100 : i32
    %dma_wait3A_1570 = arith.constant 0 : i32
    %dma_wait3A_1571 = tpu.memref_slice %arg10[%dma_wait3A_1569, %dma_wait3A_1570] : memref<200x128xf32, #tpu.memory_space<vmem>> -> memref<100x128xf32, #tpu.memory_space<vmem>>
    %dma_wait3A_1572 = arith.constant 0 : i32
    %dma_wait3A_1573 = tpu.memref_slice %arg7[%dma_wait3A_1568, %dma_wait3A_1572] : memref<64x100xi32, #tpu.memory_space<vmem>> -> memref<1x100xi32, #tpu.memory_space<vmem>>
    %dma_wait3A_1574 = tpu.memref_squeeze %dma_wait3A_1573 : memref<1x100xi32, #tpu.memory_space<vmem>> -> memref<100xi32, #tpu.memory_space<vmem>>
    %dma_wait3A_1575 = arith.constant 0 : i32
    %dma_wait3A_1576 = arith.constant 0 : i32
    %dma_wait3A_1577 = tpu.memref_slice %arg3[%dma_wait3A_1575, %dma_wait3A_1576] : memref<100000x128xf32, #tpu.memory_space<hbm>> -> memref<100000x128xf32, #tpu.memory_space<hbm>>
    tpu.wait_indirect_dma semaphore(%arg19 : memref<!tpu.dma_semaphore, #tpu.memory_space<semaphore_mem>>) src(%dma_wait3A_1577 : memref<100000x128xf32, #tpu.memory_space<hbm>>) dst(%dma_wait3A_1571 : memref<100x128xf32, #tpu.memory_space<vmem>>)
    %add3A_1578 = arith.constant 26 : i32
    %add3A_1579 = arith.addi %mul3A_2, %add3A_1578 : i32
    %dma_start3A_1580 = arith.constant 0 : i32
    %dma_start3A_1581 = arith.constant 0 : i32
    %dma_start3A_1582 = tpu.memref_slice %arg5[%add3A_1579, %dma_start3A_1580, %dma_start3A_1581] : memref<1024x200x128xf32, #tpu.memory_space<hbm>> -> memref<1x200x128xf32, #tpu.memory_space<hbm>>
    %dma_start3A_1583 = tpu.memref_squeeze %dma_start3A_1582 : memref<1x200x128xf32, #tpu.memory_space<hbm>> -> memref<200x128xf32, #tpu.memory_space<hbm>>
    %dma_start3A_1584 = arith.constant 0 : i32
    %dma_start3A_1585 = arith.constant 0 : i32
    %dma_start3A_1586 = tpu.memref_slice %arg5[%add3A_1579, %dma_start3A_1584, %dma_start3A_1585] : memref<1024x200x128xf32, #tpu.memory_space<hbm>> -> memref<1x200x128xf32, #tpu.memory_space<hbm>>
    %dma_start3A_1587 = tpu.memref_squeeze %dma_start3A_1586 : memref<1x200x128xf32, #tpu.memory_space<hbm>> -> memref<200x128xf32, #tpu.memory_space<hbm>>
    tpu.enqueue_dma source(%arg10 : memref<200x128xf32, #tpu.memory_space<vmem>>) target(%dma_start3A_1587 : memref<200x128xf32, #tpu.memory_space<hbm>>) target_semaphore(%arg23 : memref<!tpu.dma_semaphore, #tpu.memory_space<semaphore_mem>>)
    tpu.wait_dma2 semaphore(%arg13 : memref<!tpu.dma_semaphore, #tpu.memory_space<semaphore_mem>>) src(%arg6 : memref<200x128xf32, #tpu.memory_space<vmem_shared>>) dst(%arg8 : memref<200x128xf32, #tpu.memory_space<vmem>>)
    %dma_start3A_1588 = arith.constant 56 : i32
    %dma_start3A_1589 = arith.constant 0 : i32
    %dma_start3A_1590 = arith.constant 0 : i32
    %dma_start3A_1591 = tpu.memref_slice %arg8[%dma_start3A_1589, %dma_start3A_1590] : memref<200x128xf32, #tpu.memory_space<vmem>> -> memref<100x128xf32, #tpu.memory_space<vmem>>
    %dma_start3A_1592 = arith.constant 0 : i32
    %dma_start3A_1593 = tpu.memref_slice %arg7[%dma_start3A_1588, %dma_start3A_1592] : memref<64x100xi32, #tpu.memory_space<vmem>> -> memref<1x100xi32, #tpu.memory_space<vmem>>
    %dma_start3A_1594 = tpu.memref_squeeze %dma_start3A_1593 : memref<1x100xi32, #tpu.memory_space<vmem>> -> memref<100xi32, #tpu.memory_space<vmem>>
    %dma_start3A_1595 = arith.constant 0 : i32
    %dma_start3A_1596 = arith.constant 0 : i32
    %dma_start3A_1597 = tpu.memref_slice %arg3[%dma_start3A_1595, %dma_start3A_1596] : memref<100000x128xf32, #tpu.memory_space<hbm>> -> memref<100000x128xf32, #tpu.memory_space<hbm>>
    tpu.enqueue_indirect_dma source(%dma_start3A_1597 : memref<100000x128xf32, #tpu.memory_space<hbm>>) target(%dma_start3A_1591 : memref<100x128xf32, #tpu.memory_space<vmem>>) offsets(%dma_start3A_1594 : memref<100xi32, #tpu.memory_space<vmem>>) semaphore(%arg17 : memref<!tpu.dma_semaphore, #tpu.memory_space<semaphore_mem>>) {add = true}
    %dma_start3A_1598 = arith.constant 57 : i32
    %dma_start3A_1599 = arith.constant 100 : i32
    %dma_start3A_1600 = arith.constant 0 : i32
    %dma_start3A_1601 = tpu.memref_slice %arg8[%dma_start3A_1599, %dma_start3A_1600] : memref<200x128xf32, #tpu.memory_space<vmem>> -> memref<100x128xf32, #tpu.memory_space<vmem>>
    %dma_start3A_1602 = arith.constant 0 : i32
    %dma_start3A_1603 = tpu.memref_slice %arg7[%dma_start3A_1598, %dma_start3A_1602] : memref<64x100xi32, #tpu.memory_space<vmem>> -> memref<1x100xi32, #tpu.memory_space<vmem>>
    %dma_start3A_1604 = tpu.memref_squeeze %dma_start3A_1603 : memref<1x100xi32, #tpu.memory_space<vmem>> -> memref<100xi32, #tpu.memory_space<vmem>>
    %dma_start3A_1605 = arith.constant 0 : i32
    %dma_start3A_1606 = arith.constant 0 : i32
    %dma_start3A_1607 = tpu.memref_slice %arg3[%dma_start3A_1605, %dma_start3A_1606] : memref<100000x128xf32, #tpu.memory_space<hbm>> -> memref<100000x128xf32, #tpu.memory_space<hbm>>
    tpu.enqueue_indirect_dma source(%dma_start3A_1607 : memref<100000x128xf32, #tpu.memory_space<hbm>>) target(%dma_start3A_1601 : memref<100x128xf32, #tpu.memory_space<vmem>>) offsets(%dma_start3A_1604 : memref<100xi32, #tpu.memory_space<vmem>>) semaphore(%arg17 : memref<!tpu.dma_semaphore, #tpu.memory_space<semaphore_mem>>) {add = true}
    %dma_wait3A_1608 = arith.constant 0 : i32
    %dma_wait3A_1609 = arith.constant 0 : i32
    %dma_wait3A_1610 = tpu.memref_slice %arg5[%add3A_1521, %dma_wait3A_1608, %dma_wait3A_1609] : memref<1024x200x128xf32, #tpu.memory_space<hbm>> -> memref<1x200x128xf32, #tpu.memory_space<hbm>>
    %dma_wait3A_1611 = tpu.memref_squeeze %dma_wait3A_1610 : memref<1x200x128xf32, #tpu.memory_space<hbm>> -> memref<200x128xf32, #tpu.memory_space<hbm>>
    %dma_wait3A_1612 = arith.constant 0 : i32
    %dma_wait3A_1613 = arith.constant 0 : i32
    %dma_wait3A_1614 = tpu.memref_slice %arg5[%add3A_1521, %dma_wait3A_1612, %dma_wait3A_1613] : memref<1024x200x128xf32, #tpu.memory_space<hbm>> -> memref<1x200x128xf32, #tpu.memory_space<hbm>>
    %dma_wait3A_1615 = tpu.memref_squeeze %dma_wait3A_1614 : memref<1x200x128xf32, #tpu.memory_space<hbm>> -> memref<200x128xf32, #tpu.memory_space<hbm>>
    tpu.wait_dma2 semaphore(%arg22 : memref<!tpu.dma_semaphore, #tpu.memory_space<semaphore_mem>>) src(%arg9 : memref<200x128xf32, #tpu.memory_space<vmem>>) dst(%dma_wait3A_1615 : memref<200x128xf32, #tpu.memory_space<hbm>>)
    tpu.enqueue_dma source(%arg6 : memref<200x128xf32, #tpu.memory_space<vmem_shared>>) target(%arg9 : memref<200x128xf32, #tpu.memory_space<vmem>>) target_semaphore(%arg14 : memref<!tpu.dma_semaphore, #tpu.memory_space<semaphore_mem>>)
    %dma_wait3A_1616 = arith.constant 54 : i32
    %dma_wait3A_1617 = arith.constant 0 : i32
    %dma_wait3A_1618 = arith.constant 0 : i32
    %dma_wait3A_1619 = tpu.memref_slice %arg11[%dma_wait3A_1617, %dma_wait3A_1618] : memref<200x128xf32, #tpu.memory_space<vmem>> -> memref<100x128xf32, #tpu.memory_space<vmem>>
    %dma_wait3A_1620 = arith.constant 0 : i32
    %dma_wait3A_1621 = tpu.memref_slice %arg7[%dma_wait3A_1616, %dma_wait3A_1620] : memref<64x100xi32, #tpu.memory_space<vmem>> -> memref<1x100xi32, #tpu.memory_space<vmem>>
    %dma_wait3A_1622 = tpu.memref_squeeze %dma_wait3A_1621 : memref<1x100xi32, #tpu.memory_space<vmem>> -> memref<100xi32, #tpu.memory_space<vmem>>
    %dma_wait3A_1623 = arith.constant 0 : i32
    %dma_wait3A_1624 = arith.constant 0 : i32
    %dma_wait3A_1625 = tpu.memref_slice %arg3[%dma_wait3A_1623, %dma_wait3A_1624] : memref<100000x128xf32, #tpu.memory_space<hbm>> -> memref<100000x128xf32, #tpu.memory_space<hbm>>
    tpu.wait_indirect_dma semaphore(%arg20 : memref<!tpu.dma_semaphore, #tpu.memory_space<semaphore_mem>>) src(%dma_wait3A_1625 : memref<100000x128xf32, #tpu.memory_space<hbm>>) dst(%dma_wait3A_1619 : memref<100x128xf32, #tpu.memory_space<vmem>>)
    %dma_wait3A_1626 = arith.constant 55 : i32
    %dma_wait3A_1627 = arith.constant 100 : i32
    %dma_wait3A_1628 = arith.constant 0 : i32
    %dma_wait3A_1629 = tpu.memref_slice %arg11[%dma_wait3A_1627, %dma_wait3A_1628] : memref<200x128xf32, #tpu.memory_space<vmem>> -> memref<100x128xf32, #tpu.memory_space<vmem>>
    %dma_wait3A_1630 = arith.constant 0 : i32
    %dma_wait3A_1631 = tpu.memref_slice %arg7[%dma_wait3A_1626, %dma_wait3A_1630] : memref<64x100xi32, #tpu.memory_space<vmem>> -> memref<1x100xi32, #tpu.memory_space<vmem>>
    %dma_wait3A_1632 = tpu.memref_squeeze %dma_wait3A_1631 : memref<1x100xi32, #tpu.memory_space<vmem>> -> memref<100xi32, #tpu.memory_space<vmem>>
    %dma_wait3A_1633 = arith.constant 0 : i32
    %dma_wait3A_1634 = arith.constant 0 : i32
    %dma_wait3A_1635 = tpu.memref_slice %arg3[%dma_wait3A_1633, %dma_wait3A_1634] : memref<100000x128xf32, #tpu.memory_space<hbm>> -> memref<100000x128xf32, #tpu.memory_space<hbm>>
    tpu.wait_indirect_dma semaphore(%arg20 : memref<!tpu.dma_semaphore, #tpu.memory_space<semaphore_mem>>) src(%dma_wait3A_1635 : memref<100000x128xf32, #tpu.memory_space<hbm>>) dst(%dma_wait3A_1629 : memref<100x128xf32, #tpu.memory_space<vmem>>)
    %add3A_1636 = arith.constant 27 : i32
    %add3A_1637 = arith.addi %mul3A_2, %add3A_1636 : i32
    %dma_start3A_1638 = arith.constant 0 : i32
    %dma_start3A_1639 = arith.constant 0 : i32
    %dma_start3A_1640 = tpu.memref_slice %arg5[%add3A_1637, %dma_start3A_1638, %dma_start3A_1639] : memref<1024x200x128xf32, #tpu.memory_space<hbm>> -> memref<1x200x128xf32, #tpu.memory_space<hbm>>
    %dma_start3A_1641 = tpu.memref_squeeze %dma_start3A_1640 : memref<1x200x128xf32, #tpu.memory_space<hbm>> -> memref<200x128xf32, #tpu.memory_space<hbm>>
    %dma_start3A_1642 = arith.constant 0 : i32
    %dma_start3A_1643 = arith.constant 0 : i32
    %dma_start3A_1644 = tpu.memref_slice %arg5[%add3A_1637, %dma_start3A_1642, %dma_start3A_1643] : memref<1024x200x128xf32, #tpu.memory_space<hbm>> -> memref<1x200x128xf32, #tpu.memory_space<hbm>>
    %dma_start3A_1645 = tpu.memref_squeeze %dma_start3A_1644 : memref<1x200x128xf32, #tpu.memory_space<hbm>> -> memref<200x128xf32, #tpu.memory_space<hbm>>
    tpu.enqueue_dma source(%arg11 : memref<200x128xf32, #tpu.memory_space<vmem>>) target(%dma_start3A_1645 : memref<200x128xf32, #tpu.memory_space<hbm>>) target_semaphore(%arg24 : memref<!tpu.dma_semaphore, #tpu.memory_space<semaphore_mem>>)
    tpu.wait_dma2 semaphore(%arg14 : memref<!tpu.dma_semaphore, #tpu.memory_space<semaphore_mem>>) src(%arg6 : memref<200x128xf32, #tpu.memory_space<vmem_shared>>) dst(%arg9 : memref<200x128xf32, #tpu.memory_space<vmem>>)
    %dma_start3A_1646 = arith.constant 58 : i32
    %dma_start3A_1647 = arith.constant 0 : i32
    %dma_start3A_1648 = arith.constant 0 : i32
    %dma_start3A_1649 = tpu.memref_slice %arg9[%dma_start3A_1647, %dma_start3A_1648] : memref<200x128xf32, #tpu.memory_space<vmem>> -> memref<100x128xf32, #tpu.memory_space<vmem>>
    %dma_start3A_1650 = arith.constant 0 : i32
    %dma_start3A_1651 = tpu.memref_slice %arg7[%dma_start3A_1646, %dma_start3A_1650] : memref<64x100xi32, #tpu.memory_space<vmem>> -> memref<1x100xi32, #tpu.memory_space<vmem>>
    %dma_start3A_1652 = tpu.memref_squeeze %dma_start3A_1651 : memref<1x100xi32, #tpu.memory_space<vmem>> -> memref<100xi32, #tpu.memory_space<vmem>>
    %dma_start3A_1653 = arith.constant 0 : i32
    %dma_start3A_1654 = arith.constant 0 : i32
    %dma_start3A_1655 = tpu.memref_slice %arg3[%dma_start3A_1653, %dma_start3A_1654] : memref<100000x128xf32, #tpu.memory_space<hbm>> -> memref<100000x128xf32, #tpu.memory_space<hbm>>
    tpu.enqueue_indirect_dma source(%dma_start3A_1655 : memref<100000x128xf32, #tpu.memory_space<hbm>>) target(%dma_start3A_1649 : memref<100x128xf32, #tpu.memory_space<vmem>>) offsets(%dma_start3A_1652 : memref<100xi32, #tpu.memory_space<vmem>>) semaphore(%arg18 : memref<!tpu.dma_semaphore, #tpu.memory_space<semaphore_mem>>) {add = true}
    %dma_start3A_1656 = arith.constant 59 : i32
    %dma_start3A_1657 = arith.constant 100 : i32
    %dma_start3A_1658 = arith.constant 0 : i32
    %dma_start3A_1659 = tpu.memref_slice %arg9[%dma_start3A_1657, %dma_start3A_1658] : memref<200x128xf32, #tpu.memory_space<vmem>> -> memref<100x128xf32, #tpu.memory_space<vmem>>
    %dma_start3A_1660 = arith.constant 0 : i32
    %dma_start3A_1661 = tpu.memref_slice %arg7[%dma_start3A_1656, %dma_start3A_1660] : memref<64x100xi32, #tpu.memory_space<vmem>> -> memref<1x100xi32, #tpu.memory_space<vmem>>
    %dma_start3A_1662 = tpu.memref_squeeze %dma_start3A_1661 : memref<1x100xi32, #tpu.memory_space<vmem>> -> memref<100xi32, #tpu.memory_space<vmem>>
    %dma_start3A_1663 = arith.constant 0 : i32
    %dma_start3A_1664 = arith.constant 0 : i32
    %dma_start3A_1665 = tpu.memref_slice %arg3[%dma_start3A_1663, %dma_start3A_1664] : memref<100000x128xf32, #tpu.memory_space<hbm>> -> memref<100000x128xf32, #tpu.memory_space<hbm>>
    tpu.enqueue_indirect_dma source(%dma_start3A_1665 : memref<100000x128xf32, #tpu.memory_space<hbm>>) target(%dma_start3A_1659 : memref<100x128xf32, #tpu.memory_space<vmem>>) offsets(%dma_start3A_1662 : memref<100xi32, #tpu.memory_space<vmem>>) semaphore(%arg18 : memref<!tpu.dma_semaphore, #tpu.memory_space<semaphore_mem>>) {add = true}
    %dma_wait3A_1666 = arith.constant 0 : i32
    %dma_wait3A_1667 = arith.constant 0 : i32
    %dma_wait3A_1668 = tpu.memref_slice %arg5[%add3A_1579, %dma_wait3A_1666, %dma_wait3A_1667] : memref<1024x200x128xf32, #tpu.memory_space<hbm>> -> memref<1x200x128xf32, #tpu.memory_space<hbm>>
    %dma_wait3A_1669 = tpu.memref_squeeze %dma_wait3A_1668 : memref<1x200x128xf32, #tpu.memory_space<hbm>> -> memref<200x128xf32, #tpu.memory_space<hbm>>
    %dma_wait3A_1670 = arith.constant 0 : i32
    %dma_wait3A_1671 = arith.constant 0 : i32
    %dma_wait3A_1672 = tpu.memref_slice %arg5[%add3A_1579, %dma_wait3A_1670, %dma_wait3A_1671] : memref<1024x200x128xf32, #tpu.memory_space<hbm>> -> memref<1x200x128xf32, #tpu.memory_space<hbm>>
    %dma_wait3A_1673 = tpu.memref_squeeze %dma_wait3A_1672 : memref<1x200x128xf32, #tpu.memory_space<hbm>> -> memref<200x128xf32, #tpu.memory_space<hbm>>
    tpu.wait_dma2 semaphore(%arg23 : memref<!tpu.dma_semaphore, #tpu.memory_space<semaphore_mem>>) src(%arg10 : memref<200x128xf32, #tpu.memory_space<vmem>>) dst(%dma_wait3A_1673 : memref<200x128xf32, #tpu.memory_space<hbm>>)
    tpu.enqueue_dma source(%arg6 : memref<200x128xf32, #tpu.memory_space<vmem_shared>>) target(%arg10 : memref<200x128xf32, #tpu.memory_space<vmem>>) target_semaphore(%arg15 : memref<!tpu.dma_semaphore, #tpu.memory_space<semaphore_mem>>)
    %dma_wait3A_1674 = arith.constant 56 : i32
    %dma_wait3A_1675 = arith.constant 0 : i32
    %dma_wait3A_1676 = arith.constant 0 : i32
    %dma_wait3A_1677 = tpu.memref_slice %arg8[%dma_wait3A_1675, %dma_wait3A_1676] : memref<200x128xf32, #tpu.memory_space<vmem>> -> memref<100x128xf32, #tpu.memory_space<vmem>>
    %dma_wait3A_1678 = arith.constant 0 : i32
    %dma_wait3A_1679 = tpu.memref_slice %arg7[%dma_wait3A_1674, %dma_wait3A_1678] : memref<64x100xi32, #tpu.memory_space<vmem>> -> memref<1x100xi32, #tpu.memory_space<vmem>>
    %dma_wait3A_1680 = tpu.memref_squeeze %dma_wait3A_1679 : memref<1x100xi32, #tpu.memory_space<vmem>> -> memref<100xi32, #tpu.memory_space<vmem>>
    %dma_wait3A_1681 = arith.constant 0 : i32
    %dma_wait3A_1682 = arith.constant 0 : i32
    %dma_wait3A_1683 = tpu.memref_slice %arg3[%dma_wait3A_1681, %dma_wait3A_1682] : memref<100000x128xf32, #tpu.memory_space<hbm>> -> memref<100000x128xf32, #tpu.memory_space<hbm>>
    tpu.wait_indirect_dma semaphore(%arg17 : memref<!tpu.dma_semaphore, #tpu.memory_space<semaphore_mem>>) src(%dma_wait3A_1683 : memref<100000x128xf32, #tpu.memory_space<hbm>>) dst(%dma_wait3A_1677 : memref<100x128xf32, #tpu.memory_space<vmem>>)
    %dma_wait3A_1684 = arith.constant 57 : i32
    %dma_wait3A_1685 = arith.constant 100 : i32
    %dma_wait3A_1686 = arith.constant 0 : i32
    %dma_wait3A_1687 = tpu.memref_slice %arg8[%dma_wait3A_1685, %dma_wait3A_1686] : memref<200x128xf32, #tpu.memory_space<vmem>> -> memref<100x128xf32, #tpu.memory_space<vmem>>
    %dma_wait3A_1688 = arith.constant 0 : i32
    %dma_wait3A_1689 = tpu.memref_slice %arg7[%dma_wait3A_1684, %dma_wait3A_1688] : memref<64x100xi32, #tpu.memory_space<vmem>> -> memref<1x100xi32, #tpu.memory_space<vmem>>
    %dma_wait3A_1690 = tpu.memref_squeeze %dma_wait3A_1689 : memref<1x100xi32, #tpu.memory_space<vmem>> -> memref<100xi32, #tpu.memory_space<vmem>>
    %dma_wait3A_1691 = arith.constant 0 : i32
    %dma_wait3A_1692 = arith.constant 0 : i32
    %dma_wait3A_1693 = tpu.memref_slice %arg3[%dma_wait3A_1691, %dma_wait3A_1692] : memref<100000x128xf32, #tpu.memory_space<hbm>> -> memref<100000x128xf32, #tpu.memory_space<hbm>>
    tpu.wait_indirect_dma semaphore(%arg17 : memref<!tpu.dma_semaphore, #tpu.memory_space<semaphore_mem>>) src(%dma_wait3A_1693 : memref<100000x128xf32, #tpu.memory_space<hbm>>) dst(%dma_wait3A_1687 : memref<100x128xf32, #tpu.memory_space<vmem>>)
    %add3A_1694 = arith.constant 28 : i32
    %add3A_1695 = arith.addi %mul3A_2, %add3A_1694 : i32
    %dma_start3A_1696 = arith.constant 0 : i32
    %dma_start3A_1697 = arith.constant 0 : i32
    %dma_start3A_1698 = tpu.memref_slice %arg5[%add3A_1695, %dma_start3A_1696, %dma_start3A_1697] : memref<1024x200x128xf32, #tpu.memory_space<hbm>> -> memref<1x200x128xf32, #tpu.memory_space<hbm>>
    %dma_start3A_1699 = tpu.memref_squeeze %dma_start3A_1698 : memref<1x200x128xf32, #tpu.memory_space<hbm>> -> memref<200x128xf32, #tpu.memory_space<hbm>>
    %dma_start3A_1700 = arith.constant 0 : i32
    %dma_start3A_1701 = arith.constant 0 : i32
    %dma_start3A_1702 = tpu.memref_slice %arg5[%add3A_1695, %dma_start3A_1700, %dma_start3A_1701] : memref<1024x200x128xf32, #tpu.memory_space<hbm>> -> memref<1x200x128xf32, #tpu.memory_space<hbm>>
    %dma_start3A_1703 = tpu.memref_squeeze %dma_start3A_1702 : memref<1x200x128xf32, #tpu.memory_space<hbm>> -> memref<200x128xf32, #tpu.memory_space<hbm>>
    tpu.enqueue_dma source(%arg8 : memref<200x128xf32, #tpu.memory_space<vmem>>) target(%dma_start3A_1703 : memref<200x128xf32, #tpu.memory_space<hbm>>) target_semaphore(%arg21 : memref<!tpu.dma_semaphore, #tpu.memory_space<semaphore_mem>>)
    tpu.wait_dma2 semaphore(%arg15 : memref<!tpu.dma_semaphore, #tpu.memory_space<semaphore_mem>>) src(%arg6 : memref<200x128xf32, #tpu.memory_space<vmem_shared>>) dst(%arg10 : memref<200x128xf32, #tpu.memory_space<vmem>>)
    %dma_start3A_1704 = arith.constant 60 : i32
    %dma_start3A_1705 = arith.constant 0 : i32
    %dma_start3A_1706 = arith.constant 0 : i32
    %dma_start3A_1707 = tpu.memref_slice %arg10[%dma_start3A_1705, %dma_start3A_1706] : memref<200x128xf32, #tpu.memory_space<vmem>> -> memref<100x128xf32, #tpu.memory_space<vmem>>
    %dma_start3A_1708 = arith.constant 0 : i32
    %dma_start3A_1709 = tpu.memref_slice %arg7[%dma_start3A_1704, %dma_start3A_1708] : memref<64x100xi32, #tpu.memory_space<vmem>> -> memref<1x100xi32, #tpu.memory_space<vmem>>
    %dma_start3A_1710 = tpu.memref_squeeze %dma_start3A_1709 : memref<1x100xi32, #tpu.memory_space<vmem>> -> memref<100xi32, #tpu.memory_space<vmem>>
    %dma_start3A_1711 = arith.constant 0 : i32
    %dma_start3A_1712 = arith.constant 0 : i32
    %dma_start3A_1713 = tpu.memref_slice %arg3[%dma_start3A_1711, %dma_start3A_1712] : memref<100000x128xf32, #tpu.memory_space<hbm>> -> memref<100000x128xf32, #tpu.memory_space<hbm>>
    tpu.enqueue_indirect_dma source(%dma_start3A_1713 : memref<100000x128xf32, #tpu.memory_space<hbm>>) target(%dma_start3A_1707 : memref<100x128xf32, #tpu.memory_space<vmem>>) offsets(%dma_start3A_1710 : memref<100xi32, #tpu.memory_space<vmem>>) semaphore(%arg19 : memref<!tpu.dma_semaphore, #tpu.memory_space<semaphore_mem>>) {add = true}
    %dma_start3A_1714 = arith.constant 61 : i32
    %dma_start3A_1715 = arith.constant 100 : i32
    %dma_start3A_1716 = arith.constant 0 : i32
    %dma_start3A_1717 = tpu.memref_slice %arg10[%dma_start3A_1715, %dma_start3A_1716] : memref<200x128xf32, #tpu.memory_space<vmem>> -> memref<100x128xf32, #tpu.memory_space<vmem>>
    %dma_start3A_1718 = arith.constant 0 : i32
    %dma_start3A_1719 = tpu.memref_slice %arg7[%dma_start3A_1714, %dma_start3A_1718] : memref<64x100xi32, #tpu.memory_space<vmem>> -> memref<1x100xi32, #tpu.memory_space<vmem>>
    %dma_start3A_1720 = tpu.memref_squeeze %dma_start3A_1719 : memref<1x100xi32, #tpu.memory_space<vmem>> -> memref<100xi32, #tpu.memory_space<vmem>>
    %dma_start3A_1721 = arith.constant 0 : i32
    %dma_start3A_1722 = arith.constant 0 : i32
    %dma_start3A_1723 = tpu.memref_slice %arg3[%dma_start3A_1721, %dma_start3A_1722] : memref<100000x128xf32, #tpu.memory_space<hbm>> -> memref<100000x128xf32, #tpu.memory_space<hbm>>
    tpu.enqueue_indirect_dma source(%dma_start3A_1723 : memref<100000x128xf32, #tpu.memory_space<hbm>>) target(%dma_start3A_1717 : memref<100x128xf32, #tpu.memory_space<vmem>>) offsets(%dma_start3A_1720 : memref<100xi32, #tpu.memory_space<vmem>>) semaphore(%arg19 : memref<!tpu.dma_semaphore, #tpu.memory_space<semaphore_mem>>) {add = true}
    %dma_wait3A_1724 = arith.constant 0 : i32
    %dma_wait3A_1725 = arith.constant 0 : i32
    %dma_wait3A_1726 = tpu.memref_slice %arg5[%add3A_1637, %dma_wait3A_1724, %dma_wait3A_1725] : memref<1024x200x128xf32, #tpu.memory_space<hbm>> -> memref<1x200x128xf32, #tpu.memory_space<hbm>>
    %dma_wait3A_1727 = tpu.memref_squeeze %dma_wait3A_1726 : memref<1x200x128xf32, #tpu.memory_space<hbm>> -> memref<200x128xf32, #tpu.memory_space<hbm>>
    %dma_wait3A_1728 = arith.constant 0 : i32
    %dma_wait3A_1729 = arith.constant 0 : i32
    %dma_wait3A_1730 = tpu.memref_slice %arg5[%add3A_1637, %dma_wait3A_1728, %dma_wait3A_1729] : memref<1024x200x128xf32, #tpu.memory_space<hbm>> -> memref<1x200x128xf32, #tpu.memory_space<hbm>>
    %dma_wait3A_1731 = tpu.memref_squeeze %dma_wait3A_1730 : memref<1x200x128xf32, #tpu.memory_space<hbm>> -> memref<200x128xf32, #tpu.memory_space<hbm>>
    tpu.wait_dma2 semaphore(%arg24 : memref<!tpu.dma_semaphore, #tpu.memory_space<semaphore_mem>>) src(%arg11 : memref<200x128xf32, #tpu.memory_space<vmem>>) dst(%dma_wait3A_1731 : memref<200x128xf32, #tpu.memory_space<hbm>>)
    tpu.enqueue_dma source(%arg6 : memref<200x128xf32, #tpu.memory_space<vmem_shared>>) target(%arg11 : memref<200x128xf32, #tpu.memory_space<vmem>>) target_semaphore(%arg16 : memref<!tpu.dma_semaphore, #tpu.memory_space<semaphore_mem>>)
    %dma_wait3A_1732 = arith.constant 58 : i32
    %dma_wait3A_1733 = arith.constant 0 : i32
    %dma_wait3A_1734 = arith.constant 0 : i32
    %dma_wait3A_1735 = tpu.memref_slice %arg9[%dma_wait3A_1733, %dma_wait3A_1734] : memref<200x128xf32, #tpu.memory_space<vmem>> -> memref<100x128xf32, #tpu.memory_space<vmem>>
    %dma_wait3A_1736 = arith.constant 0 : i32
    %dma_wait3A_1737 = tpu.memref_slice %arg7[%dma_wait3A_1732, %dma_wait3A_1736] : memref<64x100xi32, #tpu.memory_space<vmem>> -> memref<1x100xi32, #tpu.memory_space<vmem>>
    %dma_wait3A_1738 = tpu.memref_squeeze %dma_wait3A_1737 : memref<1x100xi32, #tpu.memory_space<vmem>> -> memref<100xi32, #tpu.memory_space<vmem>>
    %dma_wait3A_1739 = arith.constant 0 : i32
    %dma_wait3A_1740 = arith.constant 0 : i32
    %dma_wait3A_1741 = tpu.memref_slice %arg3[%dma_wait3A_1739, %dma_wait3A_1740] : memref<100000x128xf32, #tpu.memory_space<hbm>> -> memref<100000x128xf32, #tpu.memory_space<hbm>>
    tpu.wait_indirect_dma semaphore(%arg18 : memref<!tpu.dma_semaphore, #tpu.memory_space<semaphore_mem>>) src(%dma_wait3A_1741 : memref<100000x128xf32, #tpu.memory_space<hbm>>) dst(%dma_wait3A_1735 : memref<100x128xf32, #tpu.memory_space<vmem>>)
    %dma_wait3A_1742 = arith.constant 59 : i32
    %dma_wait3A_1743 = arith.constant 100 : i32
    %dma_wait3A_1744 = arith.constant 0 : i32
    %dma_wait3A_1745 = tpu.memref_slice %arg9[%dma_wait3A_1743, %dma_wait3A_1744] : memref<200x128xf32, #tpu.memory_space<vmem>> -> memref<100x128xf32, #tpu.memory_space<vmem>>
    %dma_wait3A_1746 = arith.constant 0 : i32
    %dma_wait3A_1747 = tpu.memref_slice %arg7[%dma_wait3A_1742, %dma_wait3A_1746] : memref<64x100xi32, #tpu.memory_space<vmem>> -> memref<1x100xi32, #tpu.memory_space<vmem>>
    %dma_wait3A_1748 = tpu.memref_squeeze %dma_wait3A_1747 : memref<1x100xi32, #tpu.memory_space<vmem>> -> memref<100xi32, #tpu.memory_space<vmem>>
    %dma_wait3A_1749 = arith.constant 0 : i32
    %dma_wait3A_1750 = arith.constant 0 : i32
    %dma_wait3A_1751 = tpu.memref_slice %arg3[%dma_wait3A_1749, %dma_wait3A_1750] : memref<100000x128xf32, #tpu.memory_space<hbm>> -> memref<100000x128xf32, #tpu.memory_space<hbm>>
    tpu.wait_indirect_dma semaphore(%arg18 : memref<!tpu.dma_semaphore, #tpu.memory_space<semaphore_mem>>) src(%dma_wait3A_1751 : memref<100000x128xf32, #tpu.memory_space<hbm>>) dst(%dma_wait3A_1745 : memref<100x128xf32, #tpu.memory_space<vmem>>)
    %add3A_1752 = arith.constant 29 : i32
    %add3A_1753 = arith.addi %mul3A_2, %add3A_1752 : i32
    %dma_start3A_1754 = arith.constant 0 : i32
    %dma_start3A_1755 = arith.constant 0 : i32
    %dma_start3A_1756 = tpu.memref_slice %arg5[%add3A_1753, %dma_start3A_1754, %dma_start3A_1755] : memref<1024x200x128xf32, #tpu.memory_space<hbm>> -> memref<1x200x128xf32, #tpu.memory_space<hbm>>
    %dma_start3A_1757 = tpu.memref_squeeze %dma_start3A_1756 : memref<1x200x128xf32, #tpu.memory_space<hbm>> -> memref<200x128xf32, #tpu.memory_space<hbm>>
    %dma_start3A_1758 = arith.constant 0 : i32
    %dma_start3A_1759 = arith.constant 0 : i32
    %dma_start3A_1760 = tpu.memref_slice %arg5[%add3A_1753, %dma_start3A_1758, %dma_start3A_1759] : memref<1024x200x128xf32, #tpu.memory_space<hbm>> -> memref<1x200x128xf32, #tpu.memory_space<hbm>>
    %dma_start3A_1761 = tpu.memref_squeeze %dma_start3A_1760 : memref<1x200x128xf32, #tpu.memory_space<hbm>> -> memref<200x128xf32, #tpu.memory_space<hbm>>
    tpu.enqueue_dma source(%arg9 : memref<200x128xf32, #tpu.memory_space<vmem>>) target(%dma_start3A_1761 : memref<200x128xf32, #tpu.memory_space<hbm>>) target_semaphore(%arg22 : memref<!tpu.dma_semaphore, #tpu.memory_space<semaphore_mem>>)
    tpu.wait_dma2 semaphore(%arg16 : memref<!tpu.dma_semaphore, #tpu.memory_space<semaphore_mem>>) src(%arg6 : memref<200x128xf32, #tpu.memory_space<vmem_shared>>) dst(%arg11 : memref<200x128xf32, #tpu.memory_space<vmem>>)
    %dma_start3A_1762 = arith.constant 62 : i32
    %dma_start3A_1763 = arith.constant 0 : i32
    %dma_start3A_1764 = arith.constant 0 : i32
    %dma_start3A_1765 = tpu.memref_slice %arg11[%dma_start3A_1763, %dma_start3A_1764] : memref<200x128xf32, #tpu.memory_space<vmem>> -> memref<100x128xf32, #tpu.memory_space<vmem>>
    %dma_start3A_1766 = arith.constant 0 : i32
    %dma_start3A_1767 = tpu.memref_slice %arg7[%dma_start3A_1762, %dma_start3A_1766] : memref<64x100xi32, #tpu.memory_space<vmem>> -> memref<1x100xi32, #tpu.memory_space<vmem>>
    %dma_start3A_1768 = tpu.memref_squeeze %dma_start3A_1767 : memref<1x100xi32, #tpu.memory_space<vmem>> -> memref<100xi32, #tpu.memory_space<vmem>>
    %dma_start3A_1769 = arith.constant 0 : i32
    %dma_start3A_1770 = arith.constant 0 : i32
    %dma_start3A_1771 = tpu.memref_slice %arg3[%dma_start3A_1769, %dma_start3A_1770] : memref<100000x128xf32, #tpu.memory_space<hbm>> -> memref<100000x128xf32, #tpu.memory_space<hbm>>
    tpu.enqueue_indirect_dma source(%dma_start3A_1771 : memref<100000x128xf32, #tpu.memory_space<hbm>>) target(%dma_start3A_1765 : memref<100x128xf32, #tpu.memory_space<vmem>>) offsets(%dma_start3A_1768 : memref<100xi32, #tpu.memory_space<vmem>>) semaphore(%arg20 : memref<!tpu.dma_semaphore, #tpu.memory_space<semaphore_mem>>) {add = true}
    %dma_start3A_1772 = arith.constant 63 : i32
    %dma_start3A_1773 = arith.constant 100 : i32
    %dma_start3A_1774 = arith.constant 0 : i32
    %dma_start3A_1775 = tpu.memref_slice %arg11[%dma_start3A_1773, %dma_start3A_1774] : memref<200x128xf32, #tpu.memory_space<vmem>> -> memref<100x128xf32, #tpu.memory_space<vmem>>
    %dma_start3A_1776 = arith.constant 0 : i32
    %dma_start3A_1777 = tpu.memref_slice %arg7[%dma_start3A_1772, %dma_start3A_1776] : memref<64x100xi32, #tpu.memory_space<vmem>> -> memref<1x100xi32, #tpu.memory_space<vmem>>
    %dma_start3A_1778 = tpu.memref_squeeze %dma_start3A_1777 : memref<1x100xi32, #tpu.memory_space<vmem>> -> memref<100xi32, #tpu.memory_space<vmem>>
    %dma_start3A_1779 = arith.constant 0 : i32
    %dma_start3A_1780 = arith.constant 0 : i32
    %dma_start3A_1781 = tpu.memref_slice %arg3[%dma_start3A_1779, %dma_start3A_1780] : memref<100000x128xf32, #tpu.memory_space<hbm>> -> memref<100000x128xf32, #tpu.memory_space<hbm>>
    tpu.enqueue_indirect_dma source(%dma_start3A_1781 : memref<100000x128xf32, #tpu.memory_space<hbm>>) target(%dma_start3A_1775 : memref<100x128xf32, #tpu.memory_space<vmem>>) offsets(%dma_start3A_1778 : memref<100xi32, #tpu.memory_space<vmem>>) semaphore(%arg20 : memref<!tpu.dma_semaphore, #tpu.memory_space<semaphore_mem>>) {add = true}
    %dma_wait3A_1782 = arith.constant 0 : i32
    %dma_wait3A_1783 = arith.constant 0 : i32
    %dma_wait3A_1784 = tpu.memref_slice %arg5[%add3A_1695, %dma_wait3A_1782, %dma_wait3A_1783] : memref<1024x200x128xf32, #tpu.memory_space<hbm>> -> memref<1x200x128xf32, #tpu.memory_space<hbm>>
    %dma_wait3A_1785 = tpu.memref_squeeze %dma_wait3A_1784 : memref<1x200x128xf32, #tpu.memory_space<hbm>> -> memref<200x128xf32, #tpu.memory_space<hbm>>
    %dma_wait3A_1786 = arith.constant 0 : i32
    %dma_wait3A_1787 = arith.constant 0 : i32
    %dma_wait3A_1788 = tpu.memref_slice %arg5[%add3A_1695, %dma_wait3A_1786, %dma_wait3A_1787] : memref<1024x200x128xf32, #tpu.memory_space<hbm>> -> memref<1x200x128xf32, #tpu.memory_space<hbm>>
    %dma_wait3A_1789 = tpu.memref_squeeze %dma_wait3A_1788 : memref<1x200x128xf32, #tpu.memory_space<hbm>> -> memref<200x128xf32, #tpu.memory_space<hbm>>
    tpu.wait_dma2 semaphore(%arg21 : memref<!tpu.dma_semaphore, #tpu.memory_space<semaphore_mem>>) src(%arg8 : memref<200x128xf32, #tpu.memory_space<vmem>>) dst(%dma_wait3A_1789 : memref<200x128xf32, #tpu.memory_space<hbm>>)
    %dma_wait3A_1790 = arith.constant 60 : i32
    %dma_wait3A_1791 = arith.constant 0 : i32
    %dma_wait3A_1792 = arith.constant 0 : i32
    %dma_wait3A_1793 = tpu.memref_slice %arg10[%dma_wait3A_1791, %dma_wait3A_1792] : memref<200x128xf32, #tpu.memory_space<vmem>> -> memref<100x128xf32, #tpu.memory_space<vmem>>
    %dma_wait3A_1794 = arith.constant 0 : i32
    %dma_wait3A_1795 = tpu.memref_slice %arg7[%dma_wait3A_1790, %dma_wait3A_1794] : memref<64x100xi32, #tpu.memory_space<vmem>> -> memref<1x100xi32, #tpu.memory_space<vmem>>
    %dma_wait3A_1796 = tpu.memref_squeeze %dma_wait3A_1795 : memref<1x100xi32, #tpu.memory_space<vmem>> -> memref<100xi32, #tpu.memory_space<vmem>>
    %dma_wait3A_1797 = arith.constant 0 : i32
    %dma_wait3A_1798 = arith.constant 0 : i32
    %dma_wait3A_1799 = tpu.memref_slice %arg3[%dma_wait3A_1797, %dma_wait3A_1798] : memref<100000x128xf32, #tpu.memory_space<hbm>> -> memref<100000x128xf32, #tpu.memory_space<hbm>>
    tpu.wait_indirect_dma semaphore(%arg19 : memref<!tpu.dma_semaphore, #tpu.memory_space<semaphore_mem>>) src(%dma_wait3A_1799 : memref<100000x128xf32, #tpu.memory_space<hbm>>) dst(%dma_wait3A_1793 : memref<100x128xf32, #tpu.memory_space<vmem>>)
    %dma_wait3A_1800 = arith.constant 61 : i32
    %dma_wait3A_1801 = arith.constant 100 : i32
    %dma_wait3A_1802 = arith.constant 0 : i32
    %dma_wait3A_1803 = tpu.memref_slice %arg10[%dma_wait3A_1801, %dma_wait3A_1802] : memref<200x128xf32, #tpu.memory_space<vmem>> -> memref<100x128xf32, #tpu.memory_space<vmem>>
    %dma_wait3A_1804 = arith.constant 0 : i32
    %dma_wait3A_1805 = tpu.memref_slice %arg7[%dma_wait3A_1800, %dma_wait3A_1804] : memref<64x100xi32, #tpu.memory_space<vmem>> -> memref<1x100xi32, #tpu.memory_space<vmem>>
    %dma_wait3A_1806 = tpu.memref_squeeze %dma_wait3A_1805 : memref<1x100xi32, #tpu.memory_space<vmem>> -> memref<100xi32, #tpu.memory_space<vmem>>
    %dma_wait3A_1807 = arith.constant 0 : i32
    %dma_wait3A_1808 = arith.constant 0 : i32
    %dma_wait3A_1809 = tpu.memref_slice %arg3[%dma_wait3A_1807, %dma_wait3A_1808] : memref<100000x128xf32, #tpu.memory_space<hbm>> -> memref<100000x128xf32, #tpu.memory_space<hbm>>
    tpu.wait_indirect_dma semaphore(%arg19 : memref<!tpu.dma_semaphore, #tpu.memory_space<semaphore_mem>>) src(%dma_wait3A_1809 : memref<100000x128xf32, #tpu.memory_space<hbm>>) dst(%dma_wait3A_1803 : memref<100x128xf32, #tpu.memory_space<vmem>>)
    %add3A_1810 = arith.constant 30 : i32
    %add3A_1811 = arith.addi %mul3A_2, %add3A_1810 : i32
    %dma_start3A_1812 = arith.constant 0 : i32
    %dma_start3A_1813 = arith.constant 0 : i32
    %dma_start3A_1814 = tpu.memref_slice %arg5[%add3A_1811, %dma_start3A_1812, %dma_start3A_1813] : memref<1024x200x128xf32, #tpu.memory_space<hbm>> -> memref<1x200x128xf32, #tpu.memory_space<hbm>>
    %dma_start3A_1815 = tpu.memref_squeeze %dma_start3A_1814 : memref<1x200x128xf32, #tpu.memory_space<hbm>> -> memref<200x128xf32, #tpu.memory_space<hbm>>
    %dma_start3A_1816 = arith.constant 0 : i32
    %dma_start3A_1817 = arith.constant 0 : i32
    %dma_start3A_1818 = tpu.memref_slice %arg5[%add3A_1811, %dma_start3A_1816, %dma_start3A_1817] : memref<1024x200x128xf32, #tpu.memory_space<hbm>> -> memref<1x200x128xf32, #tpu.memory_space<hbm>>
    %dma_start3A_1819 = tpu.memref_squeeze %dma_start3A_1818 : memref<1x200x128xf32, #tpu.memory_space<hbm>> -> memref<200x128xf32, #tpu.memory_space<hbm>>
    tpu.enqueue_dma source(%arg10 : memref<200x128xf32, #tpu.memory_space<vmem>>) target(%dma_start3A_1819 : memref<200x128xf32, #tpu.memory_space<hbm>>) target_semaphore(%arg23 : memref<!tpu.dma_semaphore, #tpu.memory_space<semaphore_mem>>)
    %dma_wait3A_1820 = arith.constant 0 : i32
    %dma_wait3A_1821 = arith.constant 0 : i32
    %dma_wait3A_1822 = tpu.memref_slice %arg5[%add3A_1753, %dma_wait3A_1820, %dma_wait3A_1821] : memref<1024x200x128xf32, #tpu.memory_space<hbm>> -> memref<1x200x128xf32, #tpu.memory_space<hbm>>
    %dma_wait3A_1823 = tpu.memref_squeeze %dma_wait3A_1822 : memref<1x200x128xf32, #tpu.memory_space<hbm>> -> memref<200x128xf32, #tpu.memory_space<hbm>>
    %dma_wait3A_1824 = arith.constant 0 : i32
    %dma_wait3A_1825 = arith.constant 0 : i32
    %dma_wait3A_1826 = tpu.memref_slice %arg5[%add3A_1753, %dma_wait3A_1824, %dma_wait3A_1825] : memref<1024x200x128xf32, #tpu.memory_space<hbm>> -> memref<1x200x128xf32, #tpu.memory_space<hbm>>
    %dma_wait3A_1827 = tpu.memref_squeeze %dma_wait3A_1826 : memref<1x200x128xf32, #tpu.memory_space<hbm>> -> memref<200x128xf32, #tpu.memory_space<hbm>>
    tpu.wait_dma2 semaphore(%arg22 : memref<!tpu.dma_semaphore, #tpu.memory_space<semaphore_mem>>) src(%arg9 : memref<200x128xf32, #tpu.memory_space<vmem>>) dst(%dma_wait3A_1827 : memref<200x128xf32, #tpu.memory_space<hbm>>)
    %dma_wait3A_1828 = arith.constant 62 : i32
    %dma_wait3A_1829 = arith.constant 0 : i32
    %dma_wait3A_1830 = arith.constant 0 : i32
    %dma_wait3A_1831 = tpu.memref_slice %arg11[%dma_wait3A_1829, %dma_wait3A_1830] : memref<200x128xf32, #tpu.memory_space<vmem>> -> memref<100x128xf32, #tpu.memory_space<vmem>>
    %dma_wait3A_1832 = arith.constant 0 : i32
    %dma_wait3A_1833 = tpu.memref_slice %arg7[%dma_wait3A_1828, %dma_wait3A_1832] : memref<64x100xi32, #tpu.memory_space<vmem>> -> memref<1x100xi32, #tpu.memory_space<vmem>>
    %dma_wait3A_1834 = tpu.memref_squeeze %dma_wait3A_1833 : memref<1x100xi32, #tpu.memory_space<vmem>> -> memref<100xi32, #tpu.memory_space<vmem>>
    %dma_wait3A_1835 = arith.constant 0 : i32
    %dma_wait3A_1836 = arith.constant 0 : i32
    %dma_wait3A_1837 = tpu.memref_slice %arg3[%dma_wait3A_1835, %dma_wait3A_1836] : memref<100000x128xf32, #tpu.memory_space<hbm>> -> memref<100000x128xf32, #tpu.memory_space<hbm>>
    tpu.wait_indirect_dma semaphore(%arg20 : memref<!tpu.dma_semaphore, #tpu.memory_space<semaphore_mem>>) src(%dma_wait3A_1837 : memref<100000x128xf32, #tpu.memory_space<hbm>>) dst(%dma_wait3A_1831 : memref<100x128xf32, #tpu.memory_space<vmem>>)
    %dma_wait3A_1838 = arith.constant 63 : i32
    %dma_wait3A_1839 = arith.constant 100 : i32
    %dma_wait3A_1840 = arith.constant 0 : i32
    %dma_wait3A_1841 = tpu.memref_slice %arg11[%dma_wait3A_1839, %dma_wait3A_1840] : memref<200x128xf32, #tpu.memory_space<vmem>> -> memref<100x128xf32, #tpu.memory_space<vmem>>
    %dma_wait3A_1842 = arith.constant 0 : i32
    %dma_wait3A_1843 = tpu.memref_slice %arg7[%dma_wait3A_1838, %dma_wait3A_1842] : memref<64x100xi32, #tpu.memory_space<vmem>> -> memref<1x100xi32, #tpu.memory_space<vmem>>
    %dma_wait3A_1844 = tpu.memref_squeeze %dma_wait3A_1843 : memref<1x100xi32, #tpu.memory_space<vmem>> -> memref<100xi32, #tpu.memory_space<vmem>>
    %dma_wait3A_1845 = arith.constant 0 : i32
    %dma_wait3A_1846 = arith.constant 0 : i32
    %dma_wait3A_1847 = tpu.memref_slice %arg3[%dma_wait3A_1845, %dma_wait3A_1846] : memref<100000x128xf32, #tpu.memory_space<hbm>> -> memref<100000x128xf32, #tpu.memory_space<hbm>>
    tpu.wait_indirect_dma semaphore(%arg20 : memref<!tpu.dma_semaphore, #tpu.memory_space<semaphore_mem>>) src(%dma_wait3A_1847 : memref<100000x128xf32, #tpu.memory_space<hbm>>) dst(%dma_wait3A_1841 : memref<100x128xf32, #tpu.memory_space<vmem>>)
    %add3A_1848 = arith.constant 31 : i32
    %add3A_1849 = arith.addi %mul3A_2, %add3A_1848 : i32
    %dma_start3A_1850 = arith.constant 0 : i32
    %dma_start3A_1851 = arith.constant 0 : i32
    %dma_start3A_1852 = tpu.memref_slice %arg5[%add3A_1849, %dma_start3A_1850, %dma_start3A_1851] : memref<1024x200x128xf32, #tpu.memory_space<hbm>> -> memref<1x200x128xf32, #tpu.memory_space<hbm>>
    %dma_start3A_1853 = tpu.memref_squeeze %dma_start3A_1852 : memref<1x200x128xf32, #tpu.memory_space<hbm>> -> memref<200x128xf32, #tpu.memory_space<hbm>>
    %dma_start3A_1854 = arith.constant 0 : i32
    %dma_start3A_1855 = arith.constant 0 : i32
    %dma_start3A_1856 = tpu.memref_slice %arg5[%add3A_1849, %dma_start3A_1854, %dma_start3A_1855] : memref<1024x200x128xf32, #tpu.memory_space<hbm>> -> memref<1x200x128xf32, #tpu.memory_space<hbm>>
    %dma_start3A_1857 = tpu.memref_squeeze %dma_start3A_1856 : memref<1x200x128xf32, #tpu.memory_space<hbm>> -> memref<200x128xf32, #tpu.memory_space<hbm>>
    tpu.enqueue_dma source(%arg11 : memref<200x128xf32, #tpu.memory_space<vmem>>) target(%dma_start3A_1857 : memref<200x128xf32, #tpu.memory_space<hbm>>) target_semaphore(%arg24 : memref<!tpu.dma_semaphore, #tpu.memory_space<semaphore_mem>>)
    %dma_wait3A_1858 = arith.constant 0 : i32
    %dma_wait3A_1859 = arith.constant 0 : i32
    %dma_wait3A_1860 = tpu.memref_slice %arg5[%add3A_1811, %dma_wait3A_1858, %dma_wait3A_1859] : memref<1024x200x128xf32, #tpu.memory_space<hbm>> -> memref<1x200x128xf32, #tpu.memory_space<hbm>>
    %dma_wait3A_1861 = tpu.memref_squeeze %dma_wait3A_1860 : memref<1x200x128xf32, #tpu.memory_space<hbm>> -> memref<200x128xf32, #tpu.memory_space<hbm>>
    %dma_wait3A_1862 = arith.constant 0 : i32
    %dma_wait3A_1863 = arith.constant 0 : i32
    %dma_wait3A_1864 = tpu.memref_slice %arg5[%add3A_1811, %dma_wait3A_1862, %dma_wait3A_1863] : memref<1024x200x128xf32, #tpu.memory_space<hbm>> -> memref<1x200x128xf32, #tpu.memory_space<hbm>>
    %dma_wait3A_1865 = tpu.memref_squeeze %dma_wait3A_1864 : memref<1x200x128xf32, #tpu.memory_space<hbm>> -> memref<200x128xf32, #tpu.memory_space<hbm>>
    tpu.wait_dma2 semaphore(%arg23 : memref<!tpu.dma_semaphore, #tpu.memory_space<semaphore_mem>>) src(%arg10 : memref<200x128xf32, #tpu.memory_space<vmem>>) dst(%dma_wait3A_1865 : memref<200x128xf32, #tpu.memory_space<hbm>>)
    %dma_wait3A_1866 = arith.constant 0 : i32
    %dma_wait3A_1867 = arith.constant 0 : i32
    %dma_wait3A_1868 = tpu.memref_slice %arg5[%add3A_1849, %dma_wait3A_1866, %dma_wait3A_1867] : memref<1024x200x128xf32, #tpu.memory_space<hbm>> -> memref<1x200x128xf32, #tpu.memory_space<hbm>>
    %dma_wait3A_1869 = tpu.memref_squeeze %dma_wait3A_1868 : memref<1x200x128xf32, #tpu.memory_space<hbm>> -> memref<200x128xf32, #tpu.memory_space<hbm>>
    %dma_wait3A_1870 = arith.constant 0 : i32
    %dma_wait3A_1871 = arith.constant 0 : i32
    %dma_wait3A_1872 = tpu.memref_slice %arg5[%add3A_1849, %dma_wait3A_1870, %dma_wait3A_1871] : memref<1024x200x128xf32, #tpu.memory_space<hbm>> -> memref<1x200x128xf32, #tpu.memory_space<hbm>>
    %dma_wait3A_1873 = tpu.memref_squeeze %dma_wait3A_1872 : memref<1x200x128xf32, #tpu.memory_space<hbm>> -> memref<200x128xf32, #tpu.memory_space<hbm>>
    tpu.wait_dma2 semaphore(%arg24 : memref<!tpu.dma_semaphore, #tpu.memory_space<semaphore_mem>>) src(%arg11 : memref<200x128xf32, #tpu.memory_space<vmem>>) dst(%dma_wait3A_1873 : memref<200x128xf32, #tpu.memory_space<hbm>>)
    return
  }
}

</mosaic_0001>

<sc_bundles>
// kernel: kernel.3.cloned.1.call-start
scs
__scs_entry_jumppad:
0x0: {  	(pc) =	sbr.rel $0x88, $3  }
0x1: {  	(tag) =	ssettag $0x0;
	lr =	simm.s32 $0x1  }
0x2: {  	[smem:$0x3F9F] =	sst lr;
	_ =	strace $0xD0000000  }
0x3: {  	_ = 	snop  }
0x4: {  	_ = 	snop  }
0x5: {  	_ = 	snop  }
0x6: {  	_ = 	snop  }
0x7: {  	_ = 	snop  }
__scs_overlays_trampoline_lowered:
0x8: {  	[smem:$0x3FAE] =	sst s0  }
0x9: {  	[smem:$0x3FAF] =	sst s1  }
0xa: {  	[smem:$0x3FB0] =	sst s2  }
0xb: {  	[smem:$0x3FB1] =	sst s3  }
0xc: {  	[smem:$0x3FB2] =	sst s4  }
0xd: {  	[smem:$0x3FB3] =	sst s5  }
0xe: {  	[smem:$0x3FB4] =	sst s6  }
0xf: {  	[smem:$0x3FB5] =	sst s7  }
0x10: {  	[smem:$0x3FB6] =	sst s8  }
0x11: {  	[smem:$0x3FB7] =	sst s9;
	s0 =	simm.s32 @!p0 $0x0  }
0x12: {  	s1 =	sld [smem:$0x3F9D];
	s0 =	simm.s32 @p0 $0x1  }
0x13: {  	[smem:$0x3FB8] =	sst s0;
	s0 =	simm.s32 @!p1 $0x0  }
0x14: {  	s2 =	sld [smem:$0x3F9C];
	s0 =	simm.s32 @p1 $0x1  }
0x15: {  	[smem:$0x3FB9] =	sst s0;
	s0 =	simm.s32 @!p2 $0x0  }
0x16: {  	s3 =	sld [smem:$0x3FDB];
	s0 =	simm.s32 @p2 $0x1  }
0x17: {  	s4 =	simm.s32 $0x1BF5;
	[smem:$0x3FBB] =	sst s0  }
0x18: {  	s0 =	sld [smem:$0x3F9E];
	_ =	swait.ge [sflag:s4], $0x0  }
0x19: {  	s7 =	sld [smem:$0x3F9F]  }
0x1a: {  	s8 =	sadd.s32 $0xFFFFE003, lr  }
0x1b: {  	s9 =	sadd.s32 $0xFFFFFEF7, lr;
	s5 =	simm.s32 $0xFFFFFFFF;
	p2 =	slt.u32 s8, $0xFFFFF086  }
0x1c: {  	p1 =	slt.u32 s9, $0xF7A;
	s5 =	simm.s32 @!p2 $0x0  }
0x1d: {  	s5 =	simm.s32 @p1 $0x1;
	p0 =	seq.s32 s7, s2  }
0x1e: {  	s7 =	smul.u32 @!p0 $0xF7A, s2;
	p2 =	seq.s32 @!p0 s5, $0x0  }
0x1f: {  	s9 =	smul.u32 $0xF7A, s1;
	s8 =	simm.s32 @!p0 $0x1BF5;
	p2 =	por !p2, p0  }
0x20: {  	[sflag:s8] =	ssyncset.s32 @!p0 $0xFFFFF086;
	s6 =	sadd.s32 @!p0 s3, s7;
	s7 =	simm.s32 @!p0 $0x108  }
0x21: {  	s3 =	sadd.s32 s3, s9;
	s6 =	sadd.s32 @!p0 $0x88, s6;
	s7 =	simm.s32 @p2 $0x1082  }
0x22: {  	[simem:s7], [sflag:s8] =	dma.local @!p0 [hbm:s6], $0xF7A  }
0x23: {  	s9 =	sor.u32 $0xD0000000, s2;
	s6 =	simm.s32 $0x108;
	_ =	swait.ge @!p0 [sflag:s8], $0x0  }
0x24: {  	s3 =	sadd.s32 $0x88, s3;
	s6 =	simm.s32 @!p1 $0x1082;
	[sflag:s4] =	ssyncset.s32 $0xFFFFF086  }
0x25: {  	[simem:s6], [sflag:s4] =	dma.local [hbm:s3], $0xF7A  }
0x26: {  	[smem:$0x3F9F] =	sst s1;
	(tag) =	ssettag s2;
	_ =	strace s9  }
0x27: {  	s1 =	sld [smem:$0x3FAF]  }
0x28: {  	s2 =	sld [smem:$0x3FB0]  }
0x29: {  	s4 =	sld [smem:$0x3FB2]  }
0x2a: {  	p0 =	seq.s32 s5, $0x0;
	s5 =	sld [smem:$0x3FB3]  }
0x2b: {  	s6 =	sld [smem:$0x3FB4]  }
0x2c: {  	s7 =	sld [smem:$0x3FB5]  }
0x2d: {  	s3 =	simm.s32 $0x108;
	s8 =	sld [smem:$0x3FB6]  }
0x2e: {  	s3 =	simm.s32 @!p0 $0x1082;
	s9 =	sld [smem:$0x3FB7]  }
0x2f: {  	lr =	sadd.s32 s0, s3;
	s0 =	sld [smem:$0x3FAE]  }
0x30: {  	s3 =	sld [smem:$0x3FB1]  }
0x31: {  	[smem:$0x3FBA] =	sst s10  }
0x32: {  	s10 =	sld [smem:$0x3FB8];
	_ =	sdelay $0x3  }
0x33: {  	p0 =	seq.s32 s10, $0x1;
	s10 =	sld [smem:$0x3FBA];
	_ =	sdelay $0x3  }
0x34: {  	[smem:$0x3FBA] =	sst s10  }
0x35: {  	s10 =	sld [smem:$0x3FB9];
	_ =	sdelay $0x3  }
0x36: {  	p1 =	seq.s32 s10, $0x1;
	s10 =	sld [smem:$0x3FBA];
	_ =	sdelay $0x3  }
0x37: {  	[smem:$0x3FBA] =	sst s10  }
0x38: {  	s10 =	sld [smem:$0x3FBB]  }
0x39: {  	_ = 	snop;
	(pc) =	sbr.ind lr, $3  }
0x3a: {  	_ = 	snop  }
0x3b: {  	_ = 	snop  }
0x3c: {  	p2 =	seq.s32 s10, $0x1;
	s10 =	sld [smem:$0x3FBA]  }
0x3d: {  	_ =	shalt  }
0x3e: {  	_ =	shalt  }
0x3f: {  	_ =	shalt  }
0x40: {  	_ =	shalt  }
0x41: {  	_ =	shalt  }
0x42: {  	_ =	shalt  }
0x43: {  	_ =	shalt  }
0x44: {  	_ =	shalt  }
0x45: {  	_ =	shalt  }
0x46: {  	_ =	shalt  }
0x47: {  	_ =	shalt  }
0x48: {  	_ =	shalt  }
0x49: {  	_ =	shalt  }
0x4a: {  	_ =	shalt  }
0x4b: {  	_ =	shalt  }
0x4c: {  	_ =	shalt  }
0x4d: {  	_ =	shalt  }
0x4e: {  	_ =	shalt  }
0x4f: {  	_ =	shalt  }
0x50: {  	_ =	shalt  }
0x51: {  	_ =	shalt  }
0x52: {  	_ =	shalt  }
0x53: {  	_ =	shalt  }
0x54: {  	_ =	shalt  }
0x55: {  	_ =	shalt  }
0x56: {  	_ =	shalt  }
0x57: {  	_ =	shalt  }
0x58: {  	_ =	shalt  }
0x59: {  	_ =	shalt  }
0x5a: {  	_ =	shalt  }
0x5b: {  	_ =	shalt  }
0x5c: {  	_ =	shalt  }
0x5d: {  	_ =	shalt  }
0x5e: {  	_ =	shalt  }
0x5f: {  	_ =	shalt  }
0x60: {  	_ =	shalt  }
0x61: {  	_ =	shalt  }
0x62: {  	_ =	shalt  }
0x63: {  	_ =	shalt  }
0x64: {  	_ =	shalt  }
0x65: {  	_ =	shalt  }
0x66: {  	_ =	shalt  }
0x67: {  	_ =	shalt  }
0x68: {  	_ =	shalt  }
0x69: {  	_ =	shalt  }
0x6a: {  	_ =	shalt  }
0x6b: {  	_ =	shalt  }
0x6c: {  	_ =	shalt  }
0x6d: {  	_ =	shalt  }
0x6e: {  	_ =	shalt  }
0x6f: {  	_ =	shalt  }
0x70: {  	_ =	shalt  }
0x71: {  	_ =	shalt  }
0x72: {  	_ =	shalt  }
0x73: {  	_ =	shalt  }
0x74: {  	_ =	shalt  }
0x75: {  	_ =	shalt  }
0x76: {  	_ =	shalt  }
0x77: {  	_ =	shalt  }
0x78: {  	_ =	shalt  }
0x79: {  	_ =	shalt  }
0x7a: {  	_ =	shalt  }
0x7b: {  	_ =	shalt  }
0x7c: {  	_ =	shalt  }
0x7d: {  	_ =	shalt  }
0x7e: {  	_ =	shalt  }
0x7f: {  	_ =	shalt  }
0x80: {  	_ =	shalt  }
0x81: {  	_ =	shalt  }
0x82: {  	_ =	shalt  }
0x83: {  	_ =	shalt  }
0x84: {  	_ =	shalt  }
0x85: {  	_ =	shalt  }
0x86: {  	_ =	shalt  }
0x87: {  	_ =	shalt  }
.Lfunc_end0:
.L_simem_size_0:
called_computation_lowered:
.L_overlay_start_0:
0x88: {  	s2 =	sld [smem:$0x3FD9]  }
0x89: {  	s3 =	sld [smem:$0x3FFE];
	_ =	sdelay $0x1  }
0x8a: {  	s1 =	srdreg.scid  }
0x8b: {  	s0 =	sand.u32 $0x1, s1  }
0x8c: {  	s17 =	sshll.u32 s0, $0xA;
	s2 =	sadd.s32 s3, s2  }
0x8d: {  	s2 =	sadd.s32 s2, s17  }
0x8e: {  	[smem:$0x3FC6] =	sst s2  }
0x8f: {  	_ = 	snop  }
0x90: {  	s2 =	sld [smem:$0x3FC8]  }
0x91: {  	s18 =	sld [smem:$0x3FD0];
	(tm) =	ssettm $0x1  }
0x92: {  	s4 =	sld [smem:$0x3FFB];
	_ =	sdelay $0x3  }
0x93: {  	_ =	strace s4  }
0x94: {  	s4 =	sld [smem:$0x3FFC];
	_ =	sdelay $0x3  }
0x95: {  	_ =	strace s4  }
0x96: {  	s4 =	sld [smem:$0x3FFD];
	_ =	sdelay $0x3  }
0x97: {  	_ =	strace s4  }
0x98: {  	_ =	strace $0x8FFFFFFF  }
0x99: {  	s19 =	sld [smem:$0x3FDB];
	_ =	sdelay $0x1  }
0x9a: {  	s5 =	simm.s32 $_scs_section_size  }
0x9b: {  	s6 =	simm.s32 $_size__tile_overlayer_lowered;
	s7 =	simm.s32 $_tile_overlayer_lowered  }
0x9c: {  	s22 =	simm.s32 $0x1BFF;
	s21 =	sshll.u32 s7, $0x1;
	s4 =	sadd.s32 s5, s19  }
0x9d: {  	s8 =	simm.s32 $0x0;
	s20 =	sshll.u32 s6, $0x1;
	s6 =	sadd.s32 s21, s4  }
0x9e: {  	[timem:s8], [sflag:s22] =	dma.local [hbm:s6], s20  }
0x9f: {  	_ =	swait.ge [sflag:s22], s20  }
0xa0: {  	s5 =	ssub.s32 $0x0, s20;
	[sflag:s22] =	ssyncset.done $0x0  }
0xa1: {  	[sflag:s22] =	ssyncadd.s32 s5;
	_ =	sdelay $0x1  }
0xa2: {  	s23 =	simm.s32 $0x1B8B  }
0xa3: {  	_ =	swait.ge [sflag:s23], $0x1  }
0xa4: {  	[sflag:s23] =	ssyncset.done $0x0  }
0xa5: {  	s25 =	simm.s32 $0x1B8E;
	s24 =	sld [smem:$0x3FFE];
	[sflag:s23] =	ssyncadd.s32 $0xFFFFFFFF  }
0xa6: {  	s26 =	simm.s32 $execute0_lowered;
	[smem:$0x3FD2] =	sst s25  }
0xa7: {  	s6 =	sshll.u32 s26, $0x1;
	_ =	strace $0x80000046;
	[dreg:$0x1] =	wrdreg $0xFFFFFFFF  }
0xa8: {  	s28 =	simm.s32 $_size_execute0_lowered;
	s4 =	sadd.s32 s4, s6;
	[dreg:$0x0] =	wrdreg $0x0  }
0xa9: {  	s6 =	sshll.u32 s28, $0x1;
	[dreg:$0x2] =	wrdreg s4  }
0xaa: {  	[dreg:$0x3] =	wrdreg s6  }
0xab: {  	[dreg:$0x4] =	wrdreg $0xC0  }
0xac: {  	_ =	task [dreg:s8], $0x5FFFF  }
0xad: {  	[dreg:$0x1] =	wrdreg $0xFFFFFFFF  }
0xae: {  	[dreg:$0x0] =	wrdreg $0x60  }
0xaf: {  	[dreg:$0x2] =	wrdreg s24  }
0xb0: {  	[dreg:$0x3] =	wrdreg s2  }
0xb1: {  	[dreg:$0x4] =	wrdreg s18  }
0xb2: {  	[dreg:$0x5] =	wrdreg $0x0  }
0xb3: {  	[dreg:$0x6] =	wrdreg $0x9  }
0xb4: {  	_ =	task.clear_ibuf [dreg:s8], $0x7FFFF;
	_ =	strace $0x90000046  }
0xb5: {  	s29 =	simm.s32 $0x9;
	_ =	strace $0x80000048  }
0xb6: {  	_ =	swait.ge [sflag:s29], $0x1  }
0xb7: {  	[sflag:s29] =	ssyncadd.s32 $0xFFFFFFFF  }
0xb8: {  	_ =	strace $0x90000048  }
0xb9: {  	_ =	sfence  }
0xba: {  	s30 =	sld [smem:$0x0];
	_ =	sdelay $0x2  }
0xbb: {  	s31 =	sshll.u32 s1, $0xD;
	s1 =	sshrl.u32 s1, $0x2  }
0xbc: {  	s3 =	sand.u32 $0x4000, s31;
	s1 =	sadd.s32 s1, s30  }
0xbd: {  	s0 =	sor.u32 s3, s0;
	s1 =	sshll.u32 s1, $0x11  }
0xbe: {  	s0 =	sor.u32 s1, s0  }
0xbf: {  	s0 =	sadd.s32 $0x8F2B, s0  }
0xc0: {  	[sflag:s0] =	ssyncadd.remote.s32 $0x1  }
0xc1: {  	_ =	sfence.sel $0xFFFF  }
0xc2: {  	[dreg:$0x0] =	wrdreg $0xFFFFFFFF;
	(pc) =	sbr.abs _section_cstart, $3  }
0xc3: {  	[dreg:$0x1] =	wrdreg $0xFFFFFFFF  }
0xc4: {  	_ =	task.clear_ibuf [dreg:s8], $0x2FFFF;
	_ =	strace $0x9FFFFFFF  }
0xc5: {  	(tm) =	ssettm $0x7FFFFFFF  }
tec
execute0_lowered:
.L_overlay_start_1:
0x0: {  	(tag) =	ssettag $0x1  }
0x1: {  	s30 =	rddreg [dreg:$0x0]  }
0x2: {  	s3 =	rddreg [dreg:$0x1];
	s0 =	srdreg.scid  }
0x3: {  	s8 =	stileid.u32;
	s1 =	rddreg [dreg:$0x2]  }
0x4: {  	s4 =	rddreg [dreg:$0x3];
	s0 =	sand.u32 $0x1, s0;
	s2 =	sshll.u32 s8, $0x1  }
0x5: {  	s17 =	sadd.s32 $0x600, s30;
	p0 =	seq.s32 s8, $0x1;
	s5 =	sor.u32 s0, s2  }
0x6: {  	s2 =	simm.s32 $0x0;
	p1 =	sne.s32 @!p0 s8, $0x0;
	s8 =	simm.s32 $0x2040  }
0x7: {  	s6 =	sshll.u32 s5, $0xA;
	[smem:$0x7FF] =	sst s2;
	s7 =	smul.u32 $0x19000, s5  }
0x8: {  	s5 =	smul.u32 $0xC8000, s5;
	_ =	strace $0x80000047;
	[dreg:$0x6] =	wrdreg s17  }
0x9: {  	s6 =	sadd.s32 s6, s30;
	[smem:$0x7F0] =	sst s8  }
0xa: {  	s6 =	sadd.s32 $0xE00, s6;
	s31 =	sadd.s32 s1, s7;
	s5 =	sshrl.u32 s5, $0x3  }
0xb: {  	[dreg:$0x5] =	wrdreg s6;
	s18 =	sadd.s32 $0xC80, s31;
	s1 =	sadd.s32 s1, s5  }
0xc: {  	[dreg:$0x7] =	wrdreg s18;
	s5 =	sadd.s32 $0x1900, s1  }
0xd: {  	s19 =	sadd.s32 $0x2580, s1;
	[dreg:$0x8] =	wrdreg s5  }
0xe: {  	s20 =	sadd.s32 $0x3200, s1;
	[dreg:$0x9] =	wrdreg s19  }
0xf: {  	s21 =	sadd.s32 $0x3E80, s1;
	[dreg:$0xa] =	wrdreg s20  }
0x10: {  	s22 =	sadd.s32 $0x4B00, s1;
	[dreg:$0xb] =	wrdreg s21  }
0x11: {  	s23 =	sadd.s32 $0x5780, s1;
	[dreg:$0xc] =	wrdreg s22  }
0x12: {  	s24 =	sadd.s32 $0x6400, s1;
	[dreg:$0xd] =	wrdreg s23  }
0x13: {  	s25 =	sadd.s32 $0x7080, s1;
	[dreg:$0xe] =	wrdreg s24  }
0x14: {  	s26 =	sadd.s32 $0x7D00, s1;
	[dreg:$0xf] =	wrdreg s25  }
0x15: {  	s28 =	sadd.s32 $0x8980, s1;
	[dreg:$0x10] =	wrdreg s26  }
0x16: {  	s29 =	sadd.s32 $0x9600, s1;
	[dreg:$0x11] =	wrdreg s28  }
0x17: {  	s6 =	sadd.s32 $0xA280, s1;
	[dreg:$0x12] =	wrdreg s29  }
0x18: {  	s7 =	sadd.s32 $0xAF00, s1;
	[dreg:$0x13] =	wrdreg s6  }
0x19: {  	s9 =	sadd.s32 $0xBB80, s1;
	[dreg:$0x14] =	wrdreg s7  }
0x1a: {  	s10 =	sadd.s32 $0xC800, s1;
	[dreg:$0x15] =	wrdreg s9  }
0x1b: {  	s11 =	sadd.s32 $0xD480, s1;
	[dreg:$0x16] =	wrdreg s10  }
0x1c: {  	s12 =	sadd.s32 $0xE100, s1;
	[dreg:$0x17] =	wrdreg s11  }
0x1d: {  	s13 =	sadd.s32 $0xED80, s1;
	[dreg:$0x18] =	wrdreg s12  }
0x1e: {  	s14 =	sadd.s32 $0xFA00, s1;
	[dreg:$0x19] =	wrdreg s13  }
0x1f: {  	s15 =	sadd.s32 $0x10680, s1;
	[dreg:$0x1a] =	wrdreg s14  }
0x20: {  	s16 =	sadd.s32 $0x11300, s1;
	[dreg:$0x1b] =	wrdreg s15  }
0x21: {  	s17 =	sadd.s32 $0x11F80, s1;
	[dreg:$0x1c] =	wrdreg s16  }
0x22: {  	s18 =	sadd.s32 $0x12C00, s1;
	[dreg:$0x1d] =	wrdreg s17  }
0x23: {  	[dreg:$0x1e] =	wrdreg s18;
	s19 =	sadd.s32 $0x13880, s1  }
0x24: {  	s20 =	sadd.s32 $0x14500, s1;
	[dreg:$0x1f] =	wrdreg s19  }
0x25: {  	s21 =	sadd.s32 $0x15180, s1;
	[smem:$0x7B7] =	sst s20  }
0x26: {  	s22 =	sadd.s32 $0x15E00, s1;
	[smem:$0x7B8] =	sst s21  }
0x27: {  	s23 =	sadd.s32 $0x16A80, s1;
	[smem:$0x7B9] =	sst s22  }
0x28: {  	s24 =	sadd.s32 $0x17700, s1;
	[smem:$0x7BA] =	sst s23  }
0x29: {  	s1 =	sadd.s32 $0x18380, s1;
	[smem:$0x7BB] =	sst s24  }
0x2a: {  	s25 =	simm.s32 $0x6C0;
	[smem:$0x7BC] =	sst s1  }
0x2b: {  	s26 =	simm.s32 $0x740;
	[smem:$0x7BD] =	sst s25  }
0x2c: {  	s28 =	simm.s32 $0x7C0;
	[smem:$0x7BE] =	sst s26  }
0x2d: {  	s29 =	simm.s32 $0x840;
	[smem:$0x7BF] =	sst s28  }
0x2e: {  	s5 =	simm.s32 $0x8C0;
	[smem:$0x7C0] =	sst s29  }
0x2f: {  	s7 =	simm.s32 $0x9C0;
	[smem:$0x7C1] =	sst s5  }
0x30: {  	s9 =	simm.s32 $0xA40;
	[smem:$0x7C3] =	sst s7  }
0x31: {  	s10 =	simm.s32 $0xAC0;
	[smem:$0x7C4] =	sst s9  }
0x32: {  	s11 =	simm.s32 $0xB40;
	[smem:$0x7C5] =	sst s10  }
0x33: {  	s12 =	simm.s32 $0xBC0;
	[smem:$0x7C6] =	sst s11  }
0x34: {  	s13 =	simm.s32 $0xC40;
	[smem:$0x7C7] =	sst s12  }
0x35: {  	s14 =	simm.s32 $0xCC0;
	[smem:$0x7C8] =	sst s13  }
0x36: {  	s15 =	simm.s32 $0xD40;
	[smem:$0x7C9] =	sst s14  }
0x37: {  	s16 =	simm.s32 $0xDC0;
	[smem:$0x7CA] =	sst s15  }
0x38: {  	s17 =	simm.s32 $0xE40;
	[smem:$0x7CB] =	sst s16  }
0x39: {  	s6 =	sadd.s32 $0x3000, s4;
	s18 =	simm.s32 $0xEC0;
	[smem:$0x7CC] =	sst s17  }
0x3a: {  	s1 =	sshrl.u32 @p0 s6, $0x3;
	[smem:$0x7CD] =	sst s18  }
0x3b: {  	s6 =	simm.s32 $0x940;
	[smem:$0x7FC] =	sst s1  }
0x3c: {  	s19 =	simm.s32 $0xF40;
	[smem:$0x7C2] =	sst s6  }
0x3d: {  	s20 =	simm.s32 $0xFC0;
	[smem:$0x7CE] =	sst s19  }
0x3e: {  	s21 =	simm.s32 $0x1040;
	[smem:$0x7CF] =	sst s20  }
0x3f: {  	s22 =	simm.s32 $0x10C0;
	[smem:$0x7D0] =	sst s21  }
0x40: {  	s23 =	simm.s32 $0x1140;
	[smem:$0x7D1] =	sst s22  }
0x41: {  	s24 =	simm.s32 $0x11C0;
	[smem:$0x7D2] =	sst s23  }
0x42: {  	s25 =	simm.s32 $0x1240;
	[smem:$0x7D3] =	sst s24  }
0x43: {  	s26 =	simm.s32 $0x12C0;
	[smem:$0x7D4] =	sst s25  }
0x44: {  	s28 =	simm.s32 $0x1340;
	[smem:$0x7D5] =	sst s26  }
0x45: {  	s29 =	simm.s32 $0x13C0;
	[smem:$0x7D6] =	sst s28  }
0x46: {  	s5 =	simm.s32 $0x1440;
	[smem:$0x7D7] =	sst s29  }
0x47: {  	s7 =	simm.s32 $0x1540;
	[smem:$0x7D8] =	sst s5  }
0x48: {  	s9 =	simm.s32 $0x15C0;
	[smem:$0x7DA] =	sst s7  }
0x49: {  	s10 =	simm.s32 $0x1640;
	[smem:$0x7DB] =	sst s9  }
0x4a: {  	s11 =	simm.s32 $0x16C0;
	[smem:$0x7DC] =	sst s10  }
0x4b: {  	s12 =	simm.s32 $0x1740;
	[smem:$0x7DD] =	sst s11  }
0x4c: {  	s13 =	simm.s32 $0x17C0;
	[smem:$0x7DE] =	sst s12  }
0x4d: {  	s14 =	simm.s32 $0x1840;
	[smem:$0x7DF] =	sst s13  }
0x4e: {  	s15 =	simm.s32 $0x18C0;
	[smem:$0x7E0] =	sst s14  }
0x4f: {  	s16 =	simm.s32 $0x1940;
	[smem:$0x7E1] =	sst s15  }
0x50: {  	s17 =	simm.s32 $0x19C0;
	[smem:$0x7E2] =	sst s16  }
0x51: {  	s18 =	simm.s32 $0x1A40;
	[smem:$0x7E3] =	sst s17  }
0x52: {  	s6 =	simm.s32 $0x14C0;
	[smem:$0x7E4] =	sst s18  }
0x53: {  	p2 =	por $0x0, $0x0;
	s19 =	simm.s32 $0x1AC0;
	[smem:$0x7D9] =	sst s6  }
0x54: {  	s0 =	ssub.s32 $0x2, s0;
	s21 =	simm.s32 $0x1B40;
	[smem:$0x7E5] =	sst s19  }
0x55: {  	p1 =	por p1, p0;
	s22 =	simm.s32 $0x1BC0;
	[smem:$0x7E6] =	sst s21  }
0x56: {  	s8 =	simm.s32 $0x15240;
	s23 =	simm.s32 $0x1C40;
	[smem:$0x7E7] =	sst s22  }
0x57: {  	s20 =	sshrl.u32 s0, $0x1;
	s24 =	simm.s32 $0x1CC0;
	[smem:$0x7E8] =	sst s23  }
0x58: {  	s25 =	simm.s32 $0x1D40;
	s26 =	simm.s32 $0x1DC0;
	[smem:$0x7E9] =	sst s24  }
0x59: {  	s9 =	simm.s32 $0x2640;
	s28 =	simm.s32 $0x1E40;
	[smem:$0x7EA] =	sst s25  }
0x5a: {  	s5 =	simm.s32 $0x8A40;
	s29 =	simm.s32 $0x1EC0;
	[smem:$0x7EB] =	sst s26  }
0x5b: {  	s7 =	simm.s32 $0x1FC0;
	s10 =	simm.s32 $0x20C0;
	[smem:$0x7EC] =	sst s28  }
0x5c: {  	s11 =	simm.s32 $0x2140;
	s12 =	simm.s32 $0x21C0;
	[smem:$0x7ED] =	sst s29  }
0x5d: {  	s13 =	simm.s32 $0x2240;
	s14 =	simm.s32 $0x22C0;
	[smem:$0x7EF] =	sst s7  }
0x5e: {  	s15 =	simm.s32 $0x2340;
	s16 =	simm.s32 $0x23C0;
	[smem:$0x7F1] =	sst s10  }
0x5f: {  	s17 =	simm.s32 $0x2440;
	s18 =	simm.s32 $0x7;
	[smem:$0x7F2] =	sst s11  }
0x60: {  	s0 =	ssub.s32 s0, s20;
	s6 =	simm.s32 $0x1F40;
	[smem:$0x7F3] =	sst s12  }
0x61: {  	s24 =	simm.s32 $0x2;
	s25 =	simm.s32 $0x5840;
	[smem:$0x7F4] =	sst s13  }
0x62: {  	s22 =	simm.s32 $0x3;
	s23 =	simm.s32 $0xBC40;
	[smem:$0x7F5] =	sst s14  }
0x63: {  	s7 =	simm.s32 $0xEE40;
	s21 =	simm.s32 $0x6;
	[smem:$0x7F6] =	sst s15  }
0x64: {  	s19 =	simm.s32 $0x4;
	s20 =	simm.s32 $0x12040;
	[smem:$0x7F7] =	sst s16  }
0x65: {  	[smem:$0x7F8] =	sst s17;
	s26 =	simm.s32 $0x24C0;
	s0 =	smax.u32 s0, $0x1  }
0x66: {  	s15 =	simm.s32 $0x5;
	s28 =	simm.s32 $0x2540;
	s1 =	sadd.s32 $0xFFFFFFFF, s0  }
0x67: {  	s16 =	simm.s32 $0x18440;
	[smem:$0x7EE] =	sst s6;
	p3 =	sne.s32 s1, $0x0  }
.Ltmp0:
0x68: {  	s29 =	simm.s32 $0x25C0;
	[smem:$0x7F9] =	sst s26;
	(pc) =	sbr.rel @!p3 .LBB2_1-.Ltmp0, $4  }
0x69: {  	s17 =	simm.s32 $0xA;
	s14 =	simm.s32 $0x8;
	[smem:$0x7FA] =	sst s28  }
0x6a: {  	s13 =	simm.s32 $0xB;
	s12 =	simm.s32 $0x9;
	[smem:$0x7FB] =	sst s29  }
0x6b: {  	s11 =	simm.s32 $0xC;
	s26 =	sld [smem:$0x7FC];
	s0 =	sshrl.u32 @!p1 s4, $0x3  }
0x6c: {  	s10 =	simm.s32 $0xD;
	s6 =	simm.s32 $0x64;
	[smem:$0x7FD] =	sst s0  }
0x6d: {  	s28 =	rddreg [dreg:$0x5]  }
0x6e: {  	[smem:$0x7B6] =	sst s1;
	s29 =	simm.s32 $0x640  }
0x6f: {  	[tilespmem:s29], [sflag:$0x1] =	stream.linear.gather [hbm4b:s28+s2], $0x2000, $0x38;
	[tilespmem:$0x1B640] =	vst v63  }
0x70: {  	s1 =	rddreg [dreg:$0x6];
	s0 =	simm.s32 @p0 $0xE;
	s29 =	simm.s32 @p0 $0x1C4E  }
0x71: {  	[spmem:s26], [sflag:s29] =	dma.local @p0 [hbm:s1], $0x680  }
0x72: {  	_ =	swait.ge @p0 [sflag:s0], $0x680  }
0x73: {  	s1 =	sld [smem:$0x7FD]  }
0x74: {  	[sflag:s0] =	ssyncset.done @p0 $0x0  }
0x75: {  	s26 =	simm.s32 @!p1 $0xE;
	[sflag:s0] =	ssyncadd.s32 @p0 $0xFFFFF980;
	s0 =	simm.s32 @!p1 $0x1C0E  }
0x76: {  	[spmem:s1], [sflag:s0] =	dma.local @!p1 [hbm:s30], $0x600  }
0x77: {  	_ =	swait.ge @!p1 [sflag:s26], $0x600  }
0x78: {  	[sflag:s26] =	ssyncset.done @!p1 $0x0  }
0x79: {  	[sflag:s26] =	ssyncadd.s32 @!p1 $0xFFFFFA00  }
0x7a: {  	[bflag:$0x0] =	sbarrier.arrive $0xFFFF  }
0x7b: {  	[tilespmem:s9], [sflag:$0x2] =	stream.linear.gather [spmem:s4], $0x6400, $0x38;
	[tilespmem:$0x1B640] =	vst v63  }
0x7c: {  	s29 =	simm.s32 $0x1  }
0x7d: {  	[tilespmem:s5], [sflag:$0x3] =	stream.linear.gather [spmem:s4], $0x6400, $0x38;
	[tilespmem:$0x1B640] =	vst v63  }
0x7e: {  	_ =	swait.ge [sflag:s29], $0x2000  }
0x7f: {  	[sflag:s29] =	ssyncset.done $0x0  }
0x80: {  	[sflag:s29] =	ssyncadd.s32 $0xFFFFE000  }
0x81: {  	_ =	swait.ge [sflag:s24], $0x6400  }
0x82: {  	[sflag:s24] =	ssyncset.done $0x0  }
0x83: {  	s28 =	simm.s32 $0x640;
	s0 =	sld [smem:$0x7BD];
	[sflag:s24] =	ssyncadd.s32 $0xFFFF9C00  }
0x84: {  	[tilespmem:s9], [sflag:$0x6] =	stream.indirect.gather.add.f32 [hbm:s3], $0x80, s28, s6, $0xb8;
	[tilespmem:$0x1B640] =	vst v63  }
0x85: {  	_ = 	snop  }
0x86: {  	[tilespmem:s25], [sflag:$0x6] =	stream.indirect.gather.add.f32 [hbm:s3], $0x80, s0, s6, $0xb8;
	[tilespmem:$0x1B640] =	vst v63  }
0x87: {  	_ =	swait.ge [sflag:s22], $0x6400  }
0x88: {  	s26 =	sld [smem:$0x7BE]  }
0x89: {  	[sflag:s22] =	ssyncset.done $0x0  }
0x8a: {  	s28 =	sld [smem:$0x7BF];
	[sflag:s22] =	ssyncadd.s32 $0xFFFF9C00  }
0x8b: {  	[tilespmem:s5], [sflag:$0x7] =	stream.indirect.gather.add.f32 [hbm:s3], $0x80, s26, s6, $0xb8;
	[tilespmem:$0x1B640] =	vst v63  }
0x8c: {  	_ = 	snop  }
0x8d: {  	[tilespmem:s23], [sflag:$0x7] =	stream.indirect.gather.add.f32 [hbm:s3], $0x80, s28, s6, $0xb8;
	[tilespmem:$0x1B640] =	vst v63  }
0x8e: {  	_ = 	snop  }
0x8f: {  	[tilespmem:s7], [sflag:$0x4] =	stream.linear.gather [spmem:s4], $0x6400, $0x38;
	[tilespmem:$0x1B640] =	vst v63  }
0x90: {  	_ =	swait.ge [sflag:s21], $0x3200  }
0x91: {  	[sflag:s21] =	ssyncset.done $0x0  }
0x92: {  	[sflag:s21] =	ssyncadd.s32 $0xFFFFCE00  }
0x93: {  	_ =	swait.ge [sflag:s21], $0x3200  }
0x94: {  	[sflag:s21] =	ssyncset.done $0x0  }
0x95: {  	[sflag:s21] =	ssyncadd.s32 $0xFFFFCE00  }
0x96: {  	[hbm4b:s31+s2] =	stream.linear.scatter [tilespmem:s9], [sflag:$0xA], $0x6400, $0x38;
	[tilespmem:$0x1B640] =	vst v63  }
0x97: {  	_ =	swait.ge [sflag:s19], $0x6400  }
0x98: {  	s29 =	sld [smem:$0x7C0]  }
0x99: {  	[sflag:s19] =	ssyncset.done $0x0  }
0x9a: {  	s0 =	sld [smem:$0x7C1];
	[sflag:s19] =	ssyncadd.s32 $0xFFFF9C00  }
0x9b: {  	[tilespmem:s7], [sflag:$0x8] =	stream.indirect.gather.add.f32 [hbm:s3], $0x80, s29, s6, $0xb8;
	[tilespmem:$0x1B640] =	vst v63  }
0x9c: {  	_ = 	snop  }
0x9d: {  	[tilespmem:s20], [sflag:$0x8] =	stream.indirect.gather.add.f32 [hbm:s3], $0x80, s0, s6, $0xb8;
	[tilespmem:$0x1B640] =	vst v63  }
0x9e: {  	_ = 	snop  }
0x9f: {  	[tilespmem:s8], [sflag:$0x5] =	stream.linear.gather [spmem:s4], $0x6400, $0x38;
	[tilespmem:$0x1B640] =	vst v63  }
0xa0: {  	_ =	swait.ge [sflag:s18], $0x3200  }
0xa1: {  	[sflag:s18] =	ssyncset.done $0x0  }
0xa2: {  	[sflag:s18] =	ssyncadd.s32 $0xFFFFCE00  }
0xa3: {  	_ =	swait.ge [sflag:s18], $0x3200  }
0xa4: {  	[sflag:s18] =	ssyncset.done $0x0  }
0xa5: {  	s28 =	rddreg [dreg:$0x7];
	[sflag:s18] =	ssyncadd.s32 $0xFFFFCE00  }
0xa6: {  	[hbm4b:s28+s2] =	stream.linear.scatter [tilespmem:s5], [sflag:$0xB], $0x6400, $0x38;
	[tilespmem:$0x1B640] =	vst v63  }
0xa7: {  	_ =	swait.ge [sflag:s15], $0x6400  }
0xa8: {  	s29 =	sld [smem:$0x7C2]  }
0xa9: {  	[sflag:s15] =	ssyncset.done $0x0  }
0xaa: {  	s0 =	sld [smem:$0x7C3];
	[sflag:s15] =	ssyncadd.s32 $0xFFFF9C00  }
0xab: {  	[tilespmem:s8], [sflag:$0x9] =	stream.indirect.gather.add.f32 [hbm:s3], $0x80, s29, s6, $0xb8;
	[tilespmem:$0x1B640] =	vst v63  }
0xac: {  	_ = 	snop  }
0xad: {  	[tilespmem:s16], [sflag:$0x9] =	stream.indirect.gather.add.f32 [hbm:s3], $0x80, s0, s6, $0xb8;
	[tilespmem:$0x1B640] =	vst v63  }
0xae: {  	_ =	swait.ge [sflag:s17], $0x6400  }
0xaf: {  	[sflag:s17] =	ssyncset.done $0x0  }
0xb0: {  	[sflag:s17] =	ssyncadd.s32 $0xFFFF9C00  }
0xb1: {  	[tilespmem:s9], [sflag:$0x2] =	stream.linear.gather [spmem:s4], $0x6400, $0x38;
	[tilespmem:$0x1B640] =	vst v63  }
0xb2: {  	_ =	swait.ge [sflag:s14], $0x3200  }
0xb3: {  	[sflag:s14] =	ssyncset.done $0x0  }
0xb4: {  	[sflag:s14] =	ssyncadd.s32 $0xFFFFCE00  }
0xb5: {  	_ =	swait.ge [sflag:s14], $0x3200  }
0xb6: {  	[sflag:s14] =	ssyncset.done $0x0  }
0xb7: {  	s28 =	rddreg [dreg:$0x8];
	[sflag:s14] =	ssyncadd.s32 $0xFFFFCE00  }
0xb8: {  	[hbm4b:s28+s2] =	stream.linear.scatter [tilespmem:s7], [sflag:$0xC], $0x6400, $0x38;
	[tilespmem:$0x1B640] =	vst v63  }
0xb9: {  	_ =	swait.ge [sflag:s24], $0x6400  }
0xba: {  	s29 =	sld [smem:$0x7C4]  }
0xbb: {  	[sflag:s24] =	ssyncset.done $0x0  }
0xbc: {  	s0 =	sld [smem:$0x7C5];
	[sflag:s24] =	ssyncadd.s32 $0xFFFF9C00  }
0xbd: {  	[tilespmem:s9], [sflag:$0x6] =	stream.indirect.gather.add.f32 [hbm:s3], $0x80, s29, s6, $0xb8;
	[tilespmem:$0x1B640] =	vst v63  }
0xbe: {  	_ = 	snop  }
0xbf: {  	[tilespmem:s25], [sflag:$0x6] =	stream.indirect.gather.add.f32 [hbm:s3], $0x80, s0, s6, $0xb8;
	[tilespmem:$0x1B640] =	vst v63  }
0xc0: {  	_ =	swait.ge [sflag:s13], $0x6400  }
0xc1: {  	[sflag:s13] =	ssyncset.done $0x0  }
0xc2: {  	[sflag:s13] =	ssyncadd.s32 $0xFFFF9C00  }
0xc3: {  	[tilespmem:s5], [sflag:$0x3] =	stream.linear.gather [spmem:s4], $0x6400, $0x38;
	[tilespmem:$0x1B640] =	vst v63  }
0xc4: {  	_ =	swait.ge [sflag:s12], $0x3200  }
0xc5: {  	[sflag:s12] =	ssyncset.done $0x0  }
0xc6: {  	[sflag:s12] =	ssyncadd.s32 $0xFFFFCE00  }
0xc7: {  	_ =	swait.ge [sflag:s12], $0x3200  }
0xc8: {  	[sflag:s12] =	ssyncset.done $0x0  }
0xc9: {  	s28 =	rddreg [dreg:$0x9];
	[sflag:s12] =	ssyncadd.s32 $0xFFFFCE00  }
0xca: {  	[hbm4b:s28+s2] =	stream.linear.scatter [tilespmem:s8], [sflag:$0xD], $0x6400, $0x38;
	[tilespmem:$0x1B640] =	vst v63  }
0xcb: {  	_ =	swait.ge [sflag:s22], $0x6400  }
0xcc: {  	s29 =	sld [smem:$0x7C6]  }
0xcd: {  	[sflag:s22] =	ssyncset.done $0x0  }
0xce: {  	s0 =	sld [smem:$0x7C7];
	[sflag:s22] =	ssyncadd.s32 $0xFFFF9C00  }
0xcf: {  	[tilespmem:s5], [sflag:$0x7] =	stream.indirect.gather.add.f32 [hbm:s3], $0x80, s29, s6, $0xb8;
	[tilespmem:$0x1B640] =	vst v63  }
0xd0: {  	_ = 	snop  }
0xd1: {  	[tilespmem:s23], [sflag:$0x7] =	stream.indirect.gather.add.f32 [hbm:s3], $0x80, s0, s6, $0xb8;
	[tilespmem:$0x1B640] =	vst v63  }
0xd2: {  	_ =	swait.ge [sflag:s11], $0x6400  }
0xd3: {  	[sflag:s11] =	ssyncset.done $0x0  }
0xd4: {  	[sflag:s11] =	ssyncadd.s32 $0xFFFF9C00  }
0xd5: {  	[tilespmem:s7], [sflag:$0x4] =	stream.linear.gather [spmem:s4], $0x6400, $0x38;
	[tilespmem:$0x1B640] =	vst v63  }
0xd6: {  	_ =	swait.ge [sflag:s21], $0x3200  }
0xd7: {  	[sflag:s21] =	ssyncset.done $0x0  }
0xd8: {  	[sflag:s21] =	ssyncadd.s32 $0xFFFFCE00  }
0xd9: {  	_ =	swait.ge [sflag:s21], $0x3200  }
0xda: {  	[sflag:s21] =	ssyncset.done $0x0  }
0xdb: {  	s28 =	rddreg [dreg:$0xa];
	[sflag:s21] =	ssyncadd.s32 $0xFFFFCE00  }
0xdc: {  	[hbm4b:s28+s2] =	stream.linear.scatter [tilespmem:s9], [sflag:$0xA], $0x6400, $0x38;
	[tilespmem:$0x1B640] =	vst v63  }
0xdd: {  	_ =	swait.ge [sflag:s19], $0x6400  }
0xde: {  	s29 =	sld [smem:$0x7C8]  }
0xdf: {  	[sflag:s19] =	ssyncset.done $0x0  }
0xe0: {  	s0 =	sld [smem:$0x7C9];
	[sflag:s19] =	ssyncadd.s32 $0xFFFF9C00  }
0xe1: {  	[tilespmem:s7], [sflag:$0x8] =	stream.indirect.gather.add.f32 [hbm:s3], $0x80, s29, s6, $0xb8;
	[tilespmem:$0x1B640] =	vst v63  }
0xe2: {  	_ = 	snop  }
0xe3: {  	[tilespmem:s20], [sflag:$0x8] =	stream.indirect.gather.add.f32 [hbm:s3], $0x80, s0, s6, $0xb8;
	[tilespmem:$0x1B640] =	vst v63  }
0xe4: {  	_ =	swait.ge [sflag:s10], $0x6400  }
0xe5: {  	[sflag:s10] =	ssyncset.done $0x0  }
0xe6: {  	[sflag:s10] =	ssyncadd.s32 $0xFFFF9C00  }
0xe7: {  	[tilespmem:s8], [sflag:$0x5] =	stream.linear.gather [spmem:s4], $0x6400, $0x38;
	[tilespmem:$0x1B640] =	vst v63  }
0xe8: {  	_ =	swait.ge [sflag:s18], $0x3200  }
0xe9: {  	[sflag:s18] =	ssyncset.done $0x0  }
0xea: {  	[sflag:s18] =	ssyncadd.s32 $0xFFFFCE00  }
0xeb: {  	_ =	swait.ge [sflag:s18], $0x3200  }
0xec: {  	[sflag:s18] =	ssyncset.done $0x0  }
0xed: {  	s28 =	rddreg [dreg:$0xb];
	[sflag:s18] =	ssyncadd.s32 $0xFFFFCE00  }
0xee: {  	[hbm4b:s28+s2] =	stream.linear.scatter [tilespmem:s5], [sflag:$0xB], $0x6400, $0x38;
	[tilespmem:$0x1B640] =	vst v63  }
0xef: {  	_ =	swait.ge [sflag:s15], $0x6400  }
0xf0: {  	s29 =	sld [smem:$0x7CA]  }
0xf1: {  	[sflag:s15] =	ssyncset.done $0x0  }
0xf2: {  	s0 =	sld [smem:$0x7CB];
	[sflag:s15] =	ssyncadd.s32 $0xFFFF9C00  }
0xf3: {  	[tilespmem:s8], [sflag:$0x9] =	stream.indirect.gather.add.f32 [hbm:s3], $0x80, s29, s6, $0xb8;
	[tilespmem:$0x1B640] =	vst v63  }
0xf4: {  	_ = 	snop  }
0xf5: {  	[tilespmem:s16], [sflag:$0x9] =	stream.indirect.gather.add.f32 [hbm:s3], $0x80, s0, s6, $0xb8;
	[tilespmem:$0x1B640] =	vst v63  }
0xf6: {  	_ =	swait.ge [sflag:s17], $0x6400  }
0xf7: {  	[sflag:s17] =	ssyncset.done $0x0  }
0xf8: {  	[sflag:s17] =	ssyncadd.s32 $0xFFFF9C00  }
0xf9: {  	[tilespmem:s9], [sflag:$0x2] =	stream.linear.gather [spmem:s4], $0x6400, $0x38;
	[tilespmem:$0x1B640] =	vst v63  }
0xfa: {  	_ =	swait.ge [sflag:s14], $0x3200  }
0xfb: {  	[sflag:s14] =	ssyncset.done $0x0  }
0xfc: {  	[sflag:s14] =	ssyncadd.s32 $0xFFFFCE00  }
0xfd: {  	_ =	swait.ge [sflag:s14], $0x3200  }
0xfe: {  	[sflag:s14] =	ssyncset.done $0x0  }
0xff: {  	s28 =	rddreg [dreg:$0xc];
	[sflag:s14] =	ssyncadd.s32 $0xFFFFCE00  }
0x100: {  	[hbm4b:s28+s2] =	stream.linear.scatter [tilespmem:s7], [sflag:$0xC], $0x6400, $0x38;
	[tilespmem:$0x1B640] =	vst v63  }
0x101: {  	_ =	swait.ge [sflag:s24], $0x6400  }
0x102: {  	s29 =	sld [smem:$0x7CC]  }
0x103: {  	[sflag:s24] =	ssyncset.done $0x0  }
0x104: {  	s0 =	sld [smem:$0x7CD];
	[sflag:s24] =	ssyncadd.s32 $0xFFFF9C00  }
0x105: {  	[tilespmem:s9], [sflag:$0x6] =	stream.indirect.gather.add.f32 [hbm:s3], $0x80, s29, s6, $0xb8;
	[tilespmem:$0x1B640] =	vst v63  }
0x106: {  	_ = 	snop  }
0x107: {  	[tilespmem:s25], [sflag:$0x6] =	stream.indirect.gather.add.f32 [hbm:s3], $0x80, s0, s6, $0xb8;
	[tilespmem:$0x1B640] =	vst v63  }
0x108: {  	_ =	swait.ge [sflag:s13], $0x6400  }
0x109: {  	[sflag:s13] =	ssyncset.done $0x0  }
0x10a: {  	[sflag:s13] =	ssyncadd.s32 $0xFFFF9C00  }
0x10b: {  	[tilespmem:s5], [sflag:$0x3] =	stream.linear.gather [spmem:s4], $0x6400, $0x38;
	[tilespmem:$0x1B640] =	vst v63  }
0x10c: {  	_ =	swait.ge [sflag:s12], $0x3200  }
0x10d: {  	[sflag:s12] =	ssyncset.done $0x0  }
0x10e: {  	[sflag:s12] =	ssyncadd.s32 $0xFFFFCE00  }
0x10f: {  	_ =	swait.ge [sflag:s12], $0x3200  }
0x110: {  	[sflag:s12] =	ssyncset.done $0x0  }
0x111: {  	s28 =	rddreg [dreg:$0xd];
	[sflag:s12] =	ssyncadd.s32 $0xFFFFCE00  }
0x112: {  	[hbm4b:s28+s2] =	stream.linear.scatter [tilespmem:s8], [sflag:$0xD], $0x6400, $0x38;
	[tilespmem:$0x1B640] =	vst v63  }
0x113: {  	_ =	swait.ge [sflag:s22], $0x6400  }
0x114: {  	s29 =	sld [smem:$0x7CE]  }
0x115: {  	[sflag:s22] =	ssyncset.done $0x0  }
0x116: {  	s0 =	sld [smem:$0x7CF];
	[sflag:s22] =	ssyncadd.s32 $0xFFFF9C00  }
0x117: {  	[tilespmem:s5], [sflag:$0x7] =	stream.indirect.gather.add.f32 [hbm:s3], $0x80, s29, s6, $0xb8;
	[tilespmem:$0x1B640] =	vst v63  }
0x118: {  	_ = 	snop  }
0x119: {  	[tilespmem:s23], [sflag:$0x7] =	stream.indirect.gather.add.f32 [hbm:s3], $0x80, s0, s6, $0xb8;
	[tilespmem:$0x1B640] =	vst v63  }
0x11a: {  	_ =	swait.ge [sflag:s11], $0x6400  }
0x11b: {  	[sflag:s11] =	ssyncset.done $0x0  }
0x11c: {  	[sflag:s11] =	ssyncadd.s32 $0xFFFF9C00  }
0x11d: {  	[tilespmem:s7], [sflag:$0x4] =	stream.linear.gather [spmem:s4], $0x6400, $0x38;
	[tilespmem:$0x1B640] =	vst v63  }
0x11e: {  	_ =	swait.ge [sflag:s21], $0x3200  }
0x11f: {  	[sflag:s21] =	ssyncset.done $0x0  }
0x120: {  	[sflag:s21] =	ssyncadd.s32 $0xFFFFCE00  }
0x121: {  	_ =	swait.ge [sflag:s21], $0x3200  }
0x122: {  	[sflag:s21] =	ssyncset.done $0x0  }
0x123: {  	s28 =	rddreg [dreg:$0xe];
	[sflag:s21] =	ssyncadd.s32 $0xFFFFCE00  }
0x124: {  	[hbm4b:s28+s2] =	stream.linear.scatter [tilespmem:s9], [sflag:$0xA], $0x6400, $0x38;
	[tilespmem:$0x1B640] =	vst v63  }
0x125: {  	_ =	swait.ge [sflag:s19], $0x6400  }
0x126: {  	s29 =	sld [smem:$0x7D0]  }
0x127: {  	[sflag:s19] =	ssyncset.done $0x0  }
0x128: {  	s0 =	sld [smem:$0x7D1];
	[sflag:s19] =	ssyncadd.s32 $0xFFFF9C00  }
0x129: {  	[tilespmem:s7], [sflag:$0x8] =	stream.indirect.gather.add.f32 [hbm:s3], $0x80, s29, s6, $0xb8;
	[tilespmem:$0x1B640] =	vst v63  }
0x12a: {  	_ = 	snop  }
0x12b: {  	[tilespmem:s20], [sflag:$0x8] =	stream.indirect.gather.add.f32 [hbm:s3], $0x80, s0, s6, $0xb8;
	[tilespmem:$0x1B640] =	vst v63  }
0x12c: {  	_ =	swait.ge [sflag:s10], $0x6400  }
0x12d: {  	[sflag:s10] =	ssyncset.done $0x0  }
0x12e: {  	[sflag:s10] =	ssyncadd.s32 $0xFFFF9C00  }
0x12f: {  	[tilespmem:s8], [sflag:$0x5] =	stream.linear.gather [spmem:s4], $0x6400, $0x38;
	[tilespmem:$0x1B640] =	vst v63  }
0x130: {  	_ =	swait.ge [sflag:s18], $0x3200  }
0x131: {  	[sflag:s18] =	ssyncset.done $0x0  }
0x132: {  	[sflag:s18] =	ssyncadd.s32 $0xFFFFCE00  }
0x133: {  	_ =	swait.ge [sflag:s18], $0x3200  }
0x134: {  	[sflag:s18] =	ssyncset.done $0x0  }
0x135: {  	s28 =	rddreg [dreg:$0xf];
	[sflag:s18] =	ssyncadd.s32 $0xFFFFCE00  }
0x136: {  	[hbm4b:s28+s2] =	stream.linear.scatter [tilespmem:s5], [sflag:$0xB], $0x6400, $0x38;
	[tilespmem:$0x1B640] =	vst v63  }
0x137: {  	_ =	swait.ge [sflag:s15], $0x6400  }
0x138: {  	s29 =	sld [smem:$0x7D2]  }
0x139: {  	[sflag:s15] =	ssyncset.done $0x0  }
0x13a: {  	s0 =	sld [smem:$0x7D3];
	[sflag:s15] =	ssyncadd.s32 $0xFFFF9C00  }
0x13b: {  	[tilespmem:s8], [sflag:$0x9] =	stream.indirect.gather.add.f32 [hbm:s3], $0x80, s29, s6, $0xb8;
	[tilespmem:$0x1B640] =	vst v63  }
0x13c: {  	_ = 	snop  }
0x13d: {  	[tilespmem:s16], [sflag:$0x9] =	stream.indirect.gather.add.f32 [hbm:s3], $0x80, s0, s6, $0xb8;
	[tilespmem:$0x1B640] =	vst v63  }
0x13e: {  	_ =	swait.ge [sflag:s17], $0x6400  }
0x13f: {  	[sflag:s17] =	ssyncset.done $0x0  }
0x140: {  	[sflag:s17] =	ssyncadd.s32 $0xFFFF9C00  }
0x141: {  	[tilespmem:s9], [sflag:$0x2] =	stream.linear.gather [spmem:s4], $0x6400, $0x38;
	[tilespmem:$0x1B640] =	vst v63  }
0x142: {  	_ =	swait.ge [sflag:s14], $0x3200  }
0x143: {  	[sflag:s14] =	ssyncset.done $0x0  }
0x144: {  	[sflag:s14] =	ssyncadd.s32 $0xFFFFCE00  }
0x145: {  	_ =	swait.ge [sflag:s14], $0x3200  }
0x146: {  	[sflag:s14] =	ssyncset.done $0x0  }
0x147: {  	s28 =	rddreg [dreg:$0x10];
	[sflag:s14] =	ssyncadd.s32 $0xFFFFCE00  }
0x148: {  	[hbm4b:s28+s2] =	stream.linear.scatter [tilespmem:s7], [sflag:$0xC], $0x6400, $0x38;
	[tilespmem:$0x1B640] =	vst v63  }
0x149: {  	_ =	swait.ge [sflag:s24], $0x6400  }
0x14a: {  	s29 =	sld [smem:$0x7D4]  }
0x14b: {  	[sflag:s24] =	ssyncset.done $0x0  }
0x14c: {  	s0 =	sld [smem:$0x7D5];
	[sflag:s24] =	ssyncadd.s32 $0xFFFF9C00  }
0x14d: {  	[tilespmem:s9], [sflag:$0x6] =	stream.indirect.gather.add.f32 [hbm:s3], $0x80, s29, s6, $0xb8;
	[tilespmem:$0x1B640] =	vst v63  }
0x14e: {  	_ = 	snop  }
0x14f: {  	[tilespmem:s25], [sflag:$0x6] =	stream.indirect.gather.add.f32 [hbm:s3], $0x80, s0, s6, $0xb8;
	[tilespmem:$0x1B640] =	vst v63  }
0x150: {  	_ =	swait.ge [sflag:s13], $0x6400  }
0x151: {  	[sflag:s13] =	ssyncset.done $0x0  }
0x152: {  	[sflag:s13] =	ssyncadd.s32 $0xFFFF9C00  }
0x153: {  	[tilespmem:s5], [sflag:$0x3] =	stream.linear.gather [spmem:s4], $0x6400, $0x38;
	[tilespmem:$0x1B640] =	vst v63  }
0x154: {  	_ =	swait.ge [sflag:s12], $0x3200  }
0x155: {  	[sflag:s12] =	ssyncset.done $0x0  }
0x156: {  	[sflag:s12] =	ssyncadd.s32 $0xFFFFCE00  }
0x157: {  	_ =	swait.ge [sflag:s12], $0x3200  }
0x158: {  	[sflag:s12] =	ssyncset.done $0x0  }
0x159: {  	s28 =	rddreg [dreg:$0x11];
	[sflag:s12] =	ssyncadd.s32 $0xFFFFCE00  }
0x15a: {  	[hbm4b:s28+s2] =	stream.linear.scatter [tilespmem:s8], [sflag:$0xD], $0x6400, $0x38;
	[tilespmem:$0x1B640] =	vst v63  }
0x15b: {  	_ =	swait.ge [sflag:s22], $0x6400  }
0x15c: {  	s29 =	sld [smem:$0x7D6]  }
0x15d: {  	[sflag:s22] =	ssyncset.done $0x0  }
0x15e: {  	s0 =	sld [smem:$0x7D7];
	[sflag:s22] =	ssyncadd.s32 $0xFFFF9C00  }
0x15f: {  	[tilespmem:s5], [sflag:$0x7] =	stream.indirect.gather.add.f32 [hbm:s3], $0x80, s29, s6, $0xb8;
	[tilespmem:$0x1B640] =	vst v63  }
0x160: {  	_ = 	snop  }
0x161: {  	[tilespmem:s23], [sflag:$0x7] =	stream.indirect.gather.add.f32 [hbm:s3], $0x80, s0, s6, $0xb8;
	[tilespmem:$0x1B640] =	vst v63  }
0x162: {  	_ =	swait.ge [sflag:s11], $0x6400  }
0x163: {  	[sflag:s11] =	ssyncset.done $0x0  }
0x164: {  	[sflag:s11] =	ssyncadd.s32 $0xFFFF9C00  }
0x165: {  	[tilespmem:s7], [sflag:$0x4] =	stream.linear.gather [spmem:s4], $0x6400, $0x38;
	[tilespmem:$0x1B640] =	vst v63  }
0x166: {  	_ =	swait.ge [sflag:s21], $0x3200  }
0x167: {  	[sflag:s21] =	ssyncset.done $0x0  }
0x168: {  	[sflag:s21] =	ssyncadd.s32 $0xFFFFCE00  }
0x169: {  	_ =	swait.ge [sflag:s21], $0x3200  }
0x16a: {  	[sflag:s21] =	ssyncset.done $0x0  }
0x16b: {  	s28 =	rddreg [dreg:$0x12];
	[sflag:s21] =	ssyncadd.s32 $0xFFFFCE00  }
0x16c: {  	[hbm4b:s28+s2] =	stream.linear.scatter [tilespmem:s9], [sflag:$0xA], $0x6400, $0x38;
	[tilespmem:$0x1B640] =	vst v63  }
0x16d: {  	_ =	swait.ge [sflag:s19], $0x6400  }
0x16e: {  	s29 =	sld [smem:$0x7D8]  }
0x16f: {  	[sflag:s19] =	ssyncset.done $0x0  }
0x170: {  	s0 =	sld [smem:$0x7D9];
	[sflag:s19] =	ssyncadd.s32 $0xFFFF9C00  }
0x171: {  	[tilespmem:s7], [sflag:$0x8] =	stream.indirect.gather.add.f32 [hbm:s3], $0x80, s29, s6, $0xb8;
	[tilespmem:$0x1B640] =	vst v63  }
0x172: {  	_ = 	snop  }
0x173: {  	[tilespmem:s20], [sflag:$0x8] =	stream.indirect.gather.add.f32 [hbm:s3], $0x80, s0, s6, $0xb8;
	[tilespmem:$0x1B640] =	vst v63  }
0x174: {  	_ =	swait.ge [sflag:s10], $0x6400  }
0x175: {  	[sflag:s10] =	ssyncset.done $0x0  }
0x176: {  	[sflag:s10] =	ssyncadd.s32 $0xFFFF9C00  }
0x177: {  	[tilespmem:s8], [sflag:$0x5] =	stream.linear.gather [spmem:s4], $0x6400, $0x38;
	[tilespmem:$0x1B640] =	vst v63  }
0x178: {  	_ =	swait.ge [sflag:s18], $0x3200  }
0x179: {  	[sflag:s18] =	ssyncset.done $0x0  }
0x17a: {  	[sflag:s18] =	ssyncadd.s32 $0xFFFFCE00  }
0x17b: {  	_ =	swait.ge [sflag:s18], $0x3200  }
0x17c: {  	[sflag:s18] =	ssyncset.done $0x0  }
0x17d: {  	s28 =	rddreg [dreg:$0x13];
	[sflag:s18] =	ssyncadd.s32 $0xFFFFCE00  }
0x17e: {  	[hbm4b:s28+s2] =	stream.linear.scatter [tilespmem:s5], [sflag:$0xB], $0x6400, $0x38;
	[tilespmem:$0x1B640] =	vst v63  }
0x17f: {  	_ =	swait.ge [sflag:s15], $0x6400  }
0x180: {  	s29 =	sld [smem:$0x7DA]  }
0x181: {  	[sflag:s15] =	ssyncset.done $0x0  }
0x182: {  	s0 =	sld [smem:$0x7DB];
	[sflag:s15] =	ssyncadd.s32 $0xFFFF9C00  }
0x183: {  	[tilespmem:s8], [sflag:$0x9] =	stream.indirect.gather.add.f32 [hbm:s3], $0x80, s29, s6, $0xb8;
	[tilespmem:$0x1B640] =	vst v63  }
0x184: {  	_ = 	snop  }
0x185: {  	[tilespmem:s16], [sflag:$0x9] =	stream.indirect.gather.add.f32 [hbm:s3], $0x80, s0, s6, $0xb8;
	[tilespmem:$0x1B640] =	vst v63  }
0x186: {  	_ =	swait.ge [sflag:s17], $0x6400  }
0x187: {  	[sflag:s17] =	ssyncset.done $0x0  }
0x188: {  	[sflag:s17] =	ssyncadd.s32 $0xFFFF9C00  }
0x189: {  	[tilespmem:s9], [sflag:$0x2] =	stream.linear.gather [spmem:s4], $0x6400, $0x38;
	[tilespmem:$0x1B640] =	vst v63  }
0x18a: {  	_ =	swait.ge [sflag:s14], $0x3200  }
0x18b: {  	[sflag:s14] =	ssyncset.done $0x0  }
0x18c: {  	[sflag:s14] =	ssyncadd.s32 $0xFFFFCE00  }
0x18d: {  	_ =	swait.ge [sflag:s14], $0x3200  }
0x18e: {  	[sflag:s14] =	ssyncset.done $0x0  }
0x18f: {  	s28 =	rddreg [dreg:$0x14];
	[sflag:s14] =	ssyncadd.s32 $0xFFFFCE00  }
0x190: {  	[hbm4b:s28+s2] =	stream.linear.scatter [tilespmem:s7], [sflag:$0xC], $0x6400, $0x38;
	[tilespmem:$0x1B640] =	vst v63  }
0x191: {  	_ =	swait.ge [sflag:s24], $0x6400  }
0x192: {  	s29 =	sld [smem:$0x7DC]  }
0x193: {  	[sflag:s24] =	ssyncset.done $0x0  }
0x194: {  	s0 =	sld [smem:$0x7DD];
	[sflag:s24] =	ssyncadd.s32 $0xFFFF9C00  }
0x195: {  	[tilespmem:s9], [sflag:$0x6] =	stream.indirect.gather.add.f32 [hbm:s3], $0x80, s29, s6, $0xb8;
	[tilespmem:$0x1B640] =	vst v63  }
0x196: {  	_ = 	snop  }
0x197: {  	[tilespmem:s25], [sflag:$0x6] =	stream.indirect.gather.add.f32 [hbm:s3], $0x80, s0, s6, $0xb8;
	[tilespmem:$0x1B640] =	vst v63  }
0x198: {  	_ =	swait.ge [sflag:s13], $0x6400  }
0x199: {  	[sflag:s13] =	ssyncset.done $0x0  }
0x19a: {  	[sflag:s13] =	ssyncadd.s32 $0xFFFF9C00  }
0x19b: {  	[tilespmem:s5], [sflag:$0x3] =	stream.linear.gather [spmem:s4], $0x6400, $0x38;
	[tilespmem:$0x1B640] =	vst v63  }
0x19c: {  	_ =	swait.ge [sflag:s12], $0x3200  }
0x19d: {  	[sflag:s12] =	ssyncset.done $0x0  }
0x19e: {  	[sflag:s12] =	ssyncadd.s32 $0xFFFFCE00  }
0x19f: {  	_ =	swait.ge [sflag:s12], $0x3200  }
0x1a0: {  	[sflag:s12] =	ssyncset.done $0x0  }
0x1a1: {  	s28 =	rddreg [dreg:$0x15];
	[sflag:s12] =	ssyncadd.s32 $0xFFFFCE00  }
0x1a2: {  	[hbm4b:s28+s2] =	stream.linear.scatter [tilespmem:s8], [sflag:$0xD], $0x6400, $0x38;
	[tilespmem:$0x1B640] =	vst v63  }
0x1a3: {  	_ =	swait.ge [sflag:s22], $0x6400  }
0x1a4: {  	s29 =	sld [smem:$0x7DE]  }
0x1a5: {  	[sflag:s22] =	ssyncset.done $0x0  }
0x1a6: {  	s0 =	sld [smem:$0x7DF];
	[sflag:s22] =	ssyncadd.s32 $0xFFFF9C00  }
0x1a7: {  	[tilespmem:s5], [sflag:$0x7] =	stream.indirect.gather.add.f32 [hbm:s3], $0x80, s29, s6, $0xb8;
	[tilespmem:$0x1B640] =	vst v63  }
0x1a8: {  	_ = 	snop  }
0x1a9: {  	[tilespmem:s23], [sflag:$0x7] =	stream.indirect.gather.add.f32 [hbm:s3], $0x80, s0, s6, $0xb8;
	[tilespmem:$0x1B640] =	vst v63  }
0x1aa: {  	_ =	swait.ge [sflag:s11], $0x6400  }
0x1ab: {  	[sflag:s11] =	ssyncset.done $0x0  }
0x1ac: {  	[sflag:s11] =	ssyncadd.s32 $0xFFFF9C00  }
0x1ad: {  	[tilespmem:s7], [sflag:$0x4] =	stream.linear.gather [spmem:s4], $0x6400, $0x38;
	[tilespmem:$0x1B640] =	vst v63  }
0x1ae: {  	_ =	swait.ge [sflag:s21], $0x3200  }
0x1af: {  	[sflag:s21] =	ssyncset.done $0x0  }
0x1b0: {  	[sflag:s21] =	ssyncadd.s32 $0xFFFFCE00  }
0x1b1: {  	_ =	swait.ge [sflag:s21], $0x3200  }
0x1b2: {  	[sflag:s21] =	ssyncset.done $0x0  }
0x1b3: {  	s28 =	rddreg [dreg:$0x16];
	[sflag:s21] =	ssyncadd.s32 $0xFFFFCE00  }
0x1b4: {  	[hbm4b:s28+s2] =	stream.linear.scatter [tilespmem:s9], [sflag:$0xA], $0x6400, $0x38;
	[tilespmem:$0x1B640] =	vst v63  }
0x1b5: {  	_ =	swait.ge [sflag:s19], $0x6400  }
0x1b6: {  	s29 =	sld [smem:$0x7E0]  }
0x1b7: {  	[sflag:s19] =	ssyncset.done $0x0  }
0x1b8: {  	s0 =	sld [smem:$0x7E1];
	[sflag:s19] =	ssyncadd.s32 $0xFFFF9C00  }
0x1b9: {  	[tilespmem:s7], [sflag:$0x8] =	stream.indirect.gather.add.f32 [hbm:s3], $0x80, s29, s6, $0xb8;
	[tilespmem:$0x1B640] =	vst v63  }
0x1ba: {  	_ = 	snop  }
0x1bb: {  	[tilespmem:s20], [sflag:$0x8] =	stream.indirect.gather.add.f32 [hbm:s3], $0x80, s0, s6, $0xb8;
	[tilespmem:$0x1B640] =	vst v63  }
0x1bc: {  	_ =	swait.ge [sflag:s10], $0x6400  }
0x1bd: {  	[sflag:s10] =	ssyncset.done $0x0  }
0x1be: {  	[sflag:s10] =	ssyncadd.s32 $0xFFFF9C00  }
0x1bf: {  	[tilespmem:s8], [sflag:$0x5] =	stream.linear.gather [spmem:s4], $0x6400, $0x38;
	[tilespmem:$0x1B640] =	vst v63  }
0x1c0: {  	_ =	swait.ge [sflag:s18], $0x3200  }
0x1c1: {  	[sflag:s18] =	ssyncset.done $0x0  }
0x1c2: {  	[sflag:s18] =	ssyncadd.s32 $0xFFFFCE00  }
0x1c3: {  	_ =	swait.ge [sflag:s18], $0x3200  }
0x1c4: {  	[sflag:s18] =	ssyncset.done $0x0  }
0x1c5: {  	s28 =	rddreg [dreg:$0x17];
	[sflag:s18] =	ssyncadd.s32 $0xFFFFCE00  }
0x1c6: {  	[hbm4b:s28+s2] =	stream.linear.scatter [tilespmem:s5], [sflag:$0xB], $0x6400, $0x38;
	[tilespmem:$0x1B640] =	vst v63  }
0x1c7: {  	_ =	swait.ge [sflag:s15], $0x6400  }
0x1c8: {  	s29 =	sld [smem:$0x7E2]  }
0x1c9: {  	[sflag:s15] =	ssyncset.done $0x0  }
0x1ca: {  	s0 =	sld [smem:$0x7E3];
	[sflag:s15] =	ssyncadd.s32 $0xFFFF9C00  }
0x1cb: {  	[tilespmem:s8], [sflag:$0x9] =	stream.indirect.gather.add.f32 [hbm:s3], $0x80, s29, s6, $0xb8;
	[tilespmem:$0x1B640] =	vst v63  }
0x1cc: {  	_ = 	snop  }
0x1cd: {  	[tilespmem:s16], [sflag:$0x9] =	stream.indirect.gather.add.f32 [hbm:s3], $0x80, s0, s6, $0xb8;
	[tilespmem:$0x1B640] =	vst v63  }
0x1ce: {  	_ =	swait.ge [sflag:s17], $0x6400  }
0x1cf: {  	[sflag:s17] =	ssyncset.done $0x0  }
0x1d0: {  	[sflag:s17] =	ssyncadd.s32 $0xFFFF9C00  }
0x1d1: {  	[tilespmem:s9], [sflag:$0x2] =	stream.linear.gather [spmem:s4], $0x6400, $0x38;
	[tilespmem:$0x1B640] =	vst v63  }
0x1d2: {  	_ =	swait.ge [sflag:s14], $0x3200  }
0x1d3: {  	[sflag:s14] =	ssyncset.done $0x0  }
0x1d4: {  	[sflag:s14] =	ssyncadd.s32 $0xFFFFCE00  }
0x1d5: {  	_ =	swait.ge [sflag:s14], $0x3200  }
0x1d6: {  	[sflag:s14] =	ssyncset.done $0x0  }
0x1d7: {  	s28 =	rddreg [dreg:$0x18];
	[sflag:s14] =	ssyncadd.s32 $0xFFFFCE00  }
0x1d8: {  	[hbm4b:s28+s2] =	stream.linear.scatter [tilespmem:s7], [sflag:$0xC], $0x6400, $0x38;
	[tilespmem:$0x1B640] =	vst v63  }
0x1d9: {  	_ =	swait.ge [sflag:s24], $0x6400  }
0x1da: {  	s29 =	sld [smem:$0x7E4]  }
0x1db: {  	[sflag:s24] =	ssyncset.done $0x0  }
0x1dc: {  	s0 =	sld [smem:$0x7E5];
	[sflag:s24] =	ssyncadd.s32 $0xFFFF9C00  }
0x1dd: {  	[tilespmem:s9], [sflag:$0x6] =	stream.indirect.gather.add.f32 [hbm:s3], $0x80, s29, s6, $0xb8;
	[tilespmem:$0x1B640] =	vst v63  }
0x1de: {  	_ = 	snop  }
0x1df: {  	[tilespmem:s25], [sflag:$0x6] =	stream.indirect.gather.add.f32 [hbm:s3], $0x80, s0, s6, $0xb8;
	[tilespmem:$0x1B640] =	vst v63  }
0x1e0: {  	_ =	swait.ge [sflag:s13], $0x6400  }
0x1e1: {  	[sflag:s13] =	ssyncset.done $0x0  }
0x1e2: {  	[sflag:s13] =	ssyncadd.s32 $0xFFFF9C00  }
0x1e3: {  	[tilespmem:s5], [sflag:$0x3] =	stream.linear.gather [spmem:s4], $0x6400, $0x38;
	[tilespmem:$0x1B640] =	vst v63  }
0x1e4: {  	_ =	swait.ge [sflag:s12], $0x3200  }
0x1e5: {  	[sflag:s12] =	ssyncset.done $0x0  }
0x1e6: {  	[sflag:s12] =	ssyncadd.s32 $0xFFFFCE00  }
0x1e7: {  	_ =	swait.ge [sflag:s12], $0x3200  }
0x1e8: {  	[sflag:s12] =	ssyncset.done $0x0  }
0x1e9: {  	s28 =	rddreg [dreg:$0x19];
	[sflag:s12] =	ssyncadd.s32 $0xFFFFCE00  }
0x1ea: {  	[hbm4b:s28+s2] =	stream.linear.scatter [tilespmem:s8], [sflag:$0xD], $0x6400, $0x38;
	[tilespmem:$0x1B640] =	vst v63  }
0x1eb: {  	_ =	swait.ge [sflag:s22], $0x6400  }
0x1ec: {  	s29 =	sld [smem:$0x7E6]  }
0x1ed: {  	[sflag:s22] =	ssyncset.done $0x0  }
0x1ee: {  	s0 =	sld [smem:$0x7E7];
	[sflag:s22] =	ssyncadd.s32 $0xFFFF9C00  }
0x1ef: {  	[tilespmem:s5], [sflag:$0x7] =	stream.indirect.gather.add.f32 [hbm:s3], $0x80, s29, s6, $0xb8;
	[tilespmem:$0x1B640] =	vst v63  }
0x1f0: {  	_ = 	snop  }
0x1f1: {  	[tilespmem:s23], [sflag:$0x7] =	stream.indirect.gather.add.f32 [hbm:s3], $0x80, s0, s6, $0xb8;
	[tilespmem:$0x1B640] =	vst v63  }
0x1f2: {  	_ =	swait.ge [sflag:s11], $0x6400  }
0x1f3: {  	[sflag:s11] =	ssyncset.done $0x0  }
0x1f4: {  	[sflag:s11] =	ssyncadd.s32 $0xFFFF9C00  }
0x1f5: {  	[tilespmem:s7], [sflag:$0x4] =	stream.linear.gather [spmem:s4], $0x6400, $0x38;
	[tilespmem:$0x1B640] =	vst v63  }
0x1f6: {  	_ =	swait.ge [sflag:s21], $0x3200  }
0x1f7: {  	[sflag:s21] =	ssyncset.done $0x0  }
0x1f8: {  	[sflag:s21] =	ssyncadd.s32 $0xFFFFCE00  }
0x1f9: {  	_ =	swait.ge [sflag:s21], $0x3200  }
0x1fa: {  	[sflag:s21] =	ssyncset.done $0x0  }
0x1fb: {  	s28 =	rddreg [dreg:$0x1a];
	[sflag:s21] =	ssyncadd.s32 $0xFFFFCE00  }
0x1fc: {  	[hbm4b:s28+s2] =	stream.linear.scatter [tilespmem:s9], [sflag:$0xA], $0x6400, $0x38;
	[tilespmem:$0x1B640] =	vst v63  }
0x1fd: {  	_ =	swait.ge [sflag:s19], $0x6400  }
0x1fe: {  	s29 =	sld [smem:$0x7E8]  }
0x1ff: {  	[sflag:s19] =	ssyncset.done $0x0  }
0x200: {  	s0 =	sld [smem:$0x7E9];
	[sflag:s19] =	ssyncadd.s32 $0xFFFF9C00  }
0x201: {  	[tilespmem:s7], [sflag:$0x8] =	stream.indirect.gather.add.f32 [hbm:s3], $0x80, s29, s6, $0xb8;
	[tilespmem:$0x1B640] =	vst v63  }
0x202: {  	_ = 	snop  }
0x203: {  	[tilespmem:s20], [sflag:$0x8] =	stream.indirect.gather.add.f32 [hbm:s3], $0x80, s0, s6, $0xb8;
	[tilespmem:$0x1B640] =	vst v63  }
0x204: {  	_ =	swait.ge [sflag:s10], $0x6400  }
0x205: {  	[sflag:s10] =	ssyncset.done $0x0  }
0x206: {  	[sflag:s10] =	ssyncadd.s32 $0xFFFF9C00  }
0x207: {  	[tilespmem:s8], [sflag:$0x5] =	stream.linear.gather [spmem:s4], $0x6400, $0x38;
	[tilespmem:$0x1B640] =	vst v63  }
0x208: {  	_ =	swait.ge [sflag:s18], $0x3200  }
0x209: {  	[sflag:s18] =	ssyncset.done $0x0  }
0x20a: {  	[sflag:s18] =	ssyncadd.s32 $0xFFFFCE00  }
0x20b: {  	_ =	swait.ge [sflag:s18], $0x3200  }
0x20c: {  	[sflag:s18] =	ssyncset.done $0x0  }
0x20d: {  	s28 =	rddreg [dreg:$0x1b];
	[sflag:s18] =	ssyncadd.s32 $0xFFFFCE00  }
0x20e: {  	[hbm4b:s28+s2] =	stream.linear.scatter [tilespmem:s5], [sflag:$0xB], $0x6400, $0x38;
	[tilespmem:$0x1B640] =	vst v63  }
0x20f: {  	_ =	swait.ge [sflag:s15], $0x6400  }
0x210: {  	s29 =	sld [smem:$0x7EA]  }
0x211: {  	[sflag:s15] =	ssyncset.done $0x0  }
0x212: {  	s0 =	sld [smem:$0x7EB];
	[sflag:s15] =	ssyncadd.s32 $0xFFFF9C00  }
0x213: {  	[tilespmem:s8], [sflag:$0x9] =	stream.indirect.gather.add.f32 [hbm:s3], $0x80, s29, s6, $0xb8;
	[tilespmem:$0x1B640] =	vst v63  }
0x214: {  	_ = 	snop  }
0x215: {  	[tilespmem:s16], [sflag:$0x9] =	stream.indirect.gather.add.f32 [hbm:s3], $0x80, s0, s6, $0xb8;
	[tilespmem:$0x1B640] =	vst v63  }
0x216: {  	_ =	swait.ge [sflag:s17], $0x6400  }
0x217: {  	[sflag:s17] =	ssyncset.done $0x0  }
0x218: {  	[sflag:s17] =	ssyncadd.s32 $0xFFFF9C00  }
0x219: {  	[tilespmem:s9], [sflag:$0x2] =	stream.linear.gather [spmem:s4], $0x6400, $0x38;
	[tilespmem:$0x1B640] =	vst v63  }
0x21a: {  	_ =	swait.ge [sflag:s14], $0x3200  }
0x21b: {  	[sflag:s14] =	ssyncset.done $0x0  }
0x21c: {  	[sflag:s14] =	ssyncadd.s32 $0xFFFFCE00  }
0x21d: {  	_ =	swait.ge [sflag:s14], $0x3200  }
0x21e: {  	[sflag:s14] =	ssyncset.done $0x0  }
0x21f: {  	s28 =	rddreg [dreg:$0x1c];
	[sflag:s14] =	ssyncadd.s32 $0xFFFFCE00  }
0x220: {  	[hbm4b:s28+s2] =	stream.linear.scatter [tilespmem:s7], [sflag:$0xC], $0x6400, $0x38;
	[tilespmem:$0x1B640] =	vst v63  }
0x221: {  	_ =	swait.ge [sflag:s24], $0x6400  }
0x222: {  	s29 =	sld [smem:$0x7EC]  }
0x223: {  	[sflag:s24] =	ssyncset.done $0x0  }
0x224: {  	s0 =	sld [smem:$0x7ED];
	[sflag:s24] =	ssyncadd.s32 $0xFFFF9C00  }
0x225: {  	[tilespmem:s9], [sflag:$0x6] =	stream.indirect.gather.add.f32 [hbm:s3], $0x80, s29, s6, $0xb8;
	[tilespmem:$0x1B640] =	vst v63  }
0x226: {  	_ = 	snop  }
0x227: {  	[tilespmem:s25], [sflag:$0x6] =	stream.indirect.gather.add.f32 [hbm:s3], $0x80, s0, s6, $0xb8;
	[tilespmem:$0x1B640] =	vst v63  }
0x228: {  	_ =	swait.ge [sflag:s13], $0x6400  }
0x229: {  	[sflag:s13] =	ssyncset.done $0x0  }
0x22a: {  	[sflag:s13] =	ssyncadd.s32 $0xFFFF9C00  }
0x22b: {  	[tilespmem:s5], [sflag:$0x3] =	stream.linear.gather [spmem:s4], $0x6400, $0x38;
	[tilespmem:$0x1B640] =	vst v63  }
0x22c: {  	_ =	swait.ge [sflag:s12], $0x3200  }
0x22d: {  	[sflag:s12] =	ssyncset.done $0x0  }
0x22e: {  	[sflag:s12] =	ssyncadd.s32 $0xFFFFCE00  }
0x22f: {  	_ =	swait.ge [sflag:s12], $0x3200  }
0x230: {  	[sflag:s12] =	ssyncset.done $0x0  }
0x231: {  	s28 =	rddreg [dreg:$0x1d];
	[sflag:s12] =	ssyncadd.s32 $0xFFFFCE00  }
0x232: {  	[hbm4b:s28+s2] =	stream.linear.scatter [tilespmem:s8], [sflag:$0xD], $0x6400, $0x38;
	[tilespmem:$0x1B640] =	vst v63  }
0x233: {  	_ =	swait.ge [sflag:s22], $0x6400  }
0x234: {  	s29 =	sld [smem:$0x7EE]  }
0x235: {  	[sflag:s22] =	ssyncset.done $0x0  }
0x236: {  	s0 =	sld [smem:$0x7EF];
	[sflag:s22] =	ssyncadd.s32 $0xFFFF9C00  }
0x237: {  	[tilespmem:s5], [sflag:$0x7] =	stream.indirect.gather.add.f32 [hbm:s3], $0x80, s29, s6, $0xb8;
	[tilespmem:$0x1B640] =	vst v63  }
0x238: {  	_ = 	snop  }
0x239: {  	[tilespmem:s23], [sflag:$0x7] =	stream.indirect.gather.add.f32 [hbm:s3], $0x80, s0, s6, $0xb8;
	[tilespmem:$0x1B640] =	vst v63  }
0x23a: {  	_ =	swait.ge [sflag:s11], $0x6400  }
0x23b: {  	[sflag:s11] =	ssyncset.done $0x0  }
0x23c: {  	[sflag:s11] =	ssyncadd.s32 $0xFFFF9C00  }
0x23d: {  	[tilespmem:s7], [sflag:$0x4] =	stream.linear.gather [spmem:s4], $0x6400, $0x38;
	[tilespmem:$0x1B640] =	vst v63  }
0x23e: {  	_ =	swait.ge [sflag:s21], $0x3200  }
0x23f: {  	[sflag:s21] =	ssyncset.done $0x0  }
0x240: {  	[sflag:s21] =	ssyncadd.s32 $0xFFFFCE00  }
0x241: {  	_ =	swait.ge [sflag:s21], $0x3200  }
0x242: {  	[sflag:s21] =	ssyncset.done $0x0  }
0x243: {  	s28 =	rddreg [dreg:$0x1e];
	[sflag:s21] =	ssyncadd.s32 $0xFFFFCE00  }
0x244: {  	[hbm4b:s28+s2] =	stream.linear.scatter [tilespmem:s9], [sflag:$0xA], $0x6400, $0x38;
	[tilespmem:$0x1B640] =	vst v63  }
0x245: {  	_ =	swait.ge [sflag:s19], $0x6400  }
0x246: {  	s29 =	sld [smem:$0x7F0]  }
0x247: {  	[sflag:s19] =	ssyncset.done $0x0  }
0x248: {  	s0 =	sld [smem:$0x7F1];
	[sflag:s19] =	ssyncadd.s32 $0xFFFF9C00  }
0x249: {  	[tilespmem:s7], [sflag:$0x8] =	stream.indirect.gather.add.f32 [hbm:s3], $0x80, s29, s6, $0xb8;
	[tilespmem:$0x1B640] =	vst v63  }
0x24a: {  	_ = 	snop  }
0x24b: {  	[tilespmem:s20], [sflag:$0x8] =	stream.indirect.gather.add.f32 [hbm:s3], $0x80, s0, s6, $0xb8;
	[tilespmem:$0x1B640] =	vst v63  }
0x24c: {  	_ =	swait.ge [sflag:s10], $0x6400  }
0x24d: {  	[sflag:s10] =	ssyncset.done $0x0  }
0x24e: {  	[sflag:s10] =	ssyncadd.s32 $0xFFFF9C00  }
0x24f: {  	[tilespmem:s8], [sflag:$0x5] =	stream.linear.gather [spmem:s4], $0x6400, $0x38;
	[tilespmem:$0x1B640] =	vst v63  }
0x250: {  	_ =	swait.ge [sflag:s18], $0x3200  }
0x251: {  	[sflag:s18] =	ssyncset.done $0x0  }
0x252: {  	[sflag:s18] =	ssyncadd.s32 $0xFFFFCE00  }
0x253: {  	_ =	swait.ge [sflag:s18], $0x3200  }
0x254: {  	[sflag:s18] =	ssyncset.done $0x0  }
0x255: {  	s28 =	rddreg [dreg:$0x1f];
	[sflag:s18] =	ssyncadd.s32 $0xFFFFCE00  }
0x256: {  	[hbm4b:s28+s2] =	stream.linear.scatter [tilespmem:s5], [sflag:$0xB], $0x6400, $0x38;
	[tilespmem:$0x1B640] =	vst v63  }
0x257: {  	_ =	swait.ge [sflag:s15], $0x6400  }
0x258: {  	s29 =	sld [smem:$0x7F2]  }
0x259: {  	[sflag:s15] =	ssyncset.done $0x0  }
0x25a: {  	s0 =	sld [smem:$0x7F3];
	[sflag:s15] =	ssyncadd.s32 $0xFFFF9C00  }
0x25b: {  	[tilespmem:s8], [sflag:$0x9] =	stream.indirect.gather.add.f32 [hbm:s3], $0x80, s29, s6, $0xb8;
	[tilespmem:$0x1B640] =	vst v63  }
0x25c: {  	_ = 	snop  }
0x25d: {  	[tilespmem:s16], [sflag:$0x9] =	stream.indirect.gather.add.f32 [hbm:s3], $0x80, s0, s6, $0xb8;
	[tilespmem:$0x1B640] =	vst v63  }
0x25e: {  	_ =	swait.ge [sflag:s17], $0x6400  }
0x25f: {  	[sflag:s17] =	ssyncset.done $0x0  }
0x260: {  	[sflag:s17] =	ssyncadd.s32 $0xFFFF9C00  }
0x261: {  	[tilespmem:s9], [sflag:$0x2] =	stream.linear.gather [spmem:s4], $0x6400, $0x38;
	[tilespmem:$0x1B640] =	vst v63  }
0x262: {  	_ =	swait.ge [sflag:s14], $0x3200  }
0x263: {  	[sflag:s14] =	ssyncset.done $0x0  }
0x264: {  	[sflag:s14] =	ssyncadd.s32 $0xFFFFCE00  }
0x265: {  	_ =	swait.ge [sflag:s14], $0x3200  }
0x266: {  	s28 =	sld [smem:$0x7B7]  }
0x267: {  	[sflag:s14] =	ssyncset.done $0x0  }
0x268: {  	[sflag:s14] =	ssyncadd.s32 $0xFFFFCE00  }
0x269: {  	[hbm4b:s28+s2] =	stream.linear.scatter [tilespmem:s7], [sflag:$0xC], $0x6400, $0x38;
	[tilespmem:$0x1B640] =	vst v63  }
0x26a: {  	_ =	swait.ge [sflag:s24], $0x6400  }
0x26b: {  	s29 =	sld [smem:$0x7F4]  }
0x26c: {  	[sflag:s24] =	ssyncset.done $0x0  }
0x26d: {  	s0 =	sld [smem:$0x7F5];
	[sflag:s24] =	ssyncadd.s32 $0xFFFF9C00  }
0x26e: {  	[tilespmem:s9], [sflag:$0x6] =	stream.indirect.gather.add.f32 [hbm:s3], $0x80, s29, s6, $0xb8;
	[tilespmem:$0x1B640] =	vst v63  }
0x26f: {  	_ = 	snop  }
0x270: {  	[tilespmem:s25], [sflag:$0x6] =	stream.indirect.gather.add.f32 [hbm:s3], $0x80, s0, s6, $0xb8;
	[tilespmem:$0x1B640] =	vst v63  }
0x271: {  	_ =	swait.ge [sflag:s13], $0x6400  }
0x272: {  	[sflag:s13] =	ssyncset.done $0x0  }
0x273: {  	[sflag:s13] =	ssyncadd.s32 $0xFFFF9C00  }
0x274: {  	[tilespmem:s5], [sflag:$0x3] =	stream.linear.gather [spmem:s4], $0x6400, $0x38;
	[tilespmem:$0x1B640] =	vst v63  }
0x275: {  	_ =	swait.ge [sflag:s12], $0x3200  }
0x276: {  	[sflag:s12] =	ssyncset.done $0x0  }
0x277: {  	[sflag:s12] =	ssyncadd.s32 $0xFFFFCE00  }
0x278: {  	_ =	swait.ge [sflag:s12], $0x3200  }
0x279: {  	s28 =	sld [smem:$0x7B8]  }
0x27a: {  	[sflag:s12] =	ssyncset.done $0x0  }
0x27b: {  	[sflag:s12] =	ssyncadd.s32 $0xFFFFCE00  }
0x27c: {  	[hbm4b:s28+s2] =	stream.linear.scatter [tilespmem:s8], [sflag:$0xD], $0x6400, $0x38;
	[tilespmem:$0x1B640] =	vst v63  }
0x27d: {  	_ =	swait.ge [sflag:s22], $0x6400  }
0x27e: {  	s29 =	sld [smem:$0x7F6]  }
0x27f: {  	[sflag:s22] =	ssyncset.done $0x0  }
0x280: {  	s0 =	sld [smem:$0x7F7];
	[sflag:s22] =	ssyncadd.s32 $0xFFFF9C00  }
0x281: {  	[tilespmem:s5], [sflag:$0x7] =	stream.indirect.gather.add.f32 [hbm:s3], $0x80, s29, s6, $0xb8;
	[tilespmem:$0x1B640] =	vst v63  }
0x282: {  	_ = 	snop  }
0x283: {  	[tilespmem:s23], [sflag:$0x7] =	stream.indirect.gather.add.f32 [hbm:s3], $0x80, s0, s6, $0xb8;
	[tilespmem:$0x1B640] =	vst v63  }
0x284: {  	_ =	swait.ge [sflag:s11], $0x6400  }
0x285: {  	[sflag:s11] =	ssyncset.done $0x0  }
0x286: {  	[sflag:s11] =	ssyncadd.s32 $0xFFFF9C00  }
0x287: {  	[tilespmem:s7], [sflag:$0x4] =	stream.linear.gather [spmem:s4], $0x6400, $0x38;
	[tilespmem:$0x1B640] =	vst v63  }
0x288: {  	_ =	swait.ge [sflag:s21], $0x3200  }
0x289: {  	[sflag:s21] =	ssyncset.done $0x0  }
0x28a: {  	[sflag:s21] =	ssyncadd.s32 $0xFFFFCE00  }
0x28b: {  	_ =	swait.ge [sflag:s21], $0x3200  }
0x28c: {  	s28 =	sld [smem:$0x7B9]  }
0x28d: {  	[sflag:s21] =	ssyncset.done $0x0  }
0x28e: {  	[sflag:s21] =	ssyncadd.s32 $0xFFFFCE00  }
0x28f: {  	[hbm4b:s28+s2] =	stream.linear.scatter [tilespmem:s9], [sflag:$0xA], $0x6400, $0x38;
	[tilespmem:$0x1B640] =	vst v63  }
0x290: {  	_ =	swait.ge [sflag:s19], $0x6400  }
0x291: {  	s29 =	sld [smem:$0x7F8]  }
0x292: {  	[sflag:s19] =	ssyncset.done $0x0  }
0x293: {  	s0 =	sld [smem:$0x7F9];
	[sflag:s19] =	ssyncadd.s32 $0xFFFF9C00  }
0x294: {  	[tilespmem:s7], [sflag:$0x8] =	stream.indirect.gather.add.f32 [hbm:s3], $0x80, s29, s6, $0xb8;
	[tilespmem:$0x1B640] =	vst v63  }
0x295: {  	_ = 	snop  }
0x296: {  	[tilespmem:s20], [sflag:$0x8] =	stream.indirect.gather.add.f32 [hbm:s3], $0x80, s0, s6, $0xb8;
	[tilespmem:$0x1B640] =	vst v63  }
0x297: {  	_ =	swait.ge [sflag:s10], $0x6400  }
0x298: {  	[sflag:s10] =	ssyncset.done $0x0  }
0x299: {  	[sflag:s10] =	ssyncadd.s32 $0xFFFF9C00  }
0x29a: {  	[tilespmem:s8], [sflag:$0x5] =	stream.linear.gather [spmem:s4], $0x6400, $0x38;
	[tilespmem:$0x1B640] =	vst v63  }
0x29b: {  	_ =	swait.ge [sflag:s18], $0x3200  }
0x29c: {  	[sflag:s18] =	ssyncset.done $0x0  }
0x29d: {  	[sflag:s18] =	ssyncadd.s32 $0xFFFFCE00  }
0x29e: {  	_ =	swait.ge [sflag:s18], $0x3200  }
0x29f: {  	s28 =	sld [smem:$0x7BA]  }
0x2a0: {  	[sflag:s18] =	ssyncset.done $0x0  }
0x2a1: {  	[sflag:s18] =	ssyncadd.s32 $0xFFFFCE00  }
0x2a2: {  	[hbm4b:s28+s2] =	stream.linear.scatter [tilespmem:s5], [sflag:$0xB], $0x6400, $0x38;
	[tilespmem:$0x1B640] =	vst v63  }
0x2a3: {  	_ =	swait.ge [sflag:s15], $0x6400  }
0x2a4: {  	s29 =	sld [smem:$0x7FA]  }
0x2a5: {  	[sflag:s15] =	ssyncset.done $0x0  }
0x2a6: {  	s0 =	sld [smem:$0x7FB];
	[sflag:s15] =	ssyncadd.s32 $0xFFFF9C00  }
0x2a7: {  	[tilespmem:s8], [sflag:$0x9] =	stream.indirect.gather.add.f32 [hbm:s3], $0x80, s29, s6, $0xb8;
	[tilespmem:$0x1B640] =	vst v63  }
0x2a8: {  	_ = 	snop  }
0x2a9: {  	[tilespmem:s16], [sflag:$0x9] =	stream.indirect.gather.add.f32 [hbm:s3], $0x80, s0, s6, $0xb8;
	[tilespmem:$0x1B640] =	vst v63  }
0x2aa: {  	_ =	swait.ge [sflag:s17], $0x6400  }
0x2ab: {  	[sflag:s17] =	ssyncset.done $0x0  }
0x2ac: {  	[sflag:s17] =	ssyncadd.s32 $0xFFFF9C00  }
0x2ad: {  	_ =	swait.ge [sflag:s14], $0x3200  }
0x2ae: {  	[sflag:s14] =	ssyncset.done $0x0  }
0x2af: {  	[sflag:s14] =	ssyncadd.s32 $0xFFFFCE00  }
0x2b0: {  	_ =	swait.ge [sflag:s14], $0x3200  }
0x2b1: {  	s26 =	sld [smem:$0x7BB]  }
0x2b2: {  	[sflag:s14] =	ssyncset.done $0x0  }
0x2b3: {  	[sflag:s14] =	ssyncadd.s32 $0xFFFFCE00  }
0x2b4: {  	[hbm4b:s26+s2] =	stream.linear.scatter [tilespmem:s7], [sflag:$0xC], $0x6400, $0x38;
	[tilespmem:$0x1B640] =	vst v63  }
0x2b5: {  	_ =	swait.ge [sflag:s13], $0x6400  }
0x2b6: {  	[sflag:s13] =	ssyncset.done $0x0  }
0x2b7: {  	[sflag:s13] =	ssyncadd.s32 $0xFFFF9C00  }
0x2b8: {  	_ =	swait.ge [sflag:s12], $0x3200  }
0x2b9: {  	[sflag:s12] =	ssyncset.done $0x0  }
0x2ba: {  	[sflag:s12] =	ssyncadd.s32 $0xFFFFCE00  }
0x2bb: {  	_ =	swait.ge [sflag:s12], $0x3200  }
0x2bc: {  	s28 =	sld [smem:$0x7BC]  }
0x2bd: {  	[sflag:s12] =	ssyncset.done $0x0  }
0x2be: {  	[sflag:s12] =	ssyncadd.s32 $0xFFFFCE00  }
0x2bf: {  	[hbm4b:s28+s2] =	stream.linear.scatter [tilespmem:s8], [sflag:$0xD], $0x6400, $0x38;
	[tilespmem:$0x1B640] =	vst v63  }
0x2c0: {  	_ =	swait.ge [sflag:s11], $0x6400  }
0x2c1: {  	s29 =	sld [smem:$0x7B6];
	_ =	sdelay $0x2  }
0x2c2: {  	s1 =	sadd.s32 $0xFFFFFFFF, s29  }
0x2c3: {  	p3 =	sne.s32 s1, $0x0  }
.Ltmp1:
0x2c4: {  	_ = 	snop;
	(pc) =	sbr.rel @!p3 .LBB2_7-.Ltmp1, $4  }
0x2c5: {  	[sflag:s11] =	ssyncset.done $0x0  }
0x2c6: {  	[sflag:s11] =	ssyncadd.s32 $0xFFFF9C00  }
0x2c7: {  	_ =	swait.ge [sflag:s10], $0x6400  }
0x2c8: {  	p2 =	por $0x1, $0x1;
	s26 =	sld [smem:$0x7FC];
	[sflag:s10] =	ssyncset.done $0x0  }
0x2c9: {  	s28 =	simm.s32 $0x640  }
.LBB2_4:
0x2ca: {  	s29 =	rddreg [dreg:$0x5];
	[sflag:s10] =	ssyncadd.s32 $0xFFFF9C00;
	s0 =	smov.u32 s30  }
0x2cb: {  	[tilespmem:s28], [sflag:$0x1] =	stream.linear.gather [hbm4b:s29+s2], $0x2000, $0x38;
	[tilespmem:$0x1B640] =	vst v63  }
0x2cc: {  	s30 =	smov.u32 s31;
	s31 =	rddreg [dreg:$0x6];
	s29 =	simm.s32 @p0 $0x1C4E  }
0x2cd: {  	[spmem:s26], [sflag:s29] =	dma.local @p0 [hbm:s31], $0x680  }
0x2ce: {  	s31 =	smov.u32 s30;
	s30 =	smov.u32 s0;
	s0 =	simm.s32 @p0 $0xE  }
0x2cf: {  	_ =	swait.ge @p0 [sflag:s0], $0x680  }
0x2d0: {  	[sflag:s0] =	ssyncset.done @p0 $0x0  }
0x2d1: {  	[sflag:s0] =	ssyncadd.s32 @p0 $0xFFFFF980;
	s0 =	sld [smem:$0x7FD];
	_ =	sdelay $0x1  }
0x2d2: {  	s26 =	simm.s32 @!p1 $0x1C0E  }
0x2d3: {  	[spmem:s0], [sflag:s26] =	dma.local @!p1 [hbm:s30], $0x600  }
0x2d4: {  	s0 =	simm.s32 @!p1 $0xE  }
0x2d5: {  	_ =	swait.ge @!p1 [sflag:s0], $0x600  }
0x2d6: {  	[sflag:s0] =	ssyncset.done @!p1 $0x0  }
0x2d7: {  	[sflag:s0] =	ssyncadd.s32 @!p1 $0xFFFFFA00  }
0x2d8: {  	[bflag:$0x0] =	sbarrier.arrive $0xFFFF  }
0x2d9: {  	[tilespmem:s9], [sflag:$0x2] =	stream.linear.gather [spmem:s4], $0x6400, $0x38;
	[tilespmem:$0x1B640] =	vst v63  }
0x2da: {  	s26 =	simm.s32 $0x1  }
0x2db: {  	[tilespmem:s5], [sflag:$0x3] =	stream.linear.gather [spmem:s4], $0x6400, $0x38;
	[tilespmem:$0x1B640] =	vst v63  }
0x2dc: {  	_ =	swait.ge [sflag:s26], $0x2000  }
0x2dd: {  	[sflag:s26] =	ssyncset.done $0x0  }
0x2de: {  	[sflag:s26] =	ssyncadd.s32 $0xFFFFE000  }
0x2df: {  	_ =	swait.ge [sflag:s24], $0x6400  }
0x2e0: {  	[sflag:s24] =	ssyncset.done $0x0  }
0x2e1: {  	s29 =	sld [smem:$0x7BD];
	[sflag:s24] =	ssyncadd.s32 $0xFFFF9C00  }
0x2e2: {  	[tilespmem:s9], [sflag:$0x6] =	stream.indirect.gather.add.f32 [hbm:s3], $0x80, s28, s6, $0xb8;
	[tilespmem:$0x1B640] =	vst v63  }
0x2e3: {  	_ = 	snop  }
0x2e4: {  	[tilespmem:s25], [sflag:$0x6] =	stream.indirect.gather.add.f32 [hbm:s3], $0x80, s29, s6, $0xb8;
	[tilespmem:$0x1B640] =	vst v63  }
0x2e5: {  	_ =	swait.ge [sflag:s22], $0x6400  }
0x2e6: {  	s26 =	sld [smem:$0x7BE]  }
0x2e7: {  	[sflag:s22] =	ssyncset.done $0x0  }
0x2e8: {  	s0 =	sld [smem:$0x7BF];
	[sflag:s22] =	ssyncadd.s32 $0xFFFF9C00  }
0x2e9: {  	[tilespmem:s5], [sflag:$0x7] =	stream.indirect.gather.add.f32 [hbm:s3], $0x80, s26, s6, $0xb8;
	[tilespmem:$0x1B640] =	vst v63  }
0x2ea: {  	_ = 	snop  }
0x2eb: {  	[tilespmem:s23], [sflag:$0x7] =	stream.indirect.gather.add.f32 [hbm:s3], $0x80, s0, s6, $0xb8;
	[tilespmem:$0x1B640] =	vst v63  }
0x2ec: {  	_ = 	snop  }
0x2ed: {  	[tilespmem:s7], [sflag:$0x4] =	stream.linear.gather [spmem:s4], $0x6400, $0x38;
	[tilespmem:$0x1B640] =	vst v63  }
0x2ee: {  	_ =	swait.ge [sflag:s21], $0x3200  }
0x2ef: {  	[sflag:s21] =	ssyncset.done $0x0  }
0x2f0: {  	[sflag:s21] =	ssyncadd.s32 $0xFFFFCE00  }
0x2f1: {  	_ =	swait.ge [sflag:s21], $0x3200  }
0x2f2: {  	[sflag:s21] =	ssyncset.done $0x0  }
0x2f3: {  	[sflag:s21] =	ssyncadd.s32 $0xFFFFCE00  }
0x2f4: {  	[hbm4b:s31+s2] =	stream.linear.scatter [tilespmem:s9], [sflag:$0xA], $0x6400, $0x38;
	[tilespmem:$0x1B640] =	vst v63  }
0x2f5: {  	_ =	swait.ge [sflag:s19], $0x6400  }
0x2f6: {  	s26 =	sld [smem:$0x7C0]  }
0x2f7: {  	[sflag:s19] =	ssyncset.done $0x0  }
0x2f8: {  	s0 =	sld [smem:$0x7C1];
	[sflag:s19] =	ssyncadd.s32 $0xFFFF9C00  }
0x2f9: {  	[tilespmem:s7], [sflag:$0x8] =	stream.indirect.gather.add.f32 [hbm:s3], $0x80, s26, s6, $0xb8;
	[tilespmem:$0x1B640] =	vst v63  }
0x2fa: {  	_ = 	snop  }
0x2fb: {  	[tilespmem:s20], [sflag:$0x8] =	stream.indirect.gather.add.f32 [hbm:s3], $0x80, s0, s6, $0xb8;
	[tilespmem:$0x1B640] =	vst v63  }
0x2fc: {  	_ = 	snop  }
0x2fd: {  	[tilespmem:s8], [sflag:$0x5] =	stream.linear.gather [spmem:s4], $0x6400, $0x38;
	[tilespmem:$0x1B640] =	vst v63  }
0x2fe: {  	_ =	swait.ge [sflag:s18], $0x3200  }
0x2ff: {  	[sflag:s18] =	ssyncset.done $0x0  }
0x300: {  	[sflag:s18] =	ssyncadd.s32 $0xFFFFCE00  }
0x301: {  	_ =	swait.ge [sflag:s18], $0x3200  }
0x302: {  	[sflag:s18] =	ssyncset.done $0x0  }
0x303: {  	s29 =	rddreg [dreg:$0x7];
	[sflag:s18] =	ssyncadd.s32 $0xFFFFCE00  }
0x304: {  	[hbm4b:s29+s2] =	stream.linear.scatter [tilespmem:s5], [sflag:$0xB], $0x6400, $0x38;
	[tilespmem:$0x1B640] =	vst v63  }
0x305: {  	_ =	swait.ge [sflag:s15], $0x6400  }
0x306: {  	s26 =	sld [smem:$0x7C2]  }
0x307: {  	[sflag:s15] =	ssyncset.done $0x0  }
0x308: {  	s0 =	sld [smem:$0x7C3];
	[sflag:s15] =	ssyncadd.s32 $0xFFFF9C00  }
0x309: {  	[tilespmem:s8], [sflag:$0x9] =	stream.indirect.gather.add.f32 [hbm:s3], $0x80, s26, s6, $0xb8;
	[tilespmem:$0x1B640] =	vst v63  }
0x30a: {  	_ = 	snop  }
0x30b: {  	[tilespmem:s16], [sflag:$0x9] =	stream.indirect.gather.add.f32 [hbm:s3], $0x80, s0, s6, $0xb8;
	[tilespmem:$0x1B640] =	vst v63  }
0x30c: {  	_ =	swait.ge [sflag:s17], $0x6400  }
0x30d: {  	[sflag:s17] =	ssyncset.done $0x0  }
0x30e: {  	[sflag:s17] =	ssyncadd.s32 $0xFFFF9C00  }
0x30f: {  	[tilespmem:s9], [sflag:$0x2] =	stream.linear.gather [spmem:s4], $0x6400, $0x38;
	[tilespmem:$0x1B640] =	vst v63  }
0x310: {  	_ =	swait.ge [sflag:s14], $0x3200  }
0x311: {  	[sflag:s14] =	ssyncset.done $0x0  }
0x312: {  	[sflag:s14] =	ssyncadd.s32 $0xFFFFCE00  }
0x313: {  	_ =	swait.ge [sflag:s14], $0x3200  }
0x314: {  	[sflag:s14] =	ssyncset.done $0x0  }
0x315: {  	s29 =	rddreg [dreg:$0x8];
	[sflag:s14] =	ssyncadd.s32 $0xFFFFCE00  }
0x316: {  	[hbm4b:s29+s2] =	stream.linear.scatter [tilespmem:s7], [sflag:$0xC], $0x6400, $0x38;
	[tilespmem:$0x1B640] =	vst v63  }
0x317: {  	_ =	swait.ge [sflag:s24], $0x6400  }
0x318: {  	s26 =	sld [smem:$0x7C4]  }
0x319: {  	[sflag:s24] =	ssyncset.done $0x0  }
0x31a: {  	s0 =	sld [smem:$0x7C5];
	[sflag:s24] =	ssyncadd.s32 $0xFFFF9C00  }
0x31b: {  	[tilespmem:s9], [sflag:$0x6] =	stream.indirect.gather.add.f32 [hbm:s3], $0x80, s26, s6, $0xb8;
	[tilespmem:$0x1B640] =	vst v63  }
0x31c: {  	_ = 	snop  }
0x31d: {  	[tilespmem:s25], [sflag:$0x6] =	stream.indirect.gather.add.f32 [hbm:s3], $0x80, s0, s6, $0xb8;
	[tilespmem:$0x1B640] =	vst v63  }
0x31e: {  	_ =	swait.ge [sflag:s13], $0x6400  }
0x31f: {  	[sflag:s13] =	ssyncset.done $0x0  }
0x320: {  	[sflag:s13] =	ssyncadd.s32 $0xFFFF9C00  }
0x321: {  	[tilespmem:s5], [sflag:$0x3] =	stream.linear.gather [spmem:s4], $0x6400, $0x38;
	[tilespmem:$0x1B640] =	vst v63  }
0x322: {  	_ =	swait.ge [sflag:s12], $0x3200  }
0x323: {  	[sflag:s12] =	ssyncset.done $0x0  }
0x324: {  	[sflag:s12] =	ssyncadd.s32 $0xFFFFCE00  }
0x325: {  	_ =	swait.ge [sflag:s12], $0x3200  }
0x326: {  	[sflag:s12] =	ssyncset.done $0x0  }
0x327: {  	s29 =	rddreg [dreg:$0x9];
	[sflag:s12] =	ssyncadd.s32 $0xFFFFCE00  }
0x328: {  	[hbm4b:s29+s2] =	stream.linear.scatter [tilespmem:s8], [sflag:$0xD], $0x6400, $0x38;
	[tilespmem:$0x1B640] =	vst v63  }
0x329: {  	_ =	swait.ge [sflag:s22], $0x6400  }
0x32a: {  	s26 =	sld [smem:$0x7C6]  }
0x32b: {  	[sflag:s22] =	ssyncset.done $0x0  }
0x32c: {  	s0 =	sld [smem:$0x7C7];
	[sflag:s22] =	ssyncadd.s32 $0xFFFF9C00  }
0x32d: {  	[tilespmem:s5], [sflag:$0x7] =	stream.indirect.gather.add.f32 [hbm:s3], $0x80, s26, s6, $0xb8;
	[tilespmem:$0x1B640] =	vst v63  }
0x32e: {  	_ = 	snop  }
0x32f: {  	[tilespmem:s23], [sflag:$0x7] =	stream.indirect.gather.add.f32 [hbm:s3], $0x80, s0, s6, $0xb8;
	[tilespmem:$0x1B640] =	vst v63  }
0x330: {  	_ =	swait.ge [sflag:s11], $0x6400  }
0x331: {  	[sflag:s11] =	ssyncset.done $0x0  }
0x332: {  	[sflag:s11] =	ssyncadd.s32 $0xFFFF9C00  }
0x333: {  	[tilespmem:s7], [sflag:$0x4] =	stream.linear.gather [spmem:s4], $0x6400, $0x38;
	[tilespmem:$0x1B640] =	vst v63  }
0x334: {  	_ =	swait.ge [sflag:s21], $0x3200  }
0x335: {  	[sflag:s21] =	ssyncset.done $0x0  }
0x336: {  	[sflag:s21] =	ssyncadd.s32 $0xFFFFCE00  }
0x337: {  	_ =	swait.ge [sflag:s21], $0x3200  }
0x338: {  	[sflag:s21] =	ssyncset.done $0x0  }
0x339: {  	s29 =	rddreg [dreg:$0xa];
	[sflag:s21] =	ssyncadd.s32 $0xFFFFCE00  }
0x33a: {  	[hbm4b:s29+s2] =	stream.linear.scatter [tilespmem:s9], [sflag:$0xA], $0x6400, $0x38;
	[tilespmem:$0x1B640] =	vst v63  }
0x33b: {  	_ =	swait.ge [sflag:s19], $0x6400  }
0x33c: {  	s26 =	sld [smem:$0x7C8]  }
0x33d: {  	[sflag:s19] =	ssyncset.done $0x0  }
0x33e: {  	s0 =	sld [smem:$0x7C9];
	[sflag:s19] =	ssyncadd.s32 $0xFFFF9C00  }
0x33f: {  	[tilespmem:s7], [sflag:$0x8] =	stream.indirect.gather.add.f32 [hbm:s3], $0x80, s26, s6, $0xb8;
	[tilespmem:$0x1B640] =	vst v63  }
0x340: {  	_ = 	snop  }
0x341: {  	[tilespmem:s20], [sflag:$0x8] =	stream.indirect.gather.add.f32 [hbm:s3], $0x80, s0, s6, $0xb8;
	[tilespmem:$0x1B640] =	vst v63  }
0x342: {  	_ =	swait.ge [sflag:s10], $0x6400  }
0x343: {  	[sflag:s10] =	ssyncset.done $0x0  }
0x344: {  	[sflag:s10] =	ssyncadd.s32 $0xFFFF9C00  }
0x345: {  	[tilespmem:s8], [sflag:$0x5] =	stream.linear.gather [spmem:s4], $0x6400, $0x38;
	[tilespmem:$0x1B640] =	vst v63  }
0x346: {  	_ =	swait.ge [sflag:s18], $0x3200  }
0x347: {  	[sflag:s18] =	ssyncset.done $0x0  }
0x348: {  	[sflag:s18] =	ssyncadd.s32 $0xFFFFCE00  }
0x349: {  	_ =	swait.ge [sflag:s18], $0x3200  }
0x34a: {  	[sflag:s18] =	ssyncset.done $0x0  }
0x34b: {  	s29 =	rddreg [dreg:$0xb];
	[sflag:s18] =	ssyncadd.s32 $0xFFFFCE00  }
0x34c: {  	[hbm4b:s29+s2] =	stream.linear.scatter [tilespmem:s5], [sflag:$0xB], $0x6400, $0x38;
	[tilespmem:$0x1B640] =	vst v63  }
0x34d: {  	_ =	swait.ge [sflag:s15], $0x6400  }
0x34e: {  	s26 =	sld [smem:$0x7CA]  }
0x34f: {  	[sflag:s15] =	ssyncset.done $0x0  }
0x350: {  	s0 =	sld [smem:$0x7CB];
	[sflag:s15] =	ssyncadd.s32 $0xFFFF9C00  }
0x351: {  	[tilespmem:s8], [sflag:$0x9] =	stream.indirect.gather.add.f32 [hbm:s3], $0x80, s26, s6, $0xb8;
	[tilespmem:$0x1B640] =	vst v63  }
0x352: {  	_ = 	snop  }
0x353: {  	[tilespmem:s16], [sflag:$0x9] =	stream.indirect.gather.add.f32 [hbm:s3], $0x80, s0, s6, $0xb8;
	[tilespmem:$0x1B640] =	vst v63  }
0x354: {  	_ =	swait.ge [sflag:s17], $0x6400  }
0x355: {  	[sflag:s17] =	ssyncset.done $0x0  }
0x356: {  	[sflag:s17] =	ssyncadd.s32 $0xFFFF9C00  }
0x357: {  	[tilespmem:s9], [sflag:$0x2] =	stream.linear.gather [spmem:s4], $0x6400, $0x38;
	[tilespmem:$0x1B640] =	vst v63  }
0x358: {  	_ =	swait.ge [sflag:s14], $0x3200  }
0x359: {  	[sflag:s14] =	ssyncset.done $0x0  }
0x35a: {  	[sflag:s14] =	ssyncadd.s32 $0xFFFFCE00  }
0x35b: {  	_ =	swait.ge [sflag:s14], $0x3200  }
0x35c: {  	[sflag:s14] =	ssyncset.done $0x0  }
0x35d: {  	s29 =	rddreg [dreg:$0xc];
	[sflag:s14] =	ssyncadd.s32 $0xFFFFCE00  }
0x35e: {  	[hbm4b:s29+s2] =	stream.linear.scatter [tilespmem:s7], [sflag:$0xC], $0x6400, $0x38;
	[tilespmem:$0x1B640] =	vst v63  }
0x35f: {  	_ =	swait.ge [sflag:s24], $0x6400  }
0x360: {  	s26 =	sld [smem:$0x7CC]  }
0x361: {  	[sflag:s24] =	ssyncset.done $0x0  }
0x362: {  	s0 =	sld [smem:$0x7CD];
	[sflag:s24] =	ssyncadd.s32 $0xFFFF9C00  }
0x363: {  	[tilespmem:s9], [sflag:$0x6] =	stream.indirect.gather.add.f32 [hbm:s3], $0x80, s26, s6, $0xb8;
	[tilespmem:$0x1B640] =	vst v63  }
0x364: {  	_ = 	snop  }
0x365: {  	[tilespmem:s25], [sflag:$0x6] =	stream.indirect.gather.add.f32 [hbm:s3], $0x80, s0, s6, $0xb8;
	[tilespmem:$0x1B640] =	vst v63  }
0x366: {  	_ =	swait.ge [sflag:s13], $0x6400  }
0x367: {  	[sflag:s13] =	ssyncset.done $0x0  }
0x368: {  	[sflag:s13] =	ssyncadd.s32 $0xFFFF9C00  }
0x369: {  	[tilespmem:s5], [sflag:$0x3] =	stream.linear.gather [spmem:s4], $0x6400, $0x38;
	[tilespmem:$0x1B640] =	vst v63  }
0x36a: {  	_ =	swait.ge [sflag:s12], $0x3200  }
0x36b: {  	[sflag:s12] =	ssyncset.done $0x0  }
0x36c: {  	[sflag:s12] =	ssyncadd.s32 $0xFFFFCE00  }
0x36d: {  	_ =	swait.ge [sflag:s12], $0x3200  }
0x36e: {  	[sflag:s12] =	ssyncset.done $0x0  }
0x36f: {  	s29 =	rddreg [dreg:$0xd];
	[sflag:s12] =	ssyncadd.s32 $0xFFFFCE00  }
0x370: {  	[hbm4b:s29+s2] =	stream.linear.scatter [tilespmem:s8], [sflag:$0xD], $0x6400, $0x38;
	[tilespmem:$0x1B640] =	vst v63  }
0x371: {  	_ =	swait.ge [sflag:s22], $0x6400  }
0x372: {  	s26 =	sld [smem:$0x7CE]  }
0x373: {  	[sflag:s22] =	ssyncset.done $0x0  }
0x374: {  	s0 =	sld [smem:$0x7CF];
	[sflag:s22] =	ssyncadd.s32 $0xFFFF9C00  }
0x375: {  	[tilespmem:s5], [sflag:$0x7] =	stream.indirect.gather.add.f32 [hbm:s3], $0x80, s26, s6, $0xb8;
	[tilespmem:$0x1B640] =	vst v63  }
0x376: {  	_ = 	snop  }
0x377: {  	[tilespmem:s23], [sflag:$0x7] =	stream.indirect.gather.add.f32 [hbm:s3], $0x80, s0, s6, $0xb8;
	[tilespmem:$0x1B640] =	vst v63  }
0x378: {  	_ =	swait.ge [sflag:s11], $0x6400  }
0x379: {  	[sflag:s11] =	ssyncset.done $0x0  }
0x37a: {  	[sflag:s11] =	ssyncadd.s32 $0xFFFF9C00  }
0x37b: {  	[tilespmem:s7], [sflag:$0x4] =	stream.linear.gather [spmem:s4], $0x6400, $0x38;
	[tilespmem:$0x1B640] =	vst v63  }
0x37c: {  	_ =	swait.ge [sflag:s21], $0x3200  }
0x37d: {  	[sflag:s21] =	ssyncset.done $0x0  }
0x37e: {  	[sflag:s21] =	ssyncadd.s32 $0xFFFFCE00  }
0x37f: {  	_ =	swait.ge [sflag:s21], $0x3200  }
0x380: {  	[sflag:s21] =	ssyncset.done $0x0  }
0x381: {  	s29 =	rddreg [dreg:$0xe];
	[sflag:s21] =	ssyncadd.s32 $0xFFFFCE00  }
0x382: {  	[hbm4b:s29+s2] =	stream.linear.scatter [tilespmem:s9], [sflag:$0xA], $0x6400, $0x38;
	[tilespmem:$0x1B640] =	vst v63  }
0x383: {  	_ =	swait.ge [sflag:s19], $0x6400  }
0x384: {  	s26 =	sld [smem:$0x7D0]  }
0x385: {  	[sflag:s19] =	ssyncset.done $0x0  }
0x386: {  	s0 =	sld [smem:$0x7D1];
	[sflag:s19] =	ssyncadd.s32 $0xFFFF9C00  }
0x387: {  	[tilespmem:s7], [sflag:$0x8] =	stream.indirect.gather.add.f32 [hbm:s3], $0x80, s26, s6, $0xb8;
	[tilespmem:$0x1B640] =	vst v63  }
0x388: {  	_ = 	snop  }
0x389: {  	[tilespmem:s20], [sflag:$0x8] =	stream.indirect.gather.add.f32 [hbm:s3], $0x80, s0, s6, $0xb8;
	[tilespmem:$0x1B640] =	vst v63  }
0x38a: {  	_ =	swait.ge [sflag:s10], $0x6400  }
0x38b: {  	[sflag:s10] =	ssyncset.done $0x0  }
0x38c: {  	[sflag:s10] =	ssyncadd.s32 $0xFFFF9C00  }
0x38d: {  	[tilespmem:s8], [sflag:$0x5] =	stream.linear.gather [spmem:s4], $0x6400, $0x38;
	[tilespmem:$0x1B640] =	vst v63  }
0x38e: {  	_ =	swait.ge [sflag:s18], $0x3200  }
0x38f: {  	[sflag:s18] =	ssyncset.done $0x0  }
0x390: {  	[sflag:s18] =	ssyncadd.s32 $0xFFFFCE00  }
0x391: {  	_ =	swait.ge [sflag:s18], $0x3200  }
0x392: {  	[sflag:s18] =	ssyncset.done $0x0  }
0x393: {  	s29 =	rddreg [dreg:$0xf];
	[sflag:s18] =	ssyncadd.s32 $0xFFFFCE00  }
0x394: {  	[hbm4b:s29+s2] =	stream.linear.scatter [tilespmem:s5], [sflag:$0xB], $0x6400, $0x38;
	[tilespmem:$0x1B640] =	vst v63  }
0x395: {  	_ =	swait.ge [sflag:s15], $0x6400  }
0x396: {  	s26 =	sld [smem:$0x7D2]  }
0x397: {  	[sflag:s15] =	ssyncset.done $0x0  }
0x398: {  	s0 =	sld [smem:$0x7D3];
	[sflag:s15] =	ssyncadd.s32 $0xFFFF9C00  }
0x399: {  	[tilespmem:s8], [sflag:$0x9] =	stream.indirect.gather.add.f32 [hbm:s3], $0x80, s26, s6, $0xb8;
	[tilespmem:$0x1B640] =	vst v63  }
0x39a: {  	_ = 	snop  }
0x39b: {  	[tilespmem:s16], [sflag:$0x9] =	stream.indirect.gather.add.f32 [hbm:s3], $0x80, s0, s6, $0xb8;
	[tilespmem:$0x1B640] =	vst v63  }
0x39c: {  	_ =	swait.ge [sflag:s17], $0x6400  }
0x39d: {  	[sflag:s17] =	ssyncset.done $0x0  }
0x39e: {  	[sflag:s17] =	ssyncadd.s32 $0xFFFF9C00  }
0x39f: {  	[tilespmem:s9], [sflag:$0x2] =	stream.linear.gather [spmem:s4], $0x6400, $0x38;
	[tilespmem:$0x1B640] =	vst v63  }
0x3a0: {  	_ =	swait.ge [sflag:s14], $0x3200  }
0x3a1: {  	[sflag:s14] =	ssyncset.done $0x0  }
0x3a2: {  	[sflag:s14] =	ssyncadd.s32 $0xFFFFCE00  }
0x3a3: {  	_ =	swait.ge [sflag:s14], $0x3200  }
0x3a4: {  	[sflag:s14] =	ssyncset.done $0x0  }
0x3a5: {  	s29 =	rddreg [dreg:$0x10];
	[sflag:s14] =	ssyncadd.s32 $0xFFFFCE00  }
0x3a6: {  	[hbm4b:s29+s2] =	stream.linear.scatter [tilespmem:s7], [sflag:$0xC], $0x6400, $0x38;
	[tilespmem:$0x1B640] =	vst v63  }
0x3a7: {  	_ =	swait.ge [sflag:s24], $0x6400  }
0x3a8: {  	s26 =	sld [smem:$0x7D4]  }
0x3a9: {  	[sflag:s24] =	ssyncset.done $0x0  }
0x3aa: {  	s0 =	sld [smem:$0x7D5];
	[sflag:s24] =	ssyncadd.s32 $0xFFFF9C00  }
0x3ab: {  	[tilespmem:s9], [sflag:$0x6] =	stream.indirect.gather.add.f32 [hbm:s3], $0x80, s26, s6, $0xb8;
	[tilespmem:$0x1B640] =	vst v63  }
0x3ac: {  	_ = 	snop  }
0x3ad: {  	[tilespmem:s25], [sflag:$0x6] =	stream.indirect.gather.add.f32 [hbm:s3], $0x80, s0, s6, $0xb8;
	[tilespmem:$0x1B640] =	vst v63  }
0x3ae: {  	_ =	swait.ge [sflag:s13], $0x6400  }
0x3af: {  	[sflag:s13] =	ssyncset.done $0x0  }
0x3b0: {  	[sflag:s13] =	ssyncadd.s32 $0xFFFF9C00  }
0x3b1: {  	[tilespmem:s5], [sflag:$0x3] =	stream.linear.gather [spmem:s4], $0x6400, $0x38;
	[tilespmem:$0x1B640] =	vst v63  }
0x3b2: {  	_ =	swait.ge [sflag:s12], $0x3200  }
0x3b3: {  	[sflag:s12] =	ssyncset.done $0x0  }
0x3b4: {  	[sflag:s12] =	ssyncadd.s32 $0xFFFFCE00  }
0x3b5: {  	_ =	swait.ge [sflag:s12], $0x3200  }
0x3b6: {  	[sflag:s12] =	ssyncset.done $0x0  }
0x3b7: {  	s29 =	rddreg [dreg:$0x11];
	[sflag:s12] =	ssyncadd.s32 $0xFFFFCE00  }
0x3b8: {  	[hbm4b:s29+s2] =	stream.linear.scatter [tilespmem:s8], [sflag:$0xD], $0x6400, $0x38;
	[tilespmem:$0x1B640] =	vst v63  }
0x3b9: {  	_ =	swait.ge [sflag:s22], $0x6400  }
0x3ba: {  	s26 =	sld [smem:$0x7D6]  }
0x3bb: {  	[sflag:s22] =	ssyncset.done $0x0  }
0x3bc: {  	s0 =	sld [smem:$0x7D7];
	[sflag:s22] =	ssyncadd.s32 $0xFFFF9C00  }
0x3bd: {  	[tilespmem:s5], [sflag:$0x7] =	stream.indirect.gather.add.f32 [hbm:s3], $0x80, s26, s6, $0xb8;
	[tilespmem:$0x1B640] =	vst v63  }
0x3be: {  	_ = 	snop  }
0x3bf: {  	[tilespmem:s23], [sflag:$0x7] =	stream.indirect.gather.add.f32 [hbm:s3], $0x80, s0, s6, $0xb8;
	[tilespmem:$0x1B640] =	vst v63  }
0x3c0: {  	_ =	swait.ge [sflag:s11], $0x6400  }
0x3c1: {  	[sflag:s11] =	ssyncset.done $0x0  }
0x3c2: {  	[sflag:s11] =	ssyncadd.s32 $0xFFFF9C00  }
0x3c3: {  	[tilespmem:s7], [sflag:$0x4] =	stream.linear.gather [spmem:s4], $0x6400, $0x38;
	[tilespmem:$0x1B640] =	vst v63  }
0x3c4: {  	_ =	swait.ge [sflag:s21], $0x3200  }
0x3c5: {  	[sflag:s21] =	ssyncset.done $0x0  }
0x3c6: {  	[sflag:s21] =	ssyncadd.s32 $0xFFFFCE00  }
0x3c7: {  	_ =	swait.ge [sflag:s21], $0x3200  }
0x3c8: {  	[sflag:s21] =	ssyncset.done $0x0  }
0x3c9: {  	s29 =	rddreg [dreg:$0x12];
	[sflag:s21] =	ssyncadd.s32 $0xFFFFCE00  }
0x3ca: {  	[hbm4b:s29+s2] =	stream.linear.scatter [tilespmem:s9], [sflag:$0xA], $0x6400, $0x38;
	[tilespmem:$0x1B640] =	vst v63  }
0x3cb: {  	_ =	swait.ge [sflag:s19], $0x6400  }
0x3cc: {  	s26 =	sld [smem:$0x7D8]  }
0x3cd: {  	[sflag:s19] =	ssyncset.done $0x0  }
0x3ce: {  	s0 =	sld [smem:$0x7D9];
	[sflag:s19] =	ssyncadd.s32 $0xFFFF9C00  }
0x3cf: {  	[tilespmem:s7], [sflag:$0x8] =	stream.indirect.gather.add.f32 [hbm:s3], $0x80, s26, s6, $0xb8;
	[tilespmem:$0x1B640] =	vst v63  }
0x3d0: {  	_ = 	snop  }
0x3d1: {  	[tilespmem:s20], [sflag:$0x8] =	stream.indirect.gather.add.f32 [hbm:s3], $0x80, s0, s6, $0xb8;
	[tilespmem:$0x1B640] =	vst v63  }
0x3d2: {  	_ =	swait.ge [sflag:s10], $0x6400  }
0x3d3: {  	[sflag:s10] =	ssyncset.done $0x0  }
0x3d4: {  	[sflag:s10] =	ssyncadd.s32 $0xFFFF9C00  }
0x3d5: {  	[tilespmem:s8], [sflag:$0x5] =	stream.linear.gather [spmem:s4], $0x6400, $0x38;
	[tilespmem:$0x1B640] =	vst v63  }
0x3d6: {  	_ =	swait.ge [sflag:s18], $0x3200  }
0x3d7: {  	[sflag:s18] =	ssyncset.done $0x0  }
0x3d8: {  	[sflag:s18] =	ssyncadd.s32 $0xFFFFCE00  }
0x3d9: {  	_ =	swait.ge [sflag:s18], $0x3200  }
0x3da: {  	[sflag:s18] =	ssyncset.done $0x0  }
0x3db: {  	s29 =	rddreg [dreg:$0x13];
	[sflag:s18] =	ssyncadd.s32 $0xFFFFCE00  }
0x3dc: {  	[hbm4b:s29+s2] =	stream.linear.scatter [tilespmem:s5], [sflag:$0xB], $0x6400, $0x38;
	[tilespmem:$0x1B640] =	vst v63  }
0x3dd: {  	_ =	swait.ge [sflag:s15], $0x6400  }
0x3de: {  	s26 =	sld [smem:$0x7DA]  }
0x3df: {  	[sflag:s15] =	ssyncset.done $0x0  }
0x3e0: {  	s0 =	sld [smem:$0x7DB];
	[sflag:s15] =	ssyncadd.s32 $0xFFFF9C00  }
0x3e1: {  	[tilespmem:s8], [sflag:$0x9] =	stream.indirect.gather.add.f32 [hbm:s3], $0x80, s26, s6, $0xb8;
	[tilespmem:$0x1B640] =	vst v63  }
0x3e2: {  	_ = 	snop  }
0x3e3: {  	[tilespmem:s16], [sflag:$0x9] =	stream.indirect.gather.add.f32 [hbm:s3], $0x80, s0, s6, $0xb8;
	[tilespmem:$0x1B640] =	vst v63  }
0x3e4: {  	_ =	swait.ge [sflag:s17], $0x6400  }
0x3e5: {  	[sflag:s17] =	ssyncset.done $0x0  }
0x3e6: {  	[sflag:s17] =	ssyncadd.s32 $0xFFFF9C00  }
0x3e7: {  	[tilespmem:s9], [sflag:$0x2] =	stream.linear.gather [spmem:s4], $0x6400, $0x38;
	[tilespmem:$0x1B640] =	vst v63  }
0x3e8: {  	_ =	swait.ge [sflag:s14], $0x3200  }
0x3e9: {  	[sflag:s14] =	ssyncset.done $0x0  }
0x3ea: {  	[sflag:s14] =	ssyncadd.s32 $0xFFFFCE00  }
0x3eb: {  	_ =	swait.ge [sflag:s14], $0x3200  }
0x3ec: {  	[sflag:s14] =	ssyncset.done $0x0  }
0x3ed: {  	s29 =	rddreg [dreg:$0x14];
	[sflag:s14] =	ssyncadd.s32 $0xFFFFCE00  }
0x3ee: {  	[hbm4b:s29+s2] =	stream.linear.scatter [tilespmem:s7], [sflag:$0xC], $0x6400, $0x38;
	[tilespmem:$0x1B640] =	vst v63  }
0x3ef: {  	_ =	swait.ge [sflag:s24], $0x6400  }
0x3f0: {  	s26 =	sld [smem:$0x7DC]  }
0x3f1: {  	[sflag:s24] =	ssyncset.done $0x0  }
0x3f2: {  	s0 =	sld [smem:$0x7DD];
	[sflag:s24] =	ssyncadd.s32 $0xFFFF9C00  }
0x3f3: {  	[tilespmem:s9], [sflag:$0x6] =	stream.indirect.gather.add.f32 [hbm:s3], $0x80, s26, s6, $0xb8;
	[tilespmem:$0x1B640] =	vst v63  }
0x3f4: {  	_ = 	snop  }
0x3f5: {  	[tilespmem:s25], [sflag:$0x6] =	stream.indirect.gather.add.f32 [hbm:s3], $0x80, s0, s6, $0xb8;
	[tilespmem:$0x1B640] =	vst v63  }
0x3f6: {  	_ =	swait.ge [sflag:s13], $0x6400  }
0x3f7: {  	[sflag:s13] =	ssyncset.done $0x0  }
0x3f8: {  	[sflag:s13] =	ssyncadd.s32 $0xFFFF9C00  }
0x3f9: {  	[tilespmem:s5], [sflag:$0x3] =	stream.linear.gather [spmem:s4], $0x6400, $0x38;
	[tilespmem:$0x1B640] =	vst v63  }
0x3fa: {  	_ =	swait.ge [sflag:s12], $0x3200  }
0x3fb: {  	[sflag:s12] =	ssyncset.done $0x0  }
0x3fc: {  	[sflag:s12] =	ssyncadd.s32 $0xFFFFCE00  }
0x3fd: {  	_ =	swait.ge [sflag:s12], $0x3200  }
0x3fe: {  	[sflag:s12] =	ssyncset.done $0x0  }
0x3ff: {  	s29 =	rddreg [dreg:$0x15];
	[sflag:s12] =	ssyncadd.s32 $0xFFFFCE00  }
0x400: {  	[hbm4b:s29+s2] =	stream.linear.scatter [tilespmem:s8], [sflag:$0xD], $0x6400, $0x38;
	[tilespmem:$0x1B640] =	vst v63  }
0x401: {  	_ =	swait.ge [sflag:s22], $0x6400  }
0x402: {  	s26 =	sld [smem:$0x7DE]  }
0x403: {  	[sflag:s22] =	ssyncset.done $0x0  }
0x404: {  	s0 =	sld [smem:$0x7DF];
	[sflag:s22] =	ssyncadd.s32 $0xFFFF9C00  }
0x405: {  	[tilespmem:s5], [sflag:$0x7] =	stream.indirect.gather.add.f32 [hbm:s3], $0x80, s26, s6, $0xb8;
	[tilespmem:$0x1B640] =	vst v63  }
0x406: {  	_ = 	snop  }
0x407: {  	[tilespmem:s23], [sflag:$0x7] =	stream.indirect.gather.add.f32 [hbm:s3], $0x80, s0, s6, $0xb8;
	[tilespmem:$0x1B640] =	vst v63  }
0x408: {  	_ =	swait.ge [sflag:s11], $0x6400  }
0x409: {  	[sflag:s11] =	ssyncset.done $0x0  }
0x40a: {  	[sflag:s11] =	ssyncadd.s32 $0xFFFF9C00  }
0x40b: {  	[tilespmem:s7], [sflag:$0x4] =	stream.linear.gather [spmem:s4], $0x6400, $0x38;
	[tilespmem:$0x1B640] =	vst v63  }
0x40c: {  	_ =	swait.ge [sflag:s21], $0x3200  }
0x40d: {  	[sflag:s21] =	ssyncset.done $0x0  }
0x40e: {  	[sflag:s21] =	ssyncadd.s32 $0xFFFFCE00  }
0x40f: {  	_ =	swait.ge [sflag:s21], $0x3200  }
0x410: {  	[sflag:s21] =	ssyncset.done $0x0  }
0x411: {  	s29 =	rddreg [dreg:$0x16];
	[sflag:s21] =	ssyncadd.s32 $0xFFFFCE00  }
0x412: {  	[hbm4b:s29+s2] =	stream.linear.scatter [tilespmem:s9], [sflag:$0xA], $0x6400, $0x38;
	[tilespmem:$0x1B640] =	vst v63  }
0x413: {  	_ =	swait.ge [sflag:s19], $0x6400  }
0x414: {  	s26 =	sld [smem:$0x7E0]  }
0x415: {  	[sflag:s19] =	ssyncset.done $0x0  }
0x416: {  	s0 =	sld [smem:$0x7E1];
	[sflag:s19] =	ssyncadd.s32 $0xFFFF9C00  }
0x417: {  	[tilespmem:s7], [sflag:$0x8] =	stream.indirect.gather.add.f32 [hbm:s3], $0x80, s26, s6, $0xb8;
	[tilespmem:$0x1B640] =	vst v63  }
0x418: {  	_ = 	snop  }
0x419: {  	[tilespmem:s20], [sflag:$0x8] =	stream.indirect.gather.add.f32 [hbm:s3], $0x80, s0, s6, $0xb8;
	[tilespmem:$0x1B640] =	vst v63  }
0x41a: {  	_ =	swait.ge [sflag:s10], $0x6400  }
0x41b: {  	[sflag:s10] =	ssyncset.done $0x0  }
0x41c: {  	[sflag:s10] =	ssyncadd.s32 $0xFFFF9C00  }
0x41d: {  	[tilespmem:s8], [sflag:$0x5] =	stream.linear.gather [spmem:s4], $0x6400, $0x38;
	[tilespmem:$0x1B640] =	vst v63  }
0x41e: {  	_ =	swait.ge [sflag:s18], $0x3200  }
0x41f: {  	[sflag:s18] =	ssyncset.done $0x0  }
0x420: {  	[sflag:s18] =	ssyncadd.s32 $0xFFFFCE00  }
0x421: {  	_ =	swait.ge [sflag:s18], $0x3200  }
0x422: {  	[sflag:s18] =	ssyncset.done $0x0  }
0x423: {  	s29 =	rddreg [dreg:$0x17];
	[sflag:s18] =	ssyncadd.s32 $0xFFFFCE00  }
0x424: {  	[hbm4b:s29+s2] =	stream.linear.scatter [tilespmem:s5], [sflag:$0xB], $0x6400, $0x38;
	[tilespmem:$0x1B640] =	vst v63  }
0x425: {  	_ =	swait.ge [sflag:s15], $0x6400  }
0x426: {  	s26 =	sld [smem:$0x7E2]  }
0x427: {  	[sflag:s15] =	ssyncset.done $0x0  }
0x428: {  	s0 =	sld [smem:$0x7E3];
	[sflag:s15] =	ssyncadd.s32 $0xFFFF9C00  }
0x429: {  	[tilespmem:s8], [sflag:$0x9] =	stream.indirect.gather.add.f32 [hbm:s3], $0x80, s26, s6, $0xb8;
	[tilespmem:$0x1B640] =	vst v63  }
0x42a: {  	_ = 	snop  }
0x42b: {  	[tilespmem:s16], [sflag:$0x9] =	stream.indirect.gather.add.f32 [hbm:s3], $0x80, s0, s6, $0xb8;
	[tilespmem:$0x1B640] =	vst v63  }
0x42c: {  	_ =	swait.ge [sflag:s17], $0x6400  }
0x42d: {  	[sflag:s17] =	ssyncset.done $0x0  }
0x42e: {  	[sflag:s17] =	ssyncadd.s32 $0xFFFF9C00  }
0x42f: {  	[tilespmem:s9], [sflag:$0x2] =	stream.linear.gather [spmem:s4], $0x6400, $0x38;
	[tilespmem:$0x1B640] =	vst v63  }
0x430: {  	_ =	swait.ge [sflag:s14], $0x3200  }
0x431: {  	[sflag:s14] =	ssyncset.done $0x0  }
0x432: {  	[sflag:s14] =	ssyncadd.s32 $0xFFFFCE00  }
0x433: {  	_ =	swait.ge [sflag:s14], $0x3200  }
0x434: {  	[sflag:s14] =	ssyncset.done $0x0  }
0x435: {  	s29 =	rddreg [dreg:$0x18];
	[sflag:s14] =	ssyncadd.s32 $0xFFFFCE00  }
0x436: {  	[hbm4b:s29+s2] =	stream.linear.scatter [tilespmem:s7], [sflag:$0xC], $0x6400, $0x38;
	[tilespmem:$0x1B640] =	vst v63  }
0x437: {  	_ =	swait.ge [sflag:s24], $0x6400  }
0x438: {  	s26 =	sld [smem:$0x7E4]  }
0x439: {  	[sflag:s24] =	ssyncset.done $0x0  }
0x43a: {  	s0 =	sld [smem:$0x7E5];
	[sflag:s24] =	ssyncadd.s32 $0xFFFF9C00  }
0x43b: {  	[tilespmem:s9], [sflag:$0x6] =	stream.indirect.gather.add.f32 [hbm:s3], $0x80, s26, s6, $0xb8;
	[tilespmem:$0x1B640] =	vst v63  }
0x43c: {  	_ = 	snop  }
0x43d: {  	[tilespmem:s25], [sflag:$0x6] =	stream.indirect.gather.add.f32 [hbm:s3], $0x80, s0, s6, $0xb8;
	[tilespmem:$0x1B640] =	vst v63  }
0x43e: {  	_ =	swait.ge [sflag:s13], $0x6400  }
0x43f: {  	[sflag:s13] =	ssyncset.done $0x0  }
0x440: {  	[sflag:s13] =	ssyncadd.s32 $0xFFFF9C00  }
0x441: {  	[tilespmem:s5], [sflag:$0x3] =	stream.linear.gather [spmem:s4], $0x6400, $0x38;
	[tilespmem:$0x1B640] =	vst v63  }
0x442: {  	_ =	swait.ge [sflag:s12], $0x3200  }
0x443: {  	[sflag:s12] =	ssyncset.done $0x0  }
0x444: {  	[sflag:s12] =	ssyncadd.s32 $0xFFFFCE00  }
0x445: {  	_ =	swait.ge [sflag:s12], $0x3200  }
0x446: {  	[sflag:s12] =	ssyncset.done $0x0  }
0x447: {  	s29 =	rddreg [dreg:$0x19];
	[sflag:s12] =	ssyncadd.s32 $0xFFFFCE00  }
0x448: {  	[hbm4b:s29+s2] =	stream.linear.scatter [tilespmem:s8], [sflag:$0xD], $0x6400, $0x38;
	[tilespmem:$0x1B640] =	vst v63  }
0x449: {  	_ =	swait.ge [sflag:s22], $0x6400  }
0x44a: {  	s26 =	sld [smem:$0x7E6]  }
0x44b: {  	[sflag:s22] =	ssyncset.done $0x0  }
0x44c: {  	s0 =	sld [smem:$0x7E7];
	[sflag:s22] =	ssyncadd.s32 $0xFFFF9C00  }
0x44d: {  	[tilespmem:s5], [sflag:$0x7] =	stream.indirect.gather.add.f32 [hbm:s3], $0x80, s26, s6, $0xb8;
	[tilespmem:$0x1B640] =	vst v63  }
0x44e: {  	_ = 	snop  }
0x44f: {  	[tilespmem:s23], [sflag:$0x7] =	stream.indirect.gather.add.f32 [hbm:s3], $0x80, s0, s6, $0xb8;
	[tilespmem:$0x1B640] =	vst v63  }
0x450: {  	_ =	swait.ge [sflag:s11], $0x6400  }
0x451: {  	[sflag:s11] =	ssyncset.done $0x0  }
0x452: {  	[sflag:s11] =	ssyncadd.s32 $0xFFFF9C00  }
0x453: {  	[tilespmem:s7], [sflag:$0x4] =	stream.linear.gather [spmem:s4], $0x6400, $0x38;
	[tilespmem:$0x1B640] =	vst v63  }
0x454: {  	_ =	swait.ge [sflag:s21], $0x3200  }
0x455: {  	[sflag:s21] =	ssyncset.done $0x0  }
0x456: {  	[sflag:s21] =	ssyncadd.s32 $0xFFFFCE00  }
0x457: {  	_ =	swait.ge [sflag:s21], $0x3200  }
0x458: {  	[sflag:s21] =	ssyncset.done $0x0  }
0x459: {  	s29 =	rddreg [dreg:$0x1a];
	[sflag:s21] =	ssyncadd.s32 $0xFFFFCE00  }
0x45a: {  	[hbm4b:s29+s2] =	stream.linear.scatter [tilespmem:s9], [sflag:$0xA], $0x6400, $0x38;
	[tilespmem:$0x1B640] =	vst v63  }
0x45b: {  	_ =	swait.ge [sflag:s19], $0x6400  }
0x45c: {  	s26 =	sld [smem:$0x7E8]  }
0x45d: {  	[sflag:s19] =	ssyncset.done $0x0  }
0x45e: {  	s0 =	sld [smem:$0x7E9];
	[sflag:s19] =	ssyncadd.s32 $0xFFFF9C00  }
0x45f: {  	[tilespmem:s7], [sflag:$0x8] =	stream.indirect.gather.add.f32 [hbm:s3], $0x80, s26, s6, $0xb8;
	[tilespmem:$0x1B640] =	vst v63  }
0x460: {  	_ = 	snop  }
0x461: {  	[tilespmem:s20], [sflag:$0x8] =	stream.indirect.gather.add.f32 [hbm:s3], $0x80, s0, s6, $0xb8;
	[tilespmem:$0x1B640] =	vst v63  }
0x462: {  	_ =	swait.ge [sflag:s10], $0x6400  }
0x463: {  	[sflag:s10] =	ssyncset.done $0x0  }
0x464: {  	[sflag:s10] =	ssyncadd.s32 $0xFFFF9C00  }
0x465: {  	[tilespmem:s8], [sflag:$0x5] =	stream.linear.gather [spmem:s4], $0x6400, $0x38;
	[tilespmem:$0x1B640] =	vst v63  }
0x466: {  	_ =	swait.ge [sflag:s18], $0x3200  }
0x467: {  	[sflag:s18] =	ssyncset.done $0x0  }
0x468: {  	[sflag:s18] =	ssyncadd.s32 $0xFFFFCE00  }
0x469: {  	_ =	swait.ge [sflag:s18], $0x3200  }
0x46a: {  	[sflag:s18] =	ssyncset.done $0x0  }
0x46b: {  	s29 =	rddreg [dreg:$0x1b];
	[sflag:s18] =	ssyncadd.s32 $0xFFFFCE00  }
0x46c: {  	[hbm4b:s29+s2] =	stream.linear.scatter [tilespmem:s5], [sflag:$0xB], $0x6400, $0x38;
	[tilespmem:$0x1B640] =	vst v63  }
0x46d: {  	_ =	swait.ge [sflag:s15], $0x6400  }
0x46e: {  	s26 =	sld [smem:$0x7EA]  }
0x46f: {  	[sflag:s15] =	ssyncset.done $0x0  }
0x470: {  	s0 =	sld [smem:$0x7EB];
	[sflag:s15] =	ssyncadd.s32 $0xFFFF9C00  }
0x471: {  	[tilespmem:s8], [sflag:$0x9] =	stream.indirect.gather.add.f32 [hbm:s3], $0x80, s26, s6, $0xb8;
	[tilespmem:$0x1B640] =	vst v63  }
0x472: {  	_ = 	snop  }
0x473: {  	[tilespmem:s16], [sflag:$0x9] =	stream.indirect.gather.add.f32 [hbm:s3], $0x80, s0, s6, $0xb8;
	[tilespmem:$0x1B640] =	vst v63  }
0x474: {  	_ =	swait.ge [sflag:s17], $0x6400  }
0x475: {  	[sflag:s17] =	ssyncset.done $0x0  }
0x476: {  	[sflag:s17] =	ssyncadd.s32 $0xFFFF9C00  }
0x477: {  	[tilespmem:s9], [sflag:$0x2] =	stream.linear.gather [spmem:s4], $0x6400, $0x38;
	[tilespmem:$0x1B640] =	vst v63  }
0x478: {  	_ =	swait.ge [sflag:s14], $0x3200  }
0x479: {  	[sflag:s14] =	ssyncset.done $0x0  }
0x47a: {  	[sflag:s14] =	ssyncadd.s32 $0xFFFFCE00  }
0x47b: {  	_ =	swait.ge [sflag:s14], $0x3200  }
0x47c: {  	[sflag:s14] =	ssyncset.done $0x0  }
0x47d: {  	s29 =	rddreg [dreg:$0x1c];
	[sflag:s14] =	ssyncadd.s32 $0xFFFFCE00  }
0x47e: {  	[hbm4b:s29+s2] =	stream.linear.scatter [tilespmem:s7], [sflag:$0xC], $0x6400, $0x38;
	[tilespmem:$0x1B640] =	vst v63  }
0x47f: {  	_ =	swait.ge [sflag:s24], $0x6400  }
0x480: {  	s26 =	sld [smem:$0x7EC]  }
0x481: {  	[sflag:s24] =	ssyncset.done $0x0  }
0x482: {  	s0 =	sld [smem:$0x7ED];
	[sflag:s24] =	ssyncadd.s32 $0xFFFF9C00  }
0x483: {  	[tilespmem:s9], [sflag:$0x6] =	stream.indirect.gather.add.f32 [hbm:s3], $0x80, s26, s6, $0xb8;
	[tilespmem:$0x1B640] =	vst v63  }
0x484: {  	_ = 	snop  }
0x485: {  	[tilespmem:s25], [sflag:$0x6] =	stream.indirect.gather.add.f32 [hbm:s3], $0x80, s0, s6, $0xb8;
	[tilespmem:$0x1B640] =	vst v63  }
0x486: {  	_ =	swait.ge [sflag:s13], $0x6400  }
0x487: {  	[sflag:s13] =	ssyncset.done $0x0  }
0x488: {  	[sflag:s13] =	ssyncadd.s32 $0xFFFF9C00  }
0x489: {  	[tilespmem:s5], [sflag:$0x3] =	stream.linear.gather [spmem:s4], $0x6400, $0x38;
	[tilespmem:$0x1B640] =	vst v63  }
0x48a: {  	_ =	swait.ge [sflag:s12], $0x3200  }
0x48b: {  	[sflag:s12] =	ssyncset.done $0x0  }
0x48c: {  	[sflag:s12] =	ssyncadd.s32 $0xFFFFCE00  }
0x48d: {  	_ =	swait.ge [sflag:s12], $0x3200  }
0x48e: {  	[sflag:s12] =	ssyncset.done $0x0  }
0x48f: {  	s29 =	rddreg [dreg:$0x1d];
	[sflag:s12] =	ssyncadd.s32 $0xFFFFCE00  }
0x490: {  	[hbm4b:s29+s2] =	stream.linear.scatter [tilespmem:s8], [sflag:$0xD], $0x6400, $0x38;
	[tilespmem:$0x1B640] =	vst v63  }
0x491: {  	_ =	swait.ge [sflag:s22], $0x6400  }
0x492: {  	s26 =	sld [smem:$0x7EE]  }
0x493: {  	[sflag:s22] =	ssyncset.done $0x0  }
0x494: {  	s0 =	sld [smem:$0x7EF];
	[sflag:s22] =	ssyncadd.s32 $0xFFFF9C00  }
0x495: {  	[tilespmem:s5], [sflag:$0x7] =	stream.indirect.gather.add.f32 [hbm:s3], $0x80, s26, s6, $0xb8;
	[tilespmem:$0x1B640] =	vst v63  }
0x496: {  	_ = 	snop  }
0x497: {  	[tilespmem:s23], [sflag:$0x7] =	stream.indirect.gather.add.f32 [hbm:s3], $0x80, s0, s6, $0xb8;
	[tilespmem:$0x1B640] =	vst v63  }
0x498: {  	_ =	swait.ge [sflag:s11], $0x6400  }
0x499: {  	[sflag:s11] =	ssyncset.done $0x0  }
0x49a: {  	[sflag:s11] =	ssyncadd.s32 $0xFFFF9C00  }
0x49b: {  	[tilespmem:s7], [sflag:$0x4] =	stream.linear.gather [spmem:s4], $0x6400, $0x38;
	[tilespmem:$0x1B640] =	vst v63  }
0x49c: {  	_ =	swait.ge [sflag:s21], $0x3200  }
0x49d: {  	[sflag:s21] =	ssyncset.done $0x0  }
0x49e: {  	[sflag:s21] =	ssyncadd.s32 $0xFFFFCE00  }
0x49f: {  	_ =	swait.ge [sflag:s21], $0x3200  }
0x4a0: {  	[sflag:s21] =	ssyncset.done $0x0  }
0x4a1: {  	s29 =	rddreg [dreg:$0x1e];
	[sflag:s21] =	ssyncadd.s32 $0xFFFFCE00  }
0x4a2: {  	[hbm4b:s29+s2] =	stream.linear.scatter [tilespmem:s9], [sflag:$0xA], $0x6400, $0x38;
	[tilespmem:$0x1B640] =	vst v63  }
0x4a3: {  	_ =	swait.ge [sflag:s19], $0x6400  }
0x4a4: {  	s26 =	sld [smem:$0x7F0]  }
0x4a5: {  	[sflag:s19] =	ssyncset.done $0x0  }
0x4a6: {  	s0 =	sld [smem:$0x7F1];
	[sflag:s19] =	ssyncadd.s32 $0xFFFF9C00  }
0x4a7: {  	[tilespmem:s7], [sflag:$0x8] =	stream.indirect.gather.add.f32 [hbm:s3], $0x80, s26, s6, $0xb8;
	[tilespmem:$0x1B640] =	vst v63  }
0x4a8: {  	_ = 	snop  }
0x4a9: {  	[tilespmem:s20], [sflag:$0x8] =	stream.indirect.gather.add.f32 [hbm:s3], $0x80, s0, s6, $0xb8;
	[tilespmem:$0x1B640] =	vst v63  }
0x4aa: {  	_ =	swait.ge [sflag:s10], $0x6400  }
0x4ab: {  	[sflag:s10] =	ssyncset.done $0x0  }
0x4ac: {  	[sflag:s10] =	ssyncadd.s32 $0xFFFF9C00  }
0x4ad: {  	[tilespmem:s8], [sflag:$0x5] =	stream.linear.gather [spmem:s4], $0x6400, $0x38;
	[tilespmem:$0x1B640] =	vst v63  }
0x4ae: {  	_ =	swait.ge [sflag:s18], $0x3200  }
0x4af: {  	[sflag:s18] =	ssyncset.done $0x0  }
0x4b0: {  	[sflag:s18] =	ssyncadd.s32 $0xFFFFCE00  }
0x4b1: {  	_ =	swait.ge [sflag:s18], $0x3200  }
0x4b2: {  	[sflag:s18] =	ssyncset.done $0x0  }
0x4b3: {  	s29 =	rddreg [dreg:$0x1f];
	[sflag:s18] =	ssyncadd.s32 $0xFFFFCE00  }
0x4b4: {  	[hbm4b:s29+s2] =	stream.linear.scatter [tilespmem:s5], [sflag:$0xB], $0x6400, $0x38;
	[tilespmem:$0x1B640] =	vst v63  }
0x4b5: {  	_ =	swait.ge [sflag:s15], $0x6400  }
0x4b6: {  	s26 =	sld [smem:$0x7F2]  }
0x4b7: {  	[sflag:s15] =	ssyncset.done $0x0  }
0x4b8: {  	s0 =	sld [smem:$0x7F3];
	[sflag:s15] =	ssyncadd.s32 $0xFFFF9C00  }
0x4b9: {  	[tilespmem:s8], [sflag:$0x9] =	stream.indirect.gather.add.f32 [hbm:s3], $0x80, s26, s6, $0xb8;
	[tilespmem:$0x1B640] =	vst v63  }
0x4ba: {  	_ = 	snop  }
0x4bb: {  	[tilespmem:s16], [sflag:$0x9] =	stream.indirect.gather.add.f32 [hbm:s3], $0x80, s0, s6, $0xb8;
	[tilespmem:$0x1B640] =	vst v63  }
0x4bc: {  	_ =	swait.ge [sflag:s17], $0x6400  }
0x4bd: {  	[sflag:s17] =	ssyncset.done $0x0  }
0x4be: {  	[sflag:s17] =	ssyncadd.s32 $0xFFFF9C00  }
0x4bf: {  	[tilespmem:s9], [sflag:$0x2] =	stream.linear.gather [spmem:s4], $0x6400, $0x38;
	[tilespmem:$0x1B640] =	vst v63  }
0x4c0: {  	_ =	swait.ge [sflag:s14], $0x3200  }
0x4c1: {  	[sflag:s14] =	ssyncset.done $0x0  }
0x4c2: {  	[sflag:s14] =	ssyncadd.s32 $0xFFFFCE00  }
0x4c3: {  	_ =	swait.ge [sflag:s14], $0x3200  }
0x4c4: {  	s29 =	sld [smem:$0x7B7]  }
0x4c5: {  	[sflag:s14] =	ssyncset.done $0x0  }
0x4c6: {  	[sflag:s14] =	ssyncadd.s32 $0xFFFFCE00  }
0x4c7: {  	[hbm4b:s29+s2] =	stream.linear.scatter [tilespmem:s7], [sflag:$0xC], $0x6400, $0x38;
	[tilespmem:$0x1B640] =	vst v63  }
0x4c8: {  	_ =	swait.ge [sflag:s24], $0x6400  }
0x4c9: {  	s26 =	sld [smem:$0x7F4]  }
0x4ca: {  	[sflag:s24] =	ssyncset.done $0x0  }
0x4cb: {  	s0 =	sld [smem:$0x7F5];
	[sflag:s24] =	ssyncadd.s32 $0xFFFF9C00  }
0x4cc: {  	[tilespmem:s9], [sflag:$0x6] =	stream.indirect.gather.add.f32 [hbm:s3], $0x80, s26, s6, $0xb8;
	[tilespmem:$0x1B640] =	vst v63  }
0x4cd: {  	_ = 	snop  }
0x4ce: {  	[tilespmem:s25], [sflag:$0x6] =	stream.indirect.gather.add.f32 [hbm:s3], $0x80, s0, s6, $0xb8;
	[tilespmem:$0x1B640] =	vst v63  }
0x4cf: {  	_ =	swait.ge [sflag:s13], $0x6400  }
0x4d0: {  	[sflag:s13] =	ssyncset.done $0x0  }
0x4d1: {  	[sflag:s13] =	ssyncadd.s32 $0xFFFF9C00  }
0x4d2: {  	[tilespmem:s5], [sflag:$0x3] =	stream.linear.gather [spmem:s4], $0x6400, $0x38;
	[tilespmem:$0x1B640] =	vst v63  }
0x4d3: {  	_ =	swait.ge [sflag:s12], $0x3200  }
0x4d4: {  	[sflag:s12] =	ssyncset.done $0x0  }
0x4d5: {  	[sflag:s12] =	ssyncadd.s32 $0xFFFFCE00  }
0x4d6: {  	_ =	swait.ge [sflag:s12], $0x3200  }
0x4d7: {  	s29 =	sld [smem:$0x7B8]  }
0x4d8: {  	[sflag:s12] =	ssyncset.done $0x0  }
0x4d9: {  	[sflag:s12] =	ssyncadd.s32 $0xFFFFCE00  }
0x4da: {  	[hbm4b:s29+s2] =	stream.linear.scatter [tilespmem:s8], [sflag:$0xD], $0x6400, $0x38;
	[tilespmem:$0x1B640] =	vst v63  }
0x4db: {  	_ =	swait.ge [sflag:s22], $0x6400  }
0x4dc: {  	s26 =	sld [smem:$0x7F6]  }
0x4dd: {  	[sflag:s22] =	ssyncset.done $0x0  }
0x4de: {  	s0 =	sld [smem:$0x7F7];
	[sflag:s22] =	ssyncadd.s32 $0xFFFF9C00  }
0x4df: {  	[tilespmem:s5], [sflag:$0x7] =	stream.indirect.gather.add.f32 [hbm:s3], $0x80, s26, s6, $0xb8;
	[tilespmem:$0x1B640] =	vst v63  }
0x4e0: {  	_ = 	snop  }
0x4e1: {  	[tilespmem:s23], [sflag:$0x7] =	stream.indirect.gather.add.f32 [hbm:s3], $0x80, s0, s6, $0xb8;
	[tilespmem:$0x1B640] =	vst v63  }
0x4e2: {  	_ =	swait.ge [sflag:s11], $0x6400  }
0x4e3: {  	[sflag:s11] =	ssyncset.done $0x0  }
0x4e4: {  	[sflag:s11] =	ssyncadd.s32 $0xFFFF9C00  }
0x4e5: {  	[tilespmem:s7], [sflag:$0x4] =	stream.linear.gather [spmem:s4], $0x6400, $0x38;
	[tilespmem:$0x1B640] =	vst v63  }
0x4e6: {  	_ =	swait.ge [sflag:s21], $0x3200  }
0x4e7: {  	[sflag:s21] =	ssyncset.done $0x0  }
0x4e8: {  	[sflag:s21] =	ssyncadd.s32 $0xFFFFCE00  }
0x4e9: {  	_ =	swait.ge [sflag:s21], $0x3200  }
0x4ea: {  	s29 =	sld [smem:$0x7B9]  }
0x4eb: {  	[sflag:s21] =	ssyncset.done $0x0  }
0x4ec: {  	[sflag:s21] =	ssyncadd.s32 $0xFFFFCE00  }
0x4ed: {  	[hbm4b:s29+s2] =	stream.linear.scatter [tilespmem:s9], [sflag:$0xA], $0x6400, $0x38;
	[tilespmem:$0x1B640] =	vst v63  }
0x4ee: {  	_ =	swait.ge [sflag:s19], $0x6400  }
0x4ef: {  	s26 =	sld [smem:$0x7F8]  }
0x4f0: {  	[sflag:s19] =	ssyncset.done $0x0  }
0x4f1: {  	s0 =	sld [smem:$0x7F9];
	[sflag:s19] =	ssyncadd.s32 $0xFFFF9C00  }
0x4f2: {  	[tilespmem:s7], [sflag:$0x8] =	stream.indirect.gather.add.f32 [hbm:s3], $0x80, s26, s6, $0xb8;
	[tilespmem:$0x1B640] =	vst v63  }
0x4f3: {  	_ = 	snop  }
0x4f4: {  	[tilespmem:s20], [sflag:$0x8] =	stream.indirect.gather.add.f32 [hbm:s3], $0x80, s0, s6, $0xb8;
	[tilespmem:$0x1B640] =	vst v63  }
0x4f5: {  	_ =	swait.ge [sflag:s10], $0x6400  }
0x4f6: {  	[sflag:s10] =	ssyncset.done $0x0  }
0x4f7: {  	[sflag:s10] =	ssyncadd.s32 $0xFFFF9C00  }
0x4f8: {  	[tilespmem:s8], [sflag:$0x5] =	stream.linear.gather [spmem:s4], $0x6400, $0x38;
	[tilespmem:$0x1B640] =	vst v63  }
0x4f9: {  	_ =	swait.ge [sflag:s18], $0x3200  }
0x4fa: {  	[sflag:s18] =	ssyncset.done $0x0  }
0x4fb: {  	[sflag:s18] =	ssyncadd.s32 $0xFFFFCE00  }
0x4fc: {  	_ =	swait.ge [sflag:s18], $0x3200  }
0x4fd: {  	s29 =	sld [smem:$0x7BA]  }
0x4fe: {  	[sflag:s18] =	ssyncset.done $0x0  }
0x4ff: {  	[sflag:s18] =	ssyncadd.s32 $0xFFFFCE00  }
0x500: {  	[hbm4b:s29+s2] =	stream.linear.scatter [tilespmem:s5], [sflag:$0xB], $0x6400, $0x38;
	[tilespmem:$0x1B640] =	vst v63  }
0x501: {  	_ =	swait.ge [sflag:s15], $0x6400  }
0x502: {  	s26 =	sld [smem:$0x7FA]  }
0x503: {  	[sflag:s15] =	ssyncset.done $0x0  }
0x504: {  	s0 =	sld [smem:$0x7FB];
	[sflag:s15] =	ssyncadd.s32 $0xFFFF9C00  }
0x505: {  	[tilespmem:s8], [sflag:$0x9] =	stream.indirect.gather.add.f32 [hbm:s3], $0x80, s26, s6, $0xb8;
	[tilespmem:$0x1B640] =	vst v63  }
0x506: {  	_ = 	snop  }
0x507: {  	[tilespmem:s16], [sflag:$0x9] =	stream.indirect.gather.add.f32 [hbm:s3], $0x80, s0, s6, $0xb8;
	[tilespmem:$0x1B640] =	vst v63  }
0x508: {  	_ =	swait.ge [sflag:s17], $0x6400  }
0x509: {  	[sflag:s17] =	ssyncset.done $0x0  }
0x50a: {  	[sflag:s17] =	ssyncadd.s32 $0xFFFF9C00  }
0x50b: {  	_ =	swait.ge [sflag:s14], $0x3200  }
0x50c: {  	[sflag:s14] =	ssyncset.done $0x0  }
0x50d: {  	[sflag:s14] =	ssyncadd.s32 $0xFFFFCE00  }
0x50e: {  	_ =	swait.ge [sflag:s14], $0x3200  }
0x50f: {  	s0 =	sld [smem:$0x7BB]  }
0x510: {  	[sflag:s14] =	ssyncset.done $0x0  }
0x511: {  	[sflag:s14] =	ssyncadd.s32 $0xFFFFCE00  }
0x512: {  	[hbm4b:s0+s2] =	stream.linear.scatter [tilespmem:s7], [sflag:$0xC], $0x6400, $0x38;
	[tilespmem:$0x1B640] =	vst v63  }
0x513: {  	_ =	swait.ge [sflag:s13], $0x6400  }
0x514: {  	[sflag:s13] =	ssyncset.done $0x0  }
0x515: {  	[sflag:s13] =	ssyncadd.s32 $0xFFFF9C00  }
0x516: {  	_ =	swait.ge [sflag:s12], $0x3200  }
0x517: {  	[sflag:s12] =	ssyncset.done $0x0  }
0x518: {  	[sflag:s12] =	ssyncadd.s32 $0xFFFFCE00  }
0x519: {  	_ =	swait.ge [sflag:s12], $0x3200  }
0x51a: {  	s29 =	sld [smem:$0x7BC]  }
0x51b: {  	s1 =	sadd.s32 $0xFFFFFFFF, s1;
	[sflag:s12] =	ssyncset.done $0x0  }
0x51c: {  	p3 =	sne.s32 s1, $0x0;
	[sflag:s12] =	ssyncadd.s32 $0xFFFFCE00  }
0x51d: {  	[hbm4b:s29+s2] =	stream.linear.scatter [tilespmem:s8], [sflag:$0xD], $0x6400, $0x38;
	[tilespmem:$0x1B640] =	vst v63  }
.Ltmp2:
0x51e: {  	_ =	swait.ge [sflag:s11], $0x6400;
	(pc) =	sbr.rel @p3 .LBB2_4-.Ltmp2, $4  }
0x51f: {  	[sflag:s11] =	ssyncset.done $0x0  }
0x520: {  	[sflag:s11] =	ssyncadd.s32 $0xFFFF9C00  }
0x521: {  	_ =	swait.ge [sflag:s10], $0x6400  }
0x522: {  	s26 =	sld [smem:$0x7FC];
	[sflag:s10] =	ssyncset.done $0x0  }
0x523: {  	s28 =	sld [smem:$0x7FD]  }
.LBB2_6:
0x524: {  	s0 =	rddreg [dreg:$0x5];
	[sflag:s10] =	ssyncadd.s32 @p2 $0xFFFF9C00;
	s29 =	simm.s32 $0x640  }
0x525: {  	[tilespmem:s29], [sflag:$0x1] =	stream.linear.gather [hbm4b:s0+s2], $0x2000, $0x38;
	[tilespmem:$0x1B640] =	vst v63  }
0x526: {  	s1 =	rddreg [dreg:$0x6];
	s0 =	simm.s32 @p0 $0x1C4E  }
0x527: {  	[spmem:s26], [sflag:s0] =	dma.local @p0 [hbm:s1], $0x680  }
0x528: {  	s0 =	simm.s32 @p0 $0xE  }
0x529: {  	_ =	swait.ge @p0 [sflag:s0], $0x680  }
0x52a: {  	[sflag:s0] =	ssyncset.done @p0 $0x0  }
0x52b: {  	[sflag:s0] =	ssyncadd.s32 @p0 $0xFFFFF980;
	s0 =	simm.s32 @!p1 $0x1C0E  }
0x52c: {  	[spmem:s28], [sflag:s0] =	dma.local @!p1 [hbm:s30], $0x600  }
0x52d: {  	s0 =	simm.s32 @!p1 $0xE  }
0x52e: {  	_ =	swait.ge @!p1 [sflag:s0], $0x600  }
0x52f: {  	[sflag:s0] =	ssyncset.done @!p1 $0x0  }
0x530: {  	[sflag:s0] =	ssyncadd.s32 @!p1 $0xFFFFFA00  }
0x531: {  	[bflag:$0x0] =	sbarrier.arrive $0xFFFF  }
0x532: {  	[tilespmem:s9], [sflag:$0x2] =	stream.linear.gather [spmem:s4], $0x6400, $0x38;
	[tilespmem:$0x1B640] =	vst v63  }
0x533: {  	s26 =	simm.s32 $0x1  }
0x534: {  	[tilespmem:s5], [sflag:$0x3] =	stream.linear.gather [spmem:s4], $0x6400, $0x38;
	[tilespmem:$0x1B640] =	vst v63  }
0x535: {  	_ =	swait.ge [sflag:s26], $0x2000  }
0x536: {  	[sflag:s26] =	ssyncset.done $0x0  }
0x537: {  	[sflag:s26] =	ssyncadd.s32 $0xFFFFE000  }
0x538: {  	_ =	swait.ge [sflag:s24], $0x6400  }
0x539: {  	[sflag:s24] =	ssyncset.done $0x0  }
0x53a: {  	s28 =	sld [smem:$0x7BD];
	[sflag:s24] =	ssyncadd.s32 $0xFFFF9C00  }
0x53b: {  	[tilespmem:s9], [sflag:$0x6] =	stream.indirect.gather.add.f32 [hbm:s3], $0x80, s29, s6, $0xb8;
	[tilespmem:$0x1B640] =	vst v63  }
0x53c: {  	_ = 	snop  }
0x53d: {  	[tilespmem:s25], [sflag:$0x6] =	stream.indirect.gather.add.f32 [hbm:s3], $0x80, s28, s6, $0xb8;
	[tilespmem:$0x1B640] =	vst v63  }
0x53e: {  	_ =	swait.ge [sflag:s22], $0x6400  }
0x53f: {  	s29 =	sld [smem:$0x7BE]  }
0x540: {  	[sflag:s22] =	ssyncset.done $0x0  }
0x541: {  	s30 =	sld [smem:$0x7BF];
	[sflag:s22] =	ssyncadd.s32 $0xFFFF9C00  }
0x542: {  	[tilespmem:s5], [sflag:$0x7] =	stream.indirect.gather.add.f32 [hbm:s3], $0x80, s29, s6, $0xb8;
	[tilespmem:$0x1B640] =	vst v63  }
0x543: {  	_ = 	snop  }
0x544: {  	[tilespmem:s23], [sflag:$0x7] =	stream.indirect.gather.add.f32 [hbm:s3], $0x80, s30, s6, $0xb8;
	[tilespmem:$0x1B640] =	vst v63  }
0x545: {  	_ = 	snop  }
0x546: {  	[tilespmem:s7], [sflag:$0x4] =	stream.linear.gather [spmem:s4], $0x6400, $0x38;
	[tilespmem:$0x1B640] =	vst v63  }
0x547: {  	_ =	swait.ge [sflag:s21], $0x3200  }
0x548: {  	[sflag:s21] =	ssyncset.done $0x0  }
0x549: {  	[sflag:s21] =	ssyncadd.s32 $0xFFFFCE00  }
0x54a: {  	_ =	swait.ge [sflag:s21], $0x3200  }
0x54b: {  	[sflag:s21] =	ssyncset.done $0x0  }
0x54c: {  	[sflag:s21] =	ssyncadd.s32 $0xFFFFCE00  }
0x54d: {  	[hbm4b:s31+s2] =	stream.linear.scatter [tilespmem:s9], [sflag:$0xA], $0x6400, $0x38;
	[tilespmem:$0x1B640] =	vst v63  }
0x54e: {  	_ =	swait.ge [sflag:s19], $0x6400  }
0x54f: {  	s26 =	sld [smem:$0x7C0]  }
0x550: {  	[sflag:s19] =	ssyncset.done $0x0  }
0x551: {  	s28 =	sld [smem:$0x7C1];
	[sflag:s19] =	ssyncadd.s32 $0xFFFF9C00  }
0x552: {  	[tilespmem:s7], [sflag:$0x8] =	stream.indirect.gather.add.f32 [hbm:s3], $0x80, s26, s6, $0xb8;
	[tilespmem:$0x1B640] =	vst v63  }
0x553: {  	_ = 	snop  }
0x554: {  	[tilespmem:s20], [sflag:$0x8] =	stream.indirect.gather.add.f32 [hbm:s3], $0x80, s28, s6, $0xb8;
	[tilespmem:$0x1B640] =	vst v63  }
0x555: {  	_ = 	snop  }
0x556: {  	[tilespmem:s8], [sflag:$0x5] =	stream.linear.gather [spmem:s4], $0x6400, $0x38;
	[tilespmem:$0x1B640] =	vst v63  }
0x557: {  	_ =	swait.ge [sflag:s18], $0x3200  }
0x558: {  	[sflag:s18] =	ssyncset.done $0x0  }
0x559: {  	[sflag:s18] =	ssyncadd.s32 $0xFFFFCE00  }
0x55a: {  	_ =	swait.ge [sflag:s18], $0x3200  }
0x55b: {  	[sflag:s18] =	ssyncset.done $0x0  }
0x55c: {  	s29 =	rddreg [dreg:$0x7];
	[sflag:s18] =	ssyncadd.s32 $0xFFFFCE00  }
0x55d: {  	[hbm4b:s29+s2] =	stream.linear.scatter [tilespmem:s5], [sflag:$0xB], $0x6400, $0x38;
	[tilespmem:$0x1B640] =	vst v63  }
0x55e: {  	_ =	swait.ge [sflag:s15], $0x6400  }
0x55f: {  	s30 =	sld [smem:$0x7C2]  }
0x560: {  	[sflag:s15] =	ssyncset.done $0x0  }
0x561: {  	s31 =	sld [smem:$0x7C3];
	[sflag:s15] =	ssyncadd.s32 $0xFFFF9C00  }
0x562: {  	[tilespmem:s8], [sflag:$0x9] =	stream.indirect.gather.add.f32 [hbm:s3], $0x80, s30, s6, $0xb8;
	[tilespmem:$0x1B640] =	vst v63  }
0x563: {  	_ = 	snop  }
0x564: {  	[tilespmem:s16], [sflag:$0x9] =	stream.indirect.gather.add.f32 [hbm:s3], $0x80, s31, s6, $0xb8;
	[tilespmem:$0x1B640] =	vst v63  }
0x565: {  	_ =	swait.ge [sflag:s17], $0x6400  }
0x566: {  	[sflag:s17] =	ssyncset.done $0x0  }
0x567: {  	[sflag:s17] =	ssyncadd.s32 $0xFFFF9C00  }
0x568: {  	[tilespmem:s9], [sflag:$0x2] =	stream.linear.gather [spmem:s4], $0x6400, $0x38;
	[tilespmem:$0x1B640] =	vst v63  }
0x569: {  	_ =	swait.ge [sflag:s14], $0x3200  }
0x56a: {  	[sflag:s14] =	ssyncset.done $0x0  }
0x56b: {  	[sflag:s14] =	ssyncadd.s32 $0xFFFFCE00  }
0x56c: {  	_ =	swait.ge [sflag:s14], $0x3200  }
0x56d: {  	[sflag:s14] =	ssyncset.done $0x0  }
0x56e: {  	s1 =	rddreg [dreg:$0x8];
	[sflag:s14] =	ssyncadd.s32 $0xFFFFCE00  }
0x56f: {  	[hbm4b:s1+s2] =	stream.linear.scatter [tilespmem:s7], [sflag:$0xC], $0x6400, $0x38;
	[tilespmem:$0x1B640] =	vst v63  }
0x570: {  	_ =	swait.ge [sflag:s24], $0x6400  }
0x571: {  	s26 =	sld [smem:$0x7C4]  }
0x572: {  	[sflag:s24] =	ssyncset.done $0x0  }
0x573: {  	s28 =	sld [smem:$0x7C5];
	[sflag:s24] =	ssyncadd.s32 $0xFFFF9C00  }
0x574: {  	[tilespmem:s9], [sflag:$0x6] =	stream.indirect.gather.add.f32 [hbm:s3], $0x80, s26, s6, $0xb8;
	[tilespmem:$0x1B640] =	vst v63  }
0x575: {  	_ = 	snop  }
0x576: {  	[tilespmem:s25], [sflag:$0x6] =	stream.indirect.gather.add.f32 [hbm:s3], $0x80, s28, s6, $0xb8;
	[tilespmem:$0x1B640] =	vst v63  }
0x577: {  	_ =	swait.ge [sflag:s13], $0x6400  }
0x578: {  	[sflag:s13] =	ssyncset.done $0x0  }
0x579: {  	[sflag:s13] =	ssyncadd.s32 $0xFFFF9C00  }
0x57a: {  	[tilespmem:s5], [sflag:$0x3] =	stream.linear.gather [spmem:s4], $0x6400, $0x38;
	[tilespmem:$0x1B640] =	vst v63  }
0x57b: {  	_ =	swait.ge [sflag:s12], $0x3200  }
0x57c: {  	[sflag:s12] =	ssyncset.done $0x0  }
0x57d: {  	[sflag:s12] =	ssyncadd.s32 $0xFFFFCE00  }
0x57e: {  	_ =	swait.ge [sflag:s12], $0x3200  }
0x57f: {  	[sflag:s12] =	ssyncset.done $0x0  }
0x580: {  	s29 =	rddreg [dreg:$0x9];
	[sflag:s12] =	ssyncadd.s32 $0xFFFFCE00  }
0x581: {  	[hbm4b:s29+s2] =	stream.linear.scatter [tilespmem:s8], [sflag:$0xD], $0x6400, $0x38;
	[tilespmem:$0x1B640] =	vst v63  }
0x582: {  	_ =	swait.ge [sflag:s22], $0x6400  }
0x583: {  	s30 =	sld [smem:$0x7C6]  }
0x584: {  	[sflag:s22] =	ssyncset.done $0x0  }
0x585: {  	s31 =	sld [smem:$0x7C7];
	[sflag:s22] =	ssyncadd.s32 $0xFFFF9C00  }
0x586: {  	[tilespmem:s5], [sflag:$0x7] =	stream.indirect.gather.add.f32 [hbm:s3], $0x80, s30, s6, $0xb8;
	[tilespmem:$0x1B640] =	vst v63  }
0x587: {  	_ = 	snop  }
0x588: {  	[tilespmem:s23], [sflag:$0x7] =	stream.indirect.gather.add.f32 [hbm:s3], $0x80, s31, s6, $0xb8;
	[tilespmem:$0x1B640] =	vst v63  }
0x589: {  	_ =	swait.ge [sflag:s11], $0x6400  }
0x58a: {  	[sflag:s11] =	ssyncset.done $0x0  }
0x58b: {  	[sflag:s11] =	ssyncadd.s32 $0xFFFF9C00  }
0x58c: {  	[tilespmem:s7], [sflag:$0x4] =	stream.linear.gather [spmem:s4], $0x6400, $0x38;
	[tilespmem:$0x1B640] =	vst v63  }
0x58d: {  	_ =	swait.ge [sflag:s21], $0x3200  }
0x58e: {  	[sflag:s21] =	ssyncset.done $0x0  }
0x58f: {  	[sflag:s21] =	ssyncadd.s32 $0xFFFFCE00  }
0x590: {  	_ =	swait.ge [sflag:s21], $0x3200  }
0x591: {  	[sflag:s21] =	ssyncset.done $0x0  }
0x592: {  	s1 =	rddreg [dreg:$0xa];
	[sflag:s21] =	ssyncadd.s32 $0xFFFFCE00  }
0x593: {  	[hbm4b:s1+s2] =	stream.linear.scatter [tilespmem:s9], [sflag:$0xA], $0x6400, $0x38;
	[tilespmem:$0x1B640] =	vst v63  }
0x594: {  	_ =	swait.ge [sflag:s19], $0x6400  }
0x595: {  	s26 =	sld [smem:$0x7C8]  }
0x596: {  	[sflag:s19] =	ssyncset.done $0x0  }
0x597: {  	s28 =	sld [smem:$0x7C9];
	[sflag:s19] =	ssyncadd.s32 $0xFFFF9C00  }
0x598: {  	[tilespmem:s7], [sflag:$0x8] =	stream.indirect.gather.add.f32 [hbm:s3], $0x80, s26, s6, $0xb8;
	[tilespmem:$0x1B640] =	vst v63  }
0x599: {  	_ = 	snop  }
0x59a: {  	[tilespmem:s20], [sflag:$0x8] =	stream.indirect.gather.add.f32 [hbm:s3], $0x80, s28, s6, $0xb8;
	[tilespmem:$0x1B640] =	vst v63  }
0x59b: {  	_ =	swait.ge [sflag:s10], $0x6400  }
0x59c: {  	[sflag:s10] =	ssyncset.done $0x0  }
0x59d: {  	[sflag:s10] =	ssyncadd.s32 $0xFFFF9C00  }
0x59e: {  	[tilespmem:s8], [sflag:$0x5] =	stream.linear.gather [spmem:s4], $0x6400, $0x38;
	[tilespmem:$0x1B640] =	vst v63  }
0x59f: {  	_ =	swait.ge [sflag:s18], $0x3200  }
0x5a0: {  	[sflag:s18] =	ssyncset.done $0x0  }
0x5a1: {  	[sflag:s18] =	ssyncadd.s32 $0xFFFFCE00  }
0x5a2: {  	_ =	swait.ge [sflag:s18], $0x3200  }
0x5a3: {  	[sflag:s18] =	ssyncset.done $0x0  }
0x5a4: {  	s29 =	rddreg [dreg:$0xb];
	[sflag:s18] =	ssyncadd.s32 $0xFFFFCE00  }
0x5a5: {  	[hbm4b:s29+s2] =	stream.linear.scatter [tilespmem:s5], [sflag:$0xB], $0x6400, $0x38;
	[tilespmem:$0x1B640] =	vst v63  }
0x5a6: {  	_ =	swait.ge [sflag:s15], $0x6400  }
0x5a7: {  	s30 =	sld [smem:$0x7CA]  }
0x5a8: {  	[sflag:s15] =	ssyncset.done $0x0  }
0x5a9: {  	s31 =	sld [smem:$0x7CB];
	[sflag:s15] =	ssyncadd.s32 $0xFFFF9C00  }
0x5aa: {  	[tilespmem:s8], [sflag:$0x9] =	stream.indirect.gather.add.f32 [hbm:s3], $0x80, s30, s6, $0xb8;
	[tilespmem:$0x1B640] =	vst v63  }
0x5ab: {  	_ = 	snop  }
0x5ac: {  	[tilespmem:s16], [sflag:$0x9] =	stream.indirect.gather.add.f32 [hbm:s3], $0x80, s31, s6, $0xb8;
	[tilespmem:$0x1B640] =	vst v63  }
0x5ad: {  	_ =	swait.ge [sflag:s17], $0x6400  }
0x5ae: {  	[sflag:s17] =	ssyncset.done $0x0  }
0x5af: {  	[sflag:s17] =	ssyncadd.s32 $0xFFFF9C00  }
0x5b0: {  	[tilespmem:s9], [sflag:$0x2] =	stream.linear.gather [spmem:s4], $0x6400, $0x38;
	[tilespmem:$0x1B640] =	vst v63  }
0x5b1: {  	_ =	swait.ge [sflag:s14], $0x3200  }
0x5b2: {  	[sflag:s14] =	ssyncset.done $0x0  }
0x5b3: {  	[sflag:s14] =	ssyncadd.s32 $0xFFFFCE00  }
0x5b4: {  	_ =	swait.ge [sflag:s14], $0x3200  }
0x5b5: {  	[sflag:s14] =	ssyncset.done $0x0  }
0x5b6: {  	s1 =	rddreg [dreg:$0xc];
	[sflag:s14] =	ssyncadd.s32 $0xFFFFCE00  }
0x5b7: {  	[hbm4b:s1+s2] =	stream.linear.scatter [tilespmem:s7], [sflag:$0xC], $0x6400, $0x38;
	[tilespmem:$0x1B640] =	vst v63  }
0x5b8: {  	_ =	swait.ge [sflag:s24], $0x6400  }
0x5b9: {  	s26 =	sld [smem:$0x7CC]  }
0x5ba: {  	[sflag:s24] =	ssyncset.done $0x0  }
0x5bb: {  	s28 =	sld [smem:$0x7CD];
	[sflag:s24] =	ssyncadd.s32 $0xFFFF9C00  }
0x5bc: {  	[tilespmem:s9], [sflag:$0x6] =	stream.indirect.gather.add.f32 [hbm:s3], $0x80, s26, s6, $0xb8;
	[tilespmem:$0x1B640] =	vst v63  }
0x5bd: {  	_ = 	snop  }
0x5be: {  	[tilespmem:s25], [sflag:$0x6] =	stream.indirect.gather.add.f32 [hbm:s3], $0x80, s28, s6, $0xb8;
	[tilespmem:$0x1B640] =	vst v63  }
0x5bf: {  	_ =	swait.ge [sflag:s13], $0x6400  }
0x5c0: {  	[sflag:s13] =	ssyncset.done $0x0  }
0x5c1: {  	[sflag:s13] =	ssyncadd.s32 $0xFFFF9C00  }
0x5c2: {  	[tilespmem:s5], [sflag:$0x3] =	stream.linear.gather [spmem:s4], $0x6400, $0x38;
	[tilespmem:$0x1B640] =	vst v63  }
0x5c3: {  	_ =	swait.ge [sflag:s12], $0x3200  }
0x5c4: {  	[sflag:s12] =	ssyncset.done $0x0  }
0x5c5: {  	[sflag:s12] =	ssyncadd.s32 $0xFFFFCE00  }
0x5c6: {  	_ =	swait.ge [sflag:s12], $0x3200  }
0x5c7: {  	[sflag:s12] =	ssyncset.done $0x0  }
0x5c8: {  	s29 =	rddreg [dreg:$0xd];
	[sflag:s12] =	ssyncadd.s32 $0xFFFFCE00  }
0x5c9: {  	[hbm4b:s29+s2] =	stream.linear.scatter [tilespmem:s8], [sflag:$0xD], $0x6400, $0x38;
	[tilespmem:$0x1B640] =	vst v63  }
0x5ca: {  	_ =	swait.ge [sflag:s22], $0x6400  }
0x5cb: {  	s30 =	sld [smem:$0x7CE]  }
0x5cc: {  	[sflag:s22] =	ssyncset.done $0x0  }
0x5cd: {  	s31 =	sld [smem:$0x7CF];
	[sflag:s22] =	ssyncadd.s32 $0xFFFF9C00  }
0x5ce: {  	[tilespmem:s5], [sflag:$0x7] =	stream.indirect.gather.add.f32 [hbm:s3], $0x80, s30, s6, $0xb8;
	[tilespmem:$0x1B640] =	vst v63  }
0x5cf: {  	_ = 	snop  }
0x5d0: {  	[tilespmem:s23], [sflag:$0x7] =	stream.indirect.gather.add.f32 [hbm:s3], $0x80, s31, s6, $0xb8;
	[tilespmem:$0x1B640] =	vst v63  }
0x5d1: {  	_ =	swait.ge [sflag:s11], $0x6400  }
0x5d2: {  	[sflag:s11] =	ssyncset.done $0x0  }
0x5d3: {  	[sflag:s11] =	ssyncadd.s32 $0xFFFF9C00  }
0x5d4: {  	[tilespmem:s7], [sflag:$0x4] =	stream.linear.gather [spmem:s4], $0x6400, $0x38;
	[tilespmem:$0x1B640] =	vst v63  }
0x5d5: {  	_ =	swait.ge [sflag:s21], $0x3200  }
0x5d6: {  	[sflag:s21] =	ssyncset.done $0x0  }
0x5d7: {  	[sflag:s21] =	ssyncadd.s32 $0xFFFFCE00  }
0x5d8: {  	_ =	swait.ge [sflag:s21], $0x3200  }
0x5d9: {  	[sflag:s21] =	ssyncset.done $0x0  }
0x5da: {  	s1 =	rddreg [dreg:$0xe];
	[sflag:s21] =	ssyncadd.s32 $0xFFFFCE00  }
0x5db: {  	[hbm4b:s1+s2] =	stream.linear.scatter [tilespmem:s9], [sflag:$0xA], $0x6400, $0x38;
	[tilespmem:$0x1B640] =	vst v63  }
0x5dc: {  	_ =	swait.ge [sflag:s19], $0x6400  }
0x5dd: {  	s26 =	sld [smem:$0x7D0]  }
0x5de: {  	[sflag:s19] =	ssyncset.done $0x0  }
0x5df: {  	s28 =	sld [smem:$0x7D1];
	[sflag:s19] =	ssyncadd.s32 $0xFFFF9C00  }
0x5e0: {  	[tilespmem:s7], [sflag:$0x8] =	stream.indirect.gather.add.f32 [hbm:s3], $0x80, s26, s6, $0xb8;
	[tilespmem:$0x1B640] =	vst v63  }
0x5e1: {  	_ = 	snop  }
0x5e2: {  	[tilespmem:s20], [sflag:$0x8] =	stream.indirect.gather.add.f32 [hbm:s3], $0x80, s28, s6, $0xb8;
	[tilespmem:$0x1B640] =	vst v63  }
0x5e3: {  	_ =	swait.ge [sflag:s10], $0x6400  }
0x5e4: {  	[sflag:s10] =	ssyncset.done $0x0  }
0x5e5: {  	[sflag:s10] =	ssyncadd.s32 $0xFFFF9C00  }
0x5e6: {  	[tilespmem:s8], [sflag:$0x5] =	stream.linear.gather [spmem:s4], $0x6400, $0x38;
	[tilespmem:$0x1B640] =	vst v63  }
0x5e7: {  	_ =	swait.ge [sflag:s18], $0x3200  }
0x5e8: {  	[sflag:s18] =	ssyncset.done $0x0  }
0x5e9: {  	[sflag:s18] =	ssyncadd.s32 $0xFFFFCE00  }
0x5ea: {  	_ =	swait.ge [sflag:s18], $0x3200  }
0x5eb: {  	[sflag:s18] =	ssyncset.done $0x0  }
0x5ec: {  	s29 =	rddreg [dreg:$0xf];
	[sflag:s18] =	ssyncadd.s32 $0xFFFFCE00  }
0x5ed: {  	[hbm4b:s29+s2] =	stream.linear.scatter [tilespmem:s5], [sflag:$0xB], $0x6400, $0x38;
	[tilespmem:$0x1B640] =	vst v63  }
0x5ee: {  	_ =	swait.ge [sflag:s15], $0x6400  }
0x5ef: {  	s30 =	sld [smem:$0x7D2]  }
0x5f0: {  	[sflag:s15] =	ssyncset.done $0x0  }
0x5f1: {  	s31 =	sld [smem:$0x7D3];
	[sflag:s15] =	ssyncadd.s32 $0xFFFF9C00  }
0x5f2: {  	[tilespmem:s8], [sflag:$0x9] =	stream.indirect.gather.add.f32 [hbm:s3], $0x80, s30, s6, $0xb8;
	[tilespmem:$0x1B640] =	vst v63  }
0x5f3: {  	_ = 	snop  }
0x5f4: {  	[tilespmem:s16], [sflag:$0x9] =	stream.indirect.gather.add.f32 [hbm:s3], $0x80, s31, s6, $0xb8;
	[tilespmem:$0x1B640] =	vst v63  }
0x5f5: {  	_ =	swait.ge [sflag:s17], $0x6400  }
0x5f6: {  	[sflag:s17] =	ssyncset.done $0x0  }
0x5f7: {  	[sflag:s17] =	ssyncadd.s32 $0xFFFF9C00  }
0x5f8: {  	[tilespmem:s9], [sflag:$0x2] =	stream.linear.gather [spmem:s4], $0x6400, $0x38;
	[tilespmem:$0x1B640] =	vst v63  }
0x5f9: {  	_ =	swait.ge [sflag:s14], $0x3200  }
0x5fa: {  	[sflag:s14] =	ssyncset.done $0x0  }
0x5fb: {  	[sflag:s14] =	ssyncadd.s32 $0xFFFFCE00  }
0x5fc: {  	_ =	swait.ge [sflag:s14], $0x3200  }
0x5fd: {  	[sflag:s14] =	ssyncset.done $0x0  }
0x5fe: {  	s1 =	rddreg [dreg:$0x10];
	[sflag:s14] =	ssyncadd.s32 $0xFFFFCE00  }
0x5ff: {  	[hbm4b:s1+s2] =	stream.linear.scatter [tilespmem:s7], [sflag:$0xC], $0x6400, $0x38;
	[tilespmem:$0x1B640] =	vst v63  }
0x600: {  	_ =	swait.ge [sflag:s24], $0x6400  }
0x601: {  	s26 =	sld [smem:$0x7D4]  }
0x602: {  	[sflag:s24] =	ssyncset.done $0x0  }
0x603: {  	s28 =	sld [smem:$0x7D5];
	[sflag:s24] =	ssyncadd.s32 $0xFFFF9C00  }
0x604: {  	[tilespmem:s9], [sflag:$0x6] =	stream.indirect.gather.add.f32 [hbm:s3], $0x80, s26, s6, $0xb8;
	[tilespmem:$0x1B640] =	vst v63  }
0x605: {  	_ = 	snop  }
0x606: {  	[tilespmem:s25], [sflag:$0x6] =	stream.indirect.gather.add.f32 [hbm:s3], $0x80, s28, s6, $0xb8;
	[tilespmem:$0x1B640] =	vst v63  }
0x607: {  	_ =	swait.ge [sflag:s13], $0x6400  }
0x608: {  	[sflag:s13] =	ssyncset.done $0x0  }
0x609: {  	[sflag:s13] =	ssyncadd.s32 $0xFFFF9C00  }
0x60a: {  	[tilespmem:s5], [sflag:$0x3] =	stream.linear.gather [spmem:s4], $0x6400, $0x38;
	[tilespmem:$0x1B640] =	vst v63  }
0x60b: {  	_ =	swait.ge [sflag:s12], $0x3200  }
0x60c: {  	[sflag:s12] =	ssyncset.done $0x0  }
0x60d: {  	[sflag:s12] =	ssyncadd.s32 $0xFFFFCE00  }
0x60e: {  	_ =	swait.ge [sflag:s12], $0x3200  }
0x60f: {  	[sflag:s12] =	ssyncset.done $0x0  }
0x610: {  	s29 =	rddreg [dreg:$0x11];
	[sflag:s12] =	ssyncadd.s32 $0xFFFFCE00  }
0x611: {  	[hbm4b:s29+s2] =	stream.linear.scatter [tilespmem:s8], [sflag:$0xD], $0x6400, $0x38;
	[tilespmem:$0x1B640] =	vst v63  }
0x612: {  	_ =	swait.ge [sflag:s22], $0x6400  }
0x613: {  	s30 =	sld [smem:$0x7D6]  }
0x614: {  	[sflag:s22] =	ssyncset.done $0x0  }
0x615: {  	s31 =	sld [smem:$0x7D7];
	[sflag:s22] =	ssyncadd.s32 $0xFFFF9C00  }
0x616: {  	[tilespmem:s5], [sflag:$0x7] =	stream.indirect.gather.add.f32 [hbm:s3], $0x80, s30, s6, $0xb8;
	[tilespmem:$0x1B640] =	vst v63  }
0x617: {  	_ = 	snop  }
0x618: {  	[tilespmem:s23], [sflag:$0x7] =	stream.indirect.gather.add.f32 [hbm:s3], $0x80, s31, s6, $0xb8;
	[tilespmem:$0x1B640] =	vst v63  }
0x619: {  	_ =	swait.ge [sflag:s11], $0x6400  }
0x61a: {  	[sflag:s11] =	ssyncset.done $0x0  }
0x61b: {  	[sflag:s11] =	ssyncadd.s32 $0xFFFF9C00  }
0x61c: {  	[tilespmem:s7], [sflag:$0x4] =	stream.linear.gather [spmem:s4], $0x6400, $0x38;
	[tilespmem:$0x1B640] =	vst v63  }
0x61d: {  	_ =	swait.ge [sflag:s21], $0x3200  }
0x61e: {  	[sflag:s21] =	ssyncset.done $0x0  }
0x61f: {  	[sflag:s21] =	ssyncadd.s32 $0xFFFFCE00  }
0x620: {  	_ =	swait.ge [sflag:s21], $0x3200  }
0x621: {  	[sflag:s21] =	ssyncset.done $0x0  }
0x622: {  	s1 =	rddreg [dreg:$0x12];
	[sflag:s21] =	ssyncadd.s32 $0xFFFFCE00  }
0x623: {  	[hbm4b:s1+s2] =	stream.linear.scatter [tilespmem:s9], [sflag:$0xA], $0x6400, $0x38;
	[tilespmem:$0x1B640] =	vst v63  }
0x624: {  	_ =	swait.ge [sflag:s19], $0x6400  }
0x625: {  	s26 =	sld [smem:$0x7D8]  }
0x626: {  	[sflag:s19] =	ssyncset.done $0x0  }
0x627: {  	s28 =	sld [smem:$0x7D9];
	[sflag:s19] =	ssyncadd.s32 $0xFFFF9C00  }
0x628: {  	[tilespmem:s7], [sflag:$0x8] =	stream.indirect.gather.add.f32 [hbm:s3], $0x80, s26, s6, $0xb8;
	[tilespmem:$0x1B640] =	vst v63  }
0x629: {  	_ = 	snop  }
0x62a: {  	[tilespmem:s20], [sflag:$0x8] =	stream.indirect.gather.add.f32 [hbm:s3], $0x80, s28, s6, $0xb8;
	[tilespmem:$0x1B640] =	vst v63  }
0x62b: {  	_ =	swait.ge [sflag:s10], $0x6400  }
0x62c: {  	[sflag:s10] =	ssyncset.done $0x0  }
0x62d: {  	[sflag:s10] =	ssyncadd.s32 $0xFFFF9C00  }
0x62e: {  	[tilespmem:s8], [sflag:$0x5] =	stream.linear.gather [spmem:s4], $0x6400, $0x38;
	[tilespmem:$0x1B640] =	vst v63  }
0x62f: {  	_ =	swait.ge [sflag:s18], $0x3200  }
0x630: {  	[sflag:s18] =	ssyncset.done $0x0  }
0x631: {  	[sflag:s18] =	ssyncadd.s32 $0xFFFFCE00  }
0x632: {  	_ =	swait.ge [sflag:s18], $0x3200  }
0x633: {  	[sflag:s18] =	ssyncset.done $0x0  }
0x634: {  	s29 =	rddreg [dreg:$0x13];
	[sflag:s18] =	ssyncadd.s32 $0xFFFFCE00  }
0x635: {  	[hbm4b:s29+s2] =	stream.linear.scatter [tilespmem:s5], [sflag:$0xB], $0x6400, $0x38;
	[tilespmem:$0x1B640] =	vst v63  }
0x636: {  	_ =	swait.ge [sflag:s15], $0x6400  }
0x637: {  	s30 =	sld [smem:$0x7DA]  }
0x638: {  	[sflag:s15] =	ssyncset.done $0x0  }
0x639: {  	s31 =	sld [smem:$0x7DB];
	[sflag:s15] =	ssyncadd.s32 $0xFFFF9C00  }
0x63a: {  	[tilespmem:s8], [sflag:$0x9] =	stream.indirect.gather.add.f32 [hbm:s3], $0x80, s30, s6, $0xb8;
	[tilespmem:$0x1B640] =	vst v63  }
0x63b: {  	_ = 	snop  }
0x63c: {  	[tilespmem:s16], [sflag:$0x9] =	stream.indirect.gather.add.f32 [hbm:s3], $0x80, s31, s6, $0xb8;
	[tilespmem:$0x1B640] =	vst v63  }
0x63d: {  	_ =	swait.ge [sflag:s17], $0x6400  }
0x63e: {  	[sflag:s17] =	ssyncset.done $0x0  }
0x63f: {  	[sflag:s17] =	ssyncadd.s32 $0xFFFF9C00  }
0x640: {  	[tilespmem:s9], [sflag:$0x2] =	stream.linear.gather [spmem:s4], $0x6400, $0x38;
	[tilespmem:$0x1B640] =	vst v63  }
0x641: {  	_ =	swait.ge [sflag:s14], $0x3200  }
0x642: {  	[sflag:s14] =	ssyncset.done $0x0  }
0x643: {  	[sflag:s14] =	ssyncadd.s32 $0xFFFFCE00  }
0x644: {  	_ =	swait.ge [sflag:s14], $0x3200  }
0x645: {  	[sflag:s14] =	ssyncset.done $0x0  }
0x646: {  	s1 =	rddreg [dreg:$0x14];
	[sflag:s14] =	ssyncadd.s32 $0xFFFFCE00  }
0x647: {  	[hbm4b:s1+s2] =	stream.linear.scatter [tilespmem:s7], [sflag:$0xC], $0x6400, $0x38;
	[tilespmem:$0x1B640] =	vst v63  }
0x648: {  	_ =	swait.ge [sflag:s24], $0x6400  }
0x649: {  	s26 =	sld [smem:$0x7DC]  }
0x64a: {  	[sflag:s24] =	ssyncset.done $0x0  }
0x64b: {  	s28 =	sld [smem:$0x7DD];
	[sflag:s24] =	ssyncadd.s32 $0xFFFF9C00  }
0x64c: {  	[tilespmem:s9], [sflag:$0x6] =	stream.indirect.gather.add.f32 [hbm:s3], $0x80, s26, s6, $0xb8;
	[tilespmem:$0x1B640] =	vst v63  }
0x64d: {  	_ = 	snop  }
0x64e: {  	[tilespmem:s25], [sflag:$0x6] =	stream.indirect.gather.add.f32 [hbm:s3], $0x80, s28, s6, $0xb8;
	[tilespmem:$0x1B640] =	vst v63  }
0x64f: {  	_ =	swait.ge [sflag:s13], $0x6400  }
0x650: {  	[sflag:s13] =	ssyncset.done $0x0  }
0x651: {  	[sflag:s13] =	ssyncadd.s32 $0xFFFF9C00  }
0x652: {  	[tilespmem:s5], [sflag:$0x3] =	stream.linear.gather [spmem:s4], $0x6400, $0x38;
	[tilespmem:$0x1B640] =	vst v63  }
0x653: {  	_ =	swait.ge [sflag:s12], $0x3200  }
0x654: {  	[sflag:s12] =	ssyncset.done $0x0  }
0x655: {  	[sflag:s12] =	ssyncadd.s32 $0xFFFFCE00  }
0x656: {  	_ =	swait.ge [sflag:s12], $0x3200  }
0x657: {  	[sflag:s12] =	ssyncset.done $0x0  }
0x658: {  	s29 =	rddreg [dreg:$0x15];
	[sflag:s12] =	ssyncadd.s32 $0xFFFFCE00  }
0x659: {  	[hbm4b:s29+s2] =	stream.linear.scatter [tilespmem:s8], [sflag:$0xD], $0x6400, $0x38;
	[tilespmem:$0x1B640] =	vst v63  }
0x65a: {  	_ =	swait.ge [sflag:s22], $0x6400  }
0x65b: {  	s30 =	sld [smem:$0x7DE]  }
0x65c: {  	[sflag:s22] =	ssyncset.done $0x0  }
0x65d: {  	s31 =	sld [smem:$0x7DF];
	[sflag:s22] =	ssyncadd.s32 $0xFFFF9C00  }
0x65e: {  	[tilespmem:s5], [sflag:$0x7] =	stream.indirect.gather.add.f32 [hbm:s3], $0x80, s30, s6, $0xb8;
	[tilespmem:$0x1B640] =	vst v63  }
0x65f: {  	_ = 	snop  }
0x660: {  	[tilespmem:s23], [sflag:$0x7] =	stream.indirect.gather.add.f32 [hbm:s3], $0x80, s31, s6, $0xb8;
	[tilespmem:$0x1B640] =	vst v63  }
0x661: {  	_ =	swait.ge [sflag:s11], $0x6400  }
0x662: {  	[sflag:s11] =	ssyncset.done $0x0  }
0x663: {  	[sflag:s11] =	ssyncadd.s32 $0xFFFF9C00  }
0x664: {  	[tilespmem:s7], [sflag:$0x4] =	stream.linear.gather [spmem:s4], $0x6400, $0x38;
	[tilespmem:$0x1B640] =	vst v63  }
0x665: {  	_ =	swait.ge [sflag:s21], $0x3200  }
0x666: {  	[sflag:s21] =	ssyncset.done $0x0  }
0x667: {  	[sflag:s21] =	ssyncadd.s32 $0xFFFFCE00  }
0x668: {  	_ =	swait.ge [sflag:s21], $0x3200  }
0x669: {  	[sflag:s21] =	ssyncset.done $0x0  }
0x66a: {  	s1 =	rddreg [dreg:$0x16];
	[sflag:s21] =	ssyncadd.s32 $0xFFFFCE00  }
0x66b: {  	[hbm4b:s1+s2] =	stream.linear.scatter [tilespmem:s9], [sflag:$0xA], $0x6400, $0x38;
	[tilespmem:$0x1B640] =	vst v63  }
0x66c: {  	_ =	swait.ge [sflag:s19], $0x6400  }
0x66d: {  	s26 =	sld [smem:$0x7E0]  }
0x66e: {  	[sflag:s19] =	ssyncset.done $0x0  }
0x66f: {  	s28 =	sld [smem:$0x7E1];
	[sflag:s19] =	ssyncadd.s32 $0xFFFF9C00  }
0x670: {  	[tilespmem:s7], [sflag:$0x8] =	stream.indirect.gather.add.f32 [hbm:s3], $0x80, s26, s6, $0xb8;
	[tilespmem:$0x1B640] =	vst v63  }
0x671: {  	_ = 	snop  }
0x672: {  	[tilespmem:s20], [sflag:$0x8] =	stream.indirect.gather.add.f32 [hbm:s3], $0x80, s28, s6, $0xb8;
	[tilespmem:$0x1B640] =	vst v63  }
0x673: {  	_ =	swait.ge [sflag:s10], $0x6400  }
0x674: {  	[sflag:s10] =	ssyncset.done $0x0  }
0x675: {  	[sflag:s10] =	ssyncadd.s32 $0xFFFF9C00  }
0x676: {  	[tilespmem:s8], [sflag:$0x5] =	stream.linear.gather [spmem:s4], $0x6400, $0x38;
	[tilespmem:$0x1B640] =	vst v63  }
0x677: {  	_ =	swait.ge [sflag:s18], $0x3200  }
0x678: {  	[sflag:s18] =	ssyncset.done $0x0  }
0x679: {  	[sflag:s18] =	ssyncadd.s32 $0xFFFFCE00  }
0x67a: {  	_ =	swait.ge [sflag:s18], $0x3200  }
0x67b: {  	[sflag:s18] =	ssyncset.done $0x0  }
0x67c: {  	s29 =	rddreg [dreg:$0x17];
	[sflag:s18] =	ssyncadd.s32 $0xFFFFCE00  }
0x67d: {  	[hbm4b:s29+s2] =	stream.linear.scatter [tilespmem:s5], [sflag:$0xB], $0x6400, $0x38;
	[tilespmem:$0x1B640] =	vst v63  }
0x67e: {  	_ =	swait.ge [sflag:s15], $0x6400  }
0x67f: {  	s30 =	sld [smem:$0x7E2]  }
0x680: {  	[sflag:s15] =	ssyncset.done $0x0  }
0x681: {  	s31 =	sld [smem:$0x7E3];
	[sflag:s15] =	ssyncadd.s32 $0xFFFF9C00  }
0x682: {  	[tilespmem:s8], [sflag:$0x9] =	stream.indirect.gather.add.f32 [hbm:s3], $0x80, s30, s6, $0xb8;
	[tilespmem:$0x1B640] =	vst v63  }
0x683: {  	_ = 	snop  }
0x684: {  	[tilespmem:s16], [sflag:$0x9] =	stream.indirect.gather.add.f32 [hbm:s3], $0x80, s31, s6, $0xb8;
	[tilespmem:$0x1B640] =	vst v63  }
0x685: {  	_ =	swait.ge [sflag:s17], $0x6400  }
0x686: {  	[sflag:s17] =	ssyncset.done $0x0  }
0x687: {  	[sflag:s17] =	ssyncadd.s32 $0xFFFF9C00  }
0x688: {  	[tilespmem:s9], [sflag:$0x2] =	stream.linear.gather [spmem:s4], $0x6400, $0x38;
	[tilespmem:$0x1B640] =	vst v63  }
0x689: {  	_ =	swait.ge [sflag:s14], $0x3200  }
0x68a: {  	[sflag:s14] =	ssyncset.done $0x0  }
0x68b: {  	[sflag:s14] =	ssyncadd.s32 $0xFFFFCE00  }
0x68c: {  	_ =	swait.ge [sflag:s14], $0x3200  }
0x68d: {  	[sflag:s14] =	ssyncset.done $0x0  }
0x68e: {  	s1 =	rddreg [dreg:$0x18];
	[sflag:s14] =	ssyncadd.s32 $0xFFFFCE00  }
0x68f: {  	[hbm4b:s1+s2] =	stream.linear.scatter [tilespmem:s7], [sflag:$0xC], $0x6400, $0x38;
	[tilespmem:$0x1B640] =	vst v63  }
0x690: {  	_ =	swait.ge [sflag:s24], $0x6400  }
0x691: {  	s26 =	sld [smem:$0x7E4]  }
0x692: {  	[sflag:s24] =	ssyncset.done $0x0  }
0x693: {  	s28 =	sld [smem:$0x7E5];
	[sflag:s24] =	ssyncadd.s32 $0xFFFF9C00  }
0x694: {  	[tilespmem:s9], [sflag:$0x6] =	stream.indirect.gather.add.f32 [hbm:s3], $0x80, s26, s6, $0xb8;
	[tilespmem:$0x1B640] =	vst v63  }
0x695: {  	_ = 	snop  }
0x696: {  	[tilespmem:s25], [sflag:$0x6] =	stream.indirect.gather.add.f32 [hbm:s3], $0x80, s28, s6, $0xb8;
	[tilespmem:$0x1B640] =	vst v63  }
0x697: {  	_ =	swait.ge [sflag:s13], $0x6400  }
0x698: {  	[sflag:s13] =	ssyncset.done $0x0  }
0x699: {  	[sflag:s13] =	ssyncadd.s32 $0xFFFF9C00  }
0x69a: {  	[tilespmem:s5], [sflag:$0x3] =	stream.linear.gather [spmem:s4], $0x6400, $0x38;
	[tilespmem:$0x1B640] =	vst v63  }
0x69b: {  	_ =	swait.ge [sflag:s12], $0x3200  }
0x69c: {  	[sflag:s12] =	ssyncset.done $0x0  }
0x69d: {  	[sflag:s12] =	ssyncadd.s32 $0xFFFFCE00  }
0x69e: {  	_ =	swait.ge [sflag:s12], $0x3200  }
0x69f: {  	[sflag:s12] =	ssyncset.done $0x0  }
0x6a0: {  	s29 =	rddreg [dreg:$0x19];
	[sflag:s12] =	ssyncadd.s32 $0xFFFFCE00  }
0x6a1: {  	[hbm4b:s29+s2] =	stream.linear.scatter [tilespmem:s8], [sflag:$0xD], $0x6400, $0x38;
	[tilespmem:$0x1B640] =	vst v63  }
0x6a2: {  	_ =	swait.ge [sflag:s22], $0x6400  }
0x6a3: {  	s30 =	sld [smem:$0x7E6]  }
0x6a4: {  	[sflag:s22] =	ssyncset.done $0x0  }
0x6a5: {  	s31 =	sld [smem:$0x7E7];
	[sflag:s22] =	ssyncadd.s32 $0xFFFF9C00  }
0x6a6: {  	[tilespmem:s5], [sflag:$0x7] =	stream.indirect.gather.add.f32 [hbm:s3], $0x80, s30, s6, $0xb8;
	[tilespmem:$0x1B640] =	vst v63  }
0x6a7: {  	_ = 	snop  }
0x6a8: {  	[tilespmem:s23], [sflag:$0x7] =	stream.indirect.gather.add.f32 [hbm:s3], $0x80, s31, s6, $0xb8;
	[tilespmem:$0x1B640] =	vst v63  }
0x6a9: {  	_ =	swait.ge [sflag:s11], $0x6400  }
0x6aa: {  	[sflag:s11] =	ssyncset.done $0x0  }
0x6ab: {  	[sflag:s11] =	ssyncadd.s32 $0xFFFF9C00  }
0x6ac: {  	[tilespmem:s7], [sflag:$0x4] =	stream.linear.gather [spmem:s4], $0x6400, $0x38;
	[tilespmem:$0x1B640] =	vst v63  }
0x6ad: {  	_ =	swait.ge [sflag:s21], $0x3200  }
0x6ae: {  	[sflag:s21] =	ssyncset.done $0x0  }
0x6af: {  	[sflag:s21] =	ssyncadd.s32 $0xFFFFCE00  }
0x6b0: {  	_ =	swait.ge [sflag:s21], $0x3200  }
0x6b1: {  	[sflag:s21] =	ssyncset.done $0x0  }
0x6b2: {  	s1 =	rddreg [dreg:$0x1a];
	[sflag:s21] =	ssyncadd.s32 $0xFFFFCE00  }
0x6b3: {  	[hbm4b:s1+s2] =	stream.linear.scatter [tilespmem:s9], [sflag:$0xA], $0x6400, $0x38;
	[tilespmem:$0x1B640] =	vst v63  }
0x6b4: {  	_ =	swait.ge [sflag:s19], $0x6400  }
0x6b5: {  	s26 =	sld [smem:$0x7E8]  }
0x6b6: {  	[sflag:s19] =	ssyncset.done $0x0  }
0x6b7: {  	s28 =	sld [smem:$0x7E9];
	[sflag:s19] =	ssyncadd.s32 $0xFFFF9C00  }
0x6b8: {  	[tilespmem:s7], [sflag:$0x8] =	stream.indirect.gather.add.f32 [hbm:s3], $0x80, s26, s6, $0xb8;
	[tilespmem:$0x1B640] =	vst v63  }
0x6b9: {  	_ = 	snop  }
0x6ba: {  	[tilespmem:s20], [sflag:$0x8] =	stream.indirect.gather.add.f32 [hbm:s3], $0x80, s28, s6, $0xb8;
	[tilespmem:$0x1B640] =	vst v63  }
0x6bb: {  	_ =	swait.ge [sflag:s10], $0x6400  }
0x6bc: {  	[sflag:s10] =	ssyncset.done $0x0  }
0x6bd: {  	[sflag:s10] =	ssyncadd.s32 $0xFFFF9C00  }
0x6be: {  	[tilespmem:s8], [sflag:$0x5] =	stream.linear.gather [spmem:s4], $0x6400, $0x38;
	[tilespmem:$0x1B640] =	vst v63  }
0x6bf: {  	_ =	swait.ge [sflag:s18], $0x3200  }
0x6c0: {  	[sflag:s18] =	ssyncset.done $0x0  }
0x6c1: {  	[sflag:s18] =	ssyncadd.s32 $0xFFFFCE00  }
0x6c2: {  	_ =	swait.ge [sflag:s18], $0x3200  }
0x6c3: {  	[sflag:s18] =	ssyncset.done $0x0  }
0x6c4: {  	s29 =	rddreg [dreg:$0x1b];
	[sflag:s18] =	ssyncadd.s32 $0xFFFFCE00  }
0x6c5: {  	[hbm4b:s29+s2] =	stream.linear.scatter [tilespmem:s5], [sflag:$0xB], $0x6400, $0x38;
	[tilespmem:$0x1B640] =	vst v63  }
0x6c6: {  	_ =	swait.ge [sflag:s15], $0x6400  }
0x6c7: {  	s30 =	sld [smem:$0x7EA]  }
0x6c8: {  	[sflag:s15] =	ssyncset.done $0x0  }
0x6c9: {  	s31 =	sld [smem:$0x7EB];
	[sflag:s15] =	ssyncadd.s32 $0xFFFF9C00  }
0x6ca: {  	[tilespmem:s8], [sflag:$0x9] =	stream.indirect.gather.add.f32 [hbm:s3], $0x80, s30, s6, $0xb8;
	[tilespmem:$0x1B640] =	vst v63  }
0x6cb: {  	_ = 	snop  }
0x6cc: {  	[tilespmem:s16], [sflag:$0x9] =	stream.indirect.gather.add.f32 [hbm:s3], $0x80, s31, s6, $0xb8;
	[tilespmem:$0x1B640] =	vst v63  }
0x6cd: {  	_ =	swait.ge [sflag:s17], $0x6400  }
0x6ce: {  	[sflag:s17] =	ssyncset.done $0x0  }
0x6cf: {  	[sflag:s17] =	ssyncadd.s32 $0xFFFF9C00  }
0x6d0: {  	[tilespmem:s9], [sflag:$0x2] =	stream.linear.gather [spmem:s4], $0x6400, $0x38;
	[tilespmem:$0x1B640] =	vst v63  }
0x6d1: {  	_ =	swait.ge [sflag:s14], $0x3200  }
0x6d2: {  	[sflag:s14] =	ssyncset.done $0x0  }
0x6d3: {  	[sflag:s14] =	ssyncadd.s32 $0xFFFFCE00  }
0x6d4: {  	_ =	swait.ge [sflag:s14], $0x3200  }
0x6d5: {  	[sflag:s14] =	ssyncset.done $0x0  }
0x6d6: {  	s1 =	rddreg [dreg:$0x1c];
	[sflag:s14] =	ssyncadd.s32 $0xFFFFCE00  }
0x6d7: {  	[hbm4b:s1+s2] =	stream.linear.scatter [tilespmem:s7], [sflag:$0xC], $0x6400, $0x38;
	[tilespmem:$0x1B640] =	vst v63  }
0x6d8: {  	_ =	swait.ge [sflag:s24], $0x6400  }
0x6d9: {  	s26 =	sld [smem:$0x7EC]  }
0x6da: {  	[sflag:s24] =	ssyncset.done $0x0  }
0x6db: {  	s28 =	sld [smem:$0x7ED];
	[sflag:s24] =	ssyncadd.s32 $0xFFFF9C00  }
0x6dc: {  	[tilespmem:s9], [sflag:$0x6] =	stream.indirect.gather.add.f32 [hbm:s3], $0x80, s26, s6, $0xb8;
	[tilespmem:$0x1B640] =	vst v63  }
0x6dd: {  	_ = 	snop  }
0x6de: {  	[tilespmem:s25], [sflag:$0x6] =	stream.indirect.gather.add.f32 [hbm:s3], $0x80, s28, s6, $0xb8;
	[tilespmem:$0x1B640] =	vst v63  }
0x6df: {  	_ =	swait.ge [sflag:s13], $0x6400  }
0x6e0: {  	[sflag:s13] =	ssyncset.done $0x0  }
0x6e1: {  	[sflag:s13] =	ssyncadd.s32 $0xFFFF9C00  }
0x6e2: {  	[tilespmem:s5], [sflag:$0x3] =	stream.linear.gather [spmem:s4], $0x6400, $0x38;
	[tilespmem:$0x1B640] =	vst v63  }
0x6e3: {  	_ =	swait.ge [sflag:s12], $0x3200  }
0x6e4: {  	[sflag:s12] =	ssyncset.done $0x0  }
0x6e5: {  	[sflag:s12] =	ssyncadd.s32 $0xFFFFCE00  }
0x6e6: {  	_ =	swait.ge [sflag:s12], $0x3200  }
0x6e7: {  	[sflag:s12] =	ssyncset.done $0x0  }
0x6e8: {  	s29 =	rddreg [dreg:$0x1d];
	[sflag:s12] =	ssyncadd.s32 $0xFFFFCE00  }
0x6e9: {  	[hbm4b:s29+s2] =	stream.linear.scatter [tilespmem:s8], [sflag:$0xD], $0x6400, $0x38;
	[tilespmem:$0x1B640] =	vst v63  }
0x6ea: {  	_ =	swait.ge [sflag:s22], $0x6400  }
0x6eb: {  	s30 =	sld [smem:$0x7EE]  }
0x6ec: {  	[sflag:s22] =	ssyncset.done $0x0  }
0x6ed: {  	s31 =	sld [smem:$0x7EF];
	[sflag:s22] =	ssyncadd.s32 $0xFFFF9C00  }
0x6ee: {  	[tilespmem:s5], [sflag:$0x7] =	stream.indirect.gather.add.f32 [hbm:s3], $0x80, s30, s6, $0xb8;
	[tilespmem:$0x1B640] =	vst v63  }
0x6ef: {  	_ = 	snop  }
0x6f0: {  	[tilespmem:s23], [sflag:$0x7] =	stream.indirect.gather.add.f32 [hbm:s3], $0x80, s31, s6, $0xb8;
	[tilespmem:$0x1B640] =	vst v63  }
0x6f1: {  	_ =	swait.ge [sflag:s11], $0x6400  }
0x6f2: {  	[sflag:s11] =	ssyncset.done $0x0  }
0x6f3: {  	[sflag:s11] =	ssyncadd.s32 $0xFFFF9C00  }
0x6f4: {  	[tilespmem:s7], [sflag:$0x4] =	stream.linear.gather [spmem:s4], $0x6400, $0x38;
	[tilespmem:$0x1B640] =	vst v63  }
0x6f5: {  	_ =	swait.ge [sflag:s21], $0x3200  }
0x6f6: {  	[sflag:s21] =	ssyncset.done $0x0  }
0x6f7: {  	[sflag:s21] =	ssyncadd.s32 $0xFFFFCE00  }
0x6f8: {  	_ =	swait.ge [sflag:s21], $0x3200  }
0x6f9: {  	[sflag:s21] =	ssyncset.done $0x0  }
0x6fa: {  	s1 =	rddreg [dreg:$0x1e];
	[sflag:s21] =	ssyncadd.s32 $0xFFFFCE00  }
0x6fb: {  	[hbm4b:s1+s2] =	stream.linear.scatter [tilespmem:s9], [sflag:$0xA], $0x6400, $0x38;
	[tilespmem:$0x1B640] =	vst v63  }
0x6fc: {  	_ =	swait.ge [sflag:s19], $0x6400  }
0x6fd: {  	s26 =	sld [smem:$0x7F0]  }
0x6fe: {  	[sflag:s19] =	ssyncset.done $0x0  }
0x6ff: {  	s28 =	sld [smem:$0x7F1];
	[sflag:s19] =	ssyncadd.s32 $0xFFFF9C00  }
0x700: {  	[tilespmem:s7], [sflag:$0x8] =	stream.indirect.gather.add.f32 [hbm:s3], $0x80, s26, s6, $0xb8;
	[tilespmem:$0x1B640] =	vst v63  }
0x701: {  	_ = 	snop  }
0x702: {  	[tilespmem:s20], [sflag:$0x8] =	stream.indirect.gather.add.f32 [hbm:s3], $0x80, s28, s6, $0xb8;
	[tilespmem:$0x1B640] =	vst v63  }
0x703: {  	_ =	swait.ge [sflag:s10], $0x6400  }
0x704: {  	[sflag:s10] =	ssyncset.done $0x0  }
0x705: {  	[sflag:s10] =	ssyncadd.s32 $0xFFFF9C00  }
0x706: {  	[tilespmem:s8], [sflag:$0x5] =	stream.linear.gather [spmem:s4], $0x6400, $0x38;
	[tilespmem:$0x1B640] =	vst v63  }
0x707: {  	_ =	swait.ge [sflag:s18], $0x3200  }
0x708: {  	[sflag:s18] =	ssyncset.done $0x0  }
0x709: {  	[sflag:s18] =	ssyncadd.s32 $0xFFFFCE00  }
0x70a: {  	_ =	swait.ge [sflag:s18], $0x3200  }
0x70b: {  	[sflag:s18] =	ssyncset.done $0x0  }
0x70c: {  	s29 =	rddreg [dreg:$0x1f];
	[sflag:s18] =	ssyncadd.s32 $0xFFFFCE00  }
0x70d: {  	[hbm4b:s29+s2] =	stream.linear.scatter [tilespmem:s5], [sflag:$0xB], $0x6400, $0x38;
	[tilespmem:$0x1B640] =	vst v63  }
0x70e: {  	_ =	swait.ge [sflag:s15], $0x6400  }
0x70f: {  	s30 =	sld [smem:$0x7F2]  }
0x710: {  	[sflag:s15] =	ssyncset.done $0x0  }
0x711: {  	s31 =	sld [smem:$0x7F3];
	[sflag:s15] =	ssyncadd.s32 $0xFFFF9C00  }
0x712: {  	[tilespmem:s8], [sflag:$0x9] =	stream.indirect.gather.add.f32 [hbm:s3], $0x80, s30, s6, $0xb8;
	[tilespmem:$0x1B640] =	vst v63  }
0x713: {  	_ = 	snop  }
0x714: {  	[tilespmem:s16], [sflag:$0x9] =	stream.indirect.gather.add.f32 [hbm:s3], $0x80, s31, s6, $0xb8;
	[tilespmem:$0x1B640] =	vst v63  }
0x715: {  	_ =	swait.ge [sflag:s17], $0x6400  }
0x716: {  	[sflag:s17] =	ssyncset.done $0x0  }
0x717: {  	[sflag:s17] =	ssyncadd.s32 $0xFFFF9C00  }
0x718: {  	[tilespmem:s9], [sflag:$0x2] =	stream.linear.gather [spmem:s4], $0x6400, $0x38;
	[tilespmem:$0x1B640] =	vst v63  }
0x719: {  	_ =	swait.ge [sflag:s14], $0x3200  }
0x71a: {  	[sflag:s14] =	ssyncset.done $0x0  }
0x71b: {  	[sflag:s14] =	ssyncadd.s32 $0xFFFFCE00  }
0x71c: {  	_ =	swait.ge [sflag:s14], $0x3200  }
0x71d: {  	s1 =	sld [smem:$0x7B7]  }
0x71e: {  	[sflag:s14] =	ssyncset.done $0x0  }
0x71f: {  	[sflag:s14] =	ssyncadd.s32 $0xFFFFCE00  }
0x720: {  	[hbm4b:s1+s2] =	stream.linear.scatter [tilespmem:s7], [sflag:$0xC], $0x6400, $0x38;
	[tilespmem:$0x1B640] =	vst v63  }
0x721: {  	_ =	swait.ge [sflag:s24], $0x6400  }
0x722: {  	s26 =	sld [smem:$0x7F4]  }
0x723: {  	[sflag:s24] =	ssyncset.done $0x0  }
0x724: {  	s28 =	sld [smem:$0x7F5];
	[sflag:s24] =	ssyncadd.s32 $0xFFFF9C00  }
0x725: {  	[tilespmem:s9], [sflag:$0x6] =	stream.indirect.gather.add.f32 [hbm:s3], $0x80, s26, s6, $0xb8;
	[tilespmem:$0x1B640] =	vst v63  }
0x726: {  	_ = 	snop  }
0x727: {  	[tilespmem:s25], [sflag:$0x6] =	stream.indirect.gather.add.f32 [hbm:s3], $0x80, s28, s6, $0xb8;
	[tilespmem:$0x1B640] =	vst v63  }
0x728: {  	_ =	swait.ge [sflag:s13], $0x6400  }
0x729: {  	[sflag:s13] =	ssyncset.done $0x0  }
0x72a: {  	[sflag:s13] =	ssyncadd.s32 $0xFFFF9C00  }
0x72b: {  	[tilespmem:s5], [sflag:$0x3] =	stream.linear.gather [spmem:s4], $0x6400, $0x38;
	[tilespmem:$0x1B640] =	vst v63  }
0x72c: {  	_ =	swait.ge [sflag:s12], $0x3200  }
0x72d: {  	[sflag:s12] =	ssyncset.done $0x0  }
0x72e: {  	[sflag:s12] =	ssyncadd.s32 $0xFFFFCE00  }
0x72f: {  	_ =	swait.ge [sflag:s12], $0x3200  }
0x730: {  	s29 =	sld [smem:$0x7B8]  }
0x731: {  	[sflag:s12] =	ssyncset.done $0x0  }
0x732: {  	[sflag:s12] =	ssyncadd.s32 $0xFFFFCE00  }
0x733: {  	[hbm4b:s29+s2] =	stream.linear.scatter [tilespmem:s8], [sflag:$0xD], $0x6400, $0x38;
	[tilespmem:$0x1B640] =	vst v63  }
0x734: {  	_ =	swait.ge [sflag:s22], $0x6400  }
0x735: {  	s30 =	sld [smem:$0x7F6]  }
0x736: {  	[sflag:s22] =	ssyncset.done $0x0  }
0x737: {  	s31 =	sld [smem:$0x7F7];
	[sflag:s22] =	ssyncadd.s32 $0xFFFF9C00  }
0x738: {  	[tilespmem:s5], [sflag:$0x7] =	stream.indirect.gather.add.f32 [hbm:s3], $0x80, s30, s6, $0xb8;
	[tilespmem:$0x1B640] =	vst v63  }
0x739: {  	_ = 	snop  }
0x73a: {  	[tilespmem:s23], [sflag:$0x7] =	stream.indirect.gather.add.f32 [hbm:s3], $0x80, s31, s6, $0xb8;
	[tilespmem:$0x1B640] =	vst v63  }
0x73b: {  	_ =	swait.ge [sflag:s11], $0x6400  }
0x73c: {  	[sflag:s11] =	ssyncset.done $0x0  }
0x73d: {  	[sflag:s11] =	ssyncadd.s32 $0xFFFF9C00  }
0x73e: {  	[tilespmem:s7], [sflag:$0x4] =	stream.linear.gather [spmem:s4], $0x6400, $0x38;
	[tilespmem:$0x1B640] =	vst v63  }
0x73f: {  	_ =	swait.ge [sflag:s21], $0x3200  }
0x740: {  	[sflag:s21] =	ssyncset.done $0x0  }
0x741: {  	[sflag:s21] =	ssyncadd.s32 $0xFFFFCE00  }
0x742: {  	_ =	swait.ge [sflag:s21], $0x3200  }
0x743: {  	s22 =	sld [smem:$0x7B9]  }
0x744: {  	[sflag:s21] =	ssyncset.done $0x0  }
0x745: {  	[sflag:s21] =	ssyncadd.s32 $0xFFFFCE00  }
0x746: {  	[hbm4b:s22+s2] =	stream.linear.scatter [tilespmem:s9], [sflag:$0xA], $0x6400, $0x38;
	[tilespmem:$0x1B640] =	vst v63  }
0x747: {  	_ =	swait.ge [sflag:s19], $0x6400  }
0x748: {  	s23 =	sld [smem:$0x7F8]  }
0x749: {  	[sflag:s19] =	ssyncset.done $0x0  }
0x74a: {  	s24 =	sld [smem:$0x7F9];
	[sflag:s19] =	ssyncadd.s32 $0xFFFF9C00  }
0x74b: {  	[tilespmem:s7], [sflag:$0x8] =	stream.indirect.gather.add.f32 [hbm:s3], $0x80, s23, s6, $0xb8;
	[tilespmem:$0x1B640] =	vst v63  }
0x74c: {  	_ = 	snop  }
0x74d: {  	[tilespmem:s20], [sflag:$0x8] =	stream.indirect.gather.add.f32 [hbm:s3], $0x80, s24, s6, $0xb8;
	[tilespmem:$0x1B640] =	vst v63  }
0x74e: {  	_ =	swait.ge [sflag:s10], $0x6400  }
0x74f: {  	[sflag:s10] =	ssyncset.done $0x0  }
0x750: {  	[sflag:s10] =	ssyncadd.s32 $0xFFFF9C00  }
0x751: {  	[tilespmem:s8], [sflag:$0x5] =	stream.linear.gather [spmem:s4], $0x6400, $0x38;
	[tilespmem:$0x1B640] =	vst v63  }
0x752: {  	_ =	swait.ge [sflag:s18], $0x3200  }
0x753: {  	[sflag:s18] =	ssyncset.done $0x0  }
0x754: {  	[sflag:s18] =	ssyncadd.s32 $0xFFFFCE00  }
0x755: {  	_ =	swait.ge [sflag:s18], $0x3200  }
0x756: {  	s25 =	sld [smem:$0x7BA]  }
0x757: {  	[sflag:s18] =	ssyncset.done $0x0  }
0x758: {  	[sflag:s18] =	ssyncadd.s32 $0xFFFFCE00  }
0x759: {  	[hbm4b:s25+s2] =	stream.linear.scatter [tilespmem:s5], [sflag:$0xB], $0x6400, $0x38;
	[tilespmem:$0x1B640] =	vst v63  }
0x75a: {  	_ =	swait.ge [sflag:s15], $0x6400  }
0x75b: {  	s26 =	sld [smem:$0x7FA]  }
0x75c: {  	[sflag:s15] =	ssyncset.done $0x0  }
0x75d: {  	s28 =	sld [smem:$0x7FB];
	[sflag:s15] =	ssyncadd.s32 $0xFFFF9C00  }
0x75e: {  	[tilespmem:s8], [sflag:$0x9] =	stream.indirect.gather.add.f32 [hbm:s3], $0x80, s26, s6, $0xb8;
	[tilespmem:$0x1B640] =	vst v63  }
0x75f: {  	_ = 	snop  }
0x760: {  	[tilespmem:s16], [sflag:$0x9] =	stream.indirect.gather.add.f32 [hbm:s3], $0x80, s28, s6, $0xb8;
	[tilespmem:$0x1B640] =	vst v63  }
0x761: {  	_ =	swait.ge [sflag:s17], $0x6400  }
0x762: {  	[sflag:s17] =	ssyncset.done $0x0  }
0x763: {  	[sflag:s17] =	ssyncadd.s32 $0xFFFF9C00  }
0x764: {  	_ =	swait.ge [sflag:s14], $0x3200  }
0x765: {  	[sflag:s14] =	ssyncset.done $0x0  }
0x766: {  	[sflag:s14] =	ssyncadd.s32 $0xFFFFCE00  }
0x767: {  	_ =	swait.ge [sflag:s14], $0x3200  }
0x768: {  	s29 =	sld [smem:$0x7BB]  }
0x769: {  	[sflag:s14] =	ssyncset.done $0x0  }
0x76a: {  	[sflag:s14] =	ssyncadd.s32 $0xFFFFCE00  }
0x76b: {  	[hbm4b:s29+s2] =	stream.linear.scatter [tilespmem:s7], [sflag:$0xC], $0x6400, $0x38;
	[tilespmem:$0x1B640] =	vst v63  }
0x76c: {  	_ =	swait.ge [sflag:s13], $0x6400  }
0x76d: {  	[sflag:s13] =	ssyncset.done $0x0  }
0x76e: {  	[sflag:s13] =	ssyncadd.s32 $0xFFFF9C00  }
0x76f: {  	_ =	swait.ge [sflag:s12], $0x3200  }
0x770: {  	[sflag:s12] =	ssyncset.done $0x0  }
0x771: {  	[sflag:s12] =	ssyncadd.s32 $0xFFFFCE00  }
0x772: {  	_ =	swait.ge [sflag:s12], $0x3200  }
0x773: {  	s30 =	sld [smem:$0x7BC]  }
0x774: {  	[sflag:s12] =	ssyncset.done $0x0  }
0x775: {  	[sflag:s12] =	ssyncadd.s32 $0xFFFFCE00  }
0x776: {  	[hbm4b:s30+s2] =	stream.linear.scatter [tilespmem:s8], [sflag:$0xD], $0x6400, $0x38;
	[tilespmem:$0x1B640] =	vst v63  }
0x777: {  	_ =	swait.ge [sflag:s11], $0x6400  }
0x778: {  	[sflag:s11] =	ssyncset.done $0x0  }
0x779: {  	[sflag:s11] =	ssyncadd.s32 $0xFFFF9C00  }
0x77a: {  	_ =	swait.ge [sflag:s10], $0x6400  }
0x77b: {  	[sflag:s10] =	ssyncset.done $0x0  }
0x77c: {  	[sflag:s10] =	ssyncadd.s32 $0xFFFF9C00  }
0x77d: {  	_ =	sfence.sel $0x180000  }
0x77e: {  	[bflag:$0x0] =	sbarrier.arrive $0xFFFF  }
0x77f: {  	_ =	strace $0x90000047  }
0x780: {  	s31 =	stileid.u32;
	[bflag:$0x2] =	sbarrier.arrive $0xFFFF  }
0x781: {  	p0 =	sne.s32 s31, $0x0;
	s0 =	rddreg [dreg:$0x4]  }
0x782: {  	s0 =	sadd.s32 @!p0 $0x100000, s0  }
0x783: {  	[sflag:s0] =	ssyncadd.tile.s32 @!p0 $0x1;
	_ =	shalt  }
.LBB2_1:
.Ltmp3:
0x784: {  	(pc) =	sbr.rel .LBB2_6-.Ltmp3, $2  }
0x785: {  	_ =	sdelay $0x2  }
0x786: {  	s28 =	sld [smem:$0x7FD]  }
.LBB2_7:
.Ltmp4:
0x787: {  	(pc) =	sbr.rel .LBB2_6-.Ltmp4, $2  }
0x788: {  	_ =	sdelay $0x2  }
0x789: {  	s28 =	sld [smem:$0x7FD]  }
.Lfunc_end2:
_tile_overlayer_lowered:
.L_overlay_start_2:
0x78a: {  	(tag) =	ssettag $0x2  }
0x78b: {  	s0 =	rddreg [dreg:$0x0];
	s2 =	stileid.u32  }
0x78c: {  	s1 =	rddreg [dreg:$0x1];
	p0 =	sne.s32 s2, $0x0  }
0x78d: {  	s3 =	rddreg [dreg:$0x2];
	[bflag:$0x3] =	sbarrier.arrive $0xFFFF;
	s2 =	simm.s32 @!p0 $0x1C0E  }
0x78e: {  	[timem:s3], [sflag:s2] =	dma.local @!p0 [hbm:s0], s1  }
0x78f: {  	s0 =	simm.s32 @!p0 $0xE  }
0x790: {  	_ =	swait.ge @!p0 [sflag:s0], s1  }
0x791: {  	s1 =	ssub.s32 @!p0 $0x0, s1;
	[sflag:s0] =	ssyncset.done @!p0 $0x0  }
0x792: {  	[sflag:s0] =	ssyncadd.s32 @!p0 s1  }
0x793: {  	[bflag:$0x3] =	sbarrier.arrive $0xFFFF  }
0x794: {  	_ =	shalt  }

</sc_bundles>
